<compile_context>
chip_gen: v7x
topology: tpu7x:2x2x1
jax: 0.10.2.dev20260603
libtpu: 0.0.44.dev20260713+nightly
codegen_flags: <defaults>
</compile_context>

<pallas_src>
import jax
import jax.numpy as jnp
from jax import lax
from jax.experimental import pallas as pl
from jax.experimental.pallas import tpu as pltpu
from jax.experimental.pallas import tpu_sc as plsc

NUM_CORES = 2
NUM_SUBCORES = 16
NUM_WORKERS = NUM_CORES * NUM_SUBCORES
LANES = 16

BATCH = 16384
DIM = 32
VOCAB = 1000000
ROWS_PER_LINE = 128 // DIM
NLINES = 128 * (-(-VOCAB // 512))
B_PER_W = BATCH // NUM_WORKERS
CHUNK = 128
NCHUNK = B_PER_W // CHUNK
KG_PER_CHUNK = CHUNK // LANES


def _gmf_body(uidx_hbm, iidx_hbm, utab_hbm, itab_hbm, params_hbm, out_hbm,
              uidx_v, iidx_v, oidx_u, oidx_i, u_ln, i_ln, out_v, params_v,
              sem0, sem1):
    wid = lax.axis_index("s") * NUM_CORES + lax.axis_index("c")
    base = wid * B_PER_W
    sems = (sem0, sem1)

    pltpu.sync_copy(uidx_hbm.at[pl.ds(base, B_PER_W)], uidx_v)
    pltpu.sync_copy(iidx_hbm.at[pl.ds(base, B_PER_W)], iidx_v)
    pltpu.sync_copy(params_hbm, params_v)

    iota = lax.iota(jnp.int32, LANES)

    def line_grp(kg, carry):
        c = kg // KG_PER_CHUNK
        off = (kg % KG_PER_CHUNK) * LANES
        uvec = uidx_v[pl.ds(kg * LANES, LANES)]
        ivec = iidx_v[pl.ds(kg * LANES, LANES)]
        oidx_u[c, pl.ds(off, LANES)] = ((uvec >> 9) << 7) | (uvec & 127)
        oidx_i[c, pl.ds(off, LANES)] = ((ivec >> 9) << 7) | (ivec & 127)
        return carry

    lax.fori_loop(0, NCHUNK * KG_PER_CHUNK, line_grp, 0)

    w0 = params_v[pl.ds(0, 16)]
    w1 = params_v[pl.ds(16, 16)]
    bias_v = params_v[pl.ds(32, 16)]
    neg_inf = jnp.float32(-jnp.inf)
    w_s = ([jnp.max(jnp.where(iota == j, w0, neg_inf)) for j in range(16)]
           + [jnp.max(jnp.where(iota == j, w1, neg_inf)) for j in range(16)])

    def fire(c):
        b = c % 2
        pltpu.async_copy(utab_hbm.at[oidx_u.at[c]], u_ln.at[b], sems[b])
        pltpu.async_copy(itab_hbm.at[oidx_i.at[c]], i_ln.at[b], sems[b])

    def drain(c):
        b = c % 2
        pltpu.make_async_copy(utab_hbm.at[pl.ds(0, CHUNK)], u_ln.at[b],
                              sems[b]).wait()
        pltpu.make_async_copy(itab_hbm.at[pl.ds(0, CHUNK)], i_ln.at[b],
                              sems[b]).wait()

    fire(0)
    for c in range(NCHUNK):
        if c + 1 < NCHUNK:
            fire(c + 1)
        drain(c)
        b_vec = jnp.full((LANES,), c % 2, jnp.int32)

        def compute_grp(kg, carry):
            col = c * CHUNK + kg * LANES
            uvec = uidx_v[pl.ds(col, LANES)]
            ivec = iidx_v[pl.ds(col, LANES)]
            uq = ((uvec >> 7) & 3) << 5
            iq = ((ivec >> 7) & 3) << 5
            rows = kg * LANES + iota
            acc = bias_v
            for d in range(DIM):
                uv = plsc.load_gather(u_ln, [b_vec, rows, uq + d])
                iv = plsc.load_gather(i_ln, [b_vec, rows, iq + d])
                acc = acc + (uv * iv) * w_s[d]
            out_v[pl.ds(col, LANES)] = 1.0 / (1.0 + jnp.exp(-acc))
            return carry

        lax.fori_loop(0, KG_PER_CHUNK, compute_grp, 0)

    pltpu.sync_copy(out_v, out_hbm.at[pl.ds(base, B_PER_W)])


@jax.jit
def _gmf(uidx, iidx, utab, itab, params):
    mesh = plsc.VectorSubcoreMesh(core_axis_name="c", subcore_axis_name="s",
                                  num_cores=NUM_CORES,
                                  num_subcores=NUM_SUBCORES)
    fn = pl.kernel(
        _gmf_body,
        out_type=jax.ShapeDtypeStruct((BATCH,), jnp.float32),
        mesh=mesh,
        compiler_params=pltpu.CompilerParams(use_tc_tiling_on_sc=False,
                                             needs_layout_passes=False),
        scratch_types=[
            pltpu.VMEM((B_PER_W,), jnp.int32),
            pltpu.VMEM((B_PER_W,), jnp.int32),
            pltpu.VMEM((NCHUNK, CHUNK), jnp.int32),
            pltpu.VMEM((NCHUNK, CHUNK), jnp.int32),
            pltpu.VMEM((2, CHUNK, 128), jnp.float32),
            pltpu.VMEM((2, CHUNK, 128), jnp.float32),
            pltpu.VMEM((B_PER_W,), jnp.float32),
            pltpu.VMEM((48,), jnp.float32),
            pltpu.SemaphoreType.DMA,
            pltpu.SemaphoreType.DMA,
        ],
    )
    return fn(uidx, iidx, utab, itab, params)


_RL_COLS = 16384
_RL_LINES = _RL_COLS // ROWS_PER_LINE
_RL_GRID = -(-VOCAB // _RL_COLS)


def _relayout_body(uT_ref, iT_ref, uo_ref, io_ref):
    for t_ref, o_ref in ((uT_ref, uo_ref), (iT_ref, io_ref)):
        xt = t_ref[...].T
        for g in range(_RL_COLS // 512):
            r0 = g * 512
            o_ref[pl.ds(g * 128, 128), :] = jnp.concatenate(
                [xt[r0 + q * 128:r0 + (q + 1) * 128, :]
                 for q in range(ROWS_PER_LINE)], axis=1)


def _relayout(utabT, itabT):
    return pl.pallas_call(
        _relayout_body,
        grid=(_RL_GRID,),
        in_specs=[pl.BlockSpec((DIM, _RL_COLS), lambda i: (0, i)),
                  pl.BlockSpec((DIM, _RL_COLS), lambda i: (0, i))],
        out_specs=[pl.BlockSpec((_RL_LINES, 128), lambda i: (i, 0)),
                   pl.BlockSpec((_RL_LINES, 128), lambda i: (i, 0))],
        out_shape=[jax.ShapeDtypeStruct((NLINES, 128), jnp.float32),
                   jax.ShapeDtypeStruct((NLINES, 128), jnp.float32)],
    )(utabT, itabT)


def kernel(user_indices, item_indices, user_table, item_table, W, b):
    uidx = user_indices.astype(jnp.int32)
    iidx = item_indices.astype(jnp.int32)
    params = jnp.concatenate(
        [W.reshape(-1).astype(jnp.float32),
         jnp.broadcast_to(b.astype(jnp.float32), (16,))])
    utab, itab = _relayout(user_table.T, item_table.T)
    return _gmf(uidx, iidx, utab, itab, params)

# --- scband reference (transcript-rebuilt; emitter-appended) ---
"""Pipeline reference for scband-generalized-matrix-factorization-79843442032825 (READ-ONLY COPY).

The authoritative reference and input builder live on the scoring server;
editing this copy changes nothing except your own understanding.
"""

import jax, jax.numpy as jnp
import numpy as np

NUM_USERS = 1000000
NUM_ITEMS = 1000000
LATENT_DIM = 32
BATCH = 16384

def setup_inputs(seed: int = 0) -> dict:
    key = jax.random.key(seed)
    k1, k2, k3, k4, k5, k6 = jax.random.split(key, 6)
    user_indices = jax.random.randint(k1, (BATCH,), 0, NUM_USERS, dtype=jnp.int64 if jax.config.jax_enable_x64 else jnp.int32)
    item_indices = jax.random.randint(k2, (BATCH,), 0, NUM_ITEMS, dtype=jnp.int64 if jax.config.jax_enable_x64 else jnp.int32)
    user_table = jax.random.normal(k3, (NUM_USERS, LATENT_DIM), dtype=jnp.float32) * 0.01
    item_table = jax.random.normal(k4, (NUM_ITEMS, LATENT_DIM), dtype=jnp.float32) * 0.01
    W = jax.random.normal(k5, (LATENT_DIM, 1), dtype=jnp.float32) * (1.0 / np.sqrt(LATENT_DIM))
    b = jax.random.normal(k6, (1,), dtype=jnp.float32) * 0.01
    return {"user_indices": user_indices, "item_indices": item_indices, "user_table": user_table, "item_table": item_table, "W": W, "b": b}

def reference(user_indices, item_indices, user_table, item_table, W, b):
    # embedding lookups -> gathers
    user_embedding = jnp.take(user_table, user_indices, axis=0)  # [B, D]
    item_embedding = jnp.take(item_table, item_indices, axis=0)  # [B, D]
    element_product = user_embedding * item_embedding            # [B, D]
    logits = element_product @ W + b                             # [B, 1]
    rating = jax.nn.sigmoid(logits)
    return jnp.squeeze(rating, axis=-1)                          # [B]

if __name__ == "__main__":
    import jax
    _d = setup_inputs()
    print(jax.jit(kernel)(*tuple(_d.values())))

</pallas_src>

<mosaic_0001>
#map = affine_map<(d0, d1) -> (0)>
#map1 = affine_map<(d0, d1) -> (0, 0)>
module attributes {stable_mosaic.version = 14 : i64} {
  func.func @_gmf_body(%arg0: i32, %arg1: i32, %arg2: memref<16384xi32, #tpu.memory_space<hbm>>, %arg3: memref<16384xi32, #tpu.memory_space<hbm>>, %arg4: memref<250112x128xf32, #tpu.memory_space<hbm>>, %arg5: memref<250112x128xf32, #tpu.memory_space<hbm>>, %arg6: memref<48xf32, #tpu.memory_space<hbm>>, %arg7: memref<16384xf32, #tpu.memory_space<hbm>>, %arg8: memref<512xi32, #tpu.memory_space<vmem>>, %arg9: memref<512xi32, #tpu.memory_space<vmem>>, %arg10: memref<4x128xi32, #tpu.memory_space<vmem>>, %arg11: memref<4x128xi32, #tpu.memory_space<vmem>>, %arg12: memref<2x128x128xf32, #tpu.memory_space<vmem>>, %arg13: memref<2x128x128xf32, #tpu.memory_space<vmem>>, %arg14: memref<512xf32, #tpu.memory_space<vmem>>, %arg15: memref<48xf32, #tpu.memory_space<vmem>>, %arg16: memref<!tpu.dma_semaphore, #tpu.memory_space<semaphore_mem>>, %arg17: memref<!tpu.dma_semaphore, #tpu.memory_space<semaphore_mem>>) attributes {dimension_semantics = [#tpu.dimension_semantics<core_parallel>, #tpu.dimension_semantics<subcore_parallel>], iteration_bounds = array<i64: 2, 16>, scalar_prefetch = 0 : i64, scratch_operands = 10 : i64, tpu.core_type = #tpu.core_type<sc_vector_subcore>, window_params = [{transform_indices = #map}, {transform_indices = #map}, {transform_indices = #map1}, {transform_indices = #map1}, {transform_indices = #map}, {transform_indices = #map}]} {
    %mul3A = arith.constant 2 : i32
    %mul3A_0 = arith.muli %arg1, %mul3A : i32
    %add3A = arith.addi %mul3A_0, %arg0 : i32
    %mul3A_1 = arith.constant 512 : i32
    %mul3A_2 = arith.muli %add3A, %mul3A_1 : i32
    "tpu.region"() ({
      %run_scoped3A = tpu.sem_alloc : memref<!tpu.dma_semaphore, #tpu.memory_space<semaphore_mem>>
      %dma_start3A_574 = tpu.memref_slice %arg2[%mul3A_2] : memref<16384xi32, #tpu.memory_space<hbm>> -> memref<512xi32, #tpu.memory_space<hbm>>
      %dma_start3A_575 = tpu.memref_slice %arg2[%mul3A_2] : memref<16384xi32, #tpu.memory_space<hbm>> -> memref<512xi32, #tpu.memory_space<hbm>>
      tpu.enqueue_dma source(%dma_start3A_575 : memref<512xi32, #tpu.memory_space<hbm>>) target(%arg8 : memref<512xi32, #tpu.memory_space<vmem>>) target_semaphore(%run_scoped3A : memref<!tpu.dma_semaphore, #tpu.memory_space<semaphore_mem>>)
      %dma_wait3A_576 = tpu.memref_slice %arg2[%mul3A_2] : memref<16384xi32, #tpu.memory_space<hbm>> -> memref<512xi32, #tpu.memory_space<hbm>>
      %dma_wait3A_577 = tpu.memref_slice %arg2[%mul3A_2] : memref<16384xi32, #tpu.memory_space<hbm>> -> memref<512xi32, #tpu.memory_space<hbm>>
      tpu.wait_dma2 semaphore(%run_scoped3A : memref<!tpu.dma_semaphore, #tpu.memory_space<semaphore_mem>>) src(%dma_wait3A_577 : memref<512xi32, #tpu.memory_space<hbm>>) dst(%arg8 : memref<512xi32, #tpu.memory_space<vmem>>)
      tpu.yield
    }) : () -> ()
    "tpu.region"() ({
      %run_scoped3A = tpu.sem_alloc : memref<!tpu.dma_semaphore, #tpu.memory_space<semaphore_mem>>
      %dma_start3A_574 = tpu.memref_slice %arg3[%mul3A_2] : memref<16384xi32, #tpu.memory_space<hbm>> -> memref<512xi32, #tpu.memory_space<hbm>>
      %dma_start3A_575 = tpu.memref_slice %arg3[%mul3A_2] : memref<16384xi32, #tpu.memory_space<hbm>> -> memref<512xi32, #tpu.memory_space<hbm>>
      tpu.enqueue_dma source(%dma_start3A_575 : memref<512xi32, #tpu.memory_space<hbm>>) target(%arg9 : memref<512xi32, #tpu.memory_space<vmem>>) target_semaphore(%run_scoped3A : memref<!tpu.dma_semaphore, #tpu.memory_space<semaphore_mem>>)
      %dma_wait3A_576 = tpu.memref_slice %arg3[%mul3A_2] : memref<16384xi32, #tpu.memory_space<hbm>> -> memref<512xi32, #tpu.memory_space<hbm>>
      %dma_wait3A_577 = tpu.memref_slice %arg3[%mul3A_2] : memref<16384xi32, #tpu.memory_space<hbm>> -> memref<512xi32, #tpu.memory_space<hbm>>
      tpu.wait_dma2 semaphore(%run_scoped3A : memref<!tpu.dma_semaphore, #tpu.memory_space<semaphore_mem>>) src(%dma_wait3A_577 : memref<512xi32, #tpu.memory_space<hbm>>) dst(%arg9 : memref<512xi32, #tpu.memory_space<vmem>>)
      tpu.yield
    }) : () -> ()
    "tpu.region"() ({
      %run_scoped3A = tpu.sem_alloc : memref<!tpu.dma_semaphore, #tpu.memory_space<semaphore_mem>>
      tpu.enqueue_dma source(%arg6 : memref<48xf32, #tpu.memory_space<hbm>>) target(%arg15 : memref<48xf32, #tpu.memory_space<vmem>>) target_semaphore(%run_scoped3A : memref<!tpu.dma_semaphore, #tpu.memory_space<semaphore_mem>>)
      tpu.wait_dma2 semaphore(%run_scoped3A : memref<!tpu.dma_semaphore, #tpu.memory_space<semaphore_mem>>) src(%arg6 : memref<48xf32, #tpu.memory_space<hbm>>) dst(%arg15 : memref<48xf32, #tpu.memory_space<vmem>>)
      tpu.yield
    }) : () -> ()
    %iota3A = tpu.iota {dimensions = array<i32: 0>} : vector<16xi32>
    %scan3A = arith.constant 0 : i32
    %scan3A_3 = arith.constant 0 : i32
    %scan3A_4 = arith.constant 32 : i32
    %scan3A_5 = arith.addi %scan3A_3, %scan3A_4 : i32
    %scan3A_6 = arith.constant 1 : i32
    scf.for %scan3A_574 = %scan3A_3 to %scan3A_5 step %scan3A_6  : i32 {
      %jit3A_575 = arith.constant 8 : i32
      %div3A = arith.divsi %scan3A_574, %jit3A_575 : i32
      %sign3A = arith.constant 0 : i32
      %sign3A_576 = arith.cmpi sgt, %scan3A_574, %sign3A : i32
      %sign3A_577 = arith.extui %sign3A_576 : i1 to i32
      %sign3A_578 = arith.constant 0 : i32
      %sign3A_579 = arith.cmpi slt, %scan3A_574, %sign3A_578 : i32
      %sign3A_580 = arith.extui %sign3A_579 : i1 to i32
      %sign3A_581 = arith.subi %sign3A_577, %sign3A_580 : i32
      %sign3A_582 = arith.constant 0 : i32
      %sign3A_583 = arith.cmpi sgt, %jit3A_575, %sign3A_582 : i32
      %sign3A_584 = arith.extui %sign3A_583 : i1 to i32
      %sign3A_585 = arith.constant 0 : i32
      %sign3A_586 = arith.cmpi slt, %jit3A_575, %sign3A_585 : i32
      %sign3A_587 = arith.extui %sign3A_586 : i1 to i32
      %sign3A_588 = arith.subi %sign3A_584, %sign3A_587 : i32
      %ne3A = arith.cmpi ne, %sign3A_581, %sign3A_588 : i32
      %rem3A = arith.remsi %scan3A_574, %jit3A_575 : i32
      %ne3A_589 = arith.constant 0 : i32
      %ne3A_590 = arith.cmpi ne, %rem3A, %ne3A_589 : i32
      %and3A = arith.andi %ne3A, %ne3A_590 : i1
      %sub3A = arith.constant 1 : i32
      %sub3A_591 = arith.subi %div3A, %sub3A : i32
      %select_n3A_592 = arith.select %and3A, %sub3A_591, %div3A : i32
      %jit3A_593 = arith.constant 8 : i32
      %eq3A_594 = arith.constant 0 : i32
      %eq3A_595 = arith.cmpi eq, %jit3A_593, %eq3A_594 : i32
      %jit3A_596 = arith.constant 1 : i32
      %select_n3A_597 = arith.select %eq3A_595, %jit3A_596, %jit3A_593 : i32
      %rem3A_598 = arith.remsi %scan3A_574, %select_n3A_597 : i32
      %ne3A_599 = arith.constant 0 : i32
      %ne3A_600 = arith.cmpi ne, %rem3A_598, %ne3A_599 : i32
      %lt3A = arith.constant 0 : i32
      %lt3A_601 = arith.cmpi slt, %rem3A_598, %lt3A : i32
      %lt3A_602 = arith.constant 0 : i32
      %lt3A_603 = arith.cmpi slt, %select_n3A_597, %lt3A_602 : i32
      %ne3A_604 = arith.xori %lt3A_601, %lt3A_603 : i1
      %and3A_605 = arith.andi %ne3A_604, %ne3A_600 : i1
      %add3A_606 = arith.addi %rem3A_598, %select_n3A_597 : i32
      %select_n3A_607 = arith.select %and3A_605, %add3A_606, %rem3A_598 : i32
      %mul3A_608 = arith.constant 16 : i32
      %mul3A_609 = arith.muli %select_n3A_607, %mul3A_608 : i32
      %mul3A_610 = arith.constant 16 : i32
      %mul3A_611 = arith.muli %scan3A_574, %mul3A_610 : i32
      %get3A_612 = arith.index_cast %mul3A_611 : i32 to index
      %get3A_613 = tpu.vector_load %arg8[%get3A_612] {strides = array<i32>} : memref<512xi32, #tpu.memory_space<vmem>>, vector<16xi32>,
      %mul3A_614 = arith.constant 16 : i32
      %mul3A_615 = arith.muli %scan3A_574, %mul3A_614 : i32
      %get3A_616 = arith.index_cast %mul3A_615 : i32 to index
      %get3A_617 = tpu.vector_load %arg9[%get3A_616] {strides = array<i32>} : memref<512xi32, #tpu.memory_space<vmem>>, vector<16xi32>,
      %shift_right_arithmetic3A = arith.constant 9 : i32
      %shift_right_arithmetic3A_618 = vector.broadcast %shift_right_arithmetic3A : i32 to vector<16xi32>
      %shift_right_arithmetic3A_619 = arith.shrsi %get3A_613, %shift_right_arithmetic3A_618 : vector<16xi32>
      %shift_left3A = arith.constant 7 : i32
      %shift_left3A_620 = vector.broadcast %shift_left3A : i32 to vector<16xi32>
      %shift_left3A_621 = arith.shli %shift_right_arithmetic3A_619, %shift_left3A_620 : vector<16xi32>
      %and3A_622 = arith.constant 127 : i32
      %and3A_623 = vector.broadcast %and3A_622 : i32 to vector<16xi32>
      %and3A_624 = arith.andi %get3A_613, %and3A_623 : vector<16xi32>
      %or3A = arith.ori %shift_left3A_621, %and3A_624 : vector<16xi32>
      %swap3A = arith.index_cast %select_n3A_592 : i32 to index
      %swap3A_625 = arith.index_cast %mul3A_609 : i32 to index
      %swap3A_626 = tpu.vector_load %arg10[%swap3A, %swap3A_625] {strides = array<i32>} : memref<4x128xi32, #tpu.memory_space<vmem>>, vector<16xi32>,
      tpu.vector_store %arg10[%swap3A, %swap3A_625], %or3A {strides = array<i32>} : memref<4x128xi32, #tpu.memory_space<vmem>>, vector<16xi32>,
      %shift_right_arithmetic3A_627 = arith.constant 9 : i32
      %shift_right_arithmetic3A_628 = vector.broadcast %shift_right_arithmetic3A_627 : i32 to vector<16xi32>
      %shift_right_arithmetic3A_629 = arith.shrsi %get3A_617, %shift_right_arithmetic3A_628 : vector<16xi32>
      %shift_left3A_630 = arith.constant 7 : i32
      %shift_left3A_631 = vector.broadcast %shift_left3A_630 : i32 to vector<16xi32>
      %shift_left3A_632 = arith.shli %shift_right_arithmetic3A_629, %shift_left3A_631 : vector<16xi32>
      %and3A_633 = arith.constant 127 : i32
      %and3A_634 = vector.broadcast %and3A_633 : i32 to vector<16xi32>
      %and3A_635 = arith.andi %get3A_617, %and3A_634 : vector<16xi32>
      %or3A_636 = arith.ori %shift_left3A_632, %and3A_635 : vector<16xi32>
      %swap3A_637 = arith.index_cast %select_n3A_592 : i32 to index
      %swap3A_638 = arith.index_cast %mul3A_609 : i32 to index
      %swap3A_639 = tpu.vector_load %arg11[%swap3A_637, %swap3A_638] {strides = array<i32>} : memref<4x128xi32, #tpu.memory_space<vmem>>, vector<16xi32>,
      tpu.vector_store %arg11[%swap3A_637, %swap3A_638], %or3A_636 {strides = array<i32>} : memref<4x128xi32, #tpu.memory_space<vmem>>, vector<16xi32>,
    }
    %scan3A_7 = arith.constant 32 : i32
    %get3A = arith.constant 0 : index
    %get3A_8 = tpu.vector_load %arg15[%get3A] {strides = array<i32>} : memref<48xf32, #tpu.memory_space<vmem>>, vector<16xf32>,
    %get3A_9 = arith.constant 16 : index
    %get3A_10 = tpu.vector_load %arg15[%get3A_9] {strides = array<i32>} : memref<48xf32, #tpu.memory_space<vmem>>, vector<16xf32>,
    %get3A_11 = arith.constant 32 : index
    %get3A_12 = tpu.vector_load %arg15[%get3A_11] {strides = array<i32>} : memref<48xf32, #tpu.memory_space<vmem>>, vector<16xf32>,
    %eq3A = arith.constant 0 : i32
    %eq3A_13 = vector.broadcast %eq3A : i32 to vector<16xi32>
    %eq3A_14 = arith.cmpi eq, %iota3A, %eq3A_13 : vector<16xi32>
    %jit3A = arith.constant 0xFF800000 : f32
    %broadcast_in_dim3A = vector.broadcast %jit3A : f32 to vector<16xf32>
    %select_n3A = arith.select %eq3A_14, %get3A_8, %broadcast_in_dim3A : vector<16xi1>, vector<16xf32>
    %reduce_max3A = arith.constant true
    %reduce_max3A_15 = vector.broadcast %reduce_max3A : i1 to vector<16xi1>
    %reduce_max3A_16 = tpu.scan <max>, %select_n3A masked %reduce_max3A_15 : vector<16xf32>, vector<16xi1> -> vector<16xf32>
    %reduce_max3A_17 = vector.extract %reduce_max3A_16[15] : f32 from vector<16xf32>
    %eq3A_18 = arith.constant 1 : i32
    %eq3A_19 = vector.broadcast %eq3A_18 : i32 to vector<16xi32>
    %eq3A_20 = arith.cmpi eq, %iota3A, %eq3A_19 : vector<16xi32>
    %jit3A_21 = arith.constant 0xFF800000 : f32
    %broadcast_in_dim3A_22 = vector.broadcast %jit3A_21 : f32 to vector<16xf32>
    %select_n3A_23 = arith.select %eq3A_20, %get3A_8, %broadcast_in_dim3A_22 : vector<16xi1>, vector<16xf32>
    %reduce_max3A_24 = arith.constant true
    %reduce_max3A_25 = vector.broadcast %reduce_max3A_24 : i1 to vector<16xi1>
    %reduce_max3A_26 = tpu.scan <max>, %select_n3A_23 masked %reduce_max3A_25 : vector<16xf32>, vector<16xi1> -> vector<16xf32>
    %reduce_max3A_27 = vector.extract %reduce_max3A_26[15] : f32 from vector<16xf32>
    %eq3A_28 = arith.constant 2 : i32
    %eq3A_29 = vector.broadcast %eq3A_28 : i32 to vector<16xi32>
    %eq3A_30 = arith.cmpi eq, %iota3A, %eq3A_29 : vector<16xi32>
    %jit3A_31 = arith.constant 0xFF800000 : f32
    %broadcast_in_dim3A_32 = vector.broadcast %jit3A_31 : f32 to vector<16xf32>
    %select_n3A_33 = arith.select %eq3A_30, %get3A_8, %broadcast_in_dim3A_32 : vector<16xi1>, vector<16xf32>
    %reduce_max3A_34 = arith.constant true
    %reduce_max3A_35 = vector.broadcast %reduce_max3A_34 : i1 to vector<16xi1>
    %reduce_max3A_36 = tpu.scan <max>, %select_n3A_33 masked %reduce_max3A_35 : vector<16xf32>, vector<16xi1> -> vector<16xf32>
    %reduce_max3A_37 = vector.extract %reduce_max3A_36[15] : f32 from vector<16xf32>
    %eq3A_38 = arith.constant 3 : i32
    %eq3A_39 = vector.broadcast %eq3A_38 : i32 to vector<16xi32>
    %eq3A_40 = arith.cmpi eq, %iota3A, %eq3A_39 : vector<16xi32>
    %jit3A_41 = arith.constant 0xFF800000 : f32
    %broadcast_in_dim3A_42 = vector.broadcast %jit3A_41 : f32 to vector<16xf32>
    %select_n3A_43 = arith.select %eq3A_40, %get3A_8, %broadcast_in_dim3A_42 : vector<16xi1>, vector<16xf32>
    %reduce_max3A_44 = arith.constant true
    %reduce_max3A_45 = vector.broadcast %reduce_max3A_44 : i1 to vector<16xi1>
    %reduce_max3A_46 = tpu.scan <max>, %select_n3A_43 masked %reduce_max3A_45 : vector<16xf32>, vector<16xi1> -> vector<16xf32>
    %reduce_max3A_47 = vector.extract %reduce_max3A_46[15] : f32 from vector<16xf32>
    %eq3A_48 = arith.constant 4 : i32
    %eq3A_49 = vector.broadcast %eq3A_48 : i32 to vector<16xi32>
    %eq3A_50 = arith.cmpi eq, %iota3A, %eq3A_49 : vector<16xi32>
    %jit3A_51 = arith.constant 0xFF800000 : f32
    %broadcast_in_dim3A_52 = vector.broadcast %jit3A_51 : f32 to vector<16xf32>
    %select_n3A_53 = arith.select %eq3A_50, %get3A_8, %broadcast_in_dim3A_52 : vector<16xi1>, vector<16xf32>
    %reduce_max3A_54 = arith.constant true
    %reduce_max3A_55 = vector.broadcast %reduce_max3A_54 : i1 to vector<16xi1>
    %reduce_max3A_56 = tpu.scan <max>, %select_n3A_53 masked %reduce_max3A_55 : vector<16xf32>, vector<16xi1> -> vector<16xf32>
    %reduce_max3A_57 = vector.extract %reduce_max3A_56[15] : f32 from vector<16xf32>
    %eq3A_58 = arith.constant 5 : i32
    %eq3A_59 = vector.broadcast %eq3A_58 : i32 to vector<16xi32>
    %eq3A_60 = arith.cmpi eq, %iota3A, %eq3A_59 : vector<16xi32>
    %jit3A_61 = arith.constant 0xFF800000 : f32
    %broadcast_in_dim3A_62 = vector.broadcast %jit3A_61 : f32 to vector<16xf32>
    %select_n3A_63 = arith.select %eq3A_60, %get3A_8, %broadcast_in_dim3A_62 : vector<16xi1>, vector<16xf32>
    %reduce_max3A_64 = arith.constant true
    %reduce_max3A_65 = vector.broadcast %reduce_max3A_64 : i1 to vector<16xi1>
    %reduce_max3A_66 = tpu.scan <max>, %select_n3A_63 masked %reduce_max3A_65 : vector<16xf32>, vector<16xi1> -> vector<16xf32>
    %reduce_max3A_67 = vector.extract %reduce_max3A_66[15] : f32 from vector<16xf32>
    %eq3A_68 = arith.constant 6 : i32
    %eq3A_69 = vector.broadcast %eq3A_68 : i32 to vector<16xi32>
    %eq3A_70 = arith.cmpi eq, %iota3A, %eq3A_69 : vector<16xi32>
    %jit3A_71 = arith.constant 0xFF800000 : f32
    %broadcast_in_dim3A_72 = vector.broadcast %jit3A_71 : f32 to vector<16xf32>
    %select_n3A_73 = arith.select %eq3A_70, %get3A_8, %broadcast_in_dim3A_72 : vector<16xi1>, vector<16xf32>
    %reduce_max3A_74 = arith.constant true
    %reduce_max3A_75 = vector.broadcast %reduce_max3A_74 : i1 to vector<16xi1>
    %reduce_max3A_76 = tpu.scan <max>, %select_n3A_73 masked %reduce_max3A_75 : vector<16xf32>, vector<16xi1> -> vector<16xf32>
    %reduce_max3A_77 = vector.extract %reduce_max3A_76[15] : f32 from vector<16xf32>
    %eq3A_78 = arith.constant 7 : i32
    %eq3A_79 = vector.broadcast %eq3A_78 : i32 to vector<16xi32>
    %eq3A_80 = arith.cmpi eq, %iota3A, %eq3A_79 : vector<16xi32>
    %jit3A_81 = arith.constant 0xFF800000 : f32
    %broadcast_in_dim3A_82 = vector.broadcast %jit3A_81 : f32 to vector<16xf32>
    %select_n3A_83 = arith.select %eq3A_80, %get3A_8, %broadcast_in_dim3A_82 : vector<16xi1>, vector<16xf32>
    %reduce_max3A_84 = arith.constant true
    %reduce_max3A_85 = vector.broadcast %reduce_max3A_84 : i1 to vector<16xi1>
    %reduce_max3A_86 = tpu.scan <max>, %select_n3A_83 masked %reduce_max3A_85 : vector<16xf32>, vector<16xi1> -> vector<16xf32>
    %reduce_max3A_87 = vector.extract %reduce_max3A_86[15] : f32 from vector<16xf32>
    %eq3A_88 = arith.constant 8 : i32
    %eq3A_89 = vector.broadcast %eq3A_88 : i32 to vector<16xi32>
    %eq3A_90 = arith.cmpi eq, %iota3A, %eq3A_89 : vector<16xi32>
    %jit3A_91 = arith.constant 0xFF800000 : f32
    %broadcast_in_dim3A_92 = vector.broadcast %jit3A_91 : f32 to vector<16xf32>
    %select_n3A_93 = arith.select %eq3A_90, %get3A_8, %broadcast_in_dim3A_92 : vector<16xi1>, vector<16xf32>
    %reduce_max3A_94 = arith.constant true
    %reduce_max3A_95 = vector.broadcast %reduce_max3A_94 : i1 to vector<16xi1>
    %reduce_max3A_96 = tpu.scan <max>, %select_n3A_93 masked %reduce_max3A_95 : vector<16xf32>, vector<16xi1> -> vector<16xf32>
    %reduce_max3A_97 = vector.extract %reduce_max3A_96[15] : f32 from vector<16xf32>
    %eq3A_98 = arith.constant 9 : i32
    %eq3A_99 = vector.broadcast %eq3A_98 : i32 to vector<16xi32>
    %eq3A_100 = arith.cmpi eq, %iota3A, %eq3A_99 : vector<16xi32>
    %jit3A_101 = arith.constant 0xFF800000 : f32
    %broadcast_in_dim3A_102 = vector.broadcast %jit3A_101 : f32 to vector<16xf32>
    %select_n3A_103 = arith.select %eq3A_100, %get3A_8, %broadcast_in_dim3A_102 : vector<16xi1>, vector<16xf32>
    %reduce_max3A_104 = arith.constant true
    %reduce_max3A_105 = vector.broadcast %reduce_max3A_104 : i1 to vector<16xi1>
    %reduce_max3A_106 = tpu.scan <max>, %select_n3A_103 masked %reduce_max3A_105 : vector<16xf32>, vector<16xi1> -> vector<16xf32>
    %reduce_max3A_107 = vector.extract %reduce_max3A_106[15] : f32 from vector<16xf32>
    %eq3A_108 = arith.constant 10 : i32
    %eq3A_109 = vector.broadcast %eq3A_108 : i32 to vector<16xi32>
    %eq3A_110 = arith.cmpi eq, %iota3A, %eq3A_109 : vector<16xi32>
    %jit3A_111 = arith.constant 0xFF800000 : f32
    %broadcast_in_dim3A_112 = vector.broadcast %jit3A_111 : f32 to vector<16xf32>
    %select_n3A_113 = arith.select %eq3A_110, %get3A_8, %broadcast_in_dim3A_112 : vector<16xi1>, vector<16xf32>
    %reduce_max3A_114 = arith.constant true
    %reduce_max3A_115 = vector.broadcast %reduce_max3A_114 : i1 to vector<16xi1>
    %reduce_max3A_116 = tpu.scan <max>, %select_n3A_113 masked %reduce_max3A_115 : vector<16xf32>, vector<16xi1> -> vector<16xf32>
    %reduce_max3A_117 = vector.extract %reduce_max3A_116[15] : f32 from vector<16xf32>
    %eq3A_118 = arith.constant 11 : i32
    %eq3A_119 = vector.broadcast %eq3A_118 : i32 to vector<16xi32>
    %eq3A_120 = arith.cmpi eq, %iota3A, %eq3A_119 : vector<16xi32>
    %jit3A_121 = arith.constant 0xFF800000 : f32
    %broadcast_in_dim3A_122 = vector.broadcast %jit3A_121 : f32 to vector<16xf32>
    %select_n3A_123 = arith.select %eq3A_120, %get3A_8, %broadcast_in_dim3A_122 : vector<16xi1>, vector<16xf32>
    %reduce_max3A_124 = arith.constant true
    %reduce_max3A_125 = vector.broadcast %reduce_max3A_124 : i1 to vector<16xi1>
    %reduce_max3A_126 = tpu.scan <max>, %select_n3A_123 masked %reduce_max3A_125 : vector<16xf32>, vector<16xi1> -> vector<16xf32>
    %reduce_max3A_127 = vector.extract %reduce_max3A_126[15] : f32 from vector<16xf32>
    %eq3A_128 = arith.constant 12 : i32
    %eq3A_129 = vector.broadcast %eq3A_128 : i32 to vector<16xi32>
    %eq3A_130 = arith.cmpi eq, %iota3A, %eq3A_129 : vector<16xi32>
    %jit3A_131 = arith.constant 0xFF800000 : f32
    %broadcast_in_dim3A_132 = vector.broadcast %jit3A_131 : f32 to vector<16xf32>
    %select_n3A_133 = arith.select %eq3A_130, %get3A_8, %broadcast_in_dim3A_132 : vector<16xi1>, vector<16xf32>
    %reduce_max3A_134 = arith.constant true
    %reduce_max3A_135 = vector.broadcast %reduce_max3A_134 : i1 to vector<16xi1>
    %reduce_max3A_136 = tpu.scan <max>, %select_n3A_133 masked %reduce_max3A_135 : vector<16xf32>, vector<16xi1> -> vector<16xf32>
    %reduce_max3A_137 = vector.extract %reduce_max3A_136[15] : f32 from vector<16xf32>
    %eq3A_138 = arith.constant 13 : i32
    %eq3A_139 = vector.broadcast %eq3A_138 : i32 to vector<16xi32>
    %eq3A_140 = arith.cmpi eq, %iota3A, %eq3A_139 : vector<16xi32>
    %jit3A_141 = arith.constant 0xFF800000 : f32
    %broadcast_in_dim3A_142 = vector.broadcast %jit3A_141 : f32 to vector<16xf32>
    %select_n3A_143 = arith.select %eq3A_140, %get3A_8, %broadcast_in_dim3A_142 : vector<16xi1>, vector<16xf32>
    %reduce_max3A_144 = arith.constant true
    %reduce_max3A_145 = vector.broadcast %reduce_max3A_144 : i1 to vector<16xi1>
    %reduce_max3A_146 = tpu.scan <max>, %select_n3A_143 masked %reduce_max3A_145 : vector<16xf32>, vector<16xi1> -> vector<16xf32>
    %reduce_max3A_147 = vector.extract %reduce_max3A_146[15] : f32 from vector<16xf32>
    %eq3A_148 = arith.constant 14 : i32
    %eq3A_149 = vector.broadcast %eq3A_148 : i32 to vector<16xi32>
    %eq3A_150 = arith.cmpi eq, %iota3A, %eq3A_149 : vector<16xi32>
    %jit3A_151 = arith.constant 0xFF800000 : f32
    %broadcast_in_dim3A_152 = vector.broadcast %jit3A_151 : f32 to vector<16xf32>
    %select_n3A_153 = arith.select %eq3A_150, %get3A_8, %broadcast_in_dim3A_152 : vector<16xi1>, vector<16xf32>
    %reduce_max3A_154 = arith.constant true
    %reduce_max3A_155 = vector.broadcast %reduce_max3A_154 : i1 to vector<16xi1>
    %reduce_max3A_156 = tpu.scan <max>, %select_n3A_153 masked %reduce_max3A_155 : vector<16xf32>, vector<16xi1> -> vector<16xf32>
    %reduce_max3A_157 = vector.extract %reduce_max3A_156[15] : f32 from vector<16xf32>
    %eq3A_158 = arith.constant 15 : i32
    %eq3A_159 = vector.broadcast %eq3A_158 : i32 to vector<16xi32>
    %eq3A_160 = arith.cmpi eq, %iota3A, %eq3A_159 : vector<16xi32>
    %jit3A_161 = arith.constant 0xFF800000 : f32
    %broadcast_in_dim3A_162 = vector.broadcast %jit3A_161 : f32 to vector<16xf32>
    %select_n3A_163 = arith.select %eq3A_160, %get3A_8, %broadcast_in_dim3A_162 : vector<16xi1>, vector<16xf32>
    %reduce_max3A_164 = arith.constant true
    %reduce_max3A_165 = vector.broadcast %reduce_max3A_164 : i1 to vector<16xi1>
    %reduce_max3A_166 = tpu.scan <max>, %select_n3A_163 masked %reduce_max3A_165 : vector<16xf32>, vector<16xi1> -> vector<16xf32>
    %reduce_max3A_167 = vector.extract %reduce_max3A_166[15] : f32 from vector<16xf32>
    %eq3A_168 = arith.constant 0 : i32
    %eq3A_169 = vector.broadcast %eq3A_168 : i32 to vector<16xi32>
    %eq3A_170 = arith.cmpi eq, %iota3A, %eq3A_169 : vector<16xi32>
    %jit3A_171 = arith.constant 0xFF800000 : f32
    %broadcast_in_dim3A_172 = vector.broadcast %jit3A_171 : f32 to vector<16xf32>
    %select_n3A_173 = arith.select %eq3A_170, %get3A_10, %broadcast_in_dim3A_172 : vector<16xi1>, vector<16xf32>
    %reduce_max3A_174 = arith.constant true
    %reduce_max3A_175 = vector.broadcast %reduce_max3A_174 : i1 to vector<16xi1>
    %reduce_max3A_176 = tpu.scan <max>, %select_n3A_173 masked %reduce_max3A_175 : vector<16xf32>, vector<16xi1> -> vector<16xf32>
    %reduce_max3A_177 = vector.extract %reduce_max3A_176[15] : f32 from vector<16xf32>
    %eq3A_178 = arith.constant 1 : i32
    %eq3A_179 = vector.broadcast %eq3A_178 : i32 to vector<16xi32>
    %eq3A_180 = arith.cmpi eq, %iota3A, %eq3A_179 : vector<16xi32>
    %jit3A_181 = arith.constant 0xFF800000 : f32
    %broadcast_in_dim3A_182 = vector.broadcast %jit3A_181 : f32 to vector<16xf32>
    %select_n3A_183 = arith.select %eq3A_180, %get3A_10, %broadcast_in_dim3A_182 : vector<16xi1>, vector<16xf32>
    %reduce_max3A_184 = arith.constant true
    %reduce_max3A_185 = vector.broadcast %reduce_max3A_184 : i1 to vector<16xi1>
    %reduce_max3A_186 = tpu.scan <max>, %select_n3A_183 masked %reduce_max3A_185 : vector<16xf32>, vector<16xi1> -> vector<16xf32>
    %reduce_max3A_187 = vector.extract %reduce_max3A_186[15] : f32 from vector<16xf32>
    %eq3A_188 = arith.constant 2 : i32
    %eq3A_189 = vector.broadcast %eq3A_188 : i32 to vector<16xi32>
    %eq3A_190 = arith.cmpi eq, %iota3A, %eq3A_189 : vector<16xi32>
    %jit3A_191 = arith.constant 0xFF800000 : f32
    %broadcast_in_dim3A_192 = vector.broadcast %jit3A_191 : f32 to vector<16xf32>
    %select_n3A_193 = arith.select %eq3A_190, %get3A_10, %broadcast_in_dim3A_192 : vector<16xi1>, vector<16xf32>
    %reduce_max3A_194 = arith.constant true
    %reduce_max3A_195 = vector.broadcast %reduce_max3A_194 : i1 to vector<16xi1>
    %reduce_max3A_196 = tpu.scan <max>, %select_n3A_193 masked %reduce_max3A_195 : vector<16xf32>, vector<16xi1> -> vector<16xf32>
    %reduce_max3A_197 = vector.extract %reduce_max3A_196[15] : f32 from vector<16xf32>
    %eq3A_198 = arith.constant 3 : i32
    %eq3A_199 = vector.broadcast %eq3A_198 : i32 to vector<16xi32>
    %eq3A_200 = arith.cmpi eq, %iota3A, %eq3A_199 : vector<16xi32>
    %jit3A_201 = arith.constant 0xFF800000 : f32
    %broadcast_in_dim3A_202 = vector.broadcast %jit3A_201 : f32 to vector<16xf32>
    %select_n3A_203 = arith.select %eq3A_200, %get3A_10, %broadcast_in_dim3A_202 : vector<16xi1>, vector<16xf32>
    %reduce_max3A_204 = arith.constant true
    %reduce_max3A_205 = vector.broadcast %reduce_max3A_204 : i1 to vector<16xi1>
    %reduce_max3A_206 = tpu.scan <max>, %select_n3A_203 masked %reduce_max3A_205 : vector<16xf32>, vector<16xi1> -> vector<16xf32>
    %reduce_max3A_207 = vector.extract %reduce_max3A_206[15] : f32 from vector<16xf32>
    %eq3A_208 = arith.constant 4 : i32
    %eq3A_209 = vector.broadcast %eq3A_208 : i32 to vector<16xi32>
    %eq3A_210 = arith.cmpi eq, %iota3A, %eq3A_209 : vector<16xi32>
    %jit3A_211 = arith.constant 0xFF800000 : f32
    %broadcast_in_dim3A_212 = vector.broadcast %jit3A_211 : f32 to vector<16xf32>
    %select_n3A_213 = arith.select %eq3A_210, %get3A_10, %broadcast_in_dim3A_212 : vector<16xi1>, vector<16xf32>
    %reduce_max3A_214 = arith.constant true
    %reduce_max3A_215 = vector.broadcast %reduce_max3A_214 : i1 to vector<16xi1>
    %reduce_max3A_216 = tpu.scan <max>, %select_n3A_213 masked %reduce_max3A_215 : vector<16xf32>, vector<16xi1> -> vector<16xf32>
    %reduce_max3A_217 = vector.extract %reduce_max3A_216[15] : f32 from vector<16xf32>
    %eq3A_218 = arith.constant 5 : i32
    %eq3A_219 = vector.broadcast %eq3A_218 : i32 to vector<16xi32>
    %eq3A_220 = arith.cmpi eq, %iota3A, %eq3A_219 : vector<16xi32>
    %jit3A_221 = arith.constant 0xFF800000 : f32
    %broadcast_in_dim3A_222 = vector.broadcast %jit3A_221 : f32 to vector<16xf32>
    %select_n3A_223 = arith.select %eq3A_220, %get3A_10, %broadcast_in_dim3A_222 : vector<16xi1>, vector<16xf32>
    %reduce_max3A_224 = arith.constant true
    %reduce_max3A_225 = vector.broadcast %reduce_max3A_224 : i1 to vector<16xi1>
    %reduce_max3A_226 = tpu.scan <max>, %select_n3A_223 masked %reduce_max3A_225 : vector<16xf32>, vector<16xi1> -> vector<16xf32>
    %reduce_max3A_227 = vector.extract %reduce_max3A_226[15] : f32 from vector<16xf32>
    %eq3A_228 = arith.constant 6 : i32
    %eq3A_229 = vector.broadcast %eq3A_228 : i32 to vector<16xi32>
    %eq3A_230 = arith.cmpi eq, %iota3A, %eq3A_229 : vector<16xi32>
    %jit3A_231 = arith.constant 0xFF800000 : f32
    %broadcast_in_dim3A_232 = vector.broadcast %jit3A_231 : f32 to vector<16xf32>
    %select_n3A_233 = arith.select %eq3A_230, %get3A_10, %broadcast_in_dim3A_232 : vector<16xi1>, vector<16xf32>
    %reduce_max3A_234 = arith.constant true
    %reduce_max3A_235 = vector.broadcast %reduce_max3A_234 : i1 to vector<16xi1>
    %reduce_max3A_236 = tpu.scan <max>, %select_n3A_233 masked %reduce_max3A_235 : vector<16xf32>, vector<16xi1> -> vector<16xf32>
    %reduce_max3A_237 = vector.extract %reduce_max3A_236[15] : f32 from vector<16xf32>
    %eq3A_238 = arith.constant 7 : i32
    %eq3A_239 = vector.broadcast %eq3A_238 : i32 to vector<16xi32>
    %eq3A_240 = arith.cmpi eq, %iota3A, %eq3A_239 : vector<16xi32>
    %jit3A_241 = arith.constant 0xFF800000 : f32
    %broadcast_in_dim3A_242 = vector.broadcast %jit3A_241 : f32 to vector<16xf32>
    %select_n3A_243 = arith.select %eq3A_240, %get3A_10, %broadcast_in_dim3A_242 : vector<16xi1>, vector<16xf32>
    %reduce_max3A_244 = arith.constant true
    %reduce_max3A_245 = vector.broadcast %reduce_max3A_244 : i1 to vector<16xi1>
    %reduce_max3A_246 = tpu.scan <max>, %select_n3A_243 masked %reduce_max3A_245 : vector<16xf32>, vector<16xi1> -> vector<16xf32>
    %reduce_max3A_247 = vector.extract %reduce_max3A_246[15] : f32 from vector<16xf32>
    %eq3A_248 = arith.constant 8 : i32
    %eq3A_249 = vector.broadcast %eq3A_248 : i32 to vector<16xi32>
    %eq3A_250 = arith.cmpi eq, %iota3A, %eq3A_249 : vector<16xi32>
    %jit3A_251 = arith.constant 0xFF800000 : f32
    %broadcast_in_dim3A_252 = vector.broadcast %jit3A_251 : f32 to vector<16xf32>
    %select_n3A_253 = arith.select %eq3A_250, %get3A_10, %broadcast_in_dim3A_252 : vector<16xi1>, vector<16xf32>
    %reduce_max3A_254 = arith.constant true
    %reduce_max3A_255 = vector.broadcast %reduce_max3A_254 : i1 to vector<16xi1>
    %reduce_max3A_256 = tpu.scan <max>, %select_n3A_253 masked %reduce_max3A_255 : vector<16xf32>, vector<16xi1> -> vector<16xf32>
    %reduce_max3A_257 = vector.extract %reduce_max3A_256[15] : f32 from vector<16xf32>
    %eq3A_258 = arith.constant 9 : i32
    %eq3A_259 = vector.broadcast %eq3A_258 : i32 to vector<16xi32>
    %eq3A_260 = arith.cmpi eq, %iota3A, %eq3A_259 : vector<16xi32>
    %jit3A_261 = arith.constant 0xFF800000 : f32
    %broadcast_in_dim3A_262 = vector.broadcast %jit3A_261 : f32 to vector<16xf32>
    %select_n3A_263 = arith.select %eq3A_260, %get3A_10, %broadcast_in_dim3A_262 : vector<16xi1>, vector<16xf32>
    %reduce_max3A_264 = arith.constant true
    %reduce_max3A_265 = vector.broadcast %reduce_max3A_264 : i1 to vector<16xi1>
    %reduce_max3A_266 = tpu.scan <max>, %select_n3A_263 masked %reduce_max3A_265 : vector<16xf32>, vector<16xi1> -> vector<16xf32>
    %reduce_max3A_267 = vector.extract %reduce_max3A_266[15] : f32 from vector<16xf32>
    %eq3A_268 = arith.constant 10 : i32
    %eq3A_269 = vector.broadcast %eq3A_268 : i32 to vector<16xi32>
    %eq3A_270 = arith.cmpi eq, %iota3A, %eq3A_269 : vector<16xi32>
    %jit3A_271 = arith.constant 0xFF800000 : f32
    %broadcast_in_dim3A_272 = vector.broadcast %jit3A_271 : f32 to vector<16xf32>
    %select_n3A_273 = arith.select %eq3A_270, %get3A_10, %broadcast_in_dim3A_272 : vector<16xi1>, vector<16xf32>
    %reduce_max3A_274 = arith.constant true
    %reduce_max3A_275 = vector.broadcast %reduce_max3A_274 : i1 to vector<16xi1>
    %reduce_max3A_276 = tpu.scan <max>, %select_n3A_273 masked %reduce_max3A_275 : vector<16xf32>, vector<16xi1> -> vector<16xf32>
    %reduce_max3A_277 = vector.extract %reduce_max3A_276[15] : f32 from vector<16xf32>
    %eq3A_278 = arith.constant 11 : i32
    %eq3A_279 = vector.broadcast %eq3A_278 : i32 to vector<16xi32>
    %eq3A_280 = arith.cmpi eq, %iota3A, %eq3A_279 : vector<16xi32>
    %jit3A_281 = arith.constant 0xFF800000 : f32
    %broadcast_in_dim3A_282 = vector.broadcast %jit3A_281 : f32 to vector<16xf32>
    %select_n3A_283 = arith.select %eq3A_280, %get3A_10, %broadcast_in_dim3A_282 : vector<16xi1>, vector<16xf32>
    %reduce_max3A_284 = arith.constant true
    %reduce_max3A_285 = vector.broadcast %reduce_max3A_284 : i1 to vector<16xi1>
    %reduce_max3A_286 = tpu.scan <max>, %select_n3A_283 masked %reduce_max3A_285 : vector<16xf32>, vector<16xi1> -> vector<16xf32>
    %reduce_max3A_287 = vector.extract %reduce_max3A_286[15] : f32 from vector<16xf32>
    %eq3A_288 = arith.constant 12 : i32
    %eq3A_289 = vector.broadcast %eq3A_288 : i32 to vector<16xi32>
    %eq3A_290 = arith.cmpi eq, %iota3A, %eq3A_289 : vector<16xi32>
    %jit3A_291 = arith.constant 0xFF800000 : f32
    %broadcast_in_dim3A_292 = vector.broadcast %jit3A_291 : f32 to vector<16xf32>
    %select_n3A_293 = arith.select %eq3A_290, %get3A_10, %broadcast_in_dim3A_292 : vector<16xi1>, vector<16xf32>
    %reduce_max3A_294 = arith.constant true
    %reduce_max3A_295 = vector.broadcast %reduce_max3A_294 : i1 to vector<16xi1>
    %reduce_max3A_296 = tpu.scan <max>, %select_n3A_293 masked %reduce_max3A_295 : vector<16xf32>, vector<16xi1> -> vector<16xf32>
    %reduce_max3A_297 = vector.extract %reduce_max3A_296[15] : f32 from vector<16xf32>
    %eq3A_298 = arith.constant 13 : i32
    %eq3A_299 = vector.broadcast %eq3A_298 : i32 to vector<16xi32>
    %eq3A_300 = arith.cmpi eq, %iota3A, %eq3A_299 : vector<16xi32>
    %jit3A_301 = arith.constant 0xFF800000 : f32
    %broadcast_in_dim3A_302 = vector.broadcast %jit3A_301 : f32 to vector<16xf32>
    %select_n3A_303 = arith.select %eq3A_300, %get3A_10, %broadcast_in_dim3A_302 : vector<16xi1>, vector<16xf32>
    %reduce_max3A_304 = arith.constant true
    %reduce_max3A_305 = vector.broadcast %reduce_max3A_304 : i1 to vector<16xi1>
    %reduce_max3A_306 = tpu.scan <max>, %select_n3A_303 masked %reduce_max3A_305 : vector<16xf32>, vector<16xi1> -> vector<16xf32>
    %reduce_max3A_307 = vector.extract %reduce_max3A_306[15] : f32 from vector<16xf32>
    %eq3A_308 = arith.constant 14 : i32
    %eq3A_309 = vector.broadcast %eq3A_308 : i32 to vector<16xi32>
    %eq3A_310 = arith.cmpi eq, %iota3A, %eq3A_309 : vector<16xi32>
    %jit3A_311 = arith.constant 0xFF800000 : f32
    %broadcast_in_dim3A_312 = vector.broadcast %jit3A_311 : f32 to vector<16xf32>
    %select_n3A_313 = arith.select %eq3A_310, %get3A_10, %broadcast_in_dim3A_312 : vector<16xi1>, vector<16xf32>
    %reduce_max3A_314 = arith.constant true
    %reduce_max3A_315 = vector.broadcast %reduce_max3A_314 : i1 to vector<16xi1>
    %reduce_max3A_316 = tpu.scan <max>, %select_n3A_313 masked %reduce_max3A_315 : vector<16xf32>, vector<16xi1> -> vector<16xf32>
    %reduce_max3A_317 = vector.extract %reduce_max3A_316[15] : f32 from vector<16xf32>
    %eq3A_318 = arith.constant 15 : i32
    %eq3A_319 = vector.broadcast %eq3A_318 : i32 to vector<16xi32>
    %eq3A_320 = arith.cmpi eq, %iota3A, %eq3A_319 : vector<16xi32>
    %jit3A_321 = arith.constant 0xFF800000 : f32
    %broadcast_in_dim3A_322 = vector.broadcast %jit3A_321 : f32 to vector<16xf32>
    %select_n3A_323 = arith.select %eq3A_320, %get3A_10, %broadcast_in_dim3A_322 : vector<16xi1>, vector<16xf32>
    %reduce_max3A_324 = arith.constant true
    %reduce_max3A_325 = vector.broadcast %reduce_max3A_324 : i1 to vector<16xi1>
    %reduce_max3A_326 = tpu.scan <max>, %select_n3A_323 masked %reduce_max3A_325 : vector<16xf32>, vector<16xi1> -> vector<16xf32>
    %reduce_max3A_327 = vector.extract %reduce_max3A_326[15] : f32 from vector<16xf32>
    %dma_start3A = arith.constant 0 : i32
    %dma_start3A_328 = arith.constant 0 : i32
    %dma_start3A_329 = arith.constant 0 : i32
    %dma_start3A_330 = arith.constant 0 : i32
    %dma_start3A_331 = tpu.memref_slice %arg12[%dma_start3A_328, %dma_start3A_329, %dma_start3A_330] : memref<2x128x128xf32, #tpu.memory_space<vmem>> -> memref<1x128x128xf32, #tpu.memory_space<vmem>>
    %dma_start3A_332 = tpu.memref_squeeze %dma_start3A_331 : memref<1x128x128xf32, #tpu.memory_space<vmem>> -> memref<128x128xf32, #tpu.memory_space<vmem>>
    %dma_start3A_333 = arith.constant 0 : i32
    %dma_start3A_334 = tpu.memref_slice %arg10[%dma_start3A, %dma_start3A_333] : memref<4x128xi32, #tpu.memory_space<vmem>> -> memref<1x128xi32, #tpu.memory_space<vmem>>
    %dma_start3A_335 = tpu.memref_squeeze %dma_start3A_334 : memref<1x128xi32, #tpu.memory_space<vmem>> -> memref<128xi32, #tpu.memory_space<vmem>>
    %dma_start3A_336 = arith.constant 0 : i32
    %dma_start3A_337 = arith.constant 0 : i32
    %dma_start3A_338 = tpu.memref_slice %arg4[%dma_start3A_336, %dma_start3A_337] : memref<250112x128xf32, #tpu.memory_space<hbm>> -> memref<250112x128xf32, #tpu.memory_space<hbm>>
    tpu.enqueue_indirect_dma source(%dma_start3A_338 : memref<250112x128xf32, #tpu.memory_space<hbm>>) target(%dma_start3A_332 : memref<128x128xf32, #tpu.memory_space<vmem>>) offsets(%dma_start3A_335 : memref<128xi32, #tpu.memory_space<vmem>>) semaphore(%arg16 : memref<!tpu.dma_semaphore, #tpu.memory_space<semaphore_mem>>)
    %dma_start3A_339 = arith.constant 0 : i32
    %dma_start3A_340 = arith.constant 0 : i32
    %dma_start3A_341 = arith.constant 0 : i32
    %dma_start3A_342 = arith.constant 0 : i32
    %dma_start3A_343 = tpu.memref_slice %arg13[%dma_start3A_340, %dma_start3A_341, %dma_start3A_342] : memref<2x128x128xf32, #tpu.memory_space<vmem>> -> memref<1x128x128xf32, #tpu.memory_space<vmem>>
    %dma_start3A_344 = tpu.memref_squeeze %dma_start3A_343 : memref<1x128x128xf32, #tpu.memory_space<vmem>> -> memref<128x128xf32, #tpu.memory_space<vmem>>
    %dma_start3A_345 = arith.constant 0 : i32
    %dma_start3A_346 = tpu.memref_slice %arg11[%dma_start3A_339, %dma_start3A_345] : memref<4x128xi32, #tpu.memory_space<vmem>> -> memref<1x128xi32, #tpu.memory_space<vmem>>
    %dma_start3A_347 = tpu.memref_squeeze %dma_start3A_346 : memref<1x128xi32, #tpu.memory_space<vmem>> -> memref<128xi32, #tpu.memory_space<vmem>>
    %dma_start3A_348 = arith.constant 0 : i32
    %dma_start3A_349 = arith.constant 0 : i32
    %dma_start3A_350 = tpu.memref_slice %arg5[%dma_start3A_348, %dma_start3A_349] : memref<250112x128xf32, #tpu.memory_space<hbm>> -> memref<250112x128xf32, #tpu.memory_space<hbm>>
    tpu.enqueue_indirect_dma source(%dma_start3A_350 : memref<250112x128xf32, #tpu.memory_space<hbm>>) target(%dma_start3A_344 : memref<128x128xf32, #tpu.memory_space<vmem>>) offsets(%dma_start3A_347 : memref<128xi32, #tpu.memory_space<vmem>>) semaphore(%arg16 : memref<!tpu.dma_semaphore, #tpu.memory_space<semaphore_mem>>)
    %dma_start3A_351 = arith.constant 1 : i32
    %dma_start3A_352 = arith.constant 1 : i32
    %dma_start3A_353 = arith.constant 0 : i32
    %dma_start3A_354 = arith.constant 0 : i32
    %dma_start3A_355 = tpu.memref_slice %arg12[%dma_start3A_352, %dma_start3A_353, %dma_start3A_354] : memref<2x128x128xf32, #tpu.memory_space<vmem>> -> memref<1x128x128xf32, #tpu.memory_space<vmem>>
    %dma_start3A_356 = tpu.memref_squeeze %dma_start3A_355 : memref<1x128x128xf32, #tpu.memory_space<vmem>> -> memref<128x128xf32, #tpu.memory_space<vmem>>
    %dma_start3A_357 = arith.constant 0 : i32
    %dma_start3A_358 = tpu.memref_slice %arg10[%dma_start3A_351, %dma_start3A_357] : memref<4x128xi32, #tpu.memory_space<vmem>> -> memref<1x128xi32, #tpu.memory_space<vmem>>
    %dma_start3A_359 = tpu.memref_squeeze %dma_start3A_358 : memref<1x128xi32, #tpu.memory_space<vmem>> -> memref<128xi32, #tpu.memory_space<vmem>>
    %dma_start3A_360 = arith.constant 0 : i32
    %dma_start3A_361 = arith.constant 0 : i32
    %dma_start3A_362 = tpu.memref_slice %arg4[%dma_start3A_360, %dma_start3A_361] : memref<250112x128xf32, #tpu.memory_space<hbm>> -> memref<250112x128xf32, #tpu.memory_space<hbm>>
    tpu.enqueue_indirect_dma source(%dma_start3A_362 : memref<250112x128xf32, #tpu.memory_space<hbm>>) target(%dma_start3A_356 : memref<128x128xf32, #tpu.memory_space<vmem>>) offsets(%dma_start3A_359 : memref<128xi32, #tpu.memory_space<vmem>>) semaphore(%arg17 : memref<!tpu.dma_semaphore, #tpu.memory_space<semaphore_mem>>)
    %dma_start3A_363 = arith.constant 1 : i32
    %dma_start3A_364 = arith.constant 1 : i32
    %dma_start3A_365 = arith.constant 0 : i32
    %dma_start3A_366 = arith.constant 0 : i32
    %dma_start3A_367 = tpu.memref_slice %arg13[%dma_start3A_364, %dma_start3A_365, %dma_start3A_366] : memref<2x128x128xf32, #tpu.memory_space<vmem>> -> memref<1x128x128xf32, #tpu.memory_space<vmem>>
    %dma_start3A_368 = tpu.memref_squeeze %dma_start3A_367 : memref<1x128x128xf32, #tpu.memory_space<vmem>> -> memref<128x128xf32, #tpu.memory_space<vmem>>
    %dma_start3A_369 = arith.constant 0 : i32
    %dma_start3A_370 = tpu.memref_slice %arg11[%dma_start3A_363, %dma_start3A_369] : memref<4x128xi32, #tpu.memory_space<vmem>> -> memref<1x128xi32, #tpu.memory_space<vmem>>
    %dma_start3A_371 = tpu.memref_squeeze %dma_start3A_370 : memref<1x128xi32, #tpu.memory_space<vmem>> -> memref<128xi32, #tpu.memory_space<vmem>>
    %dma_start3A_372 = arith.constant 0 : i32
    %dma_start3A_373 = arith.constant 0 : i32
    %dma_start3A_374 = tpu.memref_slice %arg5[%dma_start3A_372, %dma_start3A_373] : memref<250112x128xf32, #tpu.memory_space<hbm>> -> memref<250112x128xf32, #tpu.memory_space<hbm>>
    tpu.enqueue_indirect_dma source(%dma_start3A_374 : memref<250112x128xf32, #tpu.memory_space<hbm>>) target(%dma_start3A_368 : memref<128x128xf32, #tpu.memory_space<vmem>>) offsets(%dma_start3A_371 : memref<128xi32, #tpu.memory_space<vmem>>) semaphore(%arg17 : memref<!tpu.dma_semaphore, #tpu.memory_space<semaphore_mem>>)
    %dma_wait3A = arith.constant 0 : i32
    %dma_wait3A_375 = arith.constant 0 : i32
    %dma_wait3A_376 = arith.constant 0 : i32
    %dma_wait3A_377 = tpu.memref_slice %arg12[%dma_wait3A, %dma_wait3A_375, %dma_wait3A_376] : memref<2x128x128xf32, #tpu.memory_space<vmem>> -> memref<1x128x128xf32, #tpu.memory_space<vmem>>
    %dma_wait3A_378 = tpu.memref_squeeze %dma_wait3A_377 : memref<1x128x128xf32, #tpu.memory_space<vmem>> -> memref<128x128xf32, #tpu.memory_space<vmem>>
    %dma_wait3A_379 = arith.constant 0 : i32
    %dma_wait3A_380 = arith.constant 0 : i32
    %dma_wait3A_381 = tpu.memref_slice %arg4[%dma_wait3A_379, %dma_wait3A_380] : memref<250112x128xf32, #tpu.memory_space<hbm>> -> memref<128x128xf32, #tpu.memory_space<hbm>>
    %dma_wait3A_382 = arith.constant 0 : i32
    %dma_wait3A_383 = arith.constant 0 : i32
    %dma_wait3A_384 = tpu.memref_slice %arg12[%dma_wait3A, %dma_wait3A_382, %dma_wait3A_383] : memref<2x128x128xf32, #tpu.memory_space<vmem>> -> memref<1x128x128xf32, #tpu.memory_space<vmem>>
    %dma_wait3A_385 = tpu.memref_squeeze %dma_wait3A_384 : memref<1x128x128xf32, #tpu.memory_space<vmem>> -> memref<128x128xf32, #tpu.memory_space<vmem>>
    %dma_wait3A_386 = arith.constant 0 : i32
    %dma_wait3A_387 = arith.constant 0 : i32
    %dma_wait3A_388 = tpu.memref_slice %arg4[%dma_wait3A_386, %dma_wait3A_387] : memref<250112x128xf32, #tpu.memory_space<hbm>> -> memref<128x128xf32, #tpu.memory_space<hbm>>
    tpu.wait_dma2 semaphore(%arg16 : memref<!tpu.dma_semaphore, #tpu.memory_space<semaphore_mem>>) src(%dma_wait3A_388 : memref<128x128xf32, #tpu.memory_space<hbm>>) dst(%dma_wait3A_385 : memref<128x128xf32, #tpu.memory_space<vmem>>)
    %dma_wait3A_389 = arith.constant 0 : i32
    %dma_wait3A_390 = arith.constant 0 : i32
    %dma_wait3A_391 = arith.constant 0 : i32
    %dma_wait3A_392 = tpu.memref_slice %arg13[%dma_wait3A_389, %dma_wait3A_390, %dma_wait3A_391] : memref<2x128x128xf32, #tpu.memory_space<vmem>> -> memref<1x128x128xf32, #tpu.memory_space<vmem>>
    %dma_wait3A_393 = tpu.memref_squeeze %dma_wait3A_392 : memref<1x128x128xf32, #tpu.memory_space<vmem>> -> memref<128x128xf32, #tpu.memory_space<vmem>>
    %dma_wait3A_394 = arith.constant 0 : i32
    %dma_wait3A_395 = arith.constant 0 : i32
    %dma_wait3A_396 = tpu.memref_slice %arg5[%dma_wait3A_394, %dma_wait3A_395] : memref<250112x128xf32, #tpu.memory_space<hbm>> -> memref<128x128xf32, #tpu.memory_space<hbm>>
    %dma_wait3A_397 = arith.constant 0 : i32
    %dma_wait3A_398 = arith.constant 0 : i32
    %dma_wait3A_399 = tpu.memref_slice %arg13[%dma_wait3A_389, %dma_wait3A_397, %dma_wait3A_398] : memref<2x128x128xf32, #tpu.memory_space<vmem>> -> memref<1x128x128xf32, #tpu.memory_space<vmem>>
    %dma_wait3A_400 = tpu.memref_squeeze %dma_wait3A_399 : memref<1x128x128xf32, #tpu.memory_space<vmem>> -> memref<128x128xf32, #tpu.memory_space<vmem>>
    %dma_wait3A_401 = arith.constant 0 : i32
    %dma_wait3A_402 = arith.constant 0 : i32
    %dma_wait3A_403 = tpu.memref_slice %arg5[%dma_wait3A_401, %dma_wait3A_402] : memref<250112x128xf32, #tpu.memory_space<hbm>> -> memref<128x128xf32, #tpu.memory_space<hbm>>
    tpu.wait_dma2 semaphore(%arg16 : memref<!tpu.dma_semaphore, #tpu.memory_space<semaphore_mem>>) src(%dma_wait3A_403 : memref<128x128xf32, #tpu.memory_space<hbm>>) dst(%dma_wait3A_400 : memref<128x128xf32, #tpu.memory_space<vmem>>)
    %broadcast_in_dim3A_404 = arith.constant 0 : i32
    %broadcast_in_dim3A_405 = vector.broadcast %broadcast_in_dim3A_404 : i32 to vector<16xi32>
    %scan3A_406 = arith.constant 0 : i32
    %scan3A_407 = arith.constant 0 : i32
    %scan3A_408 = arith.constant 8 : i32
    %scan3A_409 = arith.addi %scan3A_407, %scan3A_408 : i32
    %scan3A_410 = arith.constant 1 : i32
    scf.for %scan3A_574 = %scan3A_407 to %scan3A_409 step %scan3A_410  : i32 {
      %mul3A_575 = arith.constant 16 : i32
      %mul3A_576 = arith.muli %scan3A_574, %mul3A_575 : i32
      %add3A_577 = arith.constant 0 : i32
      %add3A_578 = arith.addi %add3A_577, %mul3A_576 : i32
      %get3A_579 = arith.index_cast %add3A_578 : i32 to index
      %get3A_580 = tpu.vector_load %arg8[%get3A_579] {strides = array<i32>} : memref<512xi32, #tpu.memory_space<vmem>>, vector<16xi32>,
      %get3A_581 = arith.index_cast %add3A_578 : i32 to index
      %get3A_582 = tpu.vector_load %arg9[%get3A_581] {strides = array<i32>} : memref<512xi32, #tpu.memory_space<vmem>>, vector<16xi32>,
      %shift_right_arithmetic3A = arith.constant 7 : i32
      %shift_right_arithmetic3A_583 = vector.broadcast %shift_right_arithmetic3A : i32 to vector<16xi32>
      %shift_right_arithmetic3A_584 = arith.shrsi %get3A_580, %shift_right_arithmetic3A_583 : vector<16xi32>
      %and3A = arith.constant 3 : i32
      %and3A_585 = vector.broadcast %and3A : i32 to vector<16xi32>
      %and3A_586 = arith.andi %shift_right_arithmetic3A_584, %and3A_585 : vector<16xi32>
      %shift_left3A = arith.constant 5 : i32
      %shift_left3A_587 = vector.broadcast %shift_left3A : i32 to vector<16xi32>
      %shift_left3A_588 = arith.shli %and3A_586, %shift_left3A_587 : vector<16xi32>
      %shift_right_arithmetic3A_589 = arith.constant 7 : i32
      %shift_right_arithmetic3A_590 = vector.broadcast %shift_right_arithmetic3A_589 : i32 to vector<16xi32>
      %shift_right_arithmetic3A_591 = arith.shrsi %get3A_582, %shift_right_arithmetic3A_590 : vector<16xi32>
      %and3A_592 = arith.constant 3 : i32
      %and3A_593 = vector.broadcast %and3A_592 : i32 to vector<16xi32>
      %and3A_594 = arith.andi %shift_right_arithmetic3A_591, %and3A_593 : vector<16xi32>
      %shift_left3A_595 = arith.constant 5 : i32
      %shift_left3A_596 = vector.broadcast %shift_left3A_595 : i32 to vector<16xi32>
      %shift_left3A_597 = arith.shli %and3A_594, %shift_left3A_596 : vector<16xi32>
      %mul3A_598 = arith.constant 16 : i32
      %mul3A_599 = arith.muli %scan3A_574, %mul3A_598 : i32
      %add3A_600 = vector.broadcast %mul3A_599 : i32 to vector<16xi32>
      %add3A_601 = arith.addi %add3A_600, %iota3A : vector<16xi32>
      %add3A_602 = arith.constant 0 : i32
      %add3A_603 = vector.broadcast %add3A_602 : i32 to vector<16xi32>
      %add3A_604 = arith.addi %shift_left3A_588, %add3A_603 : vector<16xi32>
      %gather3A = tpu.vector_load_idx %arg12[%broadcast_in_dim3A_405, %add3A_601, %add3A_604] : memref<2x128x128xf32, #tpu.memory_space<vmem>>[vector<16xi32>, vector<16xi32>, vector<16xi32>], vector<16xf32>,
      %add3A_605 = arith.constant 0 : i32
      %add3A_606 = vector.broadcast %add3A_605 : i32 to vector<16xi32>
      %add3A_607 = arith.addi %shift_left3A_597, %add3A_606 : vector<16xi32>
      %gather3A_608 = tpu.vector_load_idx %arg13[%broadcast_in_dim3A_405, %add3A_601, %add3A_607] : memref<2x128x128xf32, #tpu.memory_space<vmem>>[vector<16xi32>, vector<16xi32>, vector<16xi32>], vector<16xf32>,
      %mul3A_609 = arith.mulf %gather3A, %gather3A_608 : vector<16xf32>
      %mul3A_610 = vector.broadcast %reduce_max3A_17 : f32 to vector<16xf32>
      %mul3A_611 = arith.mulf %mul3A_609, %mul3A_610 : vector<16xf32>
      %add3A_612 = arith.addf %get3A_12, %mul3A_611 : vector<16xf32>
      %add3A_613 = arith.constant 1 : i32
      %add3A_614 = vector.broadcast %add3A_613 : i32 to vector<16xi32>
      %add3A_615 = arith.addi %shift_left3A_588, %add3A_614 : vector<16xi32>
      %gather3A_616 = tpu.vector_load_idx %arg12[%broadcast_in_dim3A_405, %add3A_601, %add3A_615] : memref<2x128x128xf32, #tpu.memory_space<vmem>>[vector<16xi32>, vector<16xi32>, vector<16xi32>], vector<16xf32>,
      %add3A_617 = arith.constant 1 : i32
      %add3A_618 = vector.broadcast %add3A_617 : i32 to vector<16xi32>
      %add3A_619 = arith.addi %shift_left3A_597, %add3A_618 : vector<16xi32>
      %gather3A_620 = tpu.vector_load_idx %arg13[%broadcast_in_dim3A_405, %add3A_601, %add3A_619] : memref<2x128x128xf32, #tpu.memory_space<vmem>>[vector<16xi32>, vector<16xi32>, vector<16xi32>], vector<16xf32>,
      %mul3A_621 = arith.mulf %gather3A_616, %gather3A_620 : vector<16xf32>
      %mul3A_622 = vector.broadcast %reduce_max3A_27 : f32 to vector<16xf32>
      %mul3A_623 = arith.mulf %mul3A_621, %mul3A_622 : vector<16xf32>
      %add3A_624 = arith.addf %add3A_612, %mul3A_623 : vector<16xf32>
      %add3A_625 = arith.constant 2 : i32
      %add3A_626 = vector.broadcast %add3A_625 : i32 to vector<16xi32>
      %add3A_627 = arith.addi %shift_left3A_588, %add3A_626 : vector<16xi32>
      %gather3A_628 = tpu.vector_load_idx %arg12[%broadcast_in_dim3A_405, %add3A_601, %add3A_627] : memref<2x128x128xf32, #tpu.memory_space<vmem>>[vector<16xi32>, vector<16xi32>, vector<16xi32>], vector<16xf32>,
      %add3A_629 = arith.constant 2 : i32
      %add3A_630 = vector.broadcast %add3A_629 : i32 to vector<16xi32>
      %add3A_631 = arith.addi %shift_left3A_597, %add3A_630 : vector<16xi32>
      %gather3A_632 = tpu.vector_load_idx %arg13[%broadcast_in_dim3A_405, %add3A_601, %add3A_631] : memref<2x128x128xf32, #tpu.memory_space<vmem>>[vector<16xi32>, vector<16xi32>, vector<16xi32>], vector<16xf32>,
      %mul3A_633 = arith.mulf %gather3A_628, %gather3A_632 : vector<16xf32>
      %mul3A_634 = vector.broadcast %reduce_max3A_37 : f32 to vector<16xf32>
      %mul3A_635 = arith.mulf %mul3A_633, %mul3A_634 : vector<16xf32>
      %add3A_636 = arith.addf %add3A_624, %mul3A_635 : vector<16xf32>
      %add3A_637 = arith.constant 3 : i32
      %add3A_638 = vector.broadcast %add3A_637 : i32 to vector<16xi32>
      %add3A_639 = arith.addi %shift_left3A_588, %add3A_638 : vector<16xi32>
      %gather3A_640 = tpu.vector_load_idx %arg12[%broadcast_in_dim3A_405, %add3A_601, %add3A_639] : memref<2x128x128xf32, #tpu.memory_space<vmem>>[vector<16xi32>, vector<16xi32>, vector<16xi32>], vector<16xf32>,
      %add3A_641 = arith.constant 3 : i32
      %add3A_642 = vector.broadcast %add3A_641 : i32 to vector<16xi32>
      %add3A_643 = arith.addi %shift_left3A_597, %add3A_642 : vector<16xi32>
      %gather3A_644 = tpu.vector_load_idx %arg13[%broadcast_in_dim3A_405, %add3A_601, %add3A_643] : memref<2x128x128xf32, #tpu.memory_space<vmem>>[vector<16xi32>, vector<16xi32>, vector<16xi32>], vector<16xf32>,
      %mul3A_645 = arith.mulf %gather3A_640, %gather3A_644 : vector<16xf32>
      %mul3A_646 = vector.broadcast %reduce_max3A_47 : f32 to vector<16xf32>
      %mul3A_647 = arith.mulf %mul3A_645, %mul3A_646 : vector<16xf32>
      %add3A_648 = arith.addf %add3A_636, %mul3A_647 : vector<16xf32>
      %add3A_649 = arith.constant 4 : i32
      %add3A_650 = vector.broadcast %add3A_649 : i32 to vector<16xi32>
      %add3A_651 = arith.addi %shift_left3A_588, %add3A_650 : vector<16xi32>
      %gather3A_652 = tpu.vector_load_idx %arg12[%broadcast_in_dim3A_405, %add3A_601, %add3A_651] : memref<2x128x128xf32, #tpu.memory_space<vmem>>[vector<16xi32>, vector<16xi32>, vector<16xi32>], vector<16xf32>,
      %add3A_653 = arith.constant 4 : i32
      %add3A_654 = vector.broadcast %add3A_653 : i32 to vector<16xi32>
      %add3A_655 = arith.addi %shift_left3A_597, %add3A_654 : vector<16xi32>
      %gather3A_656 = tpu.vector_load_idx %arg13[%broadcast_in_dim3A_405, %add3A_601, %add3A_655] : memref<2x128x128xf32, #tpu.memory_space<vmem>>[vector<16xi32>, vector<16xi32>, vector<16xi32>], vector<16xf32>,
      %mul3A_657 = arith.mulf %gather3A_652, %gather3A_656 : vector<16xf32>
      %mul3A_658 = vector.broadcast %reduce_max3A_57 : f32 to vector<16xf32>
      %mul3A_659 = arith.mulf %mul3A_657, %mul3A_658 : vector<16xf32>
      %add3A_660 = arith.addf %add3A_648, %mul3A_659 : vector<16xf32>
      %add3A_661 = arith.constant 5 : i32
      %add3A_662 = vector.broadcast %add3A_661 : i32 to vector<16xi32>
      %add3A_663 = arith.addi %shift_left3A_588, %add3A_662 : vector<16xi32>
      %gather3A_664 = tpu.vector_load_idx %arg12[%broadcast_in_dim3A_405, %add3A_601, %add3A_663] : memref<2x128x128xf32, #tpu.memory_space<vmem>>[vector<16xi32>, vector<16xi32>, vector<16xi32>], vector<16xf32>,
      %add3A_665 = arith.constant 5 : i32
      %add3A_666 = vector.broadcast %add3A_665 : i32 to vector<16xi32>
      %add3A_667 = arith.addi %shift_left3A_597, %add3A_666 : vector<16xi32>
      %gather3A_668 = tpu.vector_load_idx %arg13[%broadcast_in_dim3A_405, %add3A_601, %add3A_667] : memref<2x128x128xf32, #tpu.memory_space<vmem>>[vector<16xi32>, vector<16xi32>, vector<16xi32>], vector<16xf32>,
      %mul3A_669 = arith.mulf %gather3A_664, %gather3A_668 : vector<16xf32>
      %mul3A_670 = vector.broadcast %reduce_max3A_67 : f32 to vector<16xf32>
      %mul3A_671 = arith.mulf %mul3A_669, %mul3A_670 : vector<16xf32>
      %add3A_672 = arith.addf %add3A_660, %mul3A_671 : vector<16xf32>
      %add3A_673 = arith.constant 6 : i32
      %add3A_674 = vector.broadcast %add3A_673 : i32 to vector<16xi32>
      %add3A_675 = arith.addi %shift_left3A_588, %add3A_674 : vector<16xi32>
      %gather3A_676 = tpu.vector_load_idx %arg12[%broadcast_in_dim3A_405, %add3A_601, %add3A_675] : memref<2x128x128xf32, #tpu.memory_space<vmem>>[vector<16xi32>, vector<16xi32>, vector<16xi32>], vector<16xf32>,
      %add3A_677 = arith.constant 6 : i32
      %add3A_678 = vector.broadcast %add3A_677 : i32 to vector<16xi32>
      %add3A_679 = arith.addi %shift_left3A_597, %add3A_678 : vector<16xi32>
      %gather3A_680 = tpu.vector_load_idx %arg13[%broadcast_in_dim3A_405, %add3A_601, %add3A_679] : memref<2x128x128xf32, #tpu.memory_space<vmem>>[vector<16xi32>, vector<16xi32>, vector<16xi32>], vector<16xf32>,
      %mul3A_681 = arith.mulf %gather3A_676, %gather3A_680 : vector<16xf32>
      %mul3A_682 = vector.broadcast %reduce_max3A_77 : f32 to vector<16xf32>
      %mul3A_683 = arith.mulf %mul3A_681, %mul3A_682 : vector<16xf32>
      %add3A_684 = arith.addf %add3A_672, %mul3A_683 : vector<16xf32>
      %add3A_685 = arith.constant 7 : i32
      %add3A_686 = vector.broadcast %add3A_685 : i32 to vector<16xi32>
      %add3A_687 = arith.addi %shift_left3A_588, %add3A_686 : vector<16xi32>
      %gather3A_688 = tpu.vector_load_idx %arg12[%broadcast_in_dim3A_405, %add3A_601, %add3A_687] : memref<2x128x128xf32, #tpu.memory_space<vmem>>[vector<16xi32>, vector<16xi32>, vector<16xi32>], vector<16xf32>,
      %add3A_689 = arith.constant 7 : i32
      %add3A_690 = vector.broadcast %add3A_689 : i32 to vector<16xi32>
      %add3A_691 = arith.addi %shift_left3A_597, %add3A_690 : vector<16xi32>
      %gather3A_692 = tpu.vector_load_idx %arg13[%broadcast_in_dim3A_405, %add3A_601, %add3A_691] : memref<2x128x128xf32, #tpu.memory_space<vmem>>[vector<16xi32>, vector<16xi32>, vector<16xi32>], vector<16xf32>,
      %mul3A_693 = arith.mulf %gather3A_688, %gather3A_692 : vector<16xf32>
      %mul3A_694 = vector.broadcast %reduce_max3A_87 : f32 to vector<16xf32>
      %mul3A_695 = arith.mulf %mul3A_693, %mul3A_694 : vector<16xf32>
      %add3A_696 = arith.addf %add3A_684, %mul3A_695 : vector<16xf32>
      %add3A_697 = arith.constant 8 : i32
      %add3A_698 = vector.broadcast %add3A_697 : i32 to vector<16xi32>
      %add3A_699 = arith.addi %shift_left3A_588, %add3A_698 : vector<16xi32>
      %gather3A_700 = tpu.vector_load_idx %arg12[%broadcast_in_dim3A_405, %add3A_601, %add3A_699] : memref<2x128x128xf32, #tpu.memory_space<vmem>>[vector<16xi32>, vector<16xi32>, vector<16xi32>], vector<16xf32>,
      %add3A_701 = arith.constant 8 : i32
      %add3A_702 = vector.broadcast %add3A_701 : i32 to vector<16xi32>
      %add3A_703 = arith.addi %shift_left3A_597, %add3A_702 : vector<16xi32>
      %gather3A_704 = tpu.vector_load_idx %arg13[%broadcast_in_dim3A_405, %add3A_601, %add3A_703] : memref<2x128x128xf32, #tpu.memory_space<vmem>>[vector<16xi32>, vector<16xi32>, vector<16xi32>], vector<16xf32>,
      %mul3A_705 = arith.mulf %gather3A_700, %gather3A_704 : vector<16xf32>
      %mul3A_706 = vector.broadcast %reduce_max3A_97 : f32 to vector<16xf32>
      %mul3A_707 = arith.mulf %mul3A_705, %mul3A_706 : vector<16xf32>
      %add3A_708 = arith.addf %add3A_696, %mul3A_707 : vector<16xf32>
      %add3A_709 = arith.constant 9 : i32
      %add3A_710 = vector.broadcast %add3A_709 : i32 to vector<16xi32>
      %add3A_711 = arith.addi %shift_left3A_588, %add3A_710 : vector<16xi32>
      %gather3A_712 = tpu.vector_load_idx %arg12[%broadcast_in_dim3A_405, %add3A_601, %add3A_711] : memref<2x128x128xf32, #tpu.memory_space<vmem>>[vector<16xi32>, vector<16xi32>, vector<16xi32>], vector<16xf32>,
      %add3A_713 = arith.constant 9 : i32
      %add3A_714 = vector.broadcast %add3A_713 : i32 to vector<16xi32>
      %add3A_715 = arith.addi %shift_left3A_597, %add3A_714 : vector<16xi32>
      %gather3A_716 = tpu.vector_load_idx %arg13[%broadcast_in_dim3A_405, %add3A_601, %add3A_715] : memref<2x128x128xf32, #tpu.memory_space<vmem>>[vector<16xi32>, vector<16xi32>, vector<16xi32>], vector<16xf32>,
      %mul3A_717 = arith.mulf %gather3A_712, %gather3A_716 : vector<16xf32>
      %mul3A_718 = vector.broadcast %reduce_max3A_107 : f32 to vector<16xf32>
      %mul3A_719 = arith.mulf %mul3A_717, %mul3A_718 : vector<16xf32>
      %add3A_720 = arith.addf %add3A_708, %mul3A_719 : vector<16xf32>
      %add3A_721 = arith.constant 10 : i32
      %add3A_722 = vector.broadcast %add3A_721 : i32 to vector<16xi32>
      %add3A_723 = arith.addi %shift_left3A_588, %add3A_722 : vector<16xi32>
      %gather3A_724 = tpu.vector_load_idx %arg12[%broadcast_in_dim3A_405, %add3A_601, %add3A_723] : memref<2x128x128xf32, #tpu.memory_space<vmem>>[vector<16xi32>, vector<16xi32>, vector<16xi32>], vector<16xf32>,
      %add3A_725 = arith.constant 10 : i32
      %add3A_726 = vector.broadcast %add3A_725 : i32 to vector<16xi32>
      %add3A_727 = arith.addi %shift_left3A_597, %add3A_726 : vector<16xi32>
      %gather3A_728 = tpu.vector_load_idx %arg13[%broadcast_in_dim3A_405, %add3A_601, %add3A_727] : memref<2x128x128xf32, #tpu.memory_space<vmem>>[vector<16xi32>, vector<16xi32>, vector<16xi32>], vector<16xf32>,
      %mul3A_729 = arith.mulf %gather3A_724, %gather3A_728 : vector<16xf32>
      %mul3A_730 = vector.broadcast %reduce_max3A_117 : f32 to vector<16xf32>
      %mul3A_731 = arith.mulf %mul3A_729, %mul3A_730 : vector<16xf32>
      %add3A_732 = arith.addf %add3A_720, %mul3A_731 : vector<16xf32>
      %add3A_733 = arith.constant 11 : i32
      %add3A_734 = vector.broadcast %add3A_733 : i32 to vector<16xi32>
      %add3A_735 = arith.addi %shift_left3A_588, %add3A_734 : vector<16xi32>
      %gather3A_736 = tpu.vector_load_idx %arg12[%broadcast_in_dim3A_405, %add3A_601, %add3A_735] : memref<2x128x128xf32, #tpu.memory_space<vmem>>[vector<16xi32>, vector<16xi32>, vector<16xi32>], vector<16xf32>,
      %add3A_737 = arith.constant 11 : i32
      %add3A_738 = vector.broadcast %add3A_737 : i32 to vector<16xi32>
      %add3A_739 = arith.addi %shift_left3A_597, %add3A_738 : vector<16xi32>
      %gather3A_740 = tpu.vector_load_idx %arg13[%broadcast_in_dim3A_405, %add3A_601, %add3A_739] : memref<2x128x128xf32, #tpu.memory_space<vmem>>[vector<16xi32>, vector<16xi32>, vector<16xi32>], vector<16xf32>,
      %mul3A_741 = arith.mulf %gather3A_736, %gather3A_740 : vector<16xf32>
      %mul3A_742 = vector.broadcast %reduce_max3A_127 : f32 to vector<16xf32>
      %mul3A_743 = arith.mulf %mul3A_741, %mul3A_742 : vector<16xf32>
      %add3A_744 = arith.addf %add3A_732, %mul3A_743 : vector<16xf32>
      %add3A_745 = arith.constant 12 : i32
      %add3A_746 = vector.broadcast %add3A_745 : i32 to vector<16xi32>
      %add3A_747 = arith.addi %shift_left3A_588, %add3A_746 : vector<16xi32>
      %gather3A_748 = tpu.vector_load_idx %arg12[%broadcast_in_dim3A_405, %add3A_601, %add3A_747] : memref<2x128x128xf32, #tpu.memory_space<vmem>>[vector<16xi32>, vector<16xi32>, vector<16xi32>], vector<16xf32>,
      %add3A_749 = arith.constant 12 : i32
      %add3A_750 = vector.broadcast %add3A_749 : i32 to vector<16xi32>
      %add3A_751 = arith.addi %shift_left3A_597, %add3A_750 : vector<16xi32>
      %gather3A_752 = tpu.vector_load_idx %arg13[%broadcast_in_dim3A_405, %add3A_601, %add3A_751] : memref<2x128x128xf32, #tpu.memory_space<vmem>>[vector<16xi32>, vector<16xi32>, vector<16xi32>], vector<16xf32>,
      %mul3A_753 = arith.mulf %gather3A_748, %gather3A_752 : vector<16xf32>
      %mul3A_754 = vector.broadcast %reduce_max3A_137 : f32 to vector<16xf32>
      %mul3A_755 = arith.mulf %mul3A_753, %mul3A_754 : vector<16xf32>
      %add3A_756 = arith.addf %add3A_744, %mul3A_755 : vector<16xf32>
      %add3A_757 = arith.constant 13 : i32
      %add3A_758 = vector.broadcast %add3A_757 : i32 to vector<16xi32>
      %add3A_759 = arith.addi %shift_left3A_588, %add3A_758 : vector<16xi32>
      %gather3A_760 = tpu.vector_load_idx %arg12[%broadcast_in_dim3A_405, %add3A_601, %add3A_759] : memref<2x128x128xf32, #tpu.memory_space<vmem>>[vector<16xi32>, vector<16xi32>, vector<16xi32>], vector<16xf32>,
      %add3A_761 = arith.constant 13 : i32
      %add3A_762 = vector.broadcast %add3A_761 : i32 to vector<16xi32>
      %add3A_763 = arith.addi %shift_left3A_597, %add3A_762 : vector<16xi32>
      %gather3A_764 = tpu.vector_load_idx %arg13[%broadcast_in_dim3A_405, %add3A_601, %add3A_763] : memref<2x128x128xf32, #tpu.memory_space<vmem>>[vector<16xi32>, vector<16xi32>, vector<16xi32>], vector<16xf32>,
      %mul3A_765 = arith.mulf %gather3A_760, %gather3A_764 : vector<16xf32>
      %mul3A_766 = vector.broadcast %reduce_max3A_147 : f32 to vector<16xf32>
      %mul3A_767 = arith.mulf %mul3A_765, %mul3A_766 : vector<16xf32>
      %add3A_768 = arith.addf %add3A_756, %mul3A_767 : vector<16xf32>
      %add3A_769 = arith.constant 14 : i32
      %add3A_770 = vector.broadcast %add3A_769 : i32 to vector<16xi32>
      %add3A_771 = arith.addi %shift_left3A_588, %add3A_770 : vector<16xi32>
      %gather3A_772 = tpu.vector_load_idx %arg12[%broadcast_in_dim3A_405, %add3A_601, %add3A_771] : memref<2x128x128xf32, #tpu.memory_space<vmem>>[vector<16xi32>, vector<16xi32>, vector<16xi32>], vector<16xf32>,
      %add3A_773 = arith.constant 14 : i32
      %add3A_774 = vector.broadcast %add3A_773 : i32 to vector<16xi32>
      %add3A_775 = arith.addi %shift_left3A_597, %add3A_774 : vector<16xi32>
      %gather3A_776 = tpu.vector_load_idx %arg13[%broadcast_in_dim3A_405, %add3A_601, %add3A_775] : memref<2x128x128xf32, #tpu.memory_space<vmem>>[vector<16xi32>, vector<16xi32>, vector<16xi32>], vector<16xf32>,
      %mul3A_777 = arith.mulf %gather3A_772, %gather3A_776 : vector<16xf32>
      %mul3A_778 = vector.broadcast %reduce_max3A_157 : f32 to vector<16xf32>
      %mul3A_779 = arith.mulf %mul3A_777, %mul3A_778 : vector<16xf32>
      %add3A_780 = arith.addf %add3A_768, %mul3A_779 : vector<16xf32>
      %add3A_781 = arith.constant 15 : i32
      %add3A_782 = vector.broadcast %add3A_781 : i32 to vector<16xi32>
      %add3A_783 = arith.addi %shift_left3A_588, %add3A_782 : vector<16xi32>
      %gather3A_784 = tpu.vector_load_idx %arg12[%broadcast_in_dim3A_405, %add3A_601, %add3A_783] : memref<2x128x128xf32, #tpu.memory_space<vmem>>[vector<16xi32>, vector<16xi32>, vector<16xi32>], vector<16xf32>,
      %add3A_785 = arith.constant 15 : i32
      %add3A_786 = vector.broadcast %add3A_785 : i32 to vector<16xi32>
      %add3A_787 = arith.addi %shift_left3A_597, %add3A_786 : vector<16xi32>
      %gather3A_788 = tpu.vector_load_idx %arg13[%broadcast_in_dim3A_405, %add3A_601, %add3A_787] : memref<2x128x128xf32, #tpu.memory_space<vmem>>[vector<16xi32>, vector<16xi32>, vector<16xi32>], vector<16xf32>,
      %mul3A_789 = arith.mulf %gather3A_784, %gather3A_788 : vector<16xf32>
      %mul3A_790 = vector.broadcast %reduce_max3A_167 : f32 to vector<16xf32>
      %mul3A_791 = arith.mulf %mul3A_789, %mul3A_790 : vector<16xf32>
      %add3A_792 = arith.addf %add3A_780, %mul3A_791 : vector<16xf32>
      %add3A_793 = arith.constant 16 : i32
      %add3A_794 = vector.broadcast %add3A_793 : i32 to vector<16xi32>
      %add3A_795 = arith.addi %shift_left3A_588, %add3A_794 : vector<16xi32>
      %gather3A_796 = tpu.vector_load_idx %arg12[%broadcast_in_dim3A_405, %add3A_601, %add3A_795] : memref<2x128x128xf32, #tpu.memory_space<vmem>>[vector<16xi32>, vector<16xi32>, vector<16xi32>], vector<16xf32>,
      %add3A_797 = arith.constant 16 : i32
      %add3A_798 = vector.broadcast %add3A_797 : i32 to vector<16xi32>
      %add3A_799 = arith.addi %shift_left3A_597, %add3A_798 : vector<16xi32>
      %gather3A_800 = tpu.vector_load_idx %arg13[%broadcast_in_dim3A_405, %add3A_601, %add3A_799] : memref<2x128x128xf32, #tpu.memory_space<vmem>>[vector<16xi32>, vector<16xi32>, vector<16xi32>], vector<16xf32>,
      %mul3A_801 = arith.mulf %gather3A_796, %gather3A_800 : vector<16xf32>
      %mul3A_802 = vector.broadcast %reduce_max3A_177 : f32 to vector<16xf32>
      %mul3A_803 = arith.mulf %mul3A_801, %mul3A_802 : vector<16xf32>
      %add3A_804 = arith.addf %add3A_792, %mul3A_803 : vector<16xf32>
      %add3A_805 = arith.constant 17 : i32
      %add3A_806 = vector.broadcast %add3A_805 : i32 to vector<16xi32>
      %add3A_807 = arith.addi %shift_left3A_588, %add3A_806 : vector<16xi32>
      %gather3A_808 = tpu.vector_load_idx %arg12[%broadcast_in_dim3A_405, %add3A_601, %add3A_807] : memref<2x128x128xf32, #tpu.memory_space<vmem>>[vector<16xi32>, vector<16xi32>, vector<16xi32>], vector<16xf32>,
      %add3A_809 = arith.constant 17 : i32
      %add3A_810 = vector.broadcast %add3A_809 : i32 to vector<16xi32>
      %add3A_811 = arith.addi %shift_left3A_597, %add3A_810 : vector<16xi32>
      %gather3A_812 = tpu.vector_load_idx %arg13[%broadcast_in_dim3A_405, %add3A_601, %add3A_811] : memref<2x128x128xf32, #tpu.memory_space<vmem>>[vector<16xi32>, vector<16xi32>, vector<16xi32>], vector<16xf32>,
      %mul3A_813 = arith.mulf %gather3A_808, %gather3A_812 : vector<16xf32>
      %mul3A_814 = vector.broadcast %reduce_max3A_187 : f32 to vector<16xf32>
      %mul3A_815 = arith.mulf %mul3A_813, %mul3A_814 : vector<16xf32>
      %add3A_816 = arith.addf %add3A_804, %mul3A_815 : vector<16xf32>
      %add3A_817 = arith.constant 18 : i32
      %add3A_818 = vector.broadcast %add3A_817 : i32 to vector<16xi32>
      %add3A_819 = arith.addi %shift_left3A_588, %add3A_818 : vector<16xi32>
      %gather3A_820 = tpu.vector_load_idx %arg12[%broadcast_in_dim3A_405, %add3A_601, %add3A_819] : memref<2x128x128xf32, #tpu.memory_space<vmem>>[vector<16xi32>, vector<16xi32>, vector<16xi32>], vector<16xf32>,
      %add3A_821 = arith.constant 18 : i32
      %add3A_822 = vector.broadcast %add3A_821 : i32 to vector<16xi32>
      %add3A_823 = arith.addi %shift_left3A_597, %add3A_822 : vector<16xi32>
      %gather3A_824 = tpu.vector_load_idx %arg13[%broadcast_in_dim3A_405, %add3A_601, %add3A_823] : memref<2x128x128xf32, #tpu.memory_space<vmem>>[vector<16xi32>, vector<16xi32>, vector<16xi32>], vector<16xf32>,
      %mul3A_825 = arith.mulf %gather3A_820, %gather3A_824 : vector<16xf32>
      %mul3A_826 = vector.broadcast %reduce_max3A_197 : f32 to vector<16xf32>
      %mul3A_827 = arith.mulf %mul3A_825, %mul3A_826 : vector<16xf32>
      %add3A_828 = arith.addf %add3A_816, %mul3A_827 : vector<16xf32>
      %add3A_829 = arith.constant 19 : i32
      %add3A_830 = vector.broadcast %add3A_829 : i32 to vector<16xi32>
      %add3A_831 = arith.addi %shift_left3A_588, %add3A_830 : vector<16xi32>
      %gather3A_832 = tpu.vector_load_idx %arg12[%broadcast_in_dim3A_405, %add3A_601, %add3A_831] : memref<2x128x128xf32, #tpu.memory_space<vmem>>[vector<16xi32>, vector<16xi32>, vector<16xi32>], vector<16xf32>,
      %add3A_833 = arith.constant 19 : i32
      %add3A_834 = vector.broadcast %add3A_833 : i32 to vector<16xi32>
      %add3A_835 = arith.addi %shift_left3A_597, %add3A_834 : vector<16xi32>
      %gather3A_836 = tpu.vector_load_idx %arg13[%broadcast_in_dim3A_405, %add3A_601, %add3A_835] : memref<2x128x128xf32, #tpu.memory_space<vmem>>[vector<16xi32>, vector<16xi32>, vector<16xi32>], vector<16xf32>,
      %mul3A_837 = arith.mulf %gather3A_832, %gather3A_836 : vector<16xf32>
      %mul3A_838 = vector.broadcast %reduce_max3A_207 : f32 to vector<16xf32>
      %mul3A_839 = arith.mulf %mul3A_837, %mul3A_838 : vector<16xf32>
      %add3A_840 = arith.addf %add3A_828, %mul3A_839 : vector<16xf32>
      %add3A_841 = arith.constant 20 : i32
      %add3A_842 = vector.broadcast %add3A_841 : i32 to vector<16xi32>
      %add3A_843 = arith.addi %shift_left3A_588, %add3A_842 : vector<16xi32>
      %gather3A_844 = tpu.vector_load_idx %arg12[%broadcast_in_dim3A_405, %add3A_601, %add3A_843] : memref<2x128x128xf32, #tpu.memory_space<vmem>>[vector<16xi32>, vector<16xi32>, vector<16xi32>], vector<16xf32>,
      %add3A_845 = arith.constant 20 : i32
      %add3A_846 = vector.broadcast %add3A_845 : i32 to vector<16xi32>
      %add3A_847 = arith.addi %shift_left3A_597, %add3A_846 : vector<16xi32>
      %gather3A_848 = tpu.vector_load_idx %arg13[%broadcast_in_dim3A_405, %add3A_601, %add3A_847] : memref<2x128x128xf32, #tpu.memory_space<vmem>>[vector<16xi32>, vector<16xi32>, vector<16xi32>], vector<16xf32>,
      %mul3A_849 = arith.mulf %gather3A_844, %gather3A_848 : vector<16xf32>
      %mul3A_850 = vector.broadcast %reduce_max3A_217 : f32 to vector<16xf32>
      %mul3A_851 = arith.mulf %mul3A_849, %mul3A_850 : vector<16xf32>
      %add3A_852 = arith.addf %add3A_840, %mul3A_851 : vector<16xf32>
      %add3A_853 = arith.constant 21 : i32
      %add3A_854 = vector.broadcast %add3A_853 : i32 to vector<16xi32>
      %add3A_855 = arith.addi %shift_left3A_588, %add3A_854 : vector<16xi32>
      %gather3A_856 = tpu.vector_load_idx %arg12[%broadcast_in_dim3A_405, %add3A_601, %add3A_855] : memref<2x128x128xf32, #tpu.memory_space<vmem>>[vector<16xi32>, vector<16xi32>, vector<16xi32>], vector<16xf32>,
      %add3A_857 = arith.constant 21 : i32
      %add3A_858 = vector.broadcast %add3A_857 : i32 to vector<16xi32>
      %add3A_859 = arith.addi %shift_left3A_597, %add3A_858 : vector<16xi32>
      %gather3A_860 = tpu.vector_load_idx %arg13[%broadcast_in_dim3A_405, %add3A_601, %add3A_859] : memref<2x128x128xf32, #tpu.memory_space<vmem>>[vector<16xi32>, vector<16xi32>, vector<16xi32>], vector<16xf32>,
      %mul3A_861 = arith.mulf %gather3A_856, %gather3A_860 : vector<16xf32>
      %mul3A_862 = vector.broadcast %reduce_max3A_227 : f32 to vector<16xf32>
      %mul3A_863 = arith.mulf %mul3A_861, %mul3A_862 : vector<16xf32>
      %add3A_864 = arith.addf %add3A_852, %mul3A_863 : vector<16xf32>
      %add3A_865 = arith.constant 22 : i32
      %add3A_866 = vector.broadcast %add3A_865 : i32 to vector<16xi32>
      %add3A_867 = arith.addi %shift_left3A_588, %add3A_866 : vector<16xi32>
      %gather3A_868 = tpu.vector_load_idx %arg12[%broadcast_in_dim3A_405, %add3A_601, %add3A_867] : memref<2x128x128xf32, #tpu.memory_space<vmem>>[vector<16xi32>, vector<16xi32>, vector<16xi32>], vector<16xf32>,
      %add3A_869 = arith.constant 22 : i32
      %add3A_870 = vector.broadcast %add3A_869 : i32 to vector<16xi32>
      %add3A_871 = arith.addi %shift_left3A_597, %add3A_870 : vector<16xi32>
      %gather3A_872 = tpu.vector_load_idx %arg13[%broadcast_in_dim3A_405, %add3A_601, %add3A_871] : memref<2x128x128xf32, #tpu.memory_space<vmem>>[vector<16xi32>, vector<16xi32>, vector<16xi32>], vector<16xf32>,
      %mul3A_873 = arith.mulf %gather3A_868, %gather3A_872 : vector<16xf32>
      %mul3A_874 = vector.broadcast %reduce_max3A_237 : f32 to vector<16xf32>
      %mul3A_875 = arith.mulf %mul3A_873, %mul3A_874 : vector<16xf32>
      %add3A_876 = arith.addf %add3A_864, %mul3A_875 : vector<16xf32>
      %add3A_877 = arith.constant 23 : i32
      %add3A_878 = vector.broadcast %add3A_877 : i32 to vector<16xi32>
      %add3A_879 = arith.addi %shift_left3A_588, %add3A_878 : vector<16xi32>
      %gather3A_880 = tpu.vector_load_idx %arg12[%broadcast_in_dim3A_405, %add3A_601, %add3A_879] : memref<2x128x128xf32, #tpu.memory_space<vmem>>[vector<16xi32>, vector<16xi32>, vector<16xi32>], vector<16xf32>,
      %add3A_881 = arith.constant 23 : i32
      %add3A_882 = vector.broadcast %add3A_881 : i32 to vector<16xi32>
      %add3A_883 = arith.addi %shift_left3A_597, %add3A_882 : vector<16xi32>
      %gather3A_884 = tpu.vector_load_idx %arg13[%broadcast_in_dim3A_405, %add3A_601, %add3A_883] : memref<2x128x128xf32, #tpu.memory_space<vmem>>[vector<16xi32>, vector<16xi32>, vector<16xi32>], vector<16xf32>,
      %mul3A_885 = arith.mulf %gather3A_880, %gather3A_884 : vector<16xf32>
      %mul3A_886 = vector.broadcast %reduce_max3A_247 : f32 to vector<16xf32>
      %mul3A_887 = arith.mulf %mul3A_885, %mul3A_886 : vector<16xf32>
      %add3A_888 = arith.addf %add3A_876, %mul3A_887 : vector<16xf32>
      %add3A_889 = arith.constant 24 : i32
      %add3A_890 = vector.broadcast %add3A_889 : i32 to vector<16xi32>
      %add3A_891 = arith.addi %shift_left3A_588, %add3A_890 : vector<16xi32>
      %gather3A_892 = tpu.vector_load_idx %arg12[%broadcast_in_dim3A_405, %add3A_601, %add3A_891] : memref<2x128x128xf32, #tpu.memory_space<vmem>>[vector<16xi32>, vector<16xi32>, vector<16xi32>], vector<16xf32>,
      %add3A_893 = arith.constant 24 : i32
      %add3A_894 = vector.broadcast %add3A_893 : i32 to vector<16xi32>
      %add3A_895 = arith.addi %shift_left3A_597, %add3A_894 : vector<16xi32>
      %gather3A_896 = tpu.vector_load_idx %arg13[%broadcast_in_dim3A_405, %add3A_601, %add3A_895] : memref<2x128x128xf32, #tpu.memory_space<vmem>>[vector<16xi32>, vector<16xi32>, vector<16xi32>], vector<16xf32>,
      %mul3A_897 = arith.mulf %gather3A_892, %gather3A_896 : vector<16xf32>
      %mul3A_898 = vector.broadcast %reduce_max3A_257 : f32 to vector<16xf32>
      %mul3A_899 = arith.mulf %mul3A_897, %mul3A_898 : vector<16xf32>
      %add3A_900 = arith.addf %add3A_888, %mul3A_899 : vector<16xf32>
      %add3A_901 = arith.constant 25 : i32
      %add3A_902 = vector.broadcast %add3A_901 : i32 to vector<16xi32>
      %add3A_903 = arith.addi %shift_left3A_588, %add3A_902 : vector<16xi32>
      %gather3A_904 = tpu.vector_load_idx %arg12[%broadcast_in_dim3A_405, %add3A_601, %add3A_903] : memref<2x128x128xf32, #tpu.memory_space<vmem>>[vector<16xi32>, vector<16xi32>, vector<16xi32>], vector<16xf32>,
      %add3A_905 = arith.constant 25 : i32
      %add3A_906 = vector.broadcast %add3A_905 : i32 to vector<16xi32>
      %add3A_907 = arith.addi %shift_left3A_597, %add3A_906 : vector<16xi32>
      %gather3A_908 = tpu.vector_load_idx %arg13[%broadcast_in_dim3A_405, %add3A_601, %add3A_907] : memref<2x128x128xf32, #tpu.memory_space<vmem>>[vector<16xi32>, vector<16xi32>, vector<16xi32>], vector<16xf32>,
      %mul3A_909 = arith.mulf %gather3A_904, %gather3A_908 : vector<16xf32>
      %mul3A_910 = vector.broadcast %reduce_max3A_267 : f32 to vector<16xf32>
      %mul3A_911 = arith.mulf %mul3A_909, %mul3A_910 : vector<16xf32>
      %add3A_912 = arith.addf %add3A_900, %mul3A_911 : vector<16xf32>
      %add3A_913 = arith.constant 26 : i32
      %add3A_914 = vector.broadcast %add3A_913 : i32 to vector<16xi32>
      %add3A_915 = arith.addi %shift_left3A_588, %add3A_914 : vector<16xi32>
      %gather3A_916 = tpu.vector_load_idx %arg12[%broadcast_in_dim3A_405, %add3A_601, %add3A_915] : memref<2x128x128xf32, #tpu.memory_space<vmem>>[vector<16xi32>, vector<16xi32>, vector<16xi32>], vector<16xf32>,
      %add3A_917 = arith.constant 26 : i32
      %add3A_918 = vector.broadcast %add3A_917 : i32 to vector<16xi32>
      %add3A_919 = arith.addi %shift_left3A_597, %add3A_918 : vector<16xi32>
      %gather3A_920 = tpu.vector_load_idx %arg13[%broadcast_in_dim3A_405, %add3A_601, %add3A_919] : memref<2x128x128xf32, #tpu.memory_space<vmem>>[vector<16xi32>, vector<16xi32>, vector<16xi32>], vector<16xf32>,
      %mul3A_921 = arith.mulf %gather3A_916, %gather3A_920 : vector<16xf32>
      %mul3A_922 = vector.broadcast %reduce_max3A_277 : f32 to vector<16xf32>
      %mul3A_923 = arith.mulf %mul3A_921, %mul3A_922 : vector<16xf32>
      %add3A_924 = arith.addf %add3A_912, %mul3A_923 : vector<16xf32>
      %add3A_925 = arith.constant 27 : i32
      %add3A_926 = vector.broadcast %add3A_925 : i32 to vector<16xi32>
      %add3A_927 = arith.addi %shift_left3A_588, %add3A_926 : vector<16xi32>
      %gather3A_928 = tpu.vector_load_idx %arg12[%broadcast_in_dim3A_405, %add3A_601, %add3A_927] : memref<2x128x128xf32, #tpu.memory_space<vmem>>[vector<16xi32>, vector<16xi32>, vector<16xi32>], vector<16xf32>,
      %add3A_929 = arith.constant 27 : i32
      %add3A_930 = vector.broadcast %add3A_929 : i32 to vector<16xi32>
      %add3A_931 = arith.addi %shift_left3A_597, %add3A_930 : vector<16xi32>
      %gather3A_932 = tpu.vector_load_idx %arg13[%broadcast_in_dim3A_405, %add3A_601, %add3A_931] : memref<2x128x128xf32, #tpu.memory_space<vmem>>[vector<16xi32>, vector<16xi32>, vector<16xi32>], vector<16xf32>,
      %mul3A_933 = arith.mulf %gather3A_928, %gather3A_932 : vector<16xf32>
      %mul3A_934 = vector.broadcast %reduce_max3A_287 : f32 to vector<16xf32>
      %mul3A_935 = arith.mulf %mul3A_933, %mul3A_934 : vector<16xf32>
      %add3A_936 = arith.addf %add3A_924, %mul3A_935 : vector<16xf32>
      %add3A_937 = arith.constant 28 : i32
      %add3A_938 = vector.broadcast %add3A_937 : i32 to vector<16xi32>
      %add3A_939 = arith.addi %shift_left3A_588, %add3A_938 : vector<16xi32>
      %gather3A_940 = tpu.vector_load_idx %arg12[%broadcast_in_dim3A_405, %add3A_601, %add3A_939] : memref<2x128x128xf32, #tpu.memory_space<vmem>>[vector<16xi32>, vector<16xi32>, vector<16xi32>], vector<16xf32>,
      %add3A_941 = arith.constant 28 : i32
      %add3A_942 = vector.broadcast %add3A_941 : i32 to vector<16xi32>
      %add3A_943 = arith.addi %shift_left3A_597, %add3A_942 : vector<16xi32>
      %gather3A_944 = tpu.vector_load_idx %arg13[%broadcast_in_dim3A_405, %add3A_601, %add3A_943] : memref<2x128x128xf32, #tpu.memory_space<vmem>>[vector<16xi32>, vector<16xi32>, vector<16xi32>], vector<16xf32>,
      %mul3A_945 = arith.mulf %gather3A_940, %gather3A_944 : vector<16xf32>
      %mul3A_946 = vector.broadcast %reduce_max3A_297 : f32 to vector<16xf32>
      %mul3A_947 = arith.mulf %mul3A_945, %mul3A_946 : vector<16xf32>
      %add3A_948 = arith.addf %add3A_936, %mul3A_947 : vector<16xf32>
      %add3A_949 = arith.constant 29 : i32
      %add3A_950 = vector.broadcast %add3A_949 : i32 to vector<16xi32>
      %add3A_951 = arith.addi %shift_left3A_588, %add3A_950 : vector<16xi32>
      %gather3A_952 = tpu.vector_load_idx %arg12[%broadcast_in_dim3A_405, %add3A_601, %add3A_951] : memref<2x128x128xf32, #tpu.memory_space<vmem>>[vector<16xi32>, vector<16xi32>, vector<16xi32>], vector<16xf32>,
      %add3A_953 = arith.constant 29 : i32
      %add3A_954 = vector.broadcast %add3A_953 : i32 to vector<16xi32>
      %add3A_955 = arith.addi %shift_left3A_597, %add3A_954 : vector<16xi32>
      %gather3A_956 = tpu.vector_load_idx %arg13[%broadcast_in_dim3A_405, %add3A_601, %add3A_955] : memref<2x128x128xf32, #tpu.memory_space<vmem>>[vector<16xi32>, vector<16xi32>, vector<16xi32>], vector<16xf32>,
      %mul3A_957 = arith.mulf %gather3A_952, %gather3A_956 : vector<16xf32>
      %mul3A_958 = vector.broadcast %reduce_max3A_307 : f32 to vector<16xf32>
      %mul3A_959 = arith.mulf %mul3A_957, %mul3A_958 : vector<16xf32>
      %add3A_960 = arith.addf %add3A_948, %mul3A_959 : vector<16xf32>
      %add3A_961 = arith.constant 30 : i32
      %add3A_962 = vector.broadcast %add3A_961 : i32 to vector<16xi32>
      %add3A_963 = arith.addi %shift_left3A_588, %add3A_962 : vector<16xi32>
      %gather3A_964 = tpu.vector_load_idx %arg12[%broadcast_in_dim3A_405, %add3A_601, %add3A_963] : memref<2x128x128xf32, #tpu.memory_space<vmem>>[vector<16xi32>, vector<16xi32>, vector<16xi32>], vector<16xf32>,
      %add3A_965 = arith.constant 30 : i32
      %add3A_966 = vector.broadcast %add3A_965 : i32 to vector<16xi32>
      %add3A_967 = arith.addi %shift_left3A_597, %add3A_966 : vector<16xi32>
      %gather3A_968 = tpu.vector_load_idx %arg13[%broadcast_in_dim3A_405, %add3A_601, %add3A_967] : memref<2x128x128xf32, #tpu.memory_space<vmem>>[vector<16xi32>, vector<16xi32>, vector<16xi32>], vector<16xf32>,
      %mul3A_969 = arith.mulf %gather3A_964, %gather3A_968 : vector<16xf32>
      %mul3A_970 = vector.broadcast %reduce_max3A_317 : f32 to vector<16xf32>
      %mul3A_971 = arith.mulf %mul3A_969, %mul3A_970 : vector<16xf32>
      %add3A_972 = arith.addf %add3A_960, %mul3A_971 : vector<16xf32>
      %add3A_973 = arith.constant 31 : i32
      %add3A_974 = vector.broadcast %add3A_973 : i32 to vector<16xi32>
      %add3A_975 = arith.addi %shift_left3A_588, %add3A_974 : vector<16xi32>
      %gather3A_976 = tpu.vector_load_idx %arg12[%broadcast_in_dim3A_405, %add3A_601, %add3A_975] : memref<2x128x128xf32, #tpu.memory_space<vmem>>[vector<16xi32>, vector<16xi32>, vector<16xi32>], vector<16xf32>,
      %add3A_977 = arith.constant 31 : i32
      %add3A_978 = vector.broadcast %add3A_977 : i32 to vector<16xi32>
      %add3A_979 = arith.addi %shift_left3A_597, %add3A_978 : vector<16xi32>
      %gather3A_980 = tpu.vector_load_idx %arg13[%broadcast_in_dim3A_405, %add3A_601, %add3A_979] : memref<2x128x128xf32, #tpu.memory_space<vmem>>[vector<16xi32>, vector<16xi32>, vector<16xi32>], vector<16xf32>,
      %mul3A_981 = arith.mulf %gather3A_976, %gather3A_980 : vector<16xf32>
      %mul3A_982 = vector.broadcast %reduce_max3A_327 : f32 to vector<16xf32>
      %mul3A_983 = arith.mulf %mul3A_981, %mul3A_982 : vector<16xf32>
      %add3A_984 = arith.addf %add3A_972, %mul3A_983 : vector<16xf32>
      %neg3A = arith.constant 0.000000e+00 : f32
      %neg3A_985 = vector.broadcast %neg3A : f32 to vector<16xf32>
      %neg3A_986 = arith.subf %neg3A_985, %add3A_984 : vector<16xf32>
      %exp3A = math.exp %neg3A_986 : vector<16xf32>
      %add3A_987 = arith.constant 1.000000e+00 : f32
      %add3A_988 = vector.broadcast %add3A_987 : f32 to vector<16xf32>
      %add3A_989 = arith.addf %add3A_988, %exp3A : vector<16xf32>
      %div3A = arith.constant 1.000000e+00 : f32
      %div3A_990 = vector.broadcast %div3A : f32 to vector<16xf32>
      %div3A_991 = arith.divf %div3A_990, %add3A_989 : vector<16xf32>
      %swap3A = arith.index_cast %add3A_578 : i32 to index
      %swap3A_992 = tpu.vector_load %arg14[%swap3A] {strides = array<i32>} : memref<512xf32, #tpu.memory_space<vmem>>, vector<16xf32>,
      tpu.vector_store %arg14[%swap3A], %div3A_991 {strides = array<i32>} : memref<512xf32, #tpu.memory_space<vmem>>, vector<16xf32>,
    }
    %scan3A_411 = arith.constant 8 : i32
    %dma_start3A_412 = arith.constant 2 : i32
    %dma_start3A_413 = arith.constant 0 : i32
    %dma_start3A_414 = arith.constant 0 : i32
    %dma_start3A_415 = arith.constant 0 : i32
    %dma_start3A_416 = tpu.memref_slice %arg12[%dma_start3A_413, %dma_start3A_414, %dma_start3A_415] : memref<2x128x128xf32, #tpu.memory_space<vmem>> -> memref<1x128x128xf32, #tpu.memory_space<vmem>>
    %dma_start3A_417 = tpu.memref_squeeze %dma_start3A_416 : memref<1x128x128xf32, #tpu.memory_space<vmem>> -> memref<128x128xf32, #tpu.memory_space<vmem>>
    %dma_start3A_418 = arith.constant 0 : i32
    %dma_start3A_419 = tpu.memref_slice %arg10[%dma_start3A_412, %dma_start3A_418] : memref<4x128xi32, #tpu.memory_space<vmem>> -> memref<1x128xi32, #tpu.memory_space<vmem>>
    %dma_start3A_420 = tpu.memref_squeeze %dma_start3A_419 : memref<1x128xi32, #tpu.memory_space<vmem>> -> memref<128xi32, #tpu.memory_space<vmem>>
    %dma_start3A_421 = arith.constant 0 : i32
    %dma_start3A_422 = arith.constant 0 : i32
    %dma_start3A_423 = tpu.memref_slice %arg4[%dma_start3A_421, %dma_start3A_422] : memref<250112x128xf32, #tpu.memory_space<hbm>> -> memref<250112x128xf32, #tpu.memory_space<hbm>>
    tpu.enqueue_indirect_dma source(%dma_start3A_423 : memref<250112x128xf32, #tpu.memory_space<hbm>>) target(%dma_start3A_417 : memref<128x128xf32, #tpu.memory_space<vmem>>) offsets(%dma_start3A_420 : memref<128xi32, #tpu.memory_space<vmem>>) semaphore(%arg16 : memref<!tpu.dma_semaphore, #tpu.memory_space<semaphore_mem>>)
    %dma_start3A_424 = arith.constant 2 : i32
    %dma_start3A_425 = arith.constant 0 : i32
    %dma_start3A_426 = arith.constant 0 : i32
    %dma_start3A_427 = arith.constant 0 : i32
    %dma_start3A_428 = tpu.memref_slice %arg13[%dma_start3A_425, %dma_start3A_426, %dma_start3A_427] : memref<2x128x128xf32, #tpu.memory_space<vmem>> -> memref<1x128x128xf32, #tpu.memory_space<vmem>>
    %dma_start3A_429 = tpu.memref_squeeze %dma_start3A_428 : memref<1x128x128xf32, #tpu.memory_space<vmem>> -> memref<128x128xf32, #tpu.memory_space<vmem>>
    %dma_start3A_430 = arith.constant 0 : i32
    %dma_start3A_431 = tpu.memref_slice %arg11[%dma_start3A_424, %dma_start3A_430] : memref<4x128xi32, #tpu.memory_space<vmem>> -> memref<1x128xi32, #tpu.memory_space<vmem>>
    %dma_start3A_432 = tpu.memref_squeeze %dma_start3A_431 : memref<1x128xi32, #tpu.memory_space<vmem>> -> memref<128xi32, #tpu.memory_space<vmem>>
    %dma_start3A_433 = arith.constant 0 : i32
    %dma_start3A_434 = arith.constant 0 : i32
    %dma_start3A_435 = tpu.memref_slice %arg5[%dma_start3A_433, %dma_start3A_434] : memref<250112x128xf32, #tpu.memory_space<hbm>> -> memref<250112x128xf32, #tpu.memory_space<hbm>>
    tpu.enqueue_indirect_dma source(%dma_start3A_435 : memref<250112x128xf32, #tpu.memory_space<hbm>>) target(%dma_start3A_429 : memref<128x128xf32, #tpu.memory_space<vmem>>) offsets(%dma_start3A_432 : memref<128xi32, #tpu.memory_space<vmem>>) semaphore(%arg16 : memref<!tpu.dma_semaphore, #tpu.memory_space<semaphore_mem>>)
    %dma_wait3A_436 = arith.constant 1 : i32
    %dma_wait3A_437 = arith.constant 0 : i32
    %dma_wait3A_438 = arith.constant 0 : i32
    %dma_wait3A_439 = tpu.memref_slice %arg12[%dma_wait3A_436, %dma_wait3A_437, %dma_wait3A_438] : memref<2x128x128xf32, #tpu.memory_space<vmem>> -> memref<1x128x128xf32, #tpu.memory_space<vmem>>
    %dma_wait3A_440 = tpu.memref_squeeze %dma_wait3A_439 : memref<1x128x128xf32, #tpu.memory_space<vmem>> -> memref<128x128xf32, #tpu.memory_space<vmem>>
    %dma_wait3A_441 = arith.constant 0 : i32
    %dma_wait3A_442 = arith.constant 0 : i32
    %dma_wait3A_443 = tpu.memref_slice %arg4[%dma_wait3A_441, %dma_wait3A_442] : memref<250112x128xf32, #tpu.memory_space<hbm>> -> memref<128x128xf32, #tpu.memory_space<hbm>>
    %dma_wait3A_444 = arith.constant 0 : i32
    %dma_wait3A_445 = arith.constant 0 : i32
    %dma_wait3A_446 = tpu.memref_slice %arg12[%dma_wait3A_436, %dma_wait3A_444, %dma_wait3A_445] : memref<2x128x128xf32, #tpu.memory_space<vmem>> -> memref<1x128x128xf32, #tpu.memory_space<vmem>>
    %dma_wait3A_447 = tpu.memref_squeeze %dma_wait3A_446 : memref<1x128x128xf32, #tpu.memory_space<vmem>> -> memref<128x128xf32, #tpu.memory_space<vmem>>
    %dma_wait3A_448 = arith.constant 0 : i32
    %dma_wait3A_449 = arith.constant 0 : i32
    %dma_wait3A_450 = tpu.memref_slice %arg4[%dma_wait3A_448, %dma_wait3A_449] : memref<250112x128xf32, #tpu.memory_space<hbm>> -> memref<128x128xf32, #tpu.memory_space<hbm>>
    tpu.wait_dma2 semaphore(%arg17 : memref<!tpu.dma_semaphore, #tpu.memory_space<semaphore_mem>>) src(%dma_wait3A_450 : memref<128x128xf32, #tpu.memory_space<hbm>>) dst(%dma_wait3A_447 : memref<128x128xf32, #tpu.memory_space<vmem>>)
    %dma_wait3A_451 = arith.constant 1 : i32
    %dma_wait3A_452 = arith.constant 0 : i32
    %dma_wait3A_453 = arith.constant 0 : i32
    %dma_wait3A_454 = tpu.memref_slice %arg13[%dma_wait3A_451, %dma_wait3A_452, %dma_wait3A_453] : memref<2x128x128xf32, #tpu.memory_space<vmem>> -> memref<1x128x128xf32, #tpu.memory_space<vmem>>
    %dma_wait3A_455 = tpu.memref_squeeze %dma_wait3A_454 : memref<1x128x128xf32, #tpu.memory_space<vmem>> -> memref<128x128xf32, #tpu.memory_space<vmem>>
    %dma_wait3A_456 = arith.constant 0 : i32
    %dma_wait3A_457 = arith.constant 0 : i32
    %dma_wait3A_458 = tpu.memref_slice %arg5[%dma_wait3A_456, %dma_wait3A_457] : memref<250112x128xf32, #tpu.memory_space<hbm>> -> memref<128x128xf32, #tpu.memory_space<hbm>>
    %dma_wait3A_459 = arith.constant 0 : i32
    %dma_wait3A_460 = arith.constant 0 : i32
    %dma_wait3A_461 = tpu.memref_slice %arg13[%dma_wait3A_451, %dma_wait3A_459, %dma_wait3A_460] : memref<2x128x128xf32, #tpu.memory_space<vmem>> -> memref<1x128x128xf32, #tpu.memory_space<vmem>>
    %dma_wait3A_462 = tpu.memref_squeeze %dma_wait3A_461 : memref<1x128x128xf32, #tpu.memory_space<vmem>> -> memref<128x128xf32, #tpu.memory_space<vmem>>
    %dma_wait3A_463 = arith.constant 0 : i32
    %dma_wait3A_464 = arith.constant 0 : i32
    %dma_wait3A_465 = tpu.memref_slice %arg5[%dma_wait3A_463, %dma_wait3A_464] : memref<250112x128xf32, #tpu.memory_space<hbm>> -> memref<128x128xf32, #tpu.memory_space<hbm>>
    tpu.wait_dma2 semaphore(%arg17 : memref<!tpu.dma_semaphore, #tpu.memory_space<semaphore_mem>>) src(%dma_wait3A_465 : memref<128x128xf32, #tpu.memory_space<hbm>>) dst(%dma_wait3A_462 : memref<128x128xf32, #tpu.memory_space<vmem>>)
    %broadcast_in_dim3A_466 = arith.constant 1 : i32
    %broadcast_in_dim3A_467 = vector.broadcast %broadcast_in_dim3A_466 : i32 to vector<16xi32>
    %scan3A_468 = arith.constant 0 : i32
    %scan3A_469 = arith.constant 0 : i32
    %scan3A_470 = arith.constant 8 : i32
    %scan3A_471 = arith.addi %scan3A_469, %scan3A_470 : i32
    %scan3A_472 = arith.constant 1 : i32
    scf.for %scan3A_574 = %scan3A_469 to %scan3A_471 step %scan3A_472  : i32 {
      %mul3A_575 = arith.constant 16 : i32
      %mul3A_576 = arith.muli %scan3A_574, %mul3A_575 : i32
      %add3A_577 = arith.constant 128 : i32
      %add3A_578 = arith.addi %add3A_577, %mul3A_576 : i32
      %get3A_579 = arith.index_cast %add3A_578 : i32 to index
      %get3A_580 = tpu.vector_load %arg8[%get3A_579] {strides = array<i32>} : memref<512xi32, #tpu.memory_space<vmem>>, vector<16xi32>,
      %get3A_581 = arith.index_cast %add3A_578 : i32 to index
      %get3A_582 = tpu.vector_load %arg9[%get3A_581] {strides = array<i32>} : memref<512xi32, #tpu.memory_space<vmem>>, vector<16xi32>,
      %shift_right_arithmetic3A = arith.constant 7 : i32
      %shift_right_arithmetic3A_583 = vector.broadcast %shift_right_arithmetic3A : i32 to vector<16xi32>
      %shift_right_arithmetic3A_584 = arith.shrsi %get3A_580, %shift_right_arithmetic3A_583 : vector<16xi32>
      %and3A = arith.constant 3 : i32
      %and3A_585 = vector.broadcast %and3A : i32 to vector<16xi32>
      %and3A_586 = arith.andi %shift_right_arithmetic3A_584, %and3A_585 : vector<16xi32>
      %shift_left3A = arith.constant 5 : i32
      %shift_left3A_587 = vector.broadcast %shift_left3A : i32 to vector<16xi32>
      %shift_left3A_588 = arith.shli %and3A_586, %shift_left3A_587 : vector<16xi32>
      %shift_right_arithmetic3A_589 = arith.constant 7 : i32
      %shift_right_arithmetic3A_590 = vector.broadcast %shift_right_arithmetic3A_589 : i32 to vector<16xi32>
      %shift_right_arithmetic3A_591 = arith.shrsi %get3A_582, %shift_right_arithmetic3A_590 : vector<16xi32>
      %and3A_592 = arith.constant 3 : i32
      %and3A_593 = vector.broadcast %and3A_592 : i32 to vector<16xi32>
      %and3A_594 = arith.andi %shift_right_arithmetic3A_591, %and3A_593 : vector<16xi32>
      %shift_left3A_595 = arith.constant 5 : i32
      %shift_left3A_596 = vector.broadcast %shift_left3A_595 : i32 to vector<16xi32>
      %shift_left3A_597 = arith.shli %and3A_594, %shift_left3A_596 : vector<16xi32>
      %mul3A_598 = arith.constant 16 : i32
      %mul3A_599 = arith.muli %scan3A_574, %mul3A_598 : i32
      %add3A_600 = vector.broadcast %mul3A_599 : i32 to vector<16xi32>
      %add3A_601 = arith.addi %add3A_600, %iota3A : vector<16xi32>
      %add3A_602 = arith.constant 0 : i32
      %add3A_603 = vector.broadcast %add3A_602 : i32 to vector<16xi32>
      %add3A_604 = arith.addi %shift_left3A_588, %add3A_603 : vector<16xi32>
      %gather3A = tpu.vector_load_idx %arg12[%broadcast_in_dim3A_467, %add3A_601, %add3A_604] : memref<2x128x128xf32, #tpu.memory_space<vmem>>[vector<16xi32>, vector<16xi32>, vector<16xi32>], vector<16xf32>,
      %add3A_605 = arith.constant 0 : i32
      %add3A_606 = vector.broadcast %add3A_605 : i32 to vector<16xi32>
      %add3A_607 = arith.addi %shift_left3A_597, %add3A_606 : vector<16xi32>
      %gather3A_608 = tpu.vector_load_idx %arg13[%broadcast_in_dim3A_467, %add3A_601, %add3A_607] : memref<2x128x128xf32, #tpu.memory_space<vmem>>[vector<16xi32>, vector<16xi32>, vector<16xi32>], vector<16xf32>,
      %mul3A_609 = arith.mulf %gather3A, %gather3A_608 : vector<16xf32>
      %mul3A_610 = vector.broadcast %reduce_max3A_17 : f32 to vector<16xf32>
      %mul3A_611 = arith.mulf %mul3A_609, %mul3A_610 : vector<16xf32>
      %add3A_612 = arith.addf %get3A_12, %mul3A_611 : vector<16xf32>
      %add3A_613 = arith.constant 1 : i32
      %add3A_614 = vector.broadcast %add3A_613 : i32 to vector<16xi32>
      %add3A_615 = arith.addi %shift_left3A_588, %add3A_614 : vector<16xi32>
      %gather3A_616 = tpu.vector_load_idx %arg12[%broadcast_in_dim3A_467, %add3A_601, %add3A_615] : memref<2x128x128xf32, #tpu.memory_space<vmem>>[vector<16xi32>, vector<16xi32>, vector<16xi32>], vector<16xf32>,
      %add3A_617 = arith.constant 1 : i32
      %add3A_618 = vector.broadcast %add3A_617 : i32 to vector<16xi32>
      %add3A_619 = arith.addi %shift_left3A_597, %add3A_618 : vector<16xi32>
      %gather3A_620 = tpu.vector_load_idx %arg13[%broadcast_in_dim3A_467, %add3A_601, %add3A_619] : memref<2x128x128xf32, #tpu.memory_space<vmem>>[vector<16xi32>, vector<16xi32>, vector<16xi32>], vector<16xf32>,
      %mul3A_621 = arith.mulf %gather3A_616, %gather3A_620 : vector<16xf32>
      %mul3A_622 = vector.broadcast %reduce_max3A_27 : f32 to vector<16xf32>
      %mul3A_623 = arith.mulf %mul3A_621, %mul3A_622 : vector<16xf32>
      %add3A_624 = arith.addf %add3A_612, %mul3A_623 : vector<16xf32>
      %add3A_625 = arith.constant 2 : i32
      %add3A_626 = vector.broadcast %add3A_625 : i32 to vector<16xi32>
      %add3A_627 = arith.addi %shift_left3A_588, %add3A_626 : vector<16xi32>
      %gather3A_628 = tpu.vector_load_idx %arg12[%broadcast_in_dim3A_467, %add3A_601, %add3A_627] : memref<2x128x128xf32, #tpu.memory_space<vmem>>[vector<16xi32>, vector<16xi32>, vector<16xi32>], vector<16xf32>,
      %add3A_629 = arith.constant 2 : i32
      %add3A_630 = vector.broadcast %add3A_629 : i32 to vector<16xi32>
      %add3A_631 = arith.addi %shift_left3A_597, %add3A_630 : vector<16xi32>
      %gather3A_632 = tpu.vector_load_idx %arg13[%broadcast_in_dim3A_467, %add3A_601, %add3A_631] : memref<2x128x128xf32, #tpu.memory_space<vmem>>[vector<16xi32>, vector<16xi32>, vector<16xi32>], vector<16xf32>,
      %mul3A_633 = arith.mulf %gather3A_628, %gather3A_632 : vector<16xf32>
      %mul3A_634 = vector.broadcast %reduce_max3A_37 : f32 to vector<16xf32>
      %mul3A_635 = arith.mulf %mul3A_633, %mul3A_634 : vector<16xf32>
      %add3A_636 = arith.addf %add3A_624, %mul3A_635 : vector<16xf32>
      %add3A_637 = arith.constant 3 : i32
      %add3A_638 = vector.broadcast %add3A_637 : i32 to vector<16xi32>
      %add3A_639 = arith.addi %shift_left3A_588, %add3A_638 : vector<16xi32>
      %gather3A_640 = tpu.vector_load_idx %arg12[%broadcast_in_dim3A_467, %add3A_601, %add3A_639] : memref<2x128x128xf32, #tpu.memory_space<vmem>>[vector<16xi32>, vector<16xi32>, vector<16xi32>], vector<16xf32>,
      %add3A_641 = arith.constant 3 : i32
      %add3A_642 = vector.broadcast %add3A_641 : i32 to vector<16xi32>
      %add3A_643 = arith.addi %shift_left3A_597, %add3A_642 : vector<16xi32>
      %gather3A_644 = tpu.vector_load_idx %arg13[%broadcast_in_dim3A_467, %add3A_601, %add3A_643] : memref<2x128x128xf32, #tpu.memory_space<vmem>>[vector<16xi32>, vector<16xi32>, vector<16xi32>], vector<16xf32>,
      %mul3A_645 = arith.mulf %gather3A_640, %gather3A_644 : vector<16xf32>
      %mul3A_646 = vector.broadcast %reduce_max3A_47 : f32 to vector<16xf32>
      %mul3A_647 = arith.mulf %mul3A_645, %mul3A_646 : vector<16xf32>
      %add3A_648 = arith.addf %add3A_636, %mul3A_647 : vector<16xf32>
      %add3A_649 = arith.constant 4 : i32
      %add3A_650 = vector.broadcast %add3A_649 : i32 to vector<16xi32>
      %add3A_651 = arith.addi %shift_left3A_588, %add3A_650 : vector<16xi32>
      %gather3A_652 = tpu.vector_load_idx %arg12[%broadcast_in_dim3A_467, %add3A_601, %add3A_651] : memref<2x128x128xf32, #tpu.memory_space<vmem>>[vector<16xi32>, vector<16xi32>, vector<16xi32>], vector<16xf32>,
      %add3A_653 = arith.constant 4 : i32
      %add3A_654 = vector.broadcast %add3A_653 : i32 to vector<16xi32>
      %add3A_655 = arith.addi %shift_left3A_597, %add3A_654 : vector<16xi32>
      %gather3A_656 = tpu.vector_load_idx %arg13[%broadcast_in_dim3A_467, %add3A_601, %add3A_655] : memref<2x128x128xf32, #tpu.memory_space<vmem>>[vector<16xi32>, vector<16xi32>, vector<16xi32>], vector<16xf32>,
      %mul3A_657 = arith.mulf %gather3A_652, %gather3A_656 : vector<16xf32>
      %mul3A_658 = vector.broadcast %reduce_max3A_57 : f32 to vector<16xf32>
      %mul3A_659 = arith.mulf %mul3A_657, %mul3A_658 : vector<16xf32>
      %add3A_660 = arith.addf %add3A_648, %mul3A_659 : vector<16xf32>
      %add3A_661 = arith.constant 5 : i32
      %add3A_662 = vector.broadcast %add3A_661 : i32 to vector<16xi32>
      %add3A_663 = arith.addi %shift_left3A_588, %add3A_662 : vector<16xi32>
      %gather3A_664 = tpu.vector_load_idx %arg12[%broadcast_in_dim3A_467, %add3A_601, %add3A_663] : memref<2x128x128xf32, #tpu.memory_space<vmem>>[vector<16xi32>, vector<16xi32>, vector<16xi32>], vector<16xf32>,
      %add3A_665 = arith.constant 5 : i32
      %add3A_666 = vector.broadcast %add3A_665 : i32 to vector<16xi32>
      %add3A_667 = arith.addi %shift_left3A_597, %add3A_666 : vector<16xi32>
      %gather3A_668 = tpu.vector_load_idx %arg13[%broadcast_in_dim3A_467, %add3A_601, %add3A_667] : memref<2x128x128xf32, #tpu.memory_space<vmem>>[vector<16xi32>, vector<16xi32>, vector<16xi32>], vector<16xf32>,
      %mul3A_669 = arith.mulf %gather3A_664, %gather3A_668 : vector<16xf32>
      %mul3A_670 = vector.broadcast %reduce_max3A_67 : f32 to vector<16xf32>
      %mul3A_671 = arith.mulf %mul3A_669, %mul3A_670 : vector<16xf32>
      %add3A_672 = arith.addf %add3A_660, %mul3A_671 : vector<16xf32>
      %add3A_673 = arith.constant 6 : i32
      %add3A_674 = vector.broadcast %add3A_673 : i32 to vector<16xi32>
      %add3A_675 = arith.addi %shift_left3A_588, %add3A_674 : vector<16xi32>
      %gather3A_676 = tpu.vector_load_idx %arg12[%broadcast_in_dim3A_467, %add3A_601, %add3A_675] : memref<2x128x128xf32, #tpu.memory_space<vmem>>[vector<16xi32>, vector<16xi32>, vector<16xi32>], vector<16xf32>,
      %add3A_677 = arith.constant 6 : i32
      %add3A_678 = vector.broadcast %add3A_677 : i32 to vector<16xi32>
      %add3A_679 = arith.addi %shift_left3A_597, %add3A_678 : vector<16xi32>
      %gather3A_680 = tpu.vector_load_idx %arg13[%broadcast_in_dim3A_467, %add3A_601, %add3A_679] : memref<2x128x128xf32, #tpu.memory_space<vmem>>[vector<16xi32>, vector<16xi32>, vector<16xi32>], vector<16xf32>,
      %mul3A_681 = arith.mulf %gather3A_676, %gather3A_680 : vector<16xf32>
      %mul3A_682 = vector.broadcast %reduce_max3A_77 : f32 to vector<16xf32>
      %mul3A_683 = arith.mulf %mul3A_681, %mul3A_682 : vector<16xf32>
      %add3A_684 = arith.addf %add3A_672, %mul3A_683 : vector<16xf32>
      %add3A_685 = arith.constant 7 : i32
      %add3A_686 = vector.broadcast %add3A_685 : i32 to vector<16xi32>
      %add3A_687 = arith.addi %shift_left3A_588, %add3A_686 : vector<16xi32>
      %gather3A_688 = tpu.vector_load_idx %arg12[%broadcast_in_dim3A_467, %add3A_601, %add3A_687] : memref<2x128x128xf32, #tpu.memory_space<vmem>>[vector<16xi32>, vector<16xi32>, vector<16xi32>], vector<16xf32>,
      %add3A_689 = arith.constant 7 : i32
      %add3A_690 = vector.broadcast %add3A_689 : i32 to vector<16xi32>
      %add3A_691 = arith.addi %shift_left3A_597, %add3A_690 : vector<16xi32>
      %gather3A_692 = tpu.vector_load_idx %arg13[%broadcast_in_dim3A_467, %add3A_601, %add3A_691] : memref<2x128x128xf32, #tpu.memory_space<vmem>>[vector<16xi32>, vector<16xi32>, vector<16xi32>], vector<16xf32>,
      %mul3A_693 = arith.mulf %gather3A_688, %gather3A_692 : vector<16xf32>
      %mul3A_694 = vector.broadcast %reduce_max3A_87 : f32 to vector<16xf32>
      %mul3A_695 = arith.mulf %mul3A_693, %mul3A_694 : vector<16xf32>
      %add3A_696 = arith.addf %add3A_684, %mul3A_695 : vector<16xf32>
      %add3A_697 = arith.constant 8 : i32
      %add3A_698 = vector.broadcast %add3A_697 : i32 to vector<16xi32>
      %add3A_699 = arith.addi %shift_left3A_588, %add3A_698 : vector<16xi32>
      %gather3A_700 = tpu.vector_load_idx %arg12[%broadcast_in_dim3A_467, %add3A_601, %add3A_699] : memref<2x128x128xf32, #tpu.memory_space<vmem>>[vector<16xi32>, vector<16xi32>, vector<16xi32>], vector<16xf32>,
      %add3A_701 = arith.constant 8 : i32
      %add3A_702 = vector.broadcast %add3A_701 : i32 to vector<16xi32>
      %add3A_703 = arith.addi %shift_left3A_597, %add3A_702 : vector<16xi32>
      %gather3A_704 = tpu.vector_load_idx %arg13[%broadcast_in_dim3A_467, %add3A_601, %add3A_703] : memref<2x128x128xf32, #tpu.memory_space<vmem>>[vector<16xi32>, vector<16xi32>, vector<16xi32>], vector<16xf32>,
      %mul3A_705 = arith.mulf %gather3A_700, %gather3A_704 : vector<16xf32>
      %mul3A_706 = vector.broadcast %reduce_max3A_97 : f32 to vector<16xf32>
      %mul3A_707 = arith.mulf %mul3A_705, %mul3A_706 : vector<16xf32>
      %add3A_708 = arith.addf %add3A_696, %mul3A_707 : vector<16xf32>
      %add3A_709 = arith.constant 9 : i32
      %add3A_710 = vector.broadcast %add3A_709 : i32 to vector<16xi32>
      %add3A_711 = arith.addi %shift_left3A_588, %add3A_710 : vector<16xi32>
      %gather3A_712 = tpu.vector_load_idx %arg12[%broadcast_in_dim3A_467, %add3A_601, %add3A_711] : memref<2x128x128xf32, #tpu.memory_space<vmem>>[vector<16xi32>, vector<16xi32>, vector<16xi32>], vector<16xf32>,
      %add3A_713 = arith.constant 9 : i32
      %add3A_714 = vector.broadcast %add3A_713 : i32 to vector<16xi32>
      %add3A_715 = arith.addi %shift_left3A_597, %add3A_714 : vector<16xi32>
      %gather3A_716 = tpu.vector_load_idx %arg13[%broadcast_in_dim3A_467, %add3A_601, %add3A_715] : memref<2x128x128xf32, #tpu.memory_space<vmem>>[vector<16xi32>, vector<16xi32>, vector<16xi32>], vector<16xf32>,
      %mul3A_717 = arith.mulf %gather3A_712, %gather3A_716 : vector<16xf32>
      %mul3A_718 = vector.broadcast %reduce_max3A_107 : f32 to vector<16xf32>
      %mul3A_719 = arith.mulf %mul3A_717, %mul3A_718 : vector<16xf32>
      %add3A_720 = arith.addf %add3A_708, %mul3A_719 : vector<16xf32>
      %add3A_721 = arith.constant 10 : i32
      %add3A_722 = vector.broadcast %add3A_721 : i32 to vector<16xi32>
      %add3A_723 = arith.addi %shift_left3A_588, %add3A_722 : vector<16xi32>
      %gather3A_724 = tpu.vector_load_idx %arg12[%broadcast_in_dim3A_467, %add3A_601, %add3A_723] : memref<2x128x128xf32, #tpu.memory_space<vmem>>[vector<16xi32>, vector<16xi32>, vector<16xi32>], vector<16xf32>,
      %add3A_725 = arith.constant 10 : i32
      %add3A_726 = vector.broadcast %add3A_725 : i32 to vector<16xi32>
      %add3A_727 = arith.addi %shift_left3A_597, %add3A_726 : vector<16xi32>
      %gather3A_728 = tpu.vector_load_idx %arg13[%broadcast_in_dim3A_467, %add3A_601, %add3A_727] : memref<2x128x128xf32, #tpu.memory_space<vmem>>[vector<16xi32>, vector<16xi32>, vector<16xi32>], vector<16xf32>,
      %mul3A_729 = arith.mulf %gather3A_724, %gather3A_728 : vector<16xf32>
      %mul3A_730 = vector.broadcast %reduce_max3A_117 : f32 to vector<16xf32>
      %mul3A_731 = arith.mulf %mul3A_729, %mul3A_730 : vector<16xf32>
      %add3A_732 = arith.addf %add3A_720, %mul3A_731 : vector<16xf32>
      %add3A_733 = arith.constant 11 : i32
      %add3A_734 = vector.broadcast %add3A_733 : i32 to vector<16xi32>
      %add3A_735 = arith.addi %shift_left3A_588, %add3A_734 : vector<16xi32>
      %gather3A_736 = tpu.vector_load_idx %arg12[%broadcast_in_dim3A_467, %add3A_601, %add3A_735] : memref<2x128x128xf32, #tpu.memory_space<vmem>>[vector<16xi32>, vector<16xi32>, vector<16xi32>], vector<16xf32>,
      %add3A_737 = arith.constant 11 : i32
      %add3A_738 = vector.broadcast %add3A_737 : i32 to vector<16xi32>
      %add3A_739 = arith.addi %shift_left3A_597, %add3A_738 : vector<16xi32>
      %gather3A_740 = tpu.vector_load_idx %arg13[%broadcast_in_dim3A_467, %add3A_601, %add3A_739] : memref<2x128x128xf32, #tpu.memory_space<vmem>>[vector<16xi32>, vector<16xi32>, vector<16xi32>], vector<16xf32>,
      %mul3A_741 = arith.mulf %gather3A_736, %gather3A_740 : vector<16xf32>
      %mul3A_742 = vector.broadcast %reduce_max3A_127 : f32 to vector<16xf32>
      %mul3A_743 = arith.mulf %mul3A_741, %mul3A_742 : vector<16xf32>
      %add3A_744 = arith.addf %add3A_732, %mul3A_743 : vector<16xf32>
      %add3A_745 = arith.constant 12 : i32
      %add3A_746 = vector.broadcast %add3A_745 : i32 to vector<16xi32>
      %add3A_747 = arith.addi %shift_left3A_588, %add3A_746 : vector<16xi32>
      %gather3A_748 = tpu.vector_load_idx %arg12[%broadcast_in_dim3A_467, %add3A_601, %add3A_747] : memref<2x128x128xf32, #tpu.memory_space<vmem>>[vector<16xi32>, vector<16xi32>, vector<16xi32>], vector<16xf32>,
      %add3A_749 = arith.constant 12 : i32
      %add3A_750 = vector.broadcast %add3A_749 : i32 to vector<16xi32>
      %add3A_751 = arith.addi %shift_left3A_597, %add3A_750 : vector<16xi32>
      %gather3A_752 = tpu.vector_load_idx %arg13[%broadcast_in_dim3A_467, %add3A_601, %add3A_751] : memref<2x128x128xf32, #tpu.memory_space<vmem>>[vector<16xi32>, vector<16xi32>, vector<16xi32>], vector<16xf32>,
      %mul3A_753 = arith.mulf %gather3A_748, %gather3A_752 : vector<16xf32>
      %mul3A_754 = vector.broadcast %reduce_max3A_137 : f32 to vector<16xf32>
      %mul3A_755 = arith.mulf %mul3A_753, %mul3A_754 : vector<16xf32>
      %add3A_756 = arith.addf %add3A_744, %mul3A_755 : vector<16xf32>
      %add3A_757 = arith.constant 13 : i32
      %add3A_758 = vector.broadcast %add3A_757 : i32 to vector<16xi32>
      %add3A_759 = arith.addi %shift_left3A_588, %add3A_758 : vector<16xi32>
      %gather3A_760 = tpu.vector_load_idx %arg12[%broadcast_in_dim3A_467, %add3A_601, %add3A_759] : memref<2x128x128xf32, #tpu.memory_space<vmem>>[vector<16xi32>, vector<16xi32>, vector<16xi32>], vector<16xf32>,
      %add3A_761 = arith.constant 13 : i32
      %add3A_762 = vector.broadcast %add3A_761 : i32 to vector<16xi32>
      %add3A_763 = arith.addi %shift_left3A_597, %add3A_762 : vector<16xi32>
      %gather3A_764 = tpu.vector_load_idx %arg13[%broadcast_in_dim3A_467, %add3A_601, %add3A_763] : memref<2x128x128xf32, #tpu.memory_space<vmem>>[vector<16xi32>, vector<16xi32>, vector<16xi32>], vector<16xf32>,
      %mul3A_765 = arith.mulf %gather3A_760, %gather3A_764 : vector<16xf32>
      %mul3A_766 = vector.broadcast %reduce_max3A_147 : f32 to vector<16xf32>
      %mul3A_767 = arith.mulf %mul3A_765, %mul3A_766 : vector<16xf32>
      %add3A_768 = arith.addf %add3A_756, %mul3A_767 : vector<16xf32>
      %add3A_769 = arith.constant 14 : i32
      %add3A_770 = vector.broadcast %add3A_769 : i32 to vector<16xi32>
      %add3A_771 = arith.addi %shift_left3A_588, %add3A_770 : vector<16xi32>
      %gather3A_772 = tpu.vector_load_idx %arg12[%broadcast_in_dim3A_467, %add3A_601, %add3A_771] : memref<2x128x128xf32, #tpu.memory_space<vmem>>[vector<16xi32>, vector<16xi32>, vector<16xi32>], vector<16xf32>,
      %add3A_773 = arith.constant 14 : i32
      %add3A_774 = vector.broadcast %add3A_773 : i32 to vector<16xi32>
      %add3A_775 = arith.addi %shift_left3A_597, %add3A_774 : vector<16xi32>
      %gather3A_776 = tpu.vector_load_idx %arg13[%broadcast_in_dim3A_467, %add3A_601, %add3A_775] : memref<2x128x128xf32, #tpu.memory_space<vmem>>[vector<16xi32>, vector<16xi32>, vector<16xi32>], vector<16xf32>,
      %mul3A_777 = arith.mulf %gather3A_772, %gather3A_776 : vector<16xf32>
      %mul3A_778 = vector.broadcast %reduce_max3A_157 : f32 to vector<16xf32>
      %mul3A_779 = arith.mulf %mul3A_777, %mul3A_778 : vector<16xf32>
      %add3A_780 = arith.addf %add3A_768, %mul3A_779 : vector<16xf32>
      %add3A_781 = arith.constant 15 : i32
      %add3A_782 = vector.broadcast %add3A_781 : i32 to vector<16xi32>
      %add3A_783 = arith.addi %shift_left3A_588, %add3A_782 : vector<16xi32>
      %gather3A_784 = tpu.vector_load_idx %arg12[%broadcast_in_dim3A_467, %add3A_601, %add3A_783] : memref<2x128x128xf32, #tpu.memory_space<vmem>>[vector<16xi32>, vector<16xi32>, vector<16xi32>], vector<16xf32>,
      %add3A_785 = arith.constant 15 : i32
      %add3A_786 = vector.broadcast %add3A_785 : i32 to vector<16xi32>
      %add3A_787 = arith.addi %shift_left3A_597, %add3A_786 : vector<16xi32>
      %gather3A_788 = tpu.vector_load_idx %arg13[%broadcast_in_dim3A_467, %add3A_601, %add3A_787] : memref<2x128x128xf32, #tpu.memory_space<vmem>>[vector<16xi32>, vector<16xi32>, vector<16xi32>], vector<16xf32>,
      %mul3A_789 = arith.mulf %gather3A_784, %gather3A_788 : vector<16xf32>
      %mul3A_790 = vector.broadcast %reduce_max3A_167 : f32 to vector<16xf32>
      %mul3A_791 = arith.mulf %mul3A_789, %mul3A_790 : vector<16xf32>
      %add3A_792 = arith.addf %add3A_780, %mul3A_791 : vector<16xf32>
      %add3A_793 = arith.constant 16 : i32
      %add3A_794 = vector.broadcast %add3A_793 : i32 to vector<16xi32>
      %add3A_795 = arith.addi %shift_left3A_588, %add3A_794 : vector<16xi32>
      %gather3A_796 = tpu.vector_load_idx %arg12[%broadcast_in_dim3A_467, %add3A_601, %add3A_795] : memref<2x128x128xf32, #tpu.memory_space<vmem>>[vector<16xi32>, vector<16xi32>, vector<16xi32>], vector<16xf32>,
      %add3A_797 = arith.constant 16 : i32
      %add3A_798 = vector.broadcast %add3A_797 : i32 to vector<16xi32>
      %add3A_799 = arith.addi %shift_left3A_597, %add3A_798 : vector<16xi32>
      %gather3A_800 = tpu.vector_load_idx %arg13[%broadcast_in_dim3A_467, %add3A_601, %add3A_799] : memref<2x128x128xf32, #tpu.memory_space<vmem>>[vector<16xi32>, vector<16xi32>, vector<16xi32>], vector<16xf32>,
      %mul3A_801 = arith.mulf %gather3A_796, %gather3A_800 : vector<16xf32>
      %mul3A_802 = vector.broadcast %reduce_max3A_177 : f32 to vector<16xf32>
      %mul3A_803 = arith.mulf %mul3A_801, %mul3A_802 : vector<16xf32>
      %add3A_804 = arith.addf %add3A_792, %mul3A_803 : vector<16xf32>
      %add3A_805 = arith.constant 17 : i32
      %add3A_806 = vector.broadcast %add3A_805 : i32 to vector<16xi32>
      %add3A_807 = arith.addi %shift_left3A_588, %add3A_806 : vector<16xi32>
      %gather3A_808 = tpu.vector_load_idx %arg12[%broadcast_in_dim3A_467, %add3A_601, %add3A_807] : memref<2x128x128xf32, #tpu.memory_space<vmem>>[vector<16xi32>, vector<16xi32>, vector<16xi32>], vector<16xf32>,
      %add3A_809 = arith.constant 17 : i32
      %add3A_810 = vector.broadcast %add3A_809 : i32 to vector<16xi32>
      %add3A_811 = arith.addi %shift_left3A_597, %add3A_810 : vector<16xi32>
      %gather3A_812 = tpu.vector_load_idx %arg13[%broadcast_in_dim3A_467, %add3A_601, %add3A_811] : memref<2x128x128xf32, #tpu.memory_space<vmem>>[vector<16xi32>, vector<16xi32>, vector<16xi32>], vector<16xf32>,
      %mul3A_813 = arith.mulf %gather3A_808, %gather3A_812 : vector<16xf32>
      %mul3A_814 = vector.broadcast %reduce_max3A_187 : f32 to vector<16xf32>
      %mul3A_815 = arith.mulf %mul3A_813, %mul3A_814 : vector<16xf32>
      %add3A_816 = arith.addf %add3A_804, %mul3A_815 : vector<16xf32>
      %add3A_817 = arith.constant 18 : i32
      %add3A_818 = vector.broadcast %add3A_817 : i32 to vector<16xi32>
      %add3A_819 = arith.addi %shift_left3A_588, %add3A_818 : vector<16xi32>
      %gather3A_820 = tpu.vector_load_idx %arg12[%broadcast_in_dim3A_467, %add3A_601, %add3A_819] : memref<2x128x128xf32, #tpu.memory_space<vmem>>[vector<16xi32>, vector<16xi32>, vector<16xi32>], vector<16xf32>,
      %add3A_821 = arith.constant 18 : i32
      %add3A_822 = vector.broadcast %add3A_821 : i32 to vector<16xi32>
      %add3A_823 = arith.addi %shift_left3A_597, %add3A_822 : vector<16xi32>
      %gather3A_824 = tpu.vector_load_idx %arg13[%broadcast_in_dim3A_467, %add3A_601, %add3A_823] : memref<2x128x128xf32, #tpu.memory_space<vmem>>[vector<16xi32>, vector<16xi32>, vector<16xi32>], vector<16xf32>,
      %mul3A_825 = arith.mulf %gather3A_820, %gather3A_824 : vector<16xf32>
      %mul3A_826 = vector.broadcast %reduce_max3A_197 : f32 to vector<16xf32>
      %mul3A_827 = arith.mulf %mul3A_825, %mul3A_826 : vector<16xf32>
      %add3A_828 = arith.addf %add3A_816, %mul3A_827 : vector<16xf32>
      %add3A_829 = arith.constant 19 : i32
      %add3A_830 = vector.broadcast %add3A_829 : i32 to vector<16xi32>
      %add3A_831 = arith.addi %shift_left3A_588, %add3A_830 : vector<16xi32>
      %gather3A_832 = tpu.vector_load_idx %arg12[%broadcast_in_dim3A_467, %add3A_601, %add3A_831] : memref<2x128x128xf32, #tpu.memory_space<vmem>>[vector<16xi32>, vector<16xi32>, vector<16xi32>], vector<16xf32>,
      %add3A_833 = arith.constant 19 : i32
      %add3A_834 = vector.broadcast %add3A_833 : i32 to vector<16xi32>
      %add3A_835 = arith.addi %shift_left3A_597, %add3A_834 : vector<16xi32>
      %gather3A_836 = tpu.vector_load_idx %arg13[%broadcast_in_dim3A_467, %add3A_601, %add3A_835] : memref<2x128x128xf32, #tpu.memory_space<vmem>>[vector<16xi32>, vector<16xi32>, vector<16xi32>], vector<16xf32>,
      %mul3A_837 = arith.mulf %gather3A_832, %gather3A_836 : vector<16xf32>
      %mul3A_838 = vector.broadcast %reduce_max3A_207 : f32 to vector<16xf32>
      %mul3A_839 = arith.mulf %mul3A_837, %mul3A_838 : vector<16xf32>
      %add3A_840 = arith.addf %add3A_828, %mul3A_839 : vector<16xf32>
      %add3A_841 = arith.constant 20 : i32
      %add3A_842 = vector.broadcast %add3A_841 : i32 to vector<16xi32>
      %add3A_843 = arith.addi %shift_left3A_588, %add3A_842 : vector<16xi32>
      %gather3A_844 = tpu.vector_load_idx %arg12[%broadcast_in_dim3A_467, %add3A_601, %add3A_843] : memref<2x128x128xf32, #tpu.memory_space<vmem>>[vector<16xi32>, vector<16xi32>, vector<16xi32>], vector<16xf32>,
      %add3A_845 = arith.constant 20 : i32
      %add3A_846 = vector.broadcast %add3A_845 : i32 to vector<16xi32>
      %add3A_847 = arith.addi %shift_left3A_597, %add3A_846 : vector<16xi32>
      %gather3A_848 = tpu.vector_load_idx %arg13[%broadcast_in_dim3A_467, %add3A_601, %add3A_847] : memref<2x128x128xf32, #tpu.memory_space<vmem>>[vector<16xi32>, vector<16xi32>, vector<16xi32>], vector<16xf32>,
      %mul3A_849 = arith.mulf %gather3A_844, %gather3A_848 : vector<16xf32>
      %mul3A_850 = vector.broadcast %reduce_max3A_217 : f32 to vector<16xf32>
      %mul3A_851 = arith.mulf %mul3A_849, %mul3A_850 : vector<16xf32>
      %add3A_852 = arith.addf %add3A_840, %mul3A_851 : vector<16xf32>
      %add3A_853 = arith.constant 21 : i32
      %add3A_854 = vector.broadcast %add3A_853 : i32 to vector<16xi32>
      %add3A_855 = arith.addi %shift_left3A_588, %add3A_854 : vector<16xi32>
      %gather3A_856 = tpu.vector_load_idx %arg12[%broadcast_in_dim3A_467, %add3A_601, %add3A_855] : memref<2x128x128xf32, #tpu.memory_space<vmem>>[vector<16xi32>, vector<16xi32>, vector<16xi32>], vector<16xf32>,
      %add3A_857 = arith.constant 21 : i32
      %add3A_858 = vector.broadcast %add3A_857 : i32 to vector<16xi32>
      %add3A_859 = arith.addi %shift_left3A_597, %add3A_858 : vector<16xi32>
      %gather3A_860 = tpu.vector_load_idx %arg13[%broadcast_in_dim3A_467, %add3A_601, %add3A_859] : memref<2x128x128xf32, #tpu.memory_space<vmem>>[vector<16xi32>, vector<16xi32>, vector<16xi32>], vector<16xf32>,
      %mul3A_861 = arith.mulf %gather3A_856, %gather3A_860 : vector<16xf32>
      %mul3A_862 = vector.broadcast %reduce_max3A_227 : f32 to vector<16xf32>
      %mul3A_863 = arith.mulf %mul3A_861, %mul3A_862 : vector<16xf32>
      %add3A_864 = arith.addf %add3A_852, %mul3A_863 : vector<16xf32>
      %add3A_865 = arith.constant 22 : i32
      %add3A_866 = vector.broadcast %add3A_865 : i32 to vector<16xi32>
      %add3A_867 = arith.addi %shift_left3A_588, %add3A_866 : vector<16xi32>
      %gather3A_868 = tpu.vector_load_idx %arg12[%broadcast_in_dim3A_467, %add3A_601, %add3A_867] : memref<2x128x128xf32, #tpu.memory_space<vmem>>[vector<16xi32>, vector<16xi32>, vector<16xi32>], vector<16xf32>,
      %add3A_869 = arith.constant 22 : i32
      %add3A_870 = vector.broadcast %add3A_869 : i32 to vector<16xi32>
      %add3A_871 = arith.addi %shift_left3A_597, %add3A_870 : vector<16xi32>
      %gather3A_872 = tpu.vector_load_idx %arg13[%broadcast_in_dim3A_467, %add3A_601, %add3A_871] : memref<2x128x128xf32, #tpu.memory_space<vmem>>[vector<16xi32>, vector<16xi32>, vector<16xi32>], vector<16xf32>,
      %mul3A_873 = arith.mulf %gather3A_868, %gather3A_872 : vector<16xf32>
      %mul3A_874 = vector.broadcast %reduce_max3A_237 : f32 to vector<16xf32>
      %mul3A_875 = arith.mulf %mul3A_873, %mul3A_874 : vector<16xf32>
      %add3A_876 = arith.addf %add3A_864, %mul3A_875 : vector<16xf32>
      %add3A_877 = arith.constant 23 : i32
      %add3A_878 = vector.broadcast %add3A_877 : i32 to vector<16xi32>
      %add3A_879 = arith.addi %shift_left3A_588, %add3A_878 : vector<16xi32>
      %gather3A_880 = tpu.vector_load_idx %arg12[%broadcast_in_dim3A_467, %add3A_601, %add3A_879] : memref<2x128x128xf32, #tpu.memory_space<vmem>>[vector<16xi32>, vector<16xi32>, vector<16xi32>], vector<16xf32>,
      %add3A_881 = arith.constant 23 : i32
      %add3A_882 = vector.broadcast %add3A_881 : i32 to vector<16xi32>
      %add3A_883 = arith.addi %shift_left3A_597, %add3A_882 : vector<16xi32>
      %gather3A_884 = tpu.vector_load_idx %arg13[%broadcast_in_dim3A_467, %add3A_601, %add3A_883] : memref<2x128x128xf32, #tpu.memory_space<vmem>>[vector<16xi32>, vector<16xi32>, vector<16xi32>], vector<16xf32>,
      %mul3A_885 = arith.mulf %gather3A_880, %gather3A_884 : vector<16xf32>
      %mul3A_886 = vector.broadcast %reduce_max3A_247 : f32 to vector<16xf32>
      %mul3A_887 = arith.mulf %mul3A_885, %mul3A_886 : vector<16xf32>
      %add3A_888 = arith.addf %add3A_876, %mul3A_887 : vector<16xf32>
      %add3A_889 = arith.constant 24 : i32
      %add3A_890 = vector.broadcast %add3A_889 : i32 to vector<16xi32>
      %add3A_891 = arith.addi %shift_left3A_588, %add3A_890 : vector<16xi32>
      %gather3A_892 = tpu.vector_load_idx %arg12[%broadcast_in_dim3A_467, %add3A_601, %add3A_891] : memref<2x128x128xf32, #tpu.memory_space<vmem>>[vector<16xi32>, vector<16xi32>, vector<16xi32>], vector<16xf32>,
      %add3A_893 = arith.constant 24 : i32
      %add3A_894 = vector.broadcast %add3A_893 : i32 to vector<16xi32>
      %add3A_895 = arith.addi %shift_left3A_597, %add3A_894 : vector<16xi32>
      %gather3A_896 = tpu.vector_load_idx %arg13[%broadcast_in_dim3A_467, %add3A_601, %add3A_895] : memref<2x128x128xf32, #tpu.memory_space<vmem>>[vector<16xi32>, vector<16xi32>, vector<16xi32>], vector<16xf32>,
      %mul3A_897 = arith.mulf %gather3A_892, %gather3A_896 : vector<16xf32>
      %mul3A_898 = vector.broadcast %reduce_max3A_257 : f32 to vector<16xf32>
      %mul3A_899 = arith.mulf %mul3A_897, %mul3A_898 : vector<16xf32>
      %add3A_900 = arith.addf %add3A_888, %mul3A_899 : vector<16xf32>
      %add3A_901 = arith.constant 25 : i32
      %add3A_902 = vector.broadcast %add3A_901 : i32 to vector<16xi32>
      %add3A_903 = arith.addi %shift_left3A_588, %add3A_902 : vector<16xi32>
      %gather3A_904 = tpu.vector_load_idx %arg12[%broadcast_in_dim3A_467, %add3A_601, %add3A_903] : memref<2x128x128xf32, #tpu.memory_space<vmem>>[vector<16xi32>, vector<16xi32>, vector<16xi32>], vector<16xf32>,
      %add3A_905 = arith.constant 25 : i32
      %add3A_906 = vector.broadcast %add3A_905 : i32 to vector<16xi32>
      %add3A_907 = arith.addi %shift_left3A_597, %add3A_906 : vector<16xi32>
      %gather3A_908 = tpu.vector_load_idx %arg13[%broadcast_in_dim3A_467, %add3A_601, %add3A_907] : memref<2x128x128xf32, #tpu.memory_space<vmem>>[vector<16xi32>, vector<16xi32>, vector<16xi32>], vector<16xf32>,
      %mul3A_909 = arith.mulf %gather3A_904, %gather3A_908 : vector<16xf32>
      %mul3A_910 = vector.broadcast %reduce_max3A_267 : f32 to vector<16xf32>
      %mul3A_911 = arith.mulf %mul3A_909, %mul3A_910 : vector<16xf32>
      %add3A_912 = arith.addf %add3A_900, %mul3A_911 : vector<16xf32>
      %add3A_913 = arith.constant 26 : i32
      %add3A_914 = vector.broadcast %add3A_913 : i32 to vector<16xi32>
      %add3A_915 = arith.addi %shift_left3A_588, %add3A_914 : vector<16xi32>
      %gather3A_916 = tpu.vector_load_idx %arg12[%broadcast_in_dim3A_467, %add3A_601, %add3A_915] : memref<2x128x128xf32, #tpu.memory_space<vmem>>[vector<16xi32>, vector<16xi32>, vector<16xi32>], vector<16xf32>,
      %add3A_917 = arith.constant 26 : i32
      %add3A_918 = vector.broadcast %add3A_917 : i32 to vector<16xi32>
      %add3A_919 = arith.addi %shift_left3A_597, %add3A_918 : vector<16xi32>
      %gather3A_920 = tpu.vector_load_idx %arg13[%broadcast_in_dim3A_467, %add3A_601, %add3A_919] : memref<2x128x128xf32, #tpu.memory_space<vmem>>[vector<16xi32>, vector<16xi32>, vector<16xi32>], vector<16xf32>,
      %mul3A_921 = arith.mulf %gather3A_916, %gather3A_920 : vector<16xf32>
      %mul3A_922 = vector.broadcast %reduce_max3A_277 : f32 to vector<16xf32>
      %mul3A_923 = arith.mulf %mul3A_921, %mul3A_922 : vector<16xf32>
      %add3A_924 = arith.addf %add3A_912, %mul3A_923 : vector<16xf32>
      %add3A_925 = arith.constant 27 : i32
      %add3A_926 = vector.broadcast %add3A_925 : i32 to vector<16xi32>
      %add3A_927 = arith.addi %shift_left3A_588, %add3A_926 : vector<16xi32>
      %gather3A_928 = tpu.vector_load_idx %arg12[%broadcast_in_dim3A_467, %add3A_601, %add3A_927] : memref<2x128x128xf32, #tpu.memory_space<vmem>>[vector<16xi32>, vector<16xi32>, vector<16xi32>], vector<16xf32>,
      %add3A_929 = arith.constant 27 : i32
      %add3A_930 = vector.broadcast %add3A_929 : i32 to vector<16xi32>
      %add3A_931 = arith.addi %shift_left3A_597, %add3A_930 : vector<16xi32>
      %gather3A_932 = tpu.vector_load_idx %arg13[%broadcast_in_dim3A_467, %add3A_601, %add3A_931] : memref<2x128x128xf32, #tpu.memory_space<vmem>>[vector<16xi32>, vector<16xi32>, vector<16xi32>], vector<16xf32>,
      %mul3A_933 = arith.mulf %gather3A_928, %gather3A_932 : vector<16xf32>
      %mul3A_934 = vector.broadcast %reduce_max3A_287 : f32 to vector<16xf32>
      %mul3A_935 = arith.mulf %mul3A_933, %mul3A_934 : vector<16xf32>
      %add3A_936 = arith.addf %add3A_924, %mul3A_935 : vector<16xf32>
      %add3A_937 = arith.constant 28 : i32
      %add3A_938 = vector.broadcast %add3A_937 : i32 to vector<16xi32>
      %add3A_939 = arith.addi %shift_left3A_588, %add3A_938 : vector<16xi32>
      %gather3A_940 = tpu.vector_load_idx %arg12[%broadcast_in_dim3A_467, %add3A_601, %add3A_939] : memref<2x128x128xf32, #tpu.memory_space<vmem>>[vector<16xi32>, vector<16xi32>, vector<16xi32>], vector<16xf32>,
      %add3A_941 = arith.constant 28 : i32
      %add3A_942 = vector.broadcast %add3A_941 : i32 to vector<16xi32>
      %add3A_943 = arith.addi %shift_left3A_597, %add3A_942 : vector<16xi32>
      %gather3A_944 = tpu.vector_load_idx %arg13[%broadcast_in_dim3A_467, %add3A_601, %add3A_943] : memref<2x128x128xf32, #tpu.memory_space<vmem>>[vector<16xi32>, vector<16xi32>, vector<16xi32>], vector<16xf32>,
      %mul3A_945 = arith.mulf %gather3A_940, %gather3A_944 : vector<16xf32>
      %mul3A_946 = vector.broadcast %reduce_max3A_297 : f32 to vector<16xf32>
      %mul3A_947 = arith.mulf %mul3A_945, %mul3A_946 : vector<16xf32>
      %add3A_948 = arith.addf %add3A_936, %mul3A_947 : vector<16xf32>
      %add3A_949 = arith.constant 29 : i32
      %add3A_950 = vector.broadcast %add3A_949 : i32 to vector<16xi32>
      %add3A_951 = arith.addi %shift_left3A_588, %add3A_950 : vector<16xi32>
      %gather3A_952 = tpu.vector_load_idx %arg12[%broadcast_in_dim3A_467, %add3A_601, %add3A_951] : memref<2x128x128xf32, #tpu.memory_space<vmem>>[vector<16xi32>, vector<16xi32>, vector<16xi32>], vector<16xf32>,
      %add3A_953 = arith.constant 29 : i32
      %add3A_954 = vector.broadcast %add3A_953 : i32 to vector<16xi32>
      %add3A_955 = arith.addi %shift_left3A_597, %add3A_954 : vector<16xi32>
      %gather3A_956 = tpu.vector_load_idx %arg13[%broadcast_in_dim3A_467, %add3A_601, %add3A_955] : memref<2x128x128xf32, #tpu.memory_space<vmem>>[vector<16xi32>, vector<16xi32>, vector<16xi32>], vector<16xf32>,
      %mul3A_957 = arith.mulf %gather3A_952, %gather3A_956 : vector<16xf32>
      %mul3A_958 = vector.broadcast %reduce_max3A_307 : f32 to vector<16xf32>
      %mul3A_959 = arith.mulf %mul3A_957, %mul3A_958 : vector<16xf32>
      %add3A_960 = arith.addf %add3A_948, %mul3A_959 : vector<16xf32>
      %add3A_961 = arith.constant 30 : i32
      %add3A_962 = vector.broadcast %add3A_961 : i32 to vector<16xi32>
      %add3A_963 = arith.addi %shift_left3A_588, %add3A_962 : vector<16xi32>
      %gather3A_964 = tpu.vector_load_idx %arg12[%broadcast_in_dim3A_467, %add3A_601, %add3A_963] : memref<2x128x128xf32, #tpu.memory_space<vmem>>[vector<16xi32>, vector<16xi32>, vector<16xi32>], vector<16xf32>,
      %add3A_965 = arith.constant 30 : i32
      %add3A_966 = vector.broadcast %add3A_965 : i32 to vector<16xi32>
      %add3A_967 = arith.addi %shift_left3A_597, %add3A_966 : vector<16xi32>
      %gather3A_968 = tpu.vector_load_idx %arg13[%broadcast_in_dim3A_467, %add3A_601, %add3A_967] : memref<2x128x128xf32, #tpu.memory_space<vmem>>[vector<16xi32>, vector<16xi32>, vector<16xi32>], vector<16xf32>,
      %mul3A_969 = arith.mulf %gather3A_964, %gather3A_968 : vector<16xf32>
      %mul3A_970 = vector.broadcast %reduce_max3A_317 : f32 to vector<16xf32>
      %mul3A_971 = arith.mulf %mul3A_969, %mul3A_970 : vector<16xf32>
      %add3A_972 = arith.addf %add3A_960, %mul3A_971 : vector<16xf32>
      %add3A_973 = arith.constant 31 : i32
      %add3A_974 = vector.broadcast %add3A_973 : i32 to vector<16xi32>
      %add3A_975 = arith.addi %shift_left3A_588, %add3A_974 : vector<16xi32>
      %gather3A_976 = tpu.vector_load_idx %arg12[%broadcast_in_dim3A_467, %add3A_601, %add3A_975] : memref<2x128x128xf32, #tpu.memory_space<vmem>>[vector<16xi32>, vector<16xi32>, vector<16xi32>], vector<16xf32>,
      %add3A_977 = arith.constant 31 : i32
      %add3A_978 = vector.broadcast %add3A_977 : i32 to vector<16xi32>
      %add3A_979 = arith.addi %shift_left3A_597, %add3A_978 : vector<16xi32>
      %gather3A_980 = tpu.vector_load_idx %arg13[%broadcast_in_dim3A_467, %add3A_601, %add3A_979] : memref<2x128x128xf32, #tpu.memory_space<vmem>>[vector<16xi32>, vector<16xi32>, vector<16xi32>], vector<16xf32>,
      %mul3A_981 = arith.mulf %gather3A_976, %gather3A_980 : vector<16xf32>
      %mul3A_982 = vector.broadcast %reduce_max3A_327 : f32 to vector<16xf32>
      %mul3A_983 = arith.mulf %mul3A_981, %mul3A_982 : vector<16xf32>
      %add3A_984 = arith.addf %add3A_972, %mul3A_983 : vector<16xf32>
      %neg3A = arith.constant 0.000000e+00 : f32
      %neg3A_985 = vector.broadcast %neg3A : f32 to vector<16xf32>
      %neg3A_986 = arith.subf %neg3A_985, %add3A_984 : vector<16xf32>
      %exp3A = math.exp %neg3A_986 : vector<16xf32>
      %add3A_987 = arith.constant 1.000000e+00 : f32
      %add3A_988 = vector.broadcast %add3A_987 : f32 to vector<16xf32>
      %add3A_989 = arith.addf %add3A_988, %exp3A : vector<16xf32>
      %div3A = arith.constant 1.000000e+00 : f32
      %div3A_990 = vector.broadcast %div3A : f32 to vector<16xf32>
      %div3A_991 = arith.divf %div3A_990, %add3A_989 : vector<16xf32>
      %swap3A = arith.index_cast %add3A_578 : i32 to index
      %swap3A_992 = tpu.vector_load %arg14[%swap3A] {strides = array<i32>} : memref<512xf32, #tpu.memory_space<vmem>>, vector<16xf32>,
      tpu.vector_store %arg14[%swap3A], %div3A_991 {strides = array<i32>} : memref<512xf32, #tpu.memory_space<vmem>>, vector<16xf32>,
    }
    %scan3A_473 = arith.constant 8 : i32
    %dma_start3A_474 = arith.constant 3 : i32
    %dma_start3A_475 = arith.constant 1 : i32
    %dma_start3A_476 = arith.constant 0 : i32
    %dma_start3A_477 = arith.constant 0 : i32
    %dma_start3A_478 = tpu.memref_slice %arg12[%dma_start3A_475, %dma_start3A_476, %dma_start3A_477] : memref<2x128x128xf32, #tpu.memory_space<vmem>> -> memref<1x128x128xf32, #tpu.memory_space<vmem>>
    %dma_start3A_479 = tpu.memref_squeeze %dma_start3A_478 : memref<1x128x128xf32, #tpu.memory_space<vmem>> -> memref<128x128xf32, #tpu.memory_space<vmem>>
    %dma_start3A_480 = arith.constant 0 : i32
    %dma_start3A_481 = tpu.memref_slice %arg10[%dma_start3A_474, %dma_start3A_480] : memref<4x128xi32, #tpu.memory_space<vmem>> -> memref<1x128xi32, #tpu.memory_space<vmem>>
    %dma_start3A_482 = tpu.memref_squeeze %dma_start3A_481 : memref<1x128xi32, #tpu.memory_space<vmem>> -> memref<128xi32, #tpu.memory_space<vmem>>
    %dma_start3A_483 = arith.constant 0 : i32
    %dma_start3A_484 = arith.constant 0 : i32
    %dma_start3A_485 = tpu.memref_slice %arg4[%dma_start3A_483, %dma_start3A_484] : memref<250112x128xf32, #tpu.memory_space<hbm>> -> memref<250112x128xf32, #tpu.memory_space<hbm>>
    tpu.enqueue_indirect_dma source(%dma_start3A_485 : memref<250112x128xf32, #tpu.memory_space<hbm>>) target(%dma_start3A_479 : memref<128x128xf32, #tpu.memory_space<vmem>>) offsets(%dma_start3A_482 : memref<128xi32, #tpu.memory_space<vmem>>) semaphore(%arg17 : memref<!tpu.dma_semaphore, #tpu.memory_space<semaphore_mem>>)
    %dma_start3A_486 = arith.constant 3 : i32
    %dma_start3A_487 = arith.constant 1 : i32
    %dma_start3A_488 = arith.constant 0 : i32
    %dma_start3A_489 = arith.constant 0 : i32
    %dma_start3A_490 = tpu.memref_slice %arg13[%dma_start3A_487, %dma_start3A_488, %dma_start3A_489] : memref<2x128x128xf32, #tpu.memory_space<vmem>> -> memref<1x128x128xf32, #tpu.memory_space<vmem>>
    %dma_start3A_491 = tpu.memref_squeeze %dma_start3A_490 : memref<1x128x128xf32, #tpu.memory_space<vmem>> -> memref<128x128xf32, #tpu.memory_space<vmem>>
    %dma_start3A_492 = arith.constant 0 : i32
    %dma_start3A_493 = tpu.memref_slice %arg11[%dma_start3A_486, %dma_start3A_492] : memref<4x128xi32, #tpu.memory_space<vmem>> -> memref<1x128xi32, #tpu.memory_space<vmem>>
    %dma_start3A_494 = tpu.memref_squeeze %dma_start3A_493 : memref<1x128xi32, #tpu.memory_space<vmem>> -> memref<128xi32, #tpu.memory_space<vmem>>
    %dma_start3A_495 = arith.constant 0 : i32
    %dma_start3A_496 = arith.constant 0 : i32
    %dma_start3A_497 = tpu.memref_slice %arg5[%dma_start3A_495, %dma_start3A_496] : memref<250112x128xf32, #tpu.memory_space<hbm>> -> memref<250112x128xf32, #tpu.memory_space<hbm>>
    tpu.enqueue_indirect_dma source(%dma_start3A_497 : memref<250112x128xf32, #tpu.memory_space<hbm>>) target(%dma_start3A_491 : memref<128x128xf32, #tpu.memory_space<vmem>>) offsets(%dma_start3A_494 : memref<128xi32, #tpu.memory_space<vmem>>) semaphore(%arg17 : memref<!tpu.dma_semaphore, #tpu.memory_space<semaphore_mem>>)
    %dma_wait3A_498 = arith.constant 0 : i32
    %dma_wait3A_499 = arith.constant 0 : i32
    %dma_wait3A_500 = arith.constant 0 : i32
    %dma_wait3A_501 = tpu.memref_slice %arg12[%dma_wait3A_498, %dma_wait3A_499, %dma_wait3A_500] : memref<2x128x128xf32, #tpu.memory_space<vmem>> -> memref<1x128x128xf32, #tpu.memory_space<vmem>>
    %dma_wait3A_502 = tpu.memref_squeeze %dma_wait3A_501 : memref<1x128x128xf32, #tpu.memory_space<vmem>> -> memref<128x128xf32, #tpu.memory_space<vmem>>
    %dma_wait3A_503 = arith.constant 0 : i32
    %dma_wait3A_504 = arith.constant 0 : i32
    %dma_wait3A_505 = tpu.memref_slice %arg4[%dma_wait3A_503, %dma_wait3A_504] : memref<250112x128xf32, #tpu.memory_space<hbm>> -> memref<128x128xf32, #tpu.memory_space<hbm>>
    %dma_wait3A_506 = arith.constant 0 : i32
    %dma_wait3A_507 = arith.constant 0 : i32
    %dma_wait3A_508 = tpu.memref_slice %arg12[%dma_wait3A_498, %dma_wait3A_506, %dma_wait3A_507] : memref<2x128x128xf32, #tpu.memory_space<vmem>> -> memref<1x128x128xf32, #tpu.memory_space<vmem>>
    %dma_wait3A_509 = tpu.memref_squeeze %dma_wait3A_508 : memref<1x128x128xf32, #tpu.memory_space<vmem>> -> memref<128x128xf32, #tpu.memory_space<vmem>>
    %dma_wait3A_510 = arith.constant 0 : i32
    %dma_wait3A_511 = arith.constant 0 : i32
    %dma_wait3A_512 = tpu.memref_slice %arg4[%dma_wait3A_510, %dma_wait3A_511] : memref<250112x128xf32, #tpu.memory_space<hbm>> -> memref<128x128xf32, #tpu.memory_space<hbm>>
    tpu.wait_dma2 semaphore(%arg16 : memref<!tpu.dma_semaphore, #tpu.memory_space<semaphore_mem>>) src(%dma_wait3A_512 : memref<128x128xf32, #tpu.memory_space<hbm>>) dst(%dma_wait3A_509 : memref<128x128xf32, #tpu.memory_space<vmem>>)
    %dma_wait3A_513 = arith.constant 0 : i32
    %dma_wait3A_514 = arith.constant 0 : i32
    %dma_wait3A_515 = arith.constant 0 : i32
    %dma_wait3A_516 = tpu.memref_slice %arg13[%dma_wait3A_513, %dma_wait3A_514, %dma_wait3A_515] : memref<2x128x128xf32, #tpu.memory_space<vmem>> -> memref<1x128x128xf32, #tpu.memory_space<vmem>>
    %dma_wait3A_517 = tpu.memref_squeeze %dma_wait3A_516 : memref<1x128x128xf32, #tpu.memory_space<vmem>> -> memref<128x128xf32, #tpu.memory_space<vmem>>
    %dma_wait3A_518 = arith.constant 0 : i32
    %dma_wait3A_519 = arith.constant 0 : i32
    %dma_wait3A_520 = tpu.memref_slice %arg5[%dma_wait3A_518, %dma_wait3A_519] : memref<250112x128xf32, #tpu.memory_space<hbm>> -> memref<128x128xf32, #tpu.memory_space<hbm>>
    %dma_wait3A_521 = arith.constant 0 : i32
    %dma_wait3A_522 = arith.constant 0 : i32
    %dma_wait3A_523 = tpu.memref_slice %arg13[%dma_wait3A_513, %dma_wait3A_521, %dma_wait3A_522] : memref<2x128x128xf32, #tpu.memory_space<vmem>> -> memref<1x128x128xf32, #tpu.memory_space<vmem>>
    %dma_wait3A_524 = tpu.memref_squeeze %dma_wait3A_523 : memref<1x128x128xf32, #tpu.memory_space<vmem>> -> memref<128x128xf32, #tpu.memory_space<vmem>>
    %dma_wait3A_525 = arith.constant 0 : i32
    %dma_wait3A_526 = arith.constant 0 : i32
    %dma_wait3A_527 = tpu.memref_slice %arg5[%dma_wait3A_525, %dma_wait3A_526] : memref<250112x128xf32, #tpu.memory_space<hbm>> -> memref<128x128xf32, #tpu.memory_space<hbm>>
    tpu.wait_dma2 semaphore(%arg16 : memref<!tpu.dma_semaphore, #tpu.memory_space<semaphore_mem>>) src(%dma_wait3A_527 : memref<128x128xf32, #tpu.memory_space<hbm>>) dst(%dma_wait3A_524 : memref<128x128xf32, #tpu.memory_space<vmem>>)
    %broadcast_in_dim3A_528 = arith.constant 0 : i32
    %broadcast_in_dim3A_529 = vector.broadcast %broadcast_in_dim3A_528 : i32 to vector<16xi32>
    %scan3A_530 = arith.constant 0 : i32
    %scan3A_531 = arith.constant 0 : i32
    %scan3A_532 = arith.constant 8 : i32
    %scan3A_533 = arith.addi %scan3A_531, %scan3A_532 : i32
    %scan3A_534 = arith.constant 1 : i32
    scf.for %scan3A_574 = %scan3A_531 to %scan3A_533 step %scan3A_534  : i32 {
      %mul3A_575 = arith.constant 16 : i32
      %mul3A_576 = arith.muli %scan3A_574, %mul3A_575 : i32
      %add3A_577 = arith.constant 256 : i32
      %add3A_578 = arith.addi %add3A_577, %mul3A_576 : i32
      %get3A_579 = arith.index_cast %add3A_578 : i32 to index
      %get3A_580 = tpu.vector_load %arg8[%get3A_579] {strides = array<i32>} : memref<512xi32, #tpu.memory_space<vmem>>, vector<16xi32>,
      %get3A_581 = arith.index_cast %add3A_578 : i32 to index
      %get3A_582 = tpu.vector_load %arg9[%get3A_581] {strides = array<i32>} : memref<512xi32, #tpu.memory_space<vmem>>, vector<16xi32>,
      %shift_right_arithmetic3A = arith.constant 7 : i32
      %shift_right_arithmetic3A_583 = vector.broadcast %shift_right_arithmetic3A : i32 to vector<16xi32>
      %shift_right_arithmetic3A_584 = arith.shrsi %get3A_580, %shift_right_arithmetic3A_583 : vector<16xi32>
      %and3A = arith.constant 3 : i32
      %and3A_585 = vector.broadcast %and3A : i32 to vector<16xi32>
      %and3A_586 = arith.andi %shift_right_arithmetic3A_584, %and3A_585 : vector<16xi32>
      %shift_left3A = arith.constant 5 : i32
      %shift_left3A_587 = vector.broadcast %shift_left3A : i32 to vector<16xi32>
      %shift_left3A_588 = arith.shli %and3A_586, %shift_left3A_587 : vector<16xi32>
      %shift_right_arithmetic3A_589 = arith.constant 7 : i32
      %shift_right_arithmetic3A_590 = vector.broadcast %shift_right_arithmetic3A_589 : i32 to vector<16xi32>
      %shift_right_arithmetic3A_591 = arith.shrsi %get3A_582, %shift_right_arithmetic3A_590 : vector<16xi32>
      %and3A_592 = arith.constant 3 : i32
      %and3A_593 = vector.broadcast %and3A_592 : i32 to vector<16xi32>
      %and3A_594 = arith.andi %shift_right_arithmetic3A_591, %and3A_593 : vector<16xi32>
      %shift_left3A_595 = arith.constant 5 : i32
      %shift_left3A_596 = vector.broadcast %shift_left3A_595 : i32 to vector<16xi32>
      %shift_left3A_597 = arith.shli %and3A_594, %shift_left3A_596 : vector<16xi32>
      %mul3A_598 = arith.constant 16 : i32
      %mul3A_599 = arith.muli %scan3A_574, %mul3A_598 : i32
      %add3A_600 = vector.broadcast %mul3A_599 : i32 to vector<16xi32>
      %add3A_601 = arith.addi %add3A_600, %iota3A : vector<16xi32>
      %add3A_602 = arith.constant 0 : i32
      %add3A_603 = vector.broadcast %add3A_602 : i32 to vector<16xi32>
      %add3A_604 = arith.addi %shift_left3A_588, %add3A_603 : vector<16xi32>
      %gather3A = tpu.vector_load_idx %arg12[%broadcast_in_dim3A_529, %add3A_601, %add3A_604] : memref<2x128x128xf32, #tpu.memory_space<vmem>>[vector<16xi32>, vector<16xi32>, vector<16xi32>], vector<16xf32>,
      %add3A_605 = arith.constant 0 : i32
      %add3A_606 = vector.broadcast %add3A_605 : i32 to vector<16xi32>
      %add3A_607 = arith.addi %shift_left3A_597, %add3A_606 : vector<16xi32>
      %gather3A_608 = tpu.vector_load_idx %arg13[%broadcast_in_dim3A_529, %add3A_601, %add3A_607] : memref<2x128x128xf32, #tpu.memory_space<vmem>>[vector<16xi32>, vector<16xi32>, vector<16xi32>], vector<16xf32>,
      %mul3A_609 = arith.mulf %gather3A, %gather3A_608 : vector<16xf32>
      %mul3A_610 = vector.broadcast %reduce_max3A_17 : f32 to vector<16xf32>
      %mul3A_611 = arith.mulf %mul3A_609, %mul3A_610 : vector<16xf32>
      %add3A_612 = arith.addf %get3A_12, %mul3A_611 : vector<16xf32>
      %add3A_613 = arith.constant 1 : i32
      %add3A_614 = vector.broadcast %add3A_613 : i32 to vector<16xi32>
      %add3A_615 = arith.addi %shift_left3A_588, %add3A_614 : vector<16xi32>
      %gather3A_616 = tpu.vector_load_idx %arg12[%broadcast_in_dim3A_529, %add3A_601, %add3A_615] : memref<2x128x128xf32, #tpu.memory_space<vmem>>[vector<16xi32>, vector<16xi32>, vector<16xi32>], vector<16xf32>,
      %add3A_617 = arith.constant 1 : i32
      %add3A_618 = vector.broadcast %add3A_617 : i32 to vector<16xi32>
      %add3A_619 = arith.addi %shift_left3A_597, %add3A_618 : vector<16xi32>
      %gather3A_620 = tpu.vector_load_idx %arg13[%broadcast_in_dim3A_529, %add3A_601, %add3A_619] : memref<2x128x128xf32, #tpu.memory_space<vmem>>[vector<16xi32>, vector<16xi32>, vector<16xi32>], vector<16xf32>,
      %mul3A_621 = arith.mulf %gather3A_616, %gather3A_620 : vector<16xf32>
      %mul3A_622 = vector.broadcast %reduce_max3A_27 : f32 to vector<16xf32>
      %mul3A_623 = arith.mulf %mul3A_621, %mul3A_622 : vector<16xf32>
      %add3A_624 = arith.addf %add3A_612, %mul3A_623 : vector<16xf32>
      %add3A_625 = arith.constant 2 : i32
      %add3A_626 = vector.broadcast %add3A_625 : i32 to vector<16xi32>
      %add3A_627 = arith.addi %shift_left3A_588, %add3A_626 : vector<16xi32>
      %gather3A_628 = tpu.vector_load_idx %arg12[%broadcast_in_dim3A_529, %add3A_601, %add3A_627] : memref<2x128x128xf32, #tpu.memory_space<vmem>>[vector<16xi32>, vector<16xi32>, vector<16xi32>], vector<16xf32>,
      %add3A_629 = arith.constant 2 : i32
      %add3A_630 = vector.broadcast %add3A_629 : i32 to vector<16xi32>
      %add3A_631 = arith.addi %shift_left3A_597, %add3A_630 : vector<16xi32>
      %gather3A_632 = tpu.vector_load_idx %arg13[%broadcast_in_dim3A_529, %add3A_601, %add3A_631] : memref<2x128x128xf32, #tpu.memory_space<vmem>>[vector<16xi32>, vector<16xi32>, vector<16xi32>], vector<16xf32>,
      %mul3A_633 = arith.mulf %gather3A_628, %gather3A_632 : vector<16xf32>
      %mul3A_634 = vector.broadcast %reduce_max3A_37 : f32 to vector<16xf32>
      %mul3A_635 = arith.mulf %mul3A_633, %mul3A_634 : vector<16xf32>
      %add3A_636 = arith.addf %add3A_624, %mul3A_635 : vector<16xf32>
      %add3A_637 = arith.constant 3 : i32
      %add3A_638 = vector.broadcast %add3A_637 : i32 to vector<16xi32>
      %add3A_639 = arith.addi %shift_left3A_588, %add3A_638 : vector<16xi32>
      %gather3A_640 = tpu.vector_load_idx %arg12[%broadcast_in_dim3A_529, %add3A_601, %add3A_639] : memref<2x128x128xf32, #tpu.memory_space<vmem>>[vector<16xi32>, vector<16xi32>, vector<16xi32>], vector<16xf32>,
      %add3A_641 = arith.constant 3 : i32
      %add3A_642 = vector.broadcast %add3A_641 : i32 to vector<16xi32>
      %add3A_643 = arith.addi %shift_left3A_597, %add3A_642 : vector<16xi32>
      %gather3A_644 = tpu.vector_load_idx %arg13[%broadcast_in_dim3A_529, %add3A_601, %add3A_643] : memref<2x128x128xf32, #tpu.memory_space<vmem>>[vector<16xi32>, vector<16xi32>, vector<16xi32>], vector<16xf32>,
      %mul3A_645 = arith.mulf %gather3A_640, %gather3A_644 : vector<16xf32>
      %mul3A_646 = vector.broadcast %reduce_max3A_47 : f32 to vector<16xf32>
      %mul3A_647 = arith.mulf %mul3A_645, %mul3A_646 : vector<16xf32>
      %add3A_648 = arith.addf %add3A_636, %mul3A_647 : vector<16xf32>
      %add3A_649 = arith.constant 4 : i32
      %add3A_650 = vector.broadcast %add3A_649 : i32 to vector<16xi32>
      %add3A_651 = arith.addi %shift_left3A_588, %add3A_650 : vector<16xi32>
      %gather3A_652 = tpu.vector_load_idx %arg12[%broadcast_in_dim3A_529, %add3A_601, %add3A_651] : memref<2x128x128xf32, #tpu.memory_space<vmem>>[vector<16xi32>, vector<16xi32>, vector<16xi32>], vector<16xf32>,
      %add3A_653 = arith.constant 4 : i32
      %add3A_654 = vector.broadcast %add3A_653 : i32 to vector<16xi32>
      %add3A_655 = arith.addi %shift_left3A_597, %add3A_654 : vector<16xi32>
      %gather3A_656 = tpu.vector_load_idx %arg13[%broadcast_in_dim3A_529, %add3A_601, %add3A_655] : memref<2x128x128xf32, #tpu.memory_space<vmem>>[vector<16xi32>, vector<16xi32>, vector<16xi32>], vector<16xf32>,
      %mul3A_657 = arith.mulf %gather3A_652, %gather3A_656 : vector<16xf32>
      %mul3A_658 = vector.broadcast %reduce_max3A_57 : f32 to vector<16xf32>
      %mul3A_659 = arith.mulf %mul3A_657, %mul3A_658 : vector<16xf32>
      %add3A_660 = arith.addf %add3A_648, %mul3A_659 : vector<16xf32>
      %add3A_661 = arith.constant 5 : i32
      %add3A_662 = vector.broadcast %add3A_661 : i32 to vector<16xi32>
      %add3A_663 = arith.addi %shift_left3A_588, %add3A_662 : vector<16xi32>
      %gather3A_664 = tpu.vector_load_idx %arg12[%broadcast_in_dim3A_529, %add3A_601, %add3A_663] : memref<2x128x128xf32, #tpu.memory_space<vmem>>[vector<16xi32>, vector<16xi32>, vector<16xi32>], vector<16xf32>,
      %add3A_665 = arith.constant 5 : i32
      %add3A_666 = vector.broadcast %add3A_665 : i32 to vector<16xi32>
      %add3A_667 = arith.addi %shift_left3A_597, %add3A_666 : vector<16xi32>
      %gather3A_668 = tpu.vector_load_idx %arg13[%broadcast_in_dim3A_529, %add3A_601, %add3A_667] : memref<2x128x128xf32, #tpu.memory_space<vmem>>[vector<16xi32>, vector<16xi32>, vector<16xi32>], vector<16xf32>,
      %mul3A_669 = arith.mulf %gather3A_664, %gather3A_668 : vector<16xf32>
      %mul3A_670 = vector.broadcast %reduce_max3A_67 : f32 to vector<16xf32>
      %mul3A_671 = arith.mulf %mul3A_669, %mul3A_670 : vector<16xf32>
      %add3A_672 = arith.addf %add3A_660, %mul3A_671 : vector<16xf32>
      %add3A_673 = arith.constant 6 : i32
      %add3A_674 = vector.broadcast %add3A_673 : i32 to vector<16xi32>
      %add3A_675 = arith.addi %shift_left3A_588, %add3A_674 : vector<16xi32>
      %gather3A_676 = tpu.vector_load_idx %arg12[%broadcast_in_dim3A_529, %add3A_601, %add3A_675] : memref<2x128x128xf32, #tpu.memory_space<vmem>>[vector<16xi32>, vector<16xi32>, vector<16xi32>], vector<16xf32>,
      %add3A_677 = arith.constant 6 : i32
      %add3A_678 = vector.broadcast %add3A_677 : i32 to vector<16xi32>
      %add3A_679 = arith.addi %shift_left3A_597, %add3A_678 : vector<16xi32>
      %gather3A_680 = tpu.vector_load_idx %arg13[%broadcast_in_dim3A_529, %add3A_601, %add3A_679] : memref<2x128x128xf32, #tpu.memory_space<vmem>>[vector<16xi32>, vector<16xi32>, vector<16xi32>], vector<16xf32>,
      %mul3A_681 = arith.mulf %gather3A_676, %gather3A_680 : vector<16xf32>
      %mul3A_682 = vector.broadcast %reduce_max3A_77 : f32 to vector<16xf32>
      %mul3A_683 = arith.mulf %mul3A_681, %mul3A_682 : vector<16xf32>
      %add3A_684 = arith.addf %add3A_672, %mul3A_683 : vector<16xf32>
      %add3A_685 = arith.constant 7 : i32
      %add3A_686 = vector.broadcast %add3A_685 : i32 to vector<16xi32>
      %add3A_687 = arith.addi %shift_left3A_588, %add3A_686 : vector<16xi32>
      %gather3A_688 = tpu.vector_load_idx %arg12[%broadcast_in_dim3A_529, %add3A_601, %add3A_687] : memref<2x128x128xf32, #tpu.memory_space<vmem>>[vector<16xi32>, vector<16xi32>, vector<16xi32>], vector<16xf32>,
      %add3A_689 = arith.constant 7 : i32
      %add3A_690 = vector.broadcast %add3A_689 : i32 to vector<16xi32>
      %add3A_691 = arith.addi %shift_left3A_597, %add3A_690 : vector<16xi32>
      %gather3A_692 = tpu.vector_load_idx %arg13[%broadcast_in_dim3A_529, %add3A_601, %add3A_691] : memref<2x128x128xf32, #tpu.memory_space<vmem>>[vector<16xi32>, vector<16xi32>, vector<16xi32>], vector<16xf32>,
      %mul3A_693 = arith.mulf %gather3A_688, %gather3A_692 : vector<16xf32>
      %mul3A_694 = vector.broadcast %reduce_max3A_87 : f32 to vector<16xf32>
      %mul3A_695 = arith.mulf %mul3A_693, %mul3A_694 : vector<16xf32>
      %add3A_696 = arith.addf %add3A_684, %mul3A_695 : vector<16xf32>
      %add3A_697 = arith.constant 8 : i32
      %add3A_698 = vector.broadcast %add3A_697 : i32 to vector<16xi32>
      %add3A_699 = arith.addi %shift_left3A_588, %add3A_698 : vector<16xi32>
      %gather3A_700 = tpu.vector_load_idx %arg12[%broadcast_in_dim3A_529, %add3A_601, %add3A_699] : memref<2x128x128xf32, #tpu.memory_space<vmem>>[vector<16xi32>, vector<16xi32>, vector<16xi32>], vector<16xf32>,
      %add3A_701 = arith.constant 8 : i32
      %add3A_702 = vector.broadcast %add3A_701 : i32 to vector<16xi32>
      %add3A_703 = arith.addi %shift_left3A_597, %add3A_702 : vector<16xi32>
      %gather3A_704 = tpu.vector_load_idx %arg13[%broadcast_in_dim3A_529, %add3A_601, %add3A_703] : memref<2x128x128xf32, #tpu.memory_space<vmem>>[vector<16xi32>, vector<16xi32>, vector<16xi32>], vector<16xf32>,
      %mul3A_705 = arith.mulf %gather3A_700, %gather3A_704 : vector<16xf32>
      %mul3A_706 = vector.broadcast %reduce_max3A_97 : f32 to vector<16xf32>
      %mul3A_707 = arith.mulf %mul3A_705, %mul3A_706 : vector<16xf32>
      %add3A_708 = arith.addf %add3A_696, %mul3A_707 : vector<16xf32>
      %add3A_709 = arith.constant 9 : i32
      %add3A_710 = vector.broadcast %add3A_709 : i32 to vector<16xi32>
      %add3A_711 = arith.addi %shift_left3A_588, %add3A_710 : vector<16xi32>
      %gather3A_712 = tpu.vector_load_idx %arg12[%broadcast_in_dim3A_529, %add3A_601, %add3A_711] : memref<2x128x128xf32, #tpu.memory_space<vmem>>[vector<16xi32>, vector<16xi32>, vector<16xi32>], vector<16xf32>,
      %add3A_713 = arith.constant 9 : i32
      %add3A_714 = vector.broadcast %add3A_713 : i32 to vector<16xi32>
      %add3A_715 = arith.addi %shift_left3A_597, %add3A_714 : vector<16xi32>
      %gather3A_716 = tpu.vector_load_idx %arg13[%broadcast_in_dim3A_529, %add3A_601, %add3A_715] : memref<2x128x128xf32, #tpu.memory_space<vmem>>[vector<16xi32>, vector<16xi32>, vector<16xi32>], vector<16xf32>,
      %mul3A_717 = arith.mulf %gather3A_712, %gather3A_716 : vector<16xf32>
      %mul3A_718 = vector.broadcast %reduce_max3A_107 : f32 to vector<16xf32>
      %mul3A_719 = arith.mulf %mul3A_717, %mul3A_718 : vector<16xf32>
      %add3A_720 = arith.addf %add3A_708, %mul3A_719 : vector<16xf32>
      %add3A_721 = arith.constant 10 : i32
      %add3A_722 = vector.broadcast %add3A_721 : i32 to vector<16xi32>
      %add3A_723 = arith.addi %shift_left3A_588, %add3A_722 : vector<16xi32>
      %gather3A_724 = tpu.vector_load_idx %arg12[%broadcast_in_dim3A_529, %add3A_601, %add3A_723] : memref<2x128x128xf32, #tpu.memory_space<vmem>>[vector<16xi32>, vector<16xi32>, vector<16xi32>], vector<16xf32>,
      %add3A_725 = arith.constant 10 : i32
      %add3A_726 = vector.broadcast %add3A_725 : i32 to vector<16xi32>
      %add3A_727 = arith.addi %shift_left3A_597, %add3A_726 : vector<16xi32>
      %gather3A_728 = tpu.vector_load_idx %arg13[%broadcast_in_dim3A_529, %add3A_601, %add3A_727] : memref<2x128x128xf32, #tpu.memory_space<vmem>>[vector<16xi32>, vector<16xi32>, vector<16xi32>], vector<16xf32>,
      %mul3A_729 = arith.mulf %gather3A_724, %gather3A_728 : vector<16xf32>
      %mul3A_730 = vector.broadcast %reduce_max3A_117 : f32 to vector<16xf32>
      %mul3A_731 = arith.mulf %mul3A_729, %mul3A_730 : vector<16xf32>
      %add3A_732 = arith.addf %add3A_720, %mul3A_731 : vector<16xf32>
      %add3A_733 = arith.constant 11 : i32
      %add3A_734 = vector.broadcast %add3A_733 : i32 to vector<16xi32>
      %add3A_735 = arith.addi %shift_left3A_588, %add3A_734 : vector<16xi32>
      %gather3A_736 = tpu.vector_load_idx %arg12[%broadcast_in_dim3A_529, %add3A_601, %add3A_735] : memref<2x128x128xf32, #tpu.memory_space<vmem>>[vector<16xi32>, vector<16xi32>, vector<16xi32>], vector<16xf32>,
      %add3A_737 = arith.constant 11 : i32
      %add3A_738 = vector.broadcast %add3A_737 : i32 to vector<16xi32>
      %add3A_739 = arith.addi %shift_left3A_597, %add3A_738 : vector<16xi32>
      %gather3A_740 = tpu.vector_load_idx %arg13[%broadcast_in_dim3A_529, %add3A_601, %add3A_739] : memref<2x128x128xf32, #tpu.memory_space<vmem>>[vector<16xi32>, vector<16xi32>, vector<16xi32>], vector<16xf32>,
      %mul3A_741 = arith.mulf %gather3A_736, %gather3A_740 : vector<16xf32>
      %mul3A_742 = vector.broadcast %reduce_max3A_127 : f32 to vector<16xf32>
      %mul3A_743 = arith.mulf %mul3A_741, %mul3A_742 : vector<16xf32>
      %add3A_744 = arith.addf %add3A_732, %mul3A_743 : vector<16xf32>
      %add3A_745 = arith.constant 12 : i32
      %add3A_746 = vector.broadcast %add3A_745 : i32 to vector<16xi32>
      %add3A_747 = arith.addi %shift_left3A_588, %add3A_746 : vector<16xi32>
      %gather3A_748 = tpu.vector_load_idx %arg12[%broadcast_in_dim3A_529, %add3A_601, %add3A_747] : memref<2x128x128xf32, #tpu.memory_space<vmem>>[vector<16xi32>, vector<16xi32>, vector<16xi32>], vector<16xf32>,
      %add3A_749 = arith.constant 12 : i32
      %add3A_750 = vector.broadcast %add3A_749 : i32 to vector<16xi32>
      %add3A_751 = arith.addi %shift_left3A_597, %add3A_750 : vector<16xi32>
      %gather3A_752 = tpu.vector_load_idx %arg13[%broadcast_in_dim3A_529, %add3A_601, %add3A_751] : memref<2x128x128xf32, #tpu.memory_space<vmem>>[vector<16xi32>, vector<16xi32>, vector<16xi32>], vector<16xf32>,
      %mul3A_753 = arith.mulf %gather3A_748, %gather3A_752 : vector<16xf32>
      %mul3A_754 = vector.broadcast %reduce_max3A_137 : f32 to vector<16xf32>
      %mul3A_755 = arith.mulf %mul3A_753, %mul3A_754 : vector<16xf32>
      %add3A_756 = arith.addf %add3A_744, %mul3A_755 : vector<16xf32>
      %add3A_757 = arith.constant 13 : i32
      %add3A_758 = vector.broadcast %add3A_757 : i32 to vector<16xi32>
      %add3A_759 = arith.addi %shift_left3A_588, %add3A_758 : vector<16xi32>
      %gather3A_760 = tpu.vector_load_idx %arg12[%broadcast_in_dim3A_529, %add3A_601, %add3A_759] : memref<2x128x128xf32, #tpu.memory_space<vmem>>[vector<16xi32>, vector<16xi32>, vector<16xi32>], vector<16xf32>,
      %add3A_761 = arith.constant 13 : i32
      %add3A_762 = vector.broadcast %add3A_761 : i32 to vector<16xi32>
      %add3A_763 = arith.addi %shift_left3A_597, %add3A_762 : vector<16xi32>
      %gather3A_764 = tpu.vector_load_idx %arg13[%broadcast_in_dim3A_529, %add3A_601, %add3A_763] : memref<2x128x128xf32, #tpu.memory_space<vmem>>[vector<16xi32>, vector<16xi32>, vector<16xi32>], vector<16xf32>,
      %mul3A_765 = arith.mulf %gather3A_760, %gather3A_764 : vector<16xf32>
      %mul3A_766 = vector.broadcast %reduce_max3A_147 : f32 to vector<16xf32>
      %mul3A_767 = arith.mulf %mul3A_765, %mul3A_766 : vector<16xf32>
      %add3A_768 = arith.addf %add3A_756, %mul3A_767 : vector<16xf32>
      %add3A_769 = arith.constant 14 : i32
      %add3A_770 = vector.broadcast %add3A_769 : i32 to vector<16xi32>
      %add3A_771 = arith.addi %shift_left3A_588, %add3A_770 : vector<16xi32>
      %gather3A_772 = tpu.vector_load_idx %arg12[%broadcast_in_dim3A_529, %add3A_601, %add3A_771] : memref<2x128x128xf32, #tpu.memory_space<vmem>>[vector<16xi32>, vector<16xi32>, vector<16xi32>], vector<16xf32>,
      %add3A_773 = arith.constant 14 : i32
      %add3A_774 = vector.broadcast %add3A_773 : i32 to vector<16xi32>
      %add3A_775 = arith.addi %shift_left3A_597, %add3A_774 : vector<16xi32>
      %gather3A_776 = tpu.vector_load_idx %arg13[%broadcast_in_dim3A_529, %add3A_601, %add3A_775] : memref<2x128x128xf32, #tpu.memory_space<vmem>>[vector<16xi32>, vector<16xi32>, vector<16xi32>], vector<16xf32>,
      %mul3A_777 = arith.mulf %gather3A_772, %gather3A_776 : vector<16xf32>
      %mul3A_778 = vector.broadcast %reduce_max3A_157 : f32 to vector<16xf32>
      %mul3A_779 = arith.mulf %mul3A_777, %mul3A_778 : vector<16xf32>
      %add3A_780 = arith.addf %add3A_768, %mul3A_779 : vector<16xf32>
      %add3A_781 = arith.constant 15 : i32
      %add3A_782 = vector.broadcast %add3A_781 : i32 to vector<16xi32>
      %add3A_783 = arith.addi %shift_left3A_588, %add3A_782 : vector<16xi32>
      %gather3A_784 = tpu.vector_load_idx %arg12[%broadcast_in_dim3A_529, %add3A_601, %add3A_783] : memref<2x128x128xf32, #tpu.memory_space<vmem>>[vector<16xi32>, vector<16xi32>, vector<16xi32>], vector<16xf32>,
      %add3A_785 = arith.constant 15 : i32
      %add3A_786 = vector.broadcast %add3A_785 : i32 to vector<16xi32>
      %add3A_787 = arith.addi %shift_left3A_597, %add3A_786 : vector<16xi32>
      %gather3A_788 = tpu.vector_load_idx %arg13[%broadcast_in_dim3A_529, %add3A_601, %add3A_787] : memref<2x128x128xf32, #tpu.memory_space<vmem>>[vector<16xi32>, vector<16xi32>, vector<16xi32>], vector<16xf32>,
      %mul3A_789 = arith.mulf %gather3A_784, %gather3A_788 : vector<16xf32>
      %mul3A_790 = vector.broadcast %reduce_max3A_167 : f32 to vector<16xf32>
      %mul3A_791 = arith.mulf %mul3A_789, %mul3A_790 : vector<16xf32>
      %add3A_792 = arith.addf %add3A_780, %mul3A_791 : vector<16xf32>
      %add3A_793 = arith.constant 16 : i32
      %add3A_794 = vector.broadcast %add3A_793 : i32 to vector<16xi32>
      %add3A_795 = arith.addi %shift_left3A_588, %add3A_794 : vector<16xi32>
      %gather3A_796 = tpu.vector_load_idx %arg12[%broadcast_in_dim3A_529, %add3A_601, %add3A_795] : memref<2x128x128xf32, #tpu.memory_space<vmem>>[vector<16xi32>, vector<16xi32>, vector<16xi32>], vector<16xf32>,
      %add3A_797 = arith.constant 16 : i32
      %add3A_798 = vector.broadcast %add3A_797 : i32 to vector<16xi32>
      %add3A_799 = arith.addi %shift_left3A_597, %add3A_798 : vector<16xi32>
      %gather3A_800 = tpu.vector_load_idx %arg13[%broadcast_in_dim3A_529, %add3A_601, %add3A_799] : memref<2x128x128xf32, #tpu.memory_space<vmem>>[vector<16xi32>, vector<16xi32>, vector<16xi32>], vector<16xf32>,
      %mul3A_801 = arith.mulf %gather3A_796, %gather3A_800 : vector<16xf32>
      %mul3A_802 = vector.broadcast %reduce_max3A_177 : f32 to vector<16xf32>
      %mul3A_803 = arith.mulf %mul3A_801, %mul3A_802 : vector<16xf32>
      %add3A_804 = arith.addf %add3A_792, %mul3A_803 : vector<16xf32>
      %add3A_805 = arith.constant 17 : i32
      %add3A_806 = vector.broadcast %add3A_805 : i32 to vector<16xi32>
      %add3A_807 = arith.addi %shift_left3A_588, %add3A_806 : vector<16xi32>
      %gather3A_808 = tpu.vector_load_idx %arg12[%broadcast_in_dim3A_529, %add3A_601, %add3A_807] : memref<2x128x128xf32, #tpu.memory_space<vmem>>[vector<16xi32>, vector<16xi32>, vector<16xi32>], vector<16xf32>,
      %add3A_809 = arith.constant 17 : i32
      %add3A_810 = vector.broadcast %add3A_809 : i32 to vector<16xi32>
      %add3A_811 = arith.addi %shift_left3A_597, %add3A_810 : vector<16xi32>
      %gather3A_812 = tpu.vector_load_idx %arg13[%broadcast_in_dim3A_529, %add3A_601, %add3A_811] : memref<2x128x128xf32, #tpu.memory_space<vmem>>[vector<16xi32>, vector<16xi32>, vector<16xi32>], vector<16xf32>,
      %mul3A_813 = arith.mulf %gather3A_808, %gather3A_812 : vector<16xf32>
      %mul3A_814 = vector.broadcast %reduce_max3A_187 : f32 to vector<16xf32>
      %mul3A_815 = arith.mulf %mul3A_813, %mul3A_814 : vector<16xf32>
      %add3A_816 = arith.addf %add3A_804, %mul3A_815 : vector<16xf32>
      %add3A_817 = arith.constant 18 : i32
      %add3A_818 = vector.broadcast %add3A_817 : i32 to vector<16xi32>
      %add3A_819 = arith.addi %shift_left3A_588, %add3A_818 : vector<16xi32>
      %gather3A_820 = tpu.vector_load_idx %arg12[%broadcast_in_dim3A_529, %add3A_601, %add3A_819] : memref<2x128x128xf32, #tpu.memory_space<vmem>>[vector<16xi32>, vector<16xi32>, vector<16xi32>], vector<16xf32>,
      %add3A_821 = arith.constant 18 : i32
      %add3A_822 = vector.broadcast %add3A_821 : i32 to vector<16xi32>
      %add3A_823 = arith.addi %shift_left3A_597, %add3A_822 : vector<16xi32>
      %gather3A_824 = tpu.vector_load_idx %arg13[%broadcast_in_dim3A_529, %add3A_601, %add3A_823] : memref<2x128x128xf32, #tpu.memory_space<vmem>>[vector<16xi32>, vector<16xi32>, vector<16xi32>], vector<16xf32>,
      %mul3A_825 = arith.mulf %gather3A_820, %gather3A_824 : vector<16xf32>
      %mul3A_826 = vector.broadcast %reduce_max3A_197 : f32 to vector<16xf32>
      %mul3A_827 = arith.mulf %mul3A_825, %mul3A_826 : vector<16xf32>
      %add3A_828 = arith.addf %add3A_816, %mul3A_827 : vector<16xf32>
      %add3A_829 = arith.constant 19 : i32
      %add3A_830 = vector.broadcast %add3A_829 : i32 to vector<16xi32>
      %add3A_831 = arith.addi %shift_left3A_588, %add3A_830 : vector<16xi32>
      %gather3A_832 = tpu.vector_load_idx %arg12[%broadcast_in_dim3A_529, %add3A_601, %add3A_831] : memref<2x128x128xf32, #tpu.memory_space<vmem>>[vector<16xi32>, vector<16xi32>, vector<16xi32>], vector<16xf32>,
      %add3A_833 = arith.constant 19 : i32
      %add3A_834 = vector.broadcast %add3A_833 : i32 to vector<16xi32>
      %add3A_835 = arith.addi %shift_left3A_597, %add3A_834 : vector<16xi32>
      %gather3A_836 = tpu.vector_load_idx %arg13[%broadcast_in_dim3A_529, %add3A_601, %add3A_835] : memref<2x128x128xf32, #tpu.memory_space<vmem>>[vector<16xi32>, vector<16xi32>, vector<16xi32>], vector<16xf32>,
      %mul3A_837 = arith.mulf %gather3A_832, %gather3A_836 : vector<16xf32>
      %mul3A_838 = vector.broadcast %reduce_max3A_207 : f32 to vector<16xf32>
      %mul3A_839 = arith.mulf %mul3A_837, %mul3A_838 : vector<16xf32>
      %add3A_840 = arith.addf %add3A_828, %mul3A_839 : vector<16xf32>
      %add3A_841 = arith.constant 20 : i32
      %add3A_842 = vector.broadcast %add3A_841 : i32 to vector<16xi32>
      %add3A_843 = arith.addi %shift_left3A_588, %add3A_842 : vector<16xi32>
      %gather3A_844 = tpu.vector_load_idx %arg12[%broadcast_in_dim3A_529, %add3A_601, %add3A_843] : memref<2x128x128xf32, #tpu.memory_space<vmem>>[vector<16xi32>, vector<16xi32>, vector<16xi32>], vector<16xf32>,
      %add3A_845 = arith.constant 20 : i32
      %add3A_846 = vector.broadcast %add3A_845 : i32 to vector<16xi32>
      %add3A_847 = arith.addi %shift_left3A_597, %add3A_846 : vector<16xi32>
      %gather3A_848 = tpu.vector_load_idx %arg13[%broadcast_in_dim3A_529, %add3A_601, %add3A_847] : memref<2x128x128xf32, #tpu.memory_space<vmem>>[vector<16xi32>, vector<16xi32>, vector<16xi32>], vector<16xf32>,
      %mul3A_849 = arith.mulf %gather3A_844, %gather3A_848 : vector<16xf32>
      %mul3A_850 = vector.broadcast %reduce_max3A_217 : f32 to vector<16xf32>
      %mul3A_851 = arith.mulf %mul3A_849, %mul3A_850 : vector<16xf32>
      %add3A_852 = arith.addf %add3A_840, %mul3A_851 : vector<16xf32>
      %add3A_853 = arith.constant 21 : i32
      %add3A_854 = vector.broadcast %add3A_853 : i32 to vector<16xi32>
      %add3A_855 = arith.addi %shift_left3A_588, %add3A_854 : vector<16xi32>
      %gather3A_856 = tpu.vector_load_idx %arg12[%broadcast_in_dim3A_529, %add3A_601, %add3A_855] : memref<2x128x128xf32, #tpu.memory_space<vmem>>[vector<16xi32>, vector<16xi32>, vector<16xi32>], vector<16xf32>,
      %add3A_857 = arith.constant 21 : i32
      %add3A_858 = vector.broadcast %add3A_857 : i32 to vector<16xi32>
      %add3A_859 = arith.addi %shift_left3A_597, %add3A_858 : vector<16xi32>
      %gather3A_860 = tpu.vector_load_idx %arg13[%broadcast_in_dim3A_529, %add3A_601, %add3A_859] : memref<2x128x128xf32, #tpu.memory_space<vmem>>[vector<16xi32>, vector<16xi32>, vector<16xi32>], vector<16xf32>,
      %mul3A_861 = arith.mulf %gather3A_856, %gather3A_860 : vector<16xf32>
      %mul3A_862 = vector.broadcast %reduce_max3A_227 : f32 to vector<16xf32>
      %mul3A_863 = arith.mulf %mul3A_861, %mul3A_862 : vector<16xf32>
      %add3A_864 = arith.addf %add3A_852, %mul3A_863 : vector<16xf32>
      %add3A_865 = arith.constant 22 : i32
      %add3A_866 = vector.broadcast %add3A_865 : i32 to vector<16xi32>
      %add3A_867 = arith.addi %shift_left3A_588, %add3A_866 : vector<16xi32>
      %gather3A_868 = tpu.vector_load_idx %arg12[%broadcast_in_dim3A_529, %add3A_601, %add3A_867] : memref<2x128x128xf32, #tpu.memory_space<vmem>>[vector<16xi32>, vector<16xi32>, vector<16xi32>], vector<16xf32>,
      %add3A_869 = arith.constant 22 : i32
      %add3A_870 = vector.broadcast %add3A_869 : i32 to vector<16xi32>
      %add3A_871 = arith.addi %shift_left3A_597, %add3A_870 : vector<16xi32>
      %gather3A_872 = tpu.vector_load_idx %arg13[%broadcast_in_dim3A_529, %add3A_601, %add3A_871] : memref<2x128x128xf32, #tpu.memory_space<vmem>>[vector<16xi32>, vector<16xi32>, vector<16xi32>], vector<16xf32>,
      %mul3A_873 = arith.mulf %gather3A_868, %gather3A_872 : vector<16xf32>
      %mul3A_874 = vector.broadcast %reduce_max3A_237 : f32 to vector<16xf32>
      %mul3A_875 = arith.mulf %mul3A_873, %mul3A_874 : vector<16xf32>
      %add3A_876 = arith.addf %add3A_864, %mul3A_875 : vector<16xf32>
      %add3A_877 = arith.constant 23 : i32
      %add3A_878 = vector.broadcast %add3A_877 : i32 to vector<16xi32>
      %add3A_879 = arith.addi %shift_left3A_588, %add3A_878 : vector<16xi32>
      %gather3A_880 = tpu.vector_load_idx %arg12[%broadcast_in_dim3A_529, %add3A_601, %add3A_879] : memref<2x128x128xf32, #tpu.memory_space<vmem>>[vector<16xi32>, vector<16xi32>, vector<16xi32>], vector<16xf32>,
      %add3A_881 = arith.constant 23 : i32
      %add3A_882 = vector.broadcast %add3A_881 : i32 to vector<16xi32>
      %add3A_883 = arith.addi %shift_left3A_597, %add3A_882 : vector<16xi32>
      %gather3A_884 = tpu.vector_load_idx %arg13[%broadcast_in_dim3A_529, %add3A_601, %add3A_883] : memref<2x128x128xf32, #tpu.memory_space<vmem>>[vector<16xi32>, vector<16xi32>, vector<16xi32>], vector<16xf32>,
      %mul3A_885 = arith.mulf %gather3A_880, %gather3A_884 : vector<16xf32>
      %mul3A_886 = vector.broadcast %reduce_max3A_247 : f32 to vector<16xf32>
      %mul3A_887 = arith.mulf %mul3A_885, %mul3A_886 : vector<16xf32>
      %add3A_888 = arith.addf %add3A_876, %mul3A_887 : vector<16xf32>
      %add3A_889 = arith.constant 24 : i32
      %add3A_890 = vector.broadcast %add3A_889 : i32 to vector<16xi32>
      %add3A_891 = arith.addi %shift_left3A_588, %add3A_890 : vector<16xi32>
      %gather3A_892 = tpu.vector_load_idx %arg12[%broadcast_in_dim3A_529, %add3A_601, %add3A_891] : memref<2x128x128xf32, #tpu.memory_space<vmem>>[vector<16xi32>, vector<16xi32>, vector<16xi32>], vector<16xf32>,
      %add3A_893 = arith.constant 24 : i32
      %add3A_894 = vector.broadcast %add3A_893 : i32 to vector<16xi32>
      %add3A_895 = arith.addi %shift_left3A_597, %add3A_894 : vector<16xi32>
      %gather3A_896 = tpu.vector_load_idx %arg13[%broadcast_in_dim3A_529, %add3A_601, %add3A_895] : memref<2x128x128xf32, #tpu.memory_space<vmem>>[vector<16xi32>, vector<16xi32>, vector<16xi32>], vector<16xf32>,
      %mul3A_897 = arith.mulf %gather3A_892, %gather3A_896 : vector<16xf32>
      %mul3A_898 = vector.broadcast %reduce_max3A_257 : f32 to vector<16xf32>
      %mul3A_899 = arith.mulf %mul3A_897, %mul3A_898 : vector<16xf32>
      %add3A_900 = arith.addf %add3A_888, %mul3A_899 : vector<16xf32>
      %add3A_901 = arith.constant 25 : i32
      %add3A_902 = vector.broadcast %add3A_901 : i32 to vector<16xi32>
      %add3A_903 = arith.addi %shift_left3A_588, %add3A_902 : vector<16xi32>
      %gather3A_904 = tpu.vector_load_idx %arg12[%broadcast_in_dim3A_529, %add3A_601, %add3A_903] : memref<2x128x128xf32, #tpu.memory_space<vmem>>[vector<16xi32>, vector<16xi32>, vector<16xi32>], vector<16xf32>,
      %add3A_905 = arith.constant 25 : i32
      %add3A_906 = vector.broadcast %add3A_905 : i32 to vector<16xi32>
      %add3A_907 = arith.addi %shift_left3A_597, %add3A_906 : vector<16xi32>
      %gather3A_908 = tpu.vector_load_idx %arg13[%broadcast_in_dim3A_529, %add3A_601, %add3A_907] : memref<2x128x128xf32, #tpu.memory_space<vmem>>[vector<16xi32>, vector<16xi32>, vector<16xi32>], vector<16xf32>,
      %mul3A_909 = arith.mulf %gather3A_904, %gather3A_908 : vector<16xf32>
      %mul3A_910 = vector.broadcast %reduce_max3A_267 : f32 to vector<16xf32>
      %mul3A_911 = arith.mulf %mul3A_909, %mul3A_910 : vector<16xf32>
      %add3A_912 = arith.addf %add3A_900, %mul3A_911 : vector<16xf32>
      %add3A_913 = arith.constant 26 : i32
      %add3A_914 = vector.broadcast %add3A_913 : i32 to vector<16xi32>
      %add3A_915 = arith.addi %shift_left3A_588, %add3A_914 : vector<16xi32>
      %gather3A_916 = tpu.vector_load_idx %arg12[%broadcast_in_dim3A_529, %add3A_601, %add3A_915] : memref<2x128x128xf32, #tpu.memory_space<vmem>>[vector<16xi32>, vector<16xi32>, vector<16xi32>], vector<16xf32>,
      %add3A_917 = arith.constant 26 : i32
      %add3A_918 = vector.broadcast %add3A_917 : i32 to vector<16xi32>
      %add3A_919 = arith.addi %shift_left3A_597, %add3A_918 : vector<16xi32>
      %gather3A_920 = tpu.vector_load_idx %arg13[%broadcast_in_dim3A_529, %add3A_601, %add3A_919] : memref<2x128x128xf32, #tpu.memory_space<vmem>>[vector<16xi32>, vector<16xi32>, vector<16xi32>], vector<16xf32>,
      %mul3A_921 = arith.mulf %gather3A_916, %gather3A_920 : vector<16xf32>
      %mul3A_922 = vector.broadcast %reduce_max3A_277 : f32 to vector<16xf32>
      %mul3A_923 = arith.mulf %mul3A_921, %mul3A_922 : vector<16xf32>
      %add3A_924 = arith.addf %add3A_912, %mul3A_923 : vector<16xf32>
      %add3A_925 = arith.constant 27 : i32
      %add3A_926 = vector.broadcast %add3A_925 : i32 to vector<16xi32>
      %add3A_927 = arith.addi %shift_left3A_588, %add3A_926 : vector<16xi32>
      %gather3A_928 = tpu.vector_load_idx %arg12[%broadcast_in_dim3A_529, %add3A_601, %add3A_927] : memref<2x128x128xf32, #tpu.memory_space<vmem>>[vector<16xi32>, vector<16xi32>, vector<16xi32>], vector<16xf32>,
      %add3A_929 = arith.constant 27 : i32
      %add3A_930 = vector.broadcast %add3A_929 : i32 to vector<16xi32>
      %add3A_931 = arith.addi %shift_left3A_597, %add3A_930 : vector<16xi32>
      %gather3A_932 = tpu.vector_load_idx %arg13[%broadcast_in_dim3A_529, %add3A_601, %add3A_931] : memref<2x128x128xf32, #tpu.memory_space<vmem>>[vector<16xi32>, vector<16xi32>, vector<16xi32>], vector<16xf32>,
      %mul3A_933 = arith.mulf %gather3A_928, %gather3A_932 : vector<16xf32>
      %mul3A_934 = vector.broadcast %reduce_max3A_287 : f32 to vector<16xf32>
      %mul3A_935 = arith.mulf %mul3A_933, %mul3A_934 : vector<16xf32>
      %add3A_936 = arith.addf %add3A_924, %mul3A_935 : vector<16xf32>
      %add3A_937 = arith.constant 28 : i32
      %add3A_938 = vector.broadcast %add3A_937 : i32 to vector<16xi32>
      %add3A_939 = arith.addi %shift_left3A_588, %add3A_938 : vector<16xi32>
      %gather3A_940 = tpu.vector_load_idx %arg12[%broadcast_in_dim3A_529, %add3A_601, %add3A_939] : memref<2x128x128xf32, #tpu.memory_space<vmem>>[vector<16xi32>, vector<16xi32>, vector<16xi32>], vector<16xf32>,
      %add3A_941 = arith.constant 28 : i32
      %add3A_942 = vector.broadcast %add3A_941 : i32 to vector<16xi32>
      %add3A_943 = arith.addi %shift_left3A_597, %add3A_942 : vector<16xi32>
      %gather3A_944 = tpu.vector_load_idx %arg13[%broadcast_in_dim3A_529, %add3A_601, %add3A_943] : memref<2x128x128xf32, #tpu.memory_space<vmem>>[vector<16xi32>, vector<16xi32>, vector<16xi32>], vector<16xf32>,
      %mul3A_945 = arith.mulf %gather3A_940, %gather3A_944 : vector<16xf32>
      %mul3A_946 = vector.broadcast %reduce_max3A_297 : f32 to vector<16xf32>
      %mul3A_947 = arith.mulf %mul3A_945, %mul3A_946 : vector<16xf32>
      %add3A_948 = arith.addf %add3A_936, %mul3A_947 : vector<16xf32>
      %add3A_949 = arith.constant 29 : i32
      %add3A_950 = vector.broadcast %add3A_949 : i32 to vector<16xi32>
      %add3A_951 = arith.addi %shift_left3A_588, %add3A_950 : vector<16xi32>
      %gather3A_952 = tpu.vector_load_idx %arg12[%broadcast_in_dim3A_529, %add3A_601, %add3A_951] : memref<2x128x128xf32, #tpu.memory_space<vmem>>[vector<16xi32>, vector<16xi32>, vector<16xi32>], vector<16xf32>,
      %add3A_953 = arith.constant 29 : i32
      %add3A_954 = vector.broadcast %add3A_953 : i32 to vector<16xi32>
      %add3A_955 = arith.addi %shift_left3A_597, %add3A_954 : vector<16xi32>
      %gather3A_956 = tpu.vector_load_idx %arg13[%broadcast_in_dim3A_529, %add3A_601, %add3A_955] : memref<2x128x128xf32, #tpu.memory_space<vmem>>[vector<16xi32>, vector<16xi32>, vector<16xi32>], vector<16xf32>,
      %mul3A_957 = arith.mulf %gather3A_952, %gather3A_956 : vector<16xf32>
      %mul3A_958 = vector.broadcast %reduce_max3A_307 : f32 to vector<16xf32>
      %mul3A_959 = arith.mulf %mul3A_957, %mul3A_958 : vector<16xf32>
      %add3A_960 = arith.addf %add3A_948, %mul3A_959 : vector<16xf32>
      %add3A_961 = arith.constant 30 : i32
      %add3A_962 = vector.broadcast %add3A_961 : i32 to vector<16xi32>
      %add3A_963 = arith.addi %shift_left3A_588, %add3A_962 : vector<16xi32>
      %gather3A_964 = tpu.vector_load_idx %arg12[%broadcast_in_dim3A_529, %add3A_601, %add3A_963] : memref<2x128x128xf32, #tpu.memory_space<vmem>>[vector<16xi32>, vector<16xi32>, vector<16xi32>], vector<16xf32>,
      %add3A_965 = arith.constant 30 : i32
      %add3A_966 = vector.broadcast %add3A_965 : i32 to vector<16xi32>
      %add3A_967 = arith.addi %shift_left3A_597, %add3A_966 : vector<16xi32>
      %gather3A_968 = tpu.vector_load_idx %arg13[%broadcast_in_dim3A_529, %add3A_601, %add3A_967] : memref<2x128x128xf32, #tpu.memory_space<vmem>>[vector<16xi32>, vector<16xi32>, vector<16xi32>], vector<16xf32>,
      %mul3A_969 = arith.mulf %gather3A_964, %gather3A_968 : vector<16xf32>
      %mul3A_970 = vector.broadcast %reduce_max3A_317 : f32 to vector<16xf32>
      %mul3A_971 = arith.mulf %mul3A_969, %mul3A_970 : vector<16xf32>
      %add3A_972 = arith.addf %add3A_960, %mul3A_971 : vector<16xf32>
      %add3A_973 = arith.constant 31 : i32
      %add3A_974 = vector.broadcast %add3A_973 : i32 to vector<16xi32>
      %add3A_975 = arith.addi %shift_left3A_588, %add3A_974 : vector<16xi32>
      %gather3A_976 = tpu.vector_load_idx %arg12[%broadcast_in_dim3A_529, %add3A_601, %add3A_975] : memref<2x128x128xf32, #tpu.memory_space<vmem>>[vector<16xi32>, vector<16xi32>, vector<16xi32>], vector<16xf32>,
      %add3A_977 = arith.constant 31 : i32
      %add3A_978 = vector.broadcast %add3A_977 : i32 to vector<16xi32>
      %add3A_979 = arith.addi %shift_left3A_597, %add3A_978 : vector<16xi32>
      %gather3A_980 = tpu.vector_load_idx %arg13[%broadcast_in_dim3A_529, %add3A_601, %add3A_979] : memref<2x128x128xf32, #tpu.memory_space<vmem>>[vector<16xi32>, vector<16xi32>, vector<16xi32>], vector<16xf32>,
      %mul3A_981 = arith.mulf %gather3A_976, %gather3A_980 : vector<16xf32>
      %mul3A_982 = vector.broadcast %reduce_max3A_327 : f32 to vector<16xf32>
      %mul3A_983 = arith.mulf %mul3A_981, %mul3A_982 : vector<16xf32>
      %add3A_984 = arith.addf %add3A_972, %mul3A_983 : vector<16xf32>
      %neg3A = arith.constant 0.000000e+00 : f32
      %neg3A_985 = vector.broadcast %neg3A : f32 to vector<16xf32>
      %neg3A_986 = arith.subf %neg3A_985, %add3A_984 : vector<16xf32>
      %exp3A = math.exp %neg3A_986 : vector<16xf32>
      %add3A_987 = arith.constant 1.000000e+00 : f32
      %add3A_988 = vector.broadcast %add3A_987 : f32 to vector<16xf32>
      %add3A_989 = arith.addf %add3A_988, %exp3A : vector<16xf32>
      %div3A = arith.constant 1.000000e+00 : f32
      %div3A_990 = vector.broadcast %div3A : f32 to vector<16xf32>
      %div3A_991 = arith.divf %div3A_990, %add3A_989 : vector<16xf32>
      %swap3A = arith.index_cast %add3A_578 : i32 to index
      %swap3A_992 = tpu.vector_load %arg14[%swap3A] {strides = array<i32>} : memref<512xf32, #tpu.memory_space<vmem>>, vector<16xf32>,
      tpu.vector_store %arg14[%swap3A], %div3A_991 {strides = array<i32>} : memref<512xf32, #tpu.memory_space<vmem>>, vector<16xf32>,
    }
    %scan3A_535 = arith.constant 8 : i32
    %dma_wait3A_536 = arith.constant 1 : i32
    %dma_wait3A_537 = arith.constant 0 : i32
    %dma_wait3A_538 = arith.constant 0 : i32
    %dma_wait3A_539 = tpu.memref_slice %arg12[%dma_wait3A_536, %dma_wait3A_537, %dma_wait3A_538] : memref<2x128x128xf32, #tpu.memory_space<vmem>> -> memref<1x128x128xf32, #tpu.memory_space<vmem>>
    %dma_wait3A_540 = tpu.memref_squeeze %dma_wait3A_539 : memref<1x128x128xf32, #tpu.memory_space<vmem>> -> memref<128x128xf32, #tpu.memory_space<vmem>>
    %dma_wait3A_541 = arith.constant 0 : i32
    %dma_wait3A_542 = arith.constant 0 : i32
    %dma_wait3A_543 = tpu.memref_slice %arg4[%dma_wait3A_541, %dma_wait3A_542] : memref<250112x128xf32, #tpu.memory_space<hbm>> -> memref<128x128xf32, #tpu.memory_space<hbm>>
    %dma_wait3A_544 = arith.constant 0 : i32
    %dma_wait3A_545 = arith.constant 0 : i32
    %dma_wait3A_546 = tpu.memref_slice %arg12[%dma_wait3A_536, %dma_wait3A_544, %dma_wait3A_545] : memref<2x128x128xf32, #tpu.memory_space<vmem>> -> memref<1x128x128xf32, #tpu.memory_space<vmem>>
    %dma_wait3A_547 = tpu.memref_squeeze %dma_wait3A_546 : memref<1x128x128xf32, #tpu.memory_space<vmem>> -> memref<128x128xf32, #tpu.memory_space<vmem>>
    %dma_wait3A_548 = arith.constant 0 : i32
    %dma_wait3A_549 = arith.constant 0 : i32
    %dma_wait3A_550 = tpu.memref_slice %arg4[%dma_wait3A_548, %dma_wait3A_549] : memref<250112x128xf32, #tpu.memory_space<hbm>> -> memref<128x128xf32, #tpu.memory_space<hbm>>
    tpu.wait_dma2 semaphore(%arg17 : memref<!tpu.dma_semaphore, #tpu.memory_space<semaphore_mem>>) src(%dma_wait3A_550 : memref<128x128xf32, #tpu.memory_space<hbm>>) dst(%dma_wait3A_547 : memref<128x128xf32, #tpu.memory_space<vmem>>)
    %dma_wait3A_551 = arith.constant 1 : i32
    %dma_wait3A_552 = arith.constant 0 : i32
    %dma_wait3A_553 = arith.constant 0 : i32
    %dma_wait3A_554 = tpu.memref_slice %arg13[%dma_wait3A_551, %dma_wait3A_552, %dma_wait3A_553] : memref<2x128x128xf32, #tpu.memory_space<vmem>> -> memref<1x128x128xf32, #tpu.memory_space<vmem>>
    %dma_wait3A_555 = tpu.memref_squeeze %dma_wait3A_554 : memref<1x128x128xf32, #tpu.memory_space<vmem>> -> memref<128x128xf32, #tpu.memory_space<vmem>>
    %dma_wait3A_556 = arith.constant 0 : i32
    %dma_wait3A_557 = arith.constant 0 : i32
    %dma_wait3A_558 = tpu.memref_slice %arg5[%dma_wait3A_556, %dma_wait3A_557] : memref<250112x128xf32, #tpu.memory_space<hbm>> -> memref<128x128xf32, #tpu.memory_space<hbm>>
    %dma_wait3A_559 = arith.constant 0 : i32
    %dma_wait3A_560 = arith.constant 0 : i32
    %dma_wait3A_561 = tpu.memref_slice %arg13[%dma_wait3A_551, %dma_wait3A_559, %dma_wait3A_560] : memref<2x128x128xf32, #tpu.memory_space<vmem>> -> memref<1x128x128xf32, #tpu.memory_space<vmem>>
    %dma_wait3A_562 = tpu.memref_squeeze %dma_wait3A_561 : memref<1x128x128xf32, #tpu.memory_space<vmem>> -> memref<128x128xf32, #tpu.memory_space<vmem>>
    %dma_wait3A_563 = arith.constant 0 : i32
    %dma_wait3A_564 = arith.constant 0 : i32
    %dma_wait3A_565 = tpu.memref_slice %arg5[%dma_wait3A_563, %dma_wait3A_564] : memref<250112x128xf32, #tpu.memory_space<hbm>> -> memref<128x128xf32, #tpu.memory_space<hbm>>
    tpu.wait_dma2 semaphore(%arg17 : memref<!tpu.dma_semaphore, #tpu.memory_space<semaphore_mem>>) src(%dma_wait3A_565 : memref<128x128xf32, #tpu.memory_space<hbm>>) dst(%dma_wait3A_562 : memref<128x128xf32, #tpu.memory_space<vmem>>)
    %broadcast_in_dim3A_566 = arith.constant 1 : i32
    %broadcast_in_dim3A_567 = vector.broadcast %broadcast_in_dim3A_566 : i32 to vector<16xi32>
    %scan3A_568 = arith.constant 0 : i32
    %scan3A_569 = arith.constant 0 : i32
    %scan3A_570 = arith.constant 8 : i32
    %scan3A_571 = arith.addi %scan3A_569, %scan3A_570 : i32
    %scan3A_572 = arith.constant 1 : i32
    scf.for %scan3A_574 = %scan3A_569 to %scan3A_571 step %scan3A_572  : i32 {
      %mul3A_575 = arith.constant 16 : i32
      %mul3A_576 = arith.muli %scan3A_574, %mul3A_575 : i32
      %add3A_577 = arith.constant 384 : i32
      %add3A_578 = arith.addi %add3A_577, %mul3A_576 : i32
      %get3A_579 = arith.index_cast %add3A_578 : i32 to index
      %get3A_580 = tpu.vector_load %arg8[%get3A_579] {strides = array<i32>} : memref<512xi32, #tpu.memory_space<vmem>>, vector<16xi32>,
      %get3A_581 = arith.index_cast %add3A_578 : i32 to index
      %get3A_582 = tpu.vector_load %arg9[%get3A_581] {strides = array<i32>} : memref<512xi32, #tpu.memory_space<vmem>>, vector<16xi32>,
      %shift_right_arithmetic3A = arith.constant 7 : i32
      %shift_right_arithmetic3A_583 = vector.broadcast %shift_right_arithmetic3A : i32 to vector<16xi32>
      %shift_right_arithmetic3A_584 = arith.shrsi %get3A_580, %shift_right_arithmetic3A_583 : vector<16xi32>
      %and3A = arith.constant 3 : i32
      %and3A_585 = vector.broadcast %and3A : i32 to vector<16xi32>
      %and3A_586 = arith.andi %shift_right_arithmetic3A_584, %and3A_585 : vector<16xi32>
      %shift_left3A = arith.constant 5 : i32
      %shift_left3A_587 = vector.broadcast %shift_left3A : i32 to vector<16xi32>
      %shift_left3A_588 = arith.shli %and3A_586, %shift_left3A_587 : vector<16xi32>
      %shift_right_arithmetic3A_589 = arith.constant 7 : i32
      %shift_right_arithmetic3A_590 = vector.broadcast %shift_right_arithmetic3A_589 : i32 to vector<16xi32>
      %shift_right_arithmetic3A_591 = arith.shrsi %get3A_582, %shift_right_arithmetic3A_590 : vector<16xi32>
      %and3A_592 = arith.constant 3 : i32
      %and3A_593 = vector.broadcast %and3A_592 : i32 to vector<16xi32>
      %and3A_594 = arith.andi %shift_right_arithmetic3A_591, %and3A_593 : vector<16xi32>
      %shift_left3A_595 = arith.constant 5 : i32
      %shift_left3A_596 = vector.broadcast %shift_left3A_595 : i32 to vector<16xi32>
      %shift_left3A_597 = arith.shli %and3A_594, %shift_left3A_596 : vector<16xi32>
      %mul3A_598 = arith.constant 16 : i32
      %mul3A_599 = arith.muli %scan3A_574, %mul3A_598 : i32
      %add3A_600 = vector.broadcast %mul3A_599 : i32 to vector<16xi32>
      %add3A_601 = arith.addi %add3A_600, %iota3A : vector<16xi32>
      %add3A_602 = arith.constant 0 : i32
      %add3A_603 = vector.broadcast %add3A_602 : i32 to vector<16xi32>
      %add3A_604 = arith.addi %shift_left3A_588, %add3A_603 : vector<16xi32>
      %gather3A = tpu.vector_load_idx %arg12[%broadcast_in_dim3A_567, %add3A_601, %add3A_604] : memref<2x128x128xf32, #tpu.memory_space<vmem>>[vector<16xi32>, vector<16xi32>, vector<16xi32>], vector<16xf32>,
      %add3A_605 = arith.constant 0 : i32
      %add3A_606 = vector.broadcast %add3A_605 : i32 to vector<16xi32>
      %add3A_607 = arith.addi %shift_left3A_597, %add3A_606 : vector<16xi32>
      %gather3A_608 = tpu.vector_load_idx %arg13[%broadcast_in_dim3A_567, %add3A_601, %add3A_607] : memref<2x128x128xf32, #tpu.memory_space<vmem>>[vector<16xi32>, vector<16xi32>, vector<16xi32>], vector<16xf32>,
      %mul3A_609 = arith.mulf %gather3A, %gather3A_608 : vector<16xf32>
      %mul3A_610 = vector.broadcast %reduce_max3A_17 : f32 to vector<16xf32>
      %mul3A_611 = arith.mulf %mul3A_609, %mul3A_610 : vector<16xf32>
      %add3A_612 = arith.addf %get3A_12, %mul3A_611 : vector<16xf32>
      %add3A_613 = arith.constant 1 : i32
      %add3A_614 = vector.broadcast %add3A_613 : i32 to vector<16xi32>
      %add3A_615 = arith.addi %shift_left3A_588, %add3A_614 : vector<16xi32>
      %gather3A_616 = tpu.vector_load_idx %arg12[%broadcast_in_dim3A_567, %add3A_601, %add3A_615] : memref<2x128x128xf32, #tpu.memory_space<vmem>>[vector<16xi32>, vector<16xi32>, vector<16xi32>], vector<16xf32>,
      %add3A_617 = arith.constant 1 : i32
      %add3A_618 = vector.broadcast %add3A_617 : i32 to vector<16xi32>
      %add3A_619 = arith.addi %shift_left3A_597, %add3A_618 : vector<16xi32>
      %gather3A_620 = tpu.vector_load_idx %arg13[%broadcast_in_dim3A_567, %add3A_601, %add3A_619] : memref<2x128x128xf32, #tpu.memory_space<vmem>>[vector<16xi32>, vector<16xi32>, vector<16xi32>], vector<16xf32>,
      %mul3A_621 = arith.mulf %gather3A_616, %gather3A_620 : vector<16xf32>
      %mul3A_622 = vector.broadcast %reduce_max3A_27 : f32 to vector<16xf32>
      %mul3A_623 = arith.mulf %mul3A_621, %mul3A_622 : vector<16xf32>
      %add3A_624 = arith.addf %add3A_612, %mul3A_623 : vector<16xf32>
      %add3A_625 = arith.constant 2 : i32
      %add3A_626 = vector.broadcast %add3A_625 : i32 to vector<16xi32>
      %add3A_627 = arith.addi %shift_left3A_588, %add3A_626 : vector<16xi32>
      %gather3A_628 = tpu.vector_load_idx %arg12[%broadcast_in_dim3A_567, %add3A_601, %add3A_627] : memref<2x128x128xf32, #tpu.memory_space<vmem>>[vector<16xi32>, vector<16xi32>, vector<16xi32>], vector<16xf32>,
      %add3A_629 = arith.constant 2 : i32
      %add3A_630 = vector.broadcast %add3A_629 : i32 to vector<16xi32>
      %add3A_631 = arith.addi %shift_left3A_597, %add3A_630 : vector<16xi32>
      %gather3A_632 = tpu.vector_load_idx %arg13[%broadcast_in_dim3A_567, %add3A_601, %add3A_631] : memref<2x128x128xf32, #tpu.memory_space<vmem>>[vector<16xi32>, vector<16xi32>, vector<16xi32>], vector<16xf32>,
      %mul3A_633 = arith.mulf %gather3A_628, %gather3A_632 : vector<16xf32>
      %mul3A_634 = vector.broadcast %reduce_max3A_37 : f32 to vector<16xf32>
      %mul3A_635 = arith.mulf %mul3A_633, %mul3A_634 : vector<16xf32>
      %add3A_636 = arith.addf %add3A_624, %mul3A_635 : vector<16xf32>
      %add3A_637 = arith.constant 3 : i32
      %add3A_638 = vector.broadcast %add3A_637 : i32 to vector<16xi32>
      %add3A_639 = arith.addi %shift_left3A_588, %add3A_638 : vector<16xi32>
      %gather3A_640 = tpu.vector_load_idx %arg12[%broadcast_in_dim3A_567, %add3A_601, %add3A_639] : memref<2x128x128xf32, #tpu.memory_space<vmem>>[vector<16xi32>, vector<16xi32>, vector<16xi32>], vector<16xf32>,
      %add3A_641 = arith.constant 3 : i32
      %add3A_642 = vector.broadcast %add3A_641 : i32 to vector<16xi32>
      %add3A_643 = arith.addi %shift_left3A_597, %add3A_642 : vector<16xi32>
      %gather3A_644 = tpu.vector_load_idx %arg13[%broadcast_in_dim3A_567, %add3A_601, %add3A_643] : memref<2x128x128xf32, #tpu.memory_space<vmem>>[vector<16xi32>, vector<16xi32>, vector<16xi32>], vector<16xf32>,
      %mul3A_645 = arith.mulf %gather3A_640, %gather3A_644 : vector<16xf32>
      %mul3A_646 = vector.broadcast %reduce_max3A_47 : f32 to vector<16xf32>
      %mul3A_647 = arith.mulf %mul3A_645, %mul3A_646 : vector<16xf32>
      %add3A_648 = arith.addf %add3A_636, %mul3A_647 : vector<16xf32>
      %add3A_649 = arith.constant 4 : i32
      %add3A_650 = vector.broadcast %add3A_649 : i32 to vector<16xi32>
      %add3A_651 = arith.addi %shift_left3A_588, %add3A_650 : vector<16xi32>
      %gather3A_652 = tpu.vector_load_idx %arg12[%broadcast_in_dim3A_567, %add3A_601, %add3A_651] : memref<2x128x128xf32, #tpu.memory_space<vmem>>[vector<16xi32>, vector<16xi32>, vector<16xi32>], vector<16xf32>,
      %add3A_653 = arith.constant 4 : i32
      %add3A_654 = vector.broadcast %add3A_653 : i32 to vector<16xi32>
      %add3A_655 = arith.addi %shift_left3A_597, %add3A_654 : vector<16xi32>
      %gather3A_656 = tpu.vector_load_idx %arg13[%broadcast_in_dim3A_567, %add3A_601, %add3A_655] : memref<2x128x128xf32, #tpu.memory_space<vmem>>[vector<16xi32>, vector<16xi32>, vector<16xi32>], vector<16xf32>,
      %mul3A_657 = arith.mulf %gather3A_652, %gather3A_656 : vector<16xf32>
      %mul3A_658 = vector.broadcast %reduce_max3A_57 : f32 to vector<16xf32>
      %mul3A_659 = arith.mulf %mul3A_657, %mul3A_658 : vector<16xf32>
      %add3A_660 = arith.addf %add3A_648, %mul3A_659 : vector<16xf32>
      %add3A_661 = arith.constant 5 : i32
      %add3A_662 = vector.broadcast %add3A_661 : i32 to vector<16xi32>
      %add3A_663 = arith.addi %shift_left3A_588, %add3A_662 : vector<16xi32>
      %gather3A_664 = tpu.vector_load_idx %arg12[%broadcast_in_dim3A_567, %add3A_601, %add3A_663] : memref<2x128x128xf32, #tpu.memory_space<vmem>>[vector<16xi32>, vector<16xi32>, vector<16xi32>], vector<16xf32>,
      %add3A_665 = arith.constant 5 : i32
      %add3A_666 = vector.broadcast %add3A_665 : i32 to vector<16xi32>
      %add3A_667 = arith.addi %shift_left3A_597, %add3A_666 : vector<16xi32>
      %gather3A_668 = tpu.vector_load_idx %arg13[%broadcast_in_dim3A_567, %add3A_601, %add3A_667] : memref<2x128x128xf32, #tpu.memory_space<vmem>>[vector<16xi32>, vector<16xi32>, vector<16xi32>], vector<16xf32>,
      %mul3A_669 = arith.mulf %gather3A_664, %gather3A_668 : vector<16xf32>
      %mul3A_670 = vector.broadcast %reduce_max3A_67 : f32 to vector<16xf32>
      %mul3A_671 = arith.mulf %mul3A_669, %mul3A_670 : vector<16xf32>
      %add3A_672 = arith.addf %add3A_660, %mul3A_671 : vector<16xf32>
      %add3A_673 = arith.constant 6 : i32
      %add3A_674 = vector.broadcast %add3A_673 : i32 to vector<16xi32>
      %add3A_675 = arith.addi %shift_left3A_588, %add3A_674 : vector<16xi32>
      %gather3A_676 = tpu.vector_load_idx %arg12[%broadcast_in_dim3A_567, %add3A_601, %add3A_675] : memref<2x128x128xf32, #tpu.memory_space<vmem>>[vector<16xi32>, vector<16xi32>, vector<16xi32>], vector<16xf32>,
      %add3A_677 = arith.constant 6 : i32
      %add3A_678 = vector.broadcast %add3A_677 : i32 to vector<16xi32>
      %add3A_679 = arith.addi %shift_left3A_597, %add3A_678 : vector<16xi32>
      %gather3A_680 = tpu.vector_load_idx %arg13[%broadcast_in_dim3A_567, %add3A_601, %add3A_679] : memref<2x128x128xf32, #tpu.memory_space<vmem>>[vector<16xi32>, vector<16xi32>, vector<16xi32>], vector<16xf32>,
      %mul3A_681 = arith.mulf %gather3A_676, %gather3A_680 : vector<16xf32>
      %mul3A_682 = vector.broadcast %reduce_max3A_77 : f32 to vector<16xf32>
      %mul3A_683 = arith.mulf %mul3A_681, %mul3A_682 : vector<16xf32>
      %add3A_684 = arith.addf %add3A_672, %mul3A_683 : vector<16xf32>
      %add3A_685 = arith.constant 7 : i32
      %add3A_686 = vector.broadcast %add3A_685 : i32 to vector<16xi32>
      %add3A_687 = arith.addi %shift_left3A_588, %add3A_686 : vector<16xi32>
      %gather3A_688 = tpu.vector_load_idx %arg12[%broadcast_in_dim3A_567, %add3A_601, %add3A_687] : memref<2x128x128xf32, #tpu.memory_space<vmem>>[vector<16xi32>, vector<16xi32>, vector<16xi32>], vector<16xf32>,
      %add3A_689 = arith.constant 7 : i32
      %add3A_690 = vector.broadcast %add3A_689 : i32 to vector<16xi32>
      %add3A_691 = arith.addi %shift_left3A_597, %add3A_690 : vector<16xi32>
      %gather3A_692 = tpu.vector_load_idx %arg13[%broadcast_in_dim3A_567, %add3A_601, %add3A_691] : memref<2x128x128xf32, #tpu.memory_space<vmem>>[vector<16xi32>, vector<16xi32>, vector<16xi32>], vector<16xf32>,
      %mul3A_693 = arith.mulf %gather3A_688, %gather3A_692 : vector<16xf32>
      %mul3A_694 = vector.broadcast %reduce_max3A_87 : f32 to vector<16xf32>
      %mul3A_695 = arith.mulf %mul3A_693, %mul3A_694 : vector<16xf32>
      %add3A_696 = arith.addf %add3A_684, %mul3A_695 : vector<16xf32>
      %add3A_697 = arith.constant 8 : i32
      %add3A_698 = vector.broadcast %add3A_697 : i32 to vector<16xi32>
      %add3A_699 = arith.addi %shift_left3A_588, %add3A_698 : vector<16xi32>
      %gather3A_700 = tpu.vector_load_idx %arg12[%broadcast_in_dim3A_567, %add3A_601, %add3A_699] : memref<2x128x128xf32, #tpu.memory_space<vmem>>[vector<16xi32>, vector<16xi32>, vector<16xi32>], vector<16xf32>,
      %add3A_701 = arith.constant 8 : i32
      %add3A_702 = vector.broadcast %add3A_701 : i32 to vector<16xi32>
      %add3A_703 = arith.addi %shift_left3A_597, %add3A_702 : vector<16xi32>
      %gather3A_704 = tpu.vector_load_idx %arg13[%broadcast_in_dim3A_567, %add3A_601, %add3A_703] : memref<2x128x128xf32, #tpu.memory_space<vmem>>[vector<16xi32>, vector<16xi32>, vector<16xi32>], vector<16xf32>,
      %mul3A_705 = arith.mulf %gather3A_700, %gather3A_704 : vector<16xf32>
      %mul3A_706 = vector.broadcast %reduce_max3A_97 : f32 to vector<16xf32>
      %mul3A_707 = arith.mulf %mul3A_705, %mul3A_706 : vector<16xf32>
      %add3A_708 = arith.addf %add3A_696, %mul3A_707 : vector<16xf32>
      %add3A_709 = arith.constant 9 : i32
      %add3A_710 = vector.broadcast %add3A_709 : i32 to vector<16xi32>
      %add3A_711 = arith.addi %shift_left3A_588, %add3A_710 : vector<16xi32>
      %gather3A_712 = tpu.vector_load_idx %arg12[%broadcast_in_dim3A_567, %add3A_601, %add3A_711] : memref<2x128x128xf32, #tpu.memory_space<vmem>>[vector<16xi32>, vector<16xi32>, vector<16xi32>], vector<16xf32>,
      %add3A_713 = arith.constant 9 : i32
      %add3A_714 = vector.broadcast %add3A_713 : i32 to vector<16xi32>
      %add3A_715 = arith.addi %shift_left3A_597, %add3A_714 : vector<16xi32>
      %gather3A_716 = tpu.vector_load_idx %arg13[%broadcast_in_dim3A_567, %add3A_601, %add3A_715] : memref<2x128x128xf32, #tpu.memory_space<vmem>>[vector<16xi32>, vector<16xi32>, vector<16xi32>], vector<16xf32>,
      %mul3A_717 = arith.mulf %gather3A_712, %gather3A_716 : vector<16xf32>
      %mul3A_718 = vector.broadcast %reduce_max3A_107 : f32 to vector<16xf32>
      %mul3A_719 = arith.mulf %mul3A_717, %mul3A_718 : vector<16xf32>
      %add3A_720 = arith.addf %add3A_708, %mul3A_719 : vector<16xf32>
      %add3A_721 = arith.constant 10 : i32
      %add3A_722 = vector.broadcast %add3A_721 : i32 to vector<16xi32>
      %add3A_723 = arith.addi %shift_left3A_588, %add3A_722 : vector<16xi32>
      %gather3A_724 = tpu.vector_load_idx %arg12[%broadcast_in_dim3A_567, %add3A_601, %add3A_723] : memref<2x128x128xf32, #tpu.memory_space<vmem>>[vector<16xi32>, vector<16xi32>, vector<16xi32>], vector<16xf32>,
      %add3A_725 = arith.constant 10 : i32
      %add3A_726 = vector.broadcast %add3A_725 : i32 to vector<16xi32>
      %add3A_727 = arith.addi %shift_left3A_597, %add3A_726 : vector<16xi32>
      %gather3A_728 = tpu.vector_load_idx %arg13[%broadcast_in_dim3A_567, %add3A_601, %add3A_727] : memref<2x128x128xf32, #tpu.memory_space<vmem>>[vector<16xi32>, vector<16xi32>, vector<16xi32>], vector<16xf32>,
      %mul3A_729 = arith.mulf %gather3A_724, %gather3A_728 : vector<16xf32>
      %mul3A_730 = vector.broadcast %reduce_max3A_117 : f32 to vector<16xf32>
      %mul3A_731 = arith.mulf %mul3A_729, %mul3A_730 : vector<16xf32>
      %add3A_732 = arith.addf %add3A_720, %mul3A_731 : vector<16xf32>
      %add3A_733 = arith.constant 11 : i32
      %add3A_734 = vector.broadcast %add3A_733 : i32 to vector<16xi32>
      %add3A_735 = arith.addi %shift_left3A_588, %add3A_734 : vector<16xi32>
      %gather3A_736 = tpu.vector_load_idx %arg12[%broadcast_in_dim3A_567, %add3A_601, %add3A_735] : memref<2x128x128xf32, #tpu.memory_space<vmem>>[vector<16xi32>, vector<16xi32>, vector<16xi32>], vector<16xf32>,
      %add3A_737 = arith.constant 11 : i32
      %add3A_738 = vector.broadcast %add3A_737 : i32 to vector<16xi32>
      %add3A_739 = arith.addi %shift_left3A_597, %add3A_738 : vector<16xi32>
      %gather3A_740 = tpu.vector_load_idx %arg13[%broadcast_in_dim3A_567, %add3A_601, %add3A_739] : memref<2x128x128xf32, #tpu.memory_space<vmem>>[vector<16xi32>, vector<16xi32>, vector<16xi32>], vector<16xf32>,
      %mul3A_741 = arith.mulf %gather3A_736, %gather3A_740 : vector<16xf32>
      %mul3A_742 = vector.broadcast %reduce_max3A_127 : f32 to vector<16xf32>
      %mul3A_743 = arith.mulf %mul3A_741, %mul3A_742 : vector<16xf32>
      %add3A_744 = arith.addf %add3A_732, %mul3A_743 : vector<16xf32>
      %add3A_745 = arith.constant 12 : i32
      %add3A_746 = vector.broadcast %add3A_745 : i32 to vector<16xi32>
      %add3A_747 = arith.addi %shift_left3A_588, %add3A_746 : vector<16xi32>
      %gather3A_748 = tpu.vector_load_idx %arg12[%broadcast_in_dim3A_567, %add3A_601, %add3A_747] : memref<2x128x128xf32, #tpu.memory_space<vmem>>[vector<16xi32>, vector<16xi32>, vector<16xi32>], vector<16xf32>,
      %add3A_749 = arith.constant 12 : i32
      %add3A_750 = vector.broadcast %add3A_749 : i32 to vector<16xi32>
      %add3A_751 = arith.addi %shift_left3A_597, %add3A_750 : vector<16xi32>
      %gather3A_752 = tpu.vector_load_idx %arg13[%broadcast_in_dim3A_567, %add3A_601, %add3A_751] : memref<2x128x128xf32, #tpu.memory_space<vmem>>[vector<16xi32>, vector<16xi32>, vector<16xi32>], vector<16xf32>,
      %mul3A_753 = arith.mulf %gather3A_748, %gather3A_752 : vector<16xf32>
      %mul3A_754 = vector.broadcast %reduce_max3A_137 : f32 to vector<16xf32>
      %mul3A_755 = arith.mulf %mul3A_753, %mul3A_754 : vector<16xf32>
      %add3A_756 = arith.addf %add3A_744, %mul3A_755 : vector<16xf32>
      %add3A_757 = arith.constant 13 : i32
      %add3A_758 = vector.broadcast %add3A_757 : i32 to vector<16xi32>
      %add3A_759 = arith.addi %shift_left3A_588, %add3A_758 : vector<16xi32>
      %gather3A_760 = tpu.vector_load_idx %arg12[%broadcast_in_dim3A_567, %add3A_601, %add3A_759] : memref<2x128x128xf32, #tpu.memory_space<vmem>>[vector<16xi32>, vector<16xi32>, vector<16xi32>], vector<16xf32>,
      %add3A_761 = arith.constant 13 : i32
      %add3A_762 = vector.broadcast %add3A_761 : i32 to vector<16xi32>
      %add3A_763 = arith.addi %shift_left3A_597, %add3A_762 : vector<16xi32>
      %gather3A_764 = tpu.vector_load_idx %arg13[%broadcast_in_dim3A_567, %add3A_601, %add3A_763] : memref<2x128x128xf32, #tpu.memory_space<vmem>>[vector<16xi32>, vector<16xi32>, vector<16xi32>], vector<16xf32>,
      %mul3A_765 = arith.mulf %gather3A_760, %gather3A_764 : vector<16xf32>
      %mul3A_766 = vector.broadcast %reduce_max3A_147 : f32 to vector<16xf32>
      %mul3A_767 = arith.mulf %mul3A_765, %mul3A_766 : vector<16xf32>
      %add3A_768 = arith.addf %add3A_756, %mul3A_767 : vector<16xf32>
      %add3A_769 = arith.constant 14 : i32
      %add3A_770 = vector.broadcast %add3A_769 : i32 to vector<16xi32>
      %add3A_771 = arith.addi %shift_left3A_588, %add3A_770 : vector<16xi32>
      %gather3A_772 = tpu.vector_load_idx %arg12[%broadcast_in_dim3A_567, %add3A_601, %add3A_771] : memref<2x128x128xf32, #tpu.memory_space<vmem>>[vector<16xi32>, vector<16xi32>, vector<16xi32>], vector<16xf32>,
      %add3A_773 = arith.constant 14 : i32
      %add3A_774 = vector.broadcast %add3A_773 : i32 to vector<16xi32>
      %add3A_775 = arith.addi %shift_left3A_597, %add3A_774 : vector<16xi32>
      %gather3A_776 = tpu.vector_load_idx %arg13[%broadcast_in_dim3A_567, %add3A_601, %add3A_775] : memref<2x128x128xf32, #tpu.memory_space<vmem>>[vector<16xi32>, vector<16xi32>, vector<16xi32>], vector<16xf32>,
      %mul3A_777 = arith.mulf %gather3A_772, %gather3A_776 : vector<16xf32>
      %mul3A_778 = vector.broadcast %reduce_max3A_157 : f32 to vector<16xf32>
      %mul3A_779 = arith.mulf %mul3A_777, %mul3A_778 : vector<16xf32>
      %add3A_780 = arith.addf %add3A_768, %mul3A_779 : vector<16xf32>
      %add3A_781 = arith.constant 15 : i32
      %add3A_782 = vector.broadcast %add3A_781 : i32 to vector<16xi32>
      %add3A_783 = arith.addi %shift_left3A_588, %add3A_782 : vector<16xi32>
      %gather3A_784 = tpu.vector_load_idx %arg12[%broadcast_in_dim3A_567, %add3A_601, %add3A_783] : memref<2x128x128xf32, #tpu.memory_space<vmem>>[vector<16xi32>, vector<16xi32>, vector<16xi32>], vector<16xf32>,
      %add3A_785 = arith.constant 15 : i32
      %add3A_786 = vector.broadcast %add3A_785 : i32 to vector<16xi32>
      %add3A_787 = arith.addi %shift_left3A_597, %add3A_786 : vector<16xi32>
      %gather3A_788 = tpu.vector_load_idx %arg13[%broadcast_in_dim3A_567, %add3A_601, %add3A_787] : memref<2x128x128xf32, #tpu.memory_space<vmem>>[vector<16xi32>, vector<16xi32>, vector<16xi32>], vector<16xf32>,
      %mul3A_789 = arith.mulf %gather3A_784, %gather3A_788 : vector<16xf32>
      %mul3A_790 = vector.broadcast %reduce_max3A_167 : f32 to vector<16xf32>
      %mul3A_791 = arith.mulf %mul3A_789, %mul3A_790 : vector<16xf32>
      %add3A_792 = arith.addf %add3A_780, %mul3A_791 : vector<16xf32>
      %add3A_793 = arith.constant 16 : i32
      %add3A_794 = vector.broadcast %add3A_793 : i32 to vector<16xi32>
      %add3A_795 = arith.addi %shift_left3A_588, %add3A_794 : vector<16xi32>
      %gather3A_796 = tpu.vector_load_idx %arg12[%broadcast_in_dim3A_567, %add3A_601, %add3A_795] : memref<2x128x128xf32, #tpu.memory_space<vmem>>[vector<16xi32>, vector<16xi32>, vector<16xi32>], vector<16xf32>,
      %add3A_797 = arith.constant 16 : i32
      %add3A_798 = vector.broadcast %add3A_797 : i32 to vector<16xi32>
      %add3A_799 = arith.addi %shift_left3A_597, %add3A_798 : vector<16xi32>
      %gather3A_800 = tpu.vector_load_idx %arg13[%broadcast_in_dim3A_567, %add3A_601, %add3A_799] : memref<2x128x128xf32, #tpu.memory_space<vmem>>[vector<16xi32>, vector<16xi32>, vector<16xi32>], vector<16xf32>,
      %mul3A_801 = arith.mulf %gather3A_796, %gather3A_800 : vector<16xf32>
      %mul3A_802 = vector.broadcast %reduce_max3A_177 : f32 to vector<16xf32>
      %mul3A_803 = arith.mulf %mul3A_801, %mul3A_802 : vector<16xf32>
      %add3A_804 = arith.addf %add3A_792, %mul3A_803 : vector<16xf32>
      %add3A_805 = arith.constant 17 : i32
      %add3A_806 = vector.broadcast %add3A_805 : i32 to vector<16xi32>
      %add3A_807 = arith.addi %shift_left3A_588, %add3A_806 : vector<16xi32>
      %gather3A_808 = tpu.vector_load_idx %arg12[%broadcast_in_dim3A_567, %add3A_601, %add3A_807] : memref<2x128x128xf32, #tpu.memory_space<vmem>>[vector<16xi32>, vector<16xi32>, vector<16xi32>], vector<16xf32>,
      %add3A_809 = arith.constant 17 : i32
      %add3A_810 = vector.broadcast %add3A_809 : i32 to vector<16xi32>
      %add3A_811 = arith.addi %shift_left3A_597, %add3A_810 : vector<16xi32>
      %gather3A_812 = tpu.vector_load_idx %arg13[%broadcast_in_dim3A_567, %add3A_601, %add3A_811] : memref<2x128x128xf32, #tpu.memory_space<vmem>>[vector<16xi32>, vector<16xi32>, vector<16xi32>], vector<16xf32>,
      %mul3A_813 = arith.mulf %gather3A_808, %gather3A_812 : vector<16xf32>
      %mul3A_814 = vector.broadcast %reduce_max3A_187 : f32 to vector<16xf32>
      %mul3A_815 = arith.mulf %mul3A_813, %mul3A_814 : vector<16xf32>
      %add3A_816 = arith.addf %add3A_804, %mul3A_815 : vector<16xf32>
      %add3A_817 = arith.constant 18 : i32
      %add3A_818 = vector.broadcast %add3A_817 : i32 to vector<16xi32>
      %add3A_819 = arith.addi %shift_left3A_588, %add3A_818 : vector<16xi32>
      %gather3A_820 = tpu.vector_load_idx %arg12[%broadcast_in_dim3A_567, %add3A_601, %add3A_819] : memref<2x128x128xf32, #tpu.memory_space<vmem>>[vector<16xi32>, vector<16xi32>, vector<16xi32>], vector<16xf32>,
      %add3A_821 = arith.constant 18 : i32
      %add3A_822 = vector.broadcast %add3A_821 : i32 to vector<16xi32>
      %add3A_823 = arith.addi %shift_left3A_597, %add3A_822 : vector<16xi32>
      %gather3A_824 = tpu.vector_load_idx %arg13[%broadcast_in_dim3A_567, %add3A_601, %add3A_823] : memref<2x128x128xf32, #tpu.memory_space<vmem>>[vector<16xi32>, vector<16xi32>, vector<16xi32>], vector<16xf32>,
      %mul3A_825 = arith.mulf %gather3A_820, %gather3A_824 : vector<16xf32>
      %mul3A_826 = vector.broadcast %reduce_max3A_197 : f32 to vector<16xf32>
      %mul3A_827 = arith.mulf %mul3A_825, %mul3A_826 : vector<16xf32>
      %add3A_828 = arith.addf %add3A_816, %mul3A_827 : vector<16xf32>
      %add3A_829 = arith.constant 19 : i32
      %add3A_830 = vector.broadcast %add3A_829 : i32 to vector<16xi32>
      %add3A_831 = arith.addi %shift_left3A_588, %add3A_830 : vector<16xi32>
      %gather3A_832 = tpu.vector_load_idx %arg12[%broadcast_in_dim3A_567, %add3A_601, %add3A_831] : memref<2x128x128xf32, #tpu.memory_space<vmem>>[vector<16xi32>, vector<16xi32>, vector<16xi32>], vector<16xf32>,
      %add3A_833 = arith.constant 19 : i32
      %add3A_834 = vector.broadcast %add3A_833 : i32 to vector<16xi32>
      %add3A_835 = arith.addi %shift_left3A_597, %add3A_834 : vector<16xi32>
      %gather3A_836 = tpu.vector_load_idx %arg13[%broadcast_in_dim3A_567, %add3A_601, %add3A_835] : memref<2x128x128xf32, #tpu.memory_space<vmem>>[vector<16xi32>, vector<16xi32>, vector<16xi32>], vector<16xf32>,
      %mul3A_837 = arith.mulf %gather3A_832, %gather3A_836 : vector<16xf32>
      %mul3A_838 = vector.broadcast %reduce_max3A_207 : f32 to vector<16xf32>
      %mul3A_839 = arith.mulf %mul3A_837, %mul3A_838 : vector<16xf32>
      %add3A_840 = arith.addf %add3A_828, %mul3A_839 : vector<16xf32>
      %add3A_841 = arith.constant 20 : i32
      %add3A_842 = vector.broadcast %add3A_841 : i32 to vector<16xi32>
      %add3A_843 = arith.addi %shift_left3A_588, %add3A_842 : vector<16xi32>
      %gather3A_844 = tpu.vector_load_idx %arg12[%broadcast_in_dim3A_567, %add3A_601, %add3A_843] : memref<2x128x128xf32, #tpu.memory_space<vmem>>[vector<16xi32>, vector<16xi32>, vector<16xi32>], vector<16xf32>,
      %add3A_845 = arith.constant 20 : i32
      %add3A_846 = vector.broadcast %add3A_845 : i32 to vector<16xi32>
      %add3A_847 = arith.addi %shift_left3A_597, %add3A_846 : vector<16xi32>
      %gather3A_848 = tpu.vector_load_idx %arg13[%broadcast_in_dim3A_567, %add3A_601, %add3A_847] : memref<2x128x128xf32, #tpu.memory_space<vmem>>[vector<16xi32>, vector<16xi32>, vector<16xi32>], vector<16xf32>,
      %mul3A_849 = arith.mulf %gather3A_844, %gather3A_848 : vector<16xf32>
      %mul3A_850 = vector.broadcast %reduce_max3A_217 : f32 to vector<16xf32>
      %mul3A_851 = arith.mulf %mul3A_849, %mul3A_850 : vector<16xf32>
      %add3A_852 = arith.addf %add3A_840, %mul3A_851 : vector<16xf32>
      %add3A_853 = arith.constant 21 : i32
      %add3A_854 = vector.broadcast %add3A_853 : i32 to vector<16xi32>
      %add3A_855 = arith.addi %shift_left3A_588, %add3A_854 : vector<16xi32>
      %gather3A_856 = tpu.vector_load_idx %arg12[%broadcast_in_dim3A_567, %add3A_601, %add3A_855] : memref<2x128x128xf32, #tpu.memory_space<vmem>>[vector<16xi32>, vector<16xi32>, vector<16xi32>], vector<16xf32>,
      %add3A_857 = arith.constant 21 : i32
      %add3A_858 = vector.broadcast %add3A_857 : i32 to vector<16xi32>
      %add3A_859 = arith.addi %shift_left3A_597, %add3A_858 : vector<16xi32>
      %gather3A_860 = tpu.vector_load_idx %arg13[%broadcast_in_dim3A_567, %add3A_601, %add3A_859] : memref<2x128x128xf32, #tpu.memory_space<vmem>>[vector<16xi32>, vector<16xi32>, vector<16xi32>], vector<16xf32>,
      %mul3A_861 = arith.mulf %gather3A_856, %gather3A_860 : vector<16xf32>
      %mul3A_862 = vector.broadcast %reduce_max3A_227 : f32 to vector<16xf32>
      %mul3A_863 = arith.mulf %mul3A_861, %mul3A_862 : vector<16xf32>
      %add3A_864 = arith.addf %add3A_852, %mul3A_863 : vector<16xf32>
      %add3A_865 = arith.constant 22 : i32
      %add3A_866 = vector.broadcast %add3A_865 : i32 to vector<16xi32>
      %add3A_867 = arith.addi %shift_left3A_588, %add3A_866 : vector<16xi32>
      %gather3A_868 = tpu.vector_load_idx %arg12[%broadcast_in_dim3A_567, %add3A_601, %add3A_867] : memref<2x128x128xf32, #tpu.memory_space<vmem>>[vector<16xi32>, vector<16xi32>, vector<16xi32>], vector<16xf32>,
      %add3A_869 = arith.constant 22 : i32
      %add3A_870 = vector.broadcast %add3A_869 : i32 to vector<16xi32>
      %add3A_871 = arith.addi %shift_left3A_597, %add3A_870 : vector<16xi32>
      %gather3A_872 = tpu.vector_load_idx %arg13[%broadcast_in_dim3A_567, %add3A_601, %add3A_871] : memref<2x128x128xf32, #tpu.memory_space<vmem>>[vector<16xi32>, vector<16xi32>, vector<16xi32>], vector<16xf32>,
      %mul3A_873 = arith.mulf %gather3A_868, %gather3A_872 : vector<16xf32>
      %mul3A_874 = vector.broadcast %reduce_max3A_237 : f32 to vector<16xf32>
      %mul3A_875 = arith.mulf %mul3A_873, %mul3A_874 : vector<16xf32>
      %add3A_876 = arith.addf %add3A_864, %mul3A_875 : vector<16xf32>
      %add3A_877 = arith.constant 23 : i32
      %add3A_878 = vector.broadcast %add3A_877 : i32 to vector<16xi32>
      %add3A_879 = arith.addi %shift_left3A_588, %add3A_878 : vector<16xi32>
      %gather3A_880 = tpu.vector_load_idx %arg12[%broadcast_in_dim3A_567, %add3A_601, %add3A_879] : memref<2x128x128xf32, #tpu.memory_space<vmem>>[vector<16xi32>, vector<16xi32>, vector<16xi32>], vector<16xf32>,
      %add3A_881 = arith.constant 23 : i32
      %add3A_882 = vector.broadcast %add3A_881 : i32 to vector<16xi32>
      %add3A_883 = arith.addi %shift_left3A_597, %add3A_882 : vector<16xi32>
      %gather3A_884 = tpu.vector_load_idx %arg13[%broadcast_in_dim3A_567, %add3A_601, %add3A_883] : memref<2x128x128xf32, #tpu.memory_space<vmem>>[vector<16xi32>, vector<16xi32>, vector<16xi32>], vector<16xf32>,
      %mul3A_885 = arith.mulf %gather3A_880, %gather3A_884 : vector<16xf32>
      %mul3A_886 = vector.broadcast %reduce_max3A_247 : f32 to vector<16xf32>
      %mul3A_887 = arith.mulf %mul3A_885, %mul3A_886 : vector<16xf32>
      %add3A_888 = arith.addf %add3A_876, %mul3A_887 : vector<16xf32>
      %add3A_889 = arith.constant 24 : i32
      %add3A_890 = vector.broadcast %add3A_889 : i32 to vector<16xi32>
      %add3A_891 = arith.addi %shift_left3A_588, %add3A_890 : vector<16xi32>
      %gather3A_892 = tpu.vector_load_idx %arg12[%broadcast_in_dim3A_567, %add3A_601, %add3A_891] : memref<2x128x128xf32, #tpu.memory_space<vmem>>[vector<16xi32>, vector<16xi32>, vector<16xi32>], vector<16xf32>,
      %add3A_893 = arith.constant 24 : i32
      %add3A_894 = vector.broadcast %add3A_893 : i32 to vector<16xi32>
      %add3A_895 = arith.addi %shift_left3A_597, %add3A_894 : vector<16xi32>
      %gather3A_896 = tpu.vector_load_idx %arg13[%broadcast_in_dim3A_567, %add3A_601, %add3A_895] : memref<2x128x128xf32, #tpu.memory_space<vmem>>[vector<16xi32>, vector<16xi32>, vector<16xi32>], vector<16xf32>,
      %mul3A_897 = arith.mulf %gather3A_892, %gather3A_896 : vector<16xf32>
      %mul3A_898 = vector.broadcast %reduce_max3A_257 : f32 to vector<16xf32>
      %mul3A_899 = arith.mulf %mul3A_897, %mul3A_898 : vector<16xf32>
      %add3A_900 = arith.addf %add3A_888, %mul3A_899 : vector<16xf32>
      %add3A_901 = arith.constant 25 : i32
      %add3A_902 = vector.broadcast %add3A_901 : i32 to vector<16xi32>
      %add3A_903 = arith.addi %shift_left3A_588, %add3A_902 : vector<16xi32>
      %gather3A_904 = tpu.vector_load_idx %arg12[%broadcast_in_dim3A_567, %add3A_601, %add3A_903] : memref<2x128x128xf32, #tpu.memory_space<vmem>>[vector<16xi32>, vector<16xi32>, vector<16xi32>], vector<16xf32>,
      %add3A_905 = arith.constant 25 : i32
      %add3A_906 = vector.broadcast %add3A_905 : i32 to vector<16xi32>
      %add3A_907 = arith.addi %shift_left3A_597, %add3A_906 : vector<16xi32>
      %gather3A_908 = tpu.vector_load_idx %arg13[%broadcast_in_dim3A_567, %add3A_601, %add3A_907] : memref<2x128x128xf32, #tpu.memory_space<vmem>>[vector<16xi32>, vector<16xi32>, vector<16xi32>], vector<16xf32>,
      %mul3A_909 = arith.mulf %gather3A_904, %gather3A_908 : vector<16xf32>
      %mul3A_910 = vector.broadcast %reduce_max3A_267 : f32 to vector<16xf32>
      %mul3A_911 = arith.mulf %mul3A_909, %mul3A_910 : vector<16xf32>
      %add3A_912 = arith.addf %add3A_900, %mul3A_911 : vector<16xf32>
      %add3A_913 = arith.constant 26 : i32
      %add3A_914 = vector.broadcast %add3A_913 : i32 to vector<16xi32>
      %add3A_915 = arith.addi %shift_left3A_588, %add3A_914 : vector<16xi32>
      %gather3A_916 = tpu.vector_load_idx %arg12[%broadcast_in_dim3A_567, %add3A_601, %add3A_915] : memref<2x128x128xf32, #tpu.memory_space<vmem>>[vector<16xi32>, vector<16xi32>, vector<16xi32>], vector<16xf32>,
      %add3A_917 = arith.constant 26 : i32
      %add3A_918 = vector.broadcast %add3A_917 : i32 to vector<16xi32>
      %add3A_919 = arith.addi %shift_left3A_597, %add3A_918 : vector<16xi32>
      %gather3A_920 = tpu.vector_load_idx %arg13[%broadcast_in_dim3A_567, %add3A_601, %add3A_919] : memref<2x128x128xf32, #tpu.memory_space<vmem>>[vector<16xi32>, vector<16xi32>, vector<16xi32>], vector<16xf32>,
      %mul3A_921 = arith.mulf %gather3A_916, %gather3A_920 : vector<16xf32>
      %mul3A_922 = vector.broadcast %reduce_max3A_277 : f32 to vector<16xf32>
      %mul3A_923 = arith.mulf %mul3A_921, %mul3A_922 : vector<16xf32>
      %add3A_924 = arith.addf %add3A_912, %mul3A_923 : vector<16xf32>
      %add3A_925 = arith.constant 27 : i32
      %add3A_926 = vector.broadcast %add3A_925 : i32 to vector<16xi32>
      %add3A_927 = arith.addi %shift_left3A_588, %add3A_926 : vector<16xi32>
      %gather3A_928 = tpu.vector_load_idx %arg12[%broadcast_in_dim3A_567, %add3A_601, %add3A_927] : memref<2x128x128xf32, #tpu.memory_space<vmem>>[vector<16xi32>, vector<16xi32>, vector<16xi32>], vector<16xf32>,
      %add3A_929 = arith.constant 27 : i32
      %add3A_930 = vector.broadcast %add3A_929 : i32 to vector<16xi32>
      %add3A_931 = arith.addi %shift_left3A_597, %add3A_930 : vector<16xi32>
      %gather3A_932 = tpu.vector_load_idx %arg13[%broadcast_in_dim3A_567, %add3A_601, %add3A_931] : memref<2x128x128xf32, #tpu.memory_space<vmem>>[vector<16xi32>, vector<16xi32>, vector<16xi32>], vector<16xf32>,
      %mul3A_933 = arith.mulf %gather3A_928, %gather3A_932 : vector<16xf32>
      %mul3A_934 = vector.broadcast %reduce_max3A_287 : f32 to vector<16xf32>
      %mul3A_935 = arith.mulf %mul3A_933, %mul3A_934 : vector<16xf32>
      %add3A_936 = arith.addf %add3A_924, %mul3A_935 : vector<16xf32>
      %add3A_937 = arith.constant 28 : i32
      %add3A_938 = vector.broadcast %add3A_937 : i32 to vector<16xi32>
      %add3A_939 = arith.addi %shift_left3A_588, %add3A_938 : vector<16xi32>
      %gather3A_940 = tpu.vector_load_idx %arg12[%broadcast_in_dim3A_567, %add3A_601, %add3A_939] : memref<2x128x128xf32, #tpu.memory_space<vmem>>[vector<16xi32>, vector<16xi32>, vector<16xi32>], vector<16xf32>,
      %add3A_941 = arith.constant 28 : i32
      %add3A_942 = vector.broadcast %add3A_941 : i32 to vector<16xi32>
      %add3A_943 = arith.addi %shift_left3A_597, %add3A_942 : vector<16xi32>
      %gather3A_944 = tpu.vector_load_idx %arg13[%broadcast_in_dim3A_567, %add3A_601, %add3A_943] : memref<2x128x128xf32, #tpu.memory_space<vmem>>[vector<16xi32>, vector<16xi32>, vector<16xi32>], vector<16xf32>,
      %mul3A_945 = arith.mulf %gather3A_940, %gather3A_944 : vector<16xf32>
      %mul3A_946 = vector.broadcast %reduce_max3A_297 : f32 to vector<16xf32>
      %mul3A_947 = arith.mulf %mul3A_945, %mul3A_946 : vector<16xf32>
      %add3A_948 = arith.addf %add3A_936, %mul3A_947 : vector<16xf32>
      %add3A_949 = arith.constant 29 : i32
      %add3A_950 = vector.broadcast %add3A_949 : i32 to vector<16xi32>
      %add3A_951 = arith.addi %shift_left3A_588, %add3A_950 : vector<16xi32>
      %gather3A_952 = tpu.vector_load_idx %arg12[%broadcast_in_dim3A_567, %add3A_601, %add3A_951] : memref<2x128x128xf32, #tpu.memory_space<vmem>>[vector<16xi32>, vector<16xi32>, vector<16xi32>], vector<16xf32>,
      %add3A_953 = arith.constant 29 : i32
      %add3A_954 = vector.broadcast %add3A_953 : i32 to vector<16xi32>
      %add3A_955 = arith.addi %shift_left3A_597, %add3A_954 : vector<16xi32>
      %gather3A_956 = tpu.vector_load_idx %arg13[%broadcast_in_dim3A_567, %add3A_601, %add3A_955] : memref<2x128x128xf32, #tpu.memory_space<vmem>>[vector<16xi32>, vector<16xi32>, vector<16xi32>], vector<16xf32>,
      %mul3A_957 = arith.mulf %gather3A_952, %gather3A_956 : vector<16xf32>
      %mul3A_958 = vector.broadcast %reduce_max3A_307 : f32 to vector<16xf32>
      %mul3A_959 = arith.mulf %mul3A_957, %mul3A_958 : vector<16xf32>
      %add3A_960 = arith.addf %add3A_948, %mul3A_959 : vector<16xf32>
      %add3A_961 = arith.constant 30 : i32
      %add3A_962 = vector.broadcast %add3A_961 : i32 to vector<16xi32>
      %add3A_963 = arith.addi %shift_left3A_588, %add3A_962 : vector<16xi32>
      %gather3A_964 = tpu.vector_load_idx %arg12[%broadcast_in_dim3A_567, %add3A_601, %add3A_963] : memref<2x128x128xf32, #tpu.memory_space<vmem>>[vector<16xi32>, vector<16xi32>, vector<16xi32>], vector<16xf32>,
      %add3A_965 = arith.constant 30 : i32
      %add3A_966 = vector.broadcast %add3A_965 : i32 to vector<16xi32>
      %add3A_967 = arith.addi %shift_left3A_597, %add3A_966 : vector<16xi32>
      %gather3A_968 = tpu.vector_load_idx %arg13[%broadcast_in_dim3A_567, %add3A_601, %add3A_967] : memref<2x128x128xf32, #tpu.memory_space<vmem>>[vector<16xi32>, vector<16xi32>, vector<16xi32>], vector<16xf32>,
      %mul3A_969 = arith.mulf %gather3A_964, %gather3A_968 : vector<16xf32>
      %mul3A_970 = vector.broadcast %reduce_max3A_317 : f32 to vector<16xf32>
      %mul3A_971 = arith.mulf %mul3A_969, %mul3A_970 : vector<16xf32>
      %add3A_972 = arith.addf %add3A_960, %mul3A_971 : vector<16xf32>
      %add3A_973 = arith.constant 31 : i32
      %add3A_974 = vector.broadcast %add3A_973 : i32 to vector<16xi32>
      %add3A_975 = arith.addi %shift_left3A_588, %add3A_974 : vector<16xi32>
      %gather3A_976 = tpu.vector_load_idx %arg12[%broadcast_in_dim3A_567, %add3A_601, %add3A_975] : memref<2x128x128xf32, #tpu.memory_space<vmem>>[vector<16xi32>, vector<16xi32>, vector<16xi32>], vector<16xf32>,
      %add3A_977 = arith.constant 31 : i32
      %add3A_978 = vector.broadcast %add3A_977 : i32 to vector<16xi32>
      %add3A_979 = arith.addi %shift_left3A_597, %add3A_978 : vector<16xi32>
      %gather3A_980 = tpu.vector_load_idx %arg13[%broadcast_in_dim3A_567, %add3A_601, %add3A_979] : memref<2x128x128xf32, #tpu.memory_space<vmem>>[vector<16xi32>, vector<16xi32>, vector<16xi32>], vector<16xf32>,
      %mul3A_981 = arith.mulf %gather3A_976, %gather3A_980 : vector<16xf32>
      %mul3A_982 = vector.broadcast %reduce_max3A_327 : f32 to vector<16xf32>
      %mul3A_983 = arith.mulf %mul3A_981, %mul3A_982 : vector<16xf32>
      %add3A_984 = arith.addf %add3A_972, %mul3A_983 : vector<16xf32>
      %neg3A = arith.constant 0.000000e+00 : f32
      %neg3A_985 = vector.broadcast %neg3A : f32 to vector<16xf32>
      %neg3A_986 = arith.subf %neg3A_985, %add3A_984 : vector<16xf32>
      %exp3A = math.exp %neg3A_986 : vector<16xf32>
      %add3A_987 = arith.constant 1.000000e+00 : f32
      %add3A_988 = vector.broadcast %add3A_987 : f32 to vector<16xf32>
      %add3A_989 = arith.addf %add3A_988, %exp3A : vector<16xf32>
      %div3A = arith.constant 1.000000e+00 : f32
      %div3A_990 = vector.broadcast %div3A : f32 to vector<16xf32>
      %div3A_991 = arith.divf %div3A_990, %add3A_989 : vector<16xf32>
      %swap3A = arith.index_cast %add3A_578 : i32 to index
      %swap3A_992 = tpu.vector_load %arg14[%swap3A] {strides = array<i32>} : memref<512xf32, #tpu.memory_space<vmem>>, vector<16xf32>,
      tpu.vector_store %arg14[%swap3A], %div3A_991 {strides = array<i32>} : memref<512xf32, #tpu.memory_space<vmem>>, vector<16xf32>,
    }
    %scan3A_573 = arith.constant 8 : i32
    "tpu.region"() ({
      %run_scoped3A = tpu.sem_alloc : memref<!tpu.dma_semaphore, #tpu.memory_space<semaphore_mem>>
      %dma_start3A_574 = tpu.memref_slice %arg7[%mul3A_2] : memref<16384xf32, #tpu.memory_space<hbm>> -> memref<512xf32, #tpu.memory_space<hbm>>
      %dma_start3A_575 = tpu.memref_slice %arg7[%mul3A_2] : memref<16384xf32, #tpu.memory_space<hbm>> -> memref<512xf32, #tpu.memory_space<hbm>>
      tpu.enqueue_dma source(%arg14 : memref<512xf32, #tpu.memory_space<vmem>>) target(%dma_start3A_575 : memref<512xf32, #tpu.memory_space<hbm>>) target_semaphore(%run_scoped3A : memref<!tpu.dma_semaphore, #tpu.memory_space<semaphore_mem>>)
      %dma_wait3A_576 = tpu.memref_slice %arg7[%mul3A_2] : memref<16384xf32, #tpu.memory_space<hbm>> -> memref<512xf32, #tpu.memory_space<hbm>>
      %dma_wait3A_577 = tpu.memref_slice %arg7[%mul3A_2] : memref<16384xf32, #tpu.memory_space<hbm>> -> memref<512xf32, #tpu.memory_space<hbm>>
      tpu.wait_dma2 semaphore(%run_scoped3A : memref<!tpu.dma_semaphore, #tpu.memory_space<semaphore_mem>>) src(%arg14 : memref<512xf32, #tpu.memory_space<vmem>>) dst(%dma_wait3A_577 : memref<512xf32, #tpu.memory_space<hbm>>)
      tpu.yield
    }) : () -> ()
    return
  }
}

</mosaic_0001>

<sc_bundles>
// kernel: _gmf.3.cloned.1.call-start
scs
__scs_entry_jumppad:
0x0: {  	(pc) =	sbr.rel $0x88, $3  }
0x1: {  	(tag) =	ssettag $0x0;
	lr =	simm.s32 $0x1  }
0x2: {  	[smem:$0x3F9C] =	sst lr;
	_ =	strace $0xD0000000  }
0x3: {  	_ = 	snop  }
0x4: {  	_ = 	snop  }
0x5: {  	_ = 	snop  }
0x6: {  	_ = 	snop  }
0x7: {  	_ = 	snop  }
__scs_overlays_trampoline_lowered:
0x8: {  	[smem:$0x3FAB] =	sst s0  }
0x9: {  	[smem:$0x3FAC] =	sst s1  }
0xa: {  	[smem:$0x3FAD] =	sst s2  }
0xb: {  	[smem:$0x3FAE] =	sst s3  }
0xc: {  	[smem:$0x3FAF] =	sst s4  }
0xd: {  	[smem:$0x3FB0] =	sst s5  }
0xe: {  	[smem:$0x3FB1] =	sst s6  }
0xf: {  	[smem:$0x3FB2] =	sst s7  }
0x10: {  	[smem:$0x3FB3] =	sst s8  }
0x11: {  	[smem:$0x3FB4] =	sst s9;
	s0 =	simm.s32 @!p0 $0x0  }
0x12: {  	s1 =	sld [smem:$0x3F9A];
	s0 =	simm.s32 @p0 $0x1  }
0x13: {  	[smem:$0x3FB5] =	sst s0;
	s0 =	simm.s32 @!p1 $0x0  }
0x14: {  	s2 =	sld [smem:$0x3F99];
	s0 =	simm.s32 @p1 $0x1  }
0x15: {  	[smem:$0x3FB6] =	sst s0;
	s0 =	simm.s32 @!p2 $0x0  }
0x16: {  	s3 =	sld [smem:$0x3FDB];
	s0 =	simm.s32 @p2 $0x1  }
0x17: {  	s4 =	simm.s32 $0x1BF5;
	[smem:$0x3FB8] =	sst s0  }
0x18: {  	s0 =	sld [smem:$0x3F9B];
	_ =	swait.ge [sflag:s4], $0x0  }
0x19: {  	s7 =	sld [smem:$0x3F9C]  }
0x1a: {  	s8 =	sadd.s32 $0xFFFFE003, lr  }
0x1b: {  	s9 =	sadd.s32 $0xFFFFFEF7, lr;
	s5 =	simm.s32 $0xFFFFFFFF;
	p2 =	slt.u32 s8, $0xFFFFF086  }
0x1c: {  	p1 =	slt.u32 s9, $0xF7A;
	s5 =	simm.s32 @!p2 $0x0  }
0x1d: {  	s5 =	simm.s32 @p1 $0x1;
	p0 =	seq.s32 s7, s2  }
0x1e: {  	s7 =	smul.u32 @!p0 $0xF7A, s2;
	p2 =	seq.s32 @!p0 s5, $0x0  }
0x1f: {  	s9 =	smul.u32 $0xF7A, s1;
	s8 =	simm.s32 @!p0 $0x1BF5;
	p2 =	por !p2, p0  }
0x20: {  	[sflag:s8] =	ssyncset.s32 @!p0 $0xFFFFF086;
	s6 =	sadd.s32 @!p0 s3, s7;
	s7 =	simm.s32 @!p0 $0x108  }
0x21: {  	s3 =	sadd.s32 s3, s9;
	s6 =	sadd.s32 @!p0 $0x88, s6;
	s7 =	simm.s32 @p2 $0x1082  }
0x22: {  	[simem:s7], [sflag:s8] =	dma.local @!p0 [hbm:s6], $0xF7A  }
0x23: {  	s9 =	sor.u32 $0xD0000000, s2;
	s6 =	simm.s32 $0x108;
	_ =	swait.ge @!p0 [sflag:s8], $0x0  }
0x24: {  	s3 =	sadd.s32 $0x88, s3;
	s6 =	simm.s32 @!p1 $0x1082;
	[sflag:s4] =	ssyncset.s32 $0xFFFFF086  }
0x25: {  	[simem:s6], [sflag:s4] =	dma.local [hbm:s3], $0xF7A  }
0x26: {  	[smem:$0x3F9C] =	sst s1;
	(tag) =	ssettag s2;
	_ =	strace s9  }
0x27: {  	s1 =	sld [smem:$0x3FAC]  }
0x28: {  	s2 =	sld [smem:$0x3FAD]  }
0x29: {  	s4 =	sld [smem:$0x3FAF]  }
0x2a: {  	p0 =	seq.s32 s5, $0x0;
	s5 =	sld [smem:$0x3FB0]  }
0x2b: {  	s6 =	sld [smem:$0x3FB1]  }
0x2c: {  	s7 =	sld [smem:$0x3FB2]  }
0x2d: {  	s3 =	simm.s32 $0x108;
	s8 =	sld [smem:$0x3FB3]  }
0x2e: {  	s3 =	simm.s32 @!p0 $0x1082;
	s9 =	sld [smem:$0x3FB4]  }
0x2f: {  	lr =	sadd.s32 s0, s3;
	s0 =	sld [smem:$0x3FAB]  }
0x30: {  	s3 =	sld [smem:$0x3FAE]  }
0x31: {  	[smem:$0x3FB7] =	sst s10  }
0x32: {  	s10 =	sld [smem:$0x3FB5];
	_ =	sdelay $0x3  }
0x33: {  	p0 =	seq.s32 s10, $0x1;
	s10 =	sld [smem:$0x3FB7];
	_ =	sdelay $0x3  }
0x34: {  	[smem:$0x3FB7] =	sst s10  }
0x35: {  	s10 =	sld [smem:$0x3FB6];
	_ =	sdelay $0x3  }
0x36: {  	p1 =	seq.s32 s10, $0x1;
	s10 =	sld [smem:$0x3FB7];
	_ =	sdelay $0x3  }
0x37: {  	[smem:$0x3FB7] =	sst s10  }
0x38: {  	s10 =	sld [smem:$0x3FB8]  }
0x39: {  	_ = 	snop;
	(pc) =	sbr.ind lr, $3  }
0x3a: {  	_ = 	snop  }
0x3b: {  	_ = 	snop  }
0x3c: {  	p2 =	seq.s32 s10, $0x1;
	s10 =	sld [smem:$0x3FB7]  }
0x3d: {  	_ =	shalt  }
0x3e: {  	_ =	shalt  }
0x3f: {  	_ =	shalt  }
0x40: {  	_ =	shalt  }
0x41: {  	_ =	shalt  }
0x42: {  	_ =	shalt  }
0x43: {  	_ =	shalt  }
0x44: {  	_ =	shalt  }
0x45: {  	_ =	shalt  }
0x46: {  	_ =	shalt  }
0x47: {  	_ =	shalt  }
0x48: {  	_ =	shalt  }
0x49: {  	_ =	shalt  }
0x4a: {  	_ =	shalt  }
0x4b: {  	_ =	shalt  }
0x4c: {  	_ =	shalt  }
0x4d: {  	_ =	shalt  }
0x4e: {  	_ =	shalt  }
0x4f: {  	_ =	shalt  }
0x50: {  	_ =	shalt  }
0x51: {  	_ =	shalt  }
0x52: {  	_ =	shalt  }
0x53: {  	_ =	shalt  }
0x54: {  	_ =	shalt  }
0x55: {  	_ =	shalt  }
0x56: {  	_ =	shalt  }
0x57: {  	_ =	shalt  }
0x58: {  	_ =	shalt  }
0x59: {  	_ =	shalt  }
0x5a: {  	_ =	shalt  }
0x5b: {  	_ =	shalt  }
0x5c: {  	_ =	shalt  }
0x5d: {  	_ =	shalt  }
0x5e: {  	_ =	shalt  }
0x5f: {  	_ =	shalt  }
0x60: {  	_ =	shalt  }
0x61: {  	_ =	shalt  }
0x62: {  	_ =	shalt  }
0x63: {  	_ =	shalt  }
0x64: {  	_ =	shalt  }
0x65: {  	_ =	shalt  }
0x66: {  	_ =	shalt  }
0x67: {  	_ =	shalt  }
0x68: {  	_ =	shalt  }
0x69: {  	_ =	shalt  }
0x6a: {  	_ =	shalt  }
0x6b: {  	_ =	shalt  }
0x6c: {  	_ =	shalt  }
0x6d: {  	_ =	shalt  }
0x6e: {  	_ =	shalt  }
0x6f: {  	_ =	shalt  }
0x70: {  	_ =	shalt  }
0x71: {  	_ =	shalt  }
0x72: {  	_ =	shalt  }
0x73: {  	_ =	shalt  }
0x74: {  	_ =	shalt  }
0x75: {  	_ =	shalt  }
0x76: {  	_ =	shalt  }
0x77: {  	_ =	shalt  }
0x78: {  	_ =	shalt  }
0x79: {  	_ =	shalt  }
0x7a: {  	_ =	shalt  }
0x7b: {  	_ =	shalt  }
0x7c: {  	_ =	shalt  }
0x7d: {  	_ =	shalt  }
0x7e: {  	_ =	shalt  }
0x7f: {  	_ =	shalt  }
0x80: {  	_ =	shalt  }
0x81: {  	_ =	shalt  }
0x82: {  	_ =	shalt  }
0x83: {  	_ =	shalt  }
0x84: {  	_ =	shalt  }
0x85: {  	_ =	shalt  }
0x86: {  	_ =	shalt  }
0x87: {  	_ =	shalt  }
.Lfunc_end0:
.L_simem_size_0:
called_computation_lowered:
.L_overlay_start_0:
0x88: {  	s2 =	sld [smem:$0x3FD9]  }
0x89: {  	s3 =	sld [smem:$0x3FFE];
	_ =	sdelay $0x1  }
0x8a: {  	s1 =	srdreg.scid  }
0x8b: {  	s0 =	sand.u32 $0x1, s1  }
0x8c: {  	s18 =	sshll.u32 s0, $0xA;
	s2 =	sadd.s32 s3, s2  }
0x8d: {  	s2 =	sadd.s32 s2, s18  }
0x8e: {  	[smem:$0x3FC3] =	sst s2  }
0x8f: {  	_ = 	snop  }
0x90: {  	s2 =	sld [smem:$0x3FC9]  }
0x91: {  	s19 =	sld [smem:$0x3FC8]  }
0x92: {  	s4 =	sld [smem:$0x3FC7]  }
0x93: {  	s5 =	sld [smem:$0x3FC6]  }
0x94: {  	s6 =	sld [smem:$0x3FC5]  }
0x95: {  	s7 =	sld [smem:$0x3FD0];
	(tm) =	ssettm $0x1  }
0x96: {  	s8 =	sld [smem:$0x3FFB];
	_ =	sdelay $0x3  }
0x97: {  	_ =	strace s8  }
0x98: {  	s8 =	sld [smem:$0x3FFC];
	_ =	sdelay $0x3  }
0x99: {  	_ =	strace s8  }
0x9a: {  	s8 =	sld [smem:$0x3FFD];
	_ =	sdelay $0x3  }
0x9b: {  	_ =	strace s8  }
0x9c: {  	_ =	strace $0x8FFFFFFF  }
0x9d: {  	s20 =	sld [smem:$0x3FDB];
	_ =	sdelay $0x1  }
0x9e: {  	s9 =	simm.s32 $_scs_section_size  }
0x9f: {  	s10 =	simm.s32 $_size__tile_overlayer_lowered;
	s11 =	simm.s32 $_tile_overlayer_lowered  }
0xa0: {  	s23 =	simm.s32 $0x1BFF;
	s22 =	sshll.u32 s11, $0x1;
	s8 =	sadd.s32 s9, s20  }
0xa1: {  	s12 =	simm.s32 $0x0;
	s21 =	sshll.u32 s10, $0x1;
	s10 =	sadd.s32 s22, s8  }
0xa2: {  	[timem:s12], [sflag:s23] =	dma.local [hbm:s10], s21  }
0xa3: {  	_ =	swait.ge [sflag:s23], s21  }
0xa4: {  	s9 =	ssub.s32 $0x0, s21;
	[sflag:s23] =	ssyncset.done $0x0  }
0xa5: {  	[sflag:s23] =	ssyncadd.s32 s9;
	_ =	sdelay $0x1  }
0xa6: {  	s24 =	simm.s32 $0x1B8B  }
0xa7: {  	_ =	swait.ge [sflag:s24], $0x1  }
0xa8: {  	[sflag:s24] =	ssyncset.done $0x0  }
0xa9: {  	s25 =	simm.s32 $0x1B8E;
	[sflag:s24] =	ssyncadd.s32 $0xFFFFFFFF  }
0xaa: {  	s26 =	simm.s32 $execute0_lowered;
	[smem:$0x3FD2] =	sst s25  }
0xab: {  	s9 =	sshll.u32 s26, $0x1;
	_ =	strace $0x80000046;
	[dreg:$0x1] =	wrdreg $0xFFFFFFFF  }
0xac: {  	s28 =	simm.s32 $_size_execute0_lowered;
	s8 =	sadd.s32 s8, s9;
	[dreg:$0x0] =	wrdreg $0x0  }
0xad: {  	s9 =	sshll.u32 s28, $0x1;
	[dreg:$0x2] =	wrdreg s8  }
0xae: {  	[dreg:$0x3] =	wrdreg s9  }
0xaf: {  	[dreg:$0x4] =	wrdreg $0xC0  }
0xb0: {  	_ =	task [dreg:s12], $0x5FFFF  }
0xb1: {  	[dreg:$0x1] =	wrdreg $0xFFFFFFFF  }
0xb2: {  	[dreg:$0x0] =	wrdreg $0x60  }
0xb3: {  	[dreg:$0x2] =	wrdreg s2  }
0xb4: {  	[dreg:$0x3] =	wrdreg s19  }
0xb5: {  	[dreg:$0x4] =	wrdreg s4  }
0xb6: {  	[dreg:$0x5] =	wrdreg s5  }
0xb7: {  	[dreg:$0x6] =	wrdreg s6  }
0xb8: {  	[dreg:$0x7] =	wrdreg s7  }
0xb9: {  	[dreg:$0x8] =	wrdreg $0x9  }
0xba: {  	_ =	task.clear_ibuf [dreg:s12], $0x9FFFF;
	_ =	strace $0x90000046  }
0xbb: {  	s29 =	simm.s32 $0x9;
	_ =	strace $0x80000048  }
0xbc: {  	_ =	swait.ge [sflag:s29], $0x1  }
0xbd: {  	[sflag:s29] =	ssyncadd.s32 $0xFFFFFFFF  }
0xbe: {  	_ =	strace $0x90000048  }
0xbf: {  	_ =	sfence  }
0xc0: {  	s30 =	sld [smem:$0x0];
	_ =	sdelay $0x2  }
0xc1: {  	s31 =	sshll.u32 s1, $0xD;
	s1 =	sshrl.u32 s1, $0x2  }
0xc2: {  	s3 =	sand.u32 $0x4000, s31;
	s1 =	sadd.s32 s1, s30  }
0xc3: {  	s0 =	sor.u32 s3, s0;
	s1 =	sshll.u32 s1, $0x11  }
0xc4: {  	s0 =	sor.u32 s1, s0  }
0xc5: {  	s0 =	sadd.s32 $0x8F2B, s0  }
0xc6: {  	[sflag:s0] =	ssyncadd.remote.s32 $0x1  }
0xc7: {  	_ =	sfence.sel $0xFFFF  }
0xc8: {  	[dreg:$0x0] =	wrdreg $0xFFFFFFFF;
	(pc) =	sbr.abs _section_cstart, $3  }
0xc9: {  	[dreg:$0x1] =	wrdreg $0xFFFFFFFF  }
0xca: {  	_ =	task.clear_ibuf [dreg:s12], $0x2FFFF;
	_ =	strace $0x9FFFFFFF  }
0xcb: {  	(tm) =	ssettm $0x7FFFFFFF  }
tec
execute0_lowered:
.L_overlay_start_1:
0x0: {  	(tag) =	ssettag $0x1  }
0x1: {  	s0 =	rddreg [dreg:$0x0]  }
0x2: {  	s3 =	rddreg [dreg:$0x1]  }
0x3: {  	s1 =	rddreg [dreg:$0x2]  }
0x4: {  	s2 =	rddreg [dreg:$0x3]  }
0x5: {  	s4 =	rddreg [dreg:$0x5];
	s6 =	srdreg.scid;
	s5 =	simm.s32 $0x0  }
0x6: {  	s9 =	stileid.u32;
	s12 =	simm.s32 $0x10A00;
	s13 =	simm.s32 $0x80  }
0x7: {  	s14 =	simm.s32 $0x400;
	s15 =	simm.s32 $0x800;
	s16 =	simm.s32 $0x600  }
0x8: {  	s17 =	simm.s32 $0x8800;
	s18 =	simm.s32 $0x480;
	s19 =	simm.s32 $0x4800  }
0x9: {  	s20 =	simm.s32 $0x680;
	s21 =	simm.s32 $0xC800;
	s22 =	simm.s32 $0x1  }
0xa: {  	s23 =	simm.s32 $0x500;
	s24 =	simm.s32 $0x700;
	s25 =	simm.s32 $0x2  }
0xb: {  	vm0 =	vmmov $0x1;
	vm1 =	vcmask $0x308;
	vm2 =	vcmask $0x70C;
	s26 =	simm.s32 $0x580;
	s28 =	simm.s32 $0x780;
	s29 =	simm.s32 $0x10800  }
0xc: {  	vm3 =	vcmask $0xB10;
	vm4 =	vcmask $0xF14;
	vm5 =	vcmask $0x1318;
	s30 =	simm.s32 $0x0;
	s6 =	sand.u32 $0x1, s6;
	[smem:$0x7FF] =	sst s5  }
0xd: {  	vm6 =	vcmask $0x171C;
	vm7 =	vcmask $0x1B20;
	vm8 =	vcmask $0x1F24;
	s9 =	sshll.u32 s9, $0x7;
	s7 =	ssub.s32 $0x2, s6;
	s6 =	sshll.u32 s6, $0x6  }
0xe: {  	vm9 =	vcmask $0x2328;
	vm10 =	vcmask $0x272C;
	vm11 =	vcmask $0x2B30;
	_ =	strace $0x80000047;
	s8 =	sshrl.u32 s7, $0x1;
	s31 =	sor.u32 s6, s9  }
0xf: {  	vm12 =	vcmask $0x2F34;
	vm13 =	vcmask $0x3338;
	v0 =	vlaneseq.u32;
	s10 =	ssub.s32 s7, s8;
	s6 =	sadd.s32 s0, s31;
	s7 =	sadd.s32 s3, s31  }
0x10: {  	vm14 =	vcmask $0x373C;
	vm15 =	vmmov $0x7fff;
	v0 =	vmul.u32 $0x80, v0;
	s8 =	sadd.s32 s4, s31;
	s9 =	smax.u32 s10, $0x1;
	s10 =	simm.s32 $0x3  }
.LBB2_1:
0x11: {  	[tilespmem:s5], [sflag:$0x3] =	stream.linear.gather [hbm4b:s6+s5], $0x200, $0x38;
	[tilespmem:$0x10A30] =	vst v63  }
0x12: {  	_ =	swait.ge [sflag:s10], $0x200  }
0x13: {  	[sflag:s10] =	ssyncset.done $0x0  }
0x14: {  	s0 =	simm.s32 $0x200;
	[sflag:s10] =	ssyncadd.s32 $0xFFFFFE00  }
0x15: {  	[tilespmem:s0], [sflag:$0x3] =	stream.linear.gather [hbm4b:s7+s5], $0x200, $0x38;
	[tilespmem:$0x10A30] =	vst v63  }
0x16: {  	_ =	swait.ge [sflag:s10], $0x200  }
0x17: {  	[sflag:s10] =	ssyncset.done $0x0  }
0x18: {  	[sflag:s10] =	ssyncadd.s32 $0xFFFFFE00  }
0x19: {  	s31 =	rddreg [dreg:$0x4]  }
0x1a: {  	[tilespmem:s12], [sflag:$0x3] =	stream.linear.gather [hbm4b:s31+s5], $0x30, $0x38;
	[tilespmem:$0x10A30] =	vst v63  }
0x1b: {  	_ =	swait.ge [sflag:s10], $0x30  }
0x1c: {  	[sflag:s10] =	ssyncset.done $0x0  }
0x1d: {  	s0 =	simm.s32 $0x0;
	[sflag:s10] =	ssyncadd.s32 $0xFFFFFFD0  }
0x1e: {  	v1 =	vld [tilespmem:s0+$0x200]  }
0x1f: {  	v2 =	vld [tilespmem:s0+$0x0];
	_ =	sdelay $0x1  }
0x20: {  	s3 =	simm.s32 $0x40  }
.LBB2_2:
0x21: {  	p0 =	sne.s32 s3, $0x7C0  }
.Ltmp0:
0x22: {  	s4 =	sshra.s32 s3, $0x2;
	s3 =	sadd.s32 $0x40, s3;
	v3 =	vshra.s32 v1, $0x2;
	(pc) =	sbr.rel @p0 .LBB2_2-.Ltmp0, $4  }
0x23: {  	v5 =	vand.u32 $0x7F, v1;
	v4 =	vshra.s32 v2, $0x2;
	v3 =	vand.u32 $0xFFFFFF80, v3;
	v1 =	vld [tilespmem:s4+$0x200]  }
0x24: {  	v6 =	vand.u32 $0x7F, v2;
	v4 =	vand.u32 $0xFFFFFF80, v4;
	v2 =	vld [tilespmem:s4+$0x0];
	v3 =	vor.u32 v5, v3  }
0x25: {  	v4 =	vor.u32 v6, v4;
	[tilespmem:s0+$0x600] =	vst v3  }
0x26: {  	[tilespmem:s0+$0x400] =	vst v4;
	s0 =	smov.u32 s4  }
0x27: {  	_ = 	snop  }
0x28: {  	v3 =	vshra.s32 v1, $0x2  }
0x29: {  	v1 =	vand.u32 $0x7F, v1;
	v4 =	vshra.s32 v2, $0x2;
	v3 =	vand.u32 $0xFFFFFF80, v3  }
0x2a: {  	v2 =	vand.u32 $0x7F, v2;
	v4 =	vand.u32 $0xFFFFFF80, v4;
	v1 =	vor.u32 v1, v3  }
0x2b: {  	v2 =	vor.u32 v2, v4;
	[tilespmem:s0+$0x600] =	vst v1  }
0x2c: {  	[tilespmem:s0+$0x400] =	vst v2  }
0x2d: {  	v1 =	vld [tilespmem:$0x10A00];
	_ =	sdelay $0x4  }
0x2e: {  	v2 =	vnsel vm0, $0xFF800000, v1  }
0x2f: {  	(xrf0) =	vmax.scan.msk.f32 $0xffff, v2;
	v2 =	vsel vm1, $0xFF800000, v1  }
0x30: {  	(xrf0) =	vmax.scan.msk.f32 $0xffff, v2;
	v2 =	vsel vm2, $0xFF800000, v1  }
0x31: {  	(xrf0) =	vmax.scan.msk.f32 $0xffff, v2;
	v2 =	vsel vm3, $0xFF800000, v1  }
0x32: {  	(xrf0) =	vmax.scan.msk.f32 $0xffff, v2;
	v2 =	vsel vm4, $0xFF800000, v1  }
0x33: {  	(xrf0) =	vmax.scan.msk.f32 $0xffff, v2;
	v2 =	vsel vm5, $0xFF800000, v1  }
0x34: {  	(xrf0) =	vmax.scan.msk.f32 $0xffff, v2;
	v2 =	vsel vm6, $0xFF800000, v1  }
0x35: {  	(xrf0) =	vmax.scan.msk.f32 $0xffff, v2;
	v2 =	vsel vm7, $0xFF800000, v1;
	v3, _, _ =	vpop (xrf0)  }
0x36: {  	(xrf0) =	vmax.scan.msk.f32 $0xffff, v2;
	v2 =	vsel vm8, $0xFF800000, v1;
	v36, _, _ =	vpop (xrf0)  }
0x37: {  	(xrf0) =	vmax.scan.msk.f32 $0xffff, v2;
	v2 =	vsel vm9, $0xFF800000, v1;
	v37, _, _ =	vpop (xrf0)  }
0x38: {  	(xrf0) =	vmax.scan.msk.f32 $0xffff, v2;
	v2 =	vsel vm10, $0xFF800000, v1;
	v4, _, _ =	vpop (xrf0)  }
0x39: {  	v7 =	vld [tilespmem:$0x10A10];
	(xrf0) =	vmax.scan.msk.f32 $0xffff, v2;
	v2 =	vsel vm11, $0xFF800000, v1;
	v5, _, _ =	vpop (xrf0)  }
0x3a: {  	(xrf0) =	vmax.scan.msk.f32 $0xffff, v2;
	v2 =	vsel vm12, $0xFF800000, v1;
	v6, _, _ =	vpop (xrf0)  }
0x3b: {  	(xrf0) =	vmax.scan.msk.f32 $0xffff, v2;
	v2 =	vsel vm13, $0xFF800000, v1;
	v8, _, _ =	vpop (xrf0)  }
0x3c: {  	(xrf0) =	vmax.scan.msk.f32 $0xffff, v2;
	v2 =	vsel vm14, $0xFF800000, v1;
	v9, _, _ =	vpop (xrf0)  }
0x3d: {  	v1 =	vsel vm15, $0xFF800000, v1;
	(xrf0) =	vmax.scan.msk.f32 $0xffff, v2;
	v10, _, _ =	vpop (xrf0)  }
0x3e: {  	(xrf0) =	vmax.scan.msk.f32 $0xffff, v1;
	v1 =	vnsel vm0, $0xFF800000, v7;
	v11, _, _ =	vpop (xrf0)  }
0x3f: {  	(xrf0) =	vmax.scan.msk.f32 $0xffff, v1;
	v1 =	vsel vm1, $0xFF800000, v7;
	v12, _, _ =	vpop (xrf0)  }
0x40: {  	(xrf0) =	vmax.scan.msk.f32 $0xffff, v1;
	v1 =	vsel vm2, $0xFF800000, v7;
	v13, _, _ =	vpop (xrf0)  }
0x41: {  	(xrf0) =	vmax.scan.msk.f32 $0xffff, v1;
	v1 =	vsel vm3, $0xFF800000, v7;
	v14, _, _ =	vpop (xrf0)  }
0x42: {  	(xrf0) =	vmax.scan.msk.f32 $0xffff, v1;
	v1 =	vsel vm4, $0xFF800000, v7;
	v15, _, _ =	vpop (xrf0)  }
0x43: {  	(xrf0) =	vmax.scan.msk.f32 $0xffff, v1;
	v1 =	vsel vm5, $0xFF800000, v7;
	v16, _, _ =	vpop (xrf0)  }
0x44: {  	(xrf0) =	vmax.scan.msk.f32 $0xffff, v1;
	v1 =	vsel vm6, $0xFF800000, v7;
	v17, _, _ =	vpop (xrf0)  }
0x45: {  	(xrf0) =	vmax.scan.msk.f32 $0xffff, v1;
	v1 =	vsel vm7, $0xFF800000, v7;
	v18, _, _ =	vpop (xrf0)  }
0x46: {  	(xrf0) =	vmax.scan.msk.f32 $0xffff, v1;
	v1 =	vsel vm8, $0xFF800000, v7;
	v19, _, _ =	vpop (xrf0)  }
0x47: {  	(xrf0) =	vmax.scan.msk.f32 $0xffff, v1;
	v1 =	vsel vm9, $0xFF800000, v7;
	v20, _, _ =	vpop (xrf0)  }
0x48: {  	(xrf0) =	vmax.scan.msk.f32 $0xffff, v1;
	v1 =	vsel vm10, $0xFF800000, v7;
	v21, _, _ =	vpop (xrf0)  }
0x49: {  	(xrf0) =	vmax.scan.msk.f32 $0xffff, v1;
	v1 =	vsel vm11, $0xFF800000, v7;
	v22, _, _ =	vpop (xrf0)  }
0x4a: {  	(xrf0) =	vmax.scan.msk.f32 $0xffff, v1;
	v1 =	vsel vm12, $0xFF800000, v7;
	v23, _, _ =	vpop (xrf0)  }
0x4b: {  	(xrf0) =	vmax.scan.msk.f32 $0xffff, v1;
	v1 =	vsel vm13, $0xFF800000, v7;
	v24, _, _ =	vpop (xrf0)  }
0x4c: {  	(xrf0) =	vmax.scan.msk.f32 $0xffff, v1;
	v1 =	vsel vm14, $0xFF800000, v7;
	v25, _, _ =	vpop (xrf0)  }
0x4d: {  	v2 =	vsel vm15, $0xFF800000, v7;
	(xrf0) =	vmax.scan.msk.f32 $0xffff, v1;
	v1 =	vld [tilespmem:$0x10A20];
	v26, _, _ =	vpop (xrf0);
	[tilespmem:s15], [sflag:$0x1] =	stream.indirect.gather [hbm4b:s1+s13], $0x80, s14, s13, $0xb8  }
0x4e: {  	(xrf0) =	vmax.scan.msk.f32 $0xffff, v2;
	v27, _, _ =	vpop (xrf0)  }
0x4f: {  	v28, _, _ =	vpop (xrf0)  }
0x50: {  	[tilespmem:s17], [sflag:$0x1] =	stream.indirect.gather [hbm4b:s2+s13], $0x80, s16, s13, $0xb8;
	v29, _, _ =	vpop (xrf0);
	[tilespmem:$0x10A30] =	vst v63  }
0x51: {  	v30, _, _ =	vpop (xrf0)  }
0x52: {  	[tilespmem:s19], [sflag:$0x2] =	stream.indirect.gather [hbm4b:s1+s13], $0x80, s18, s13, $0xb8;
	v31, _, _ =	vpop (xrf0);
	[tilespmem:$0x10A30] =	vst v63  }
0x53: {  	v32, _, _ =	vpop (xrf0)  }
0x54: {  	[tilespmem:s21], [sflag:$0x2] =	stream.indirect.gather [hbm4b:s2+s13], $0x80, s20, s13, $0xb8;
	v33, _, _ =	vpop (xrf0);
	[tilespmem:$0x10A30] =	vst v63  }
0x55: {  	_ =	swait.ge [sflag:s22], $0x4000  }
0x56: {  	[sflag:s22] =	ssyncset.done $0x0  }
0x57: {  	[sflag:s22] =	ssyncadd.s32 $0xFFFFC000  }
0x58: {  	_ =	swait.ge [sflag:s22], $0x4000  }
0x59: {  	[sflag:s22] =	ssyncset.done $0x0  }
0x5a: {  	s11 =	simm.s32 $0x0;
	[sflag:s22] =	ssyncadd.s32 $0xFFFFC000  }
0x5b: {  	s3 =	simm.s32 $0x200;
	v2 =	vld [tilespmem:s11+$0x0]  }
0x5c: {  	v7 =	vld [tilespmem:s3+$0x0];
	_ =	sdelay $0x2  }
0x5d: {  	v34 =	vmov s11  }
0x5e: {  	v34 =	vshll.u32 v34, $0x7;
	v2 =	vshrl.u32 v2, $0x2  }
0x5f: {  	v34 =	vor.u32 v0, v34;
	v7 =	vshrl.u32 v7, $0x2;
	v2 =	vand.u32 $0x60, v2  }
0x60: {  	v7 =	vand.u32 $0x60, v7;
	v35 =	vor.u32 v34, v2  }
0x61: {  	v34 =	vor.u32 v34, v7  }
0x62: {  	v2 =	vor.u32 $0x1, v35  }
0x63: {  	v7 =	vor.u32 $0x1, v34  }
0x64: {  	v38 =	vor.u32 $0x2, v35  }
0x65: {  	v40 =	vor.u32 $0x2, v34;
	v39 =	vld.idx.msk [tilespmem:v35+s15+$0x0], $0xffff  }
0x66: {  	v42 =	vor.u32 $0x3, v35;
	v41 =	vld.idx.msk [tilespmem:v34+s17+$0x0], $0xffff  }
0x67: {  	v44 =	vor.u32 $0x3, v34;
	v43 =	vld.idx.msk [tilespmem:v2+s15+$0x0], $0xffff  }
0x68: {  	v46 =	vor.u32 $0x4, v35;
	v45 =	vld.idx.msk [tilespmem:v7+s17+$0x0], $0xffff  }
0x69: {  	v47 =	vor.u32 $0x4, v34;
	v38 =	vld.idx.msk [tilespmem:v38+s15+$0x0], $0xffff  }
0x6a: {  	v48 =	vor.u32 $0x5, v35;
	v40 =	vld.idx.msk [tilespmem:v40+s17+$0x0], $0xffff  }
0x6b: {  	v49 =	vor.u32 $0x5, v34;
	v42 =	vld.idx.msk [tilespmem:v42+s15+$0x0], $0xffff  }
0x6c: {  	v59 =	vor.u32 $0x6, v34;
	v56 =	vld.idx.msk [tilespmem:v44+s17+$0x0], $0xffff  }
0x6d: {  	v57 =	vor.u32 $0x6, v35;
	v7 =	vbroadcast v3, $0xF;
	v58 =	vld.idx.msk [tilespmem:v46+s15+$0x0], $0xffff;
	v3 =	vmul.f32 v41, v39  }
0x6e: {  	v4 =	vbroadcast v4, $0xF;
	v55 =	vor.u32 $0xA, v35;
	v2 =	vbroadcast v36, $0xF;
	v61 =	vld.idx.msk [tilespmem:v47+s17+$0x0], $0xffff  }
0x6f: {  	v62 =	vor.u32 $0x7, v35;
	v48 =	vld.idx.msk [tilespmem:v48+s15+$0x0], $0xffff;
	v43 =	vmul.f32 v45, v43;
	v60 =	vmul.f32 v3, v7  }
0x70: {  	v63 =	vor.u32 $0x7, v34;
	v52 =	vor.u32 $0x8, v35;
	v49 =	vld.idx.msk [tilespmem:v49+s17+$0x0], $0xffff;
	v38 =	vmul.f32 v40, v38  }
0x71: {  	v44 =	vld.idx.msk [tilespmem:v59+s17+$0x0], $0xffff;
	v3 =	vbroadcast v37, $0xF;
	v43 =	vmul.f32 v43, v2;
	v46 =	vadd.f32 v60, v1  }
0x72: {  	v5 =	vbroadcast v5, $0xF;
	v50 =	vor.u32 $0x8, v34;
	v53 =	vor.u32 $0x9, v35;
	v39 =	vld.idx.msk [tilespmem:v57+s15+$0x0], $0xffff  }
0x73: {  	v41 =	vld.idx.msk [tilespmem:v55+s15+$0x0], $0xffff;
	v36 =	vmul.f32 v56, v42;
	v38 =	vmul.f32 v38, v3;
	v43 =	vadd.f32 v43, v46  }
0x74: {  	v6 =	vbroadcast v6, $0xF;
	v54 =	vor.u32 $0x9, v34;
	v57 =	vor.u32 $0xA, v34;
	v45 =	vld.idx.msk [tilespmem:v62+s15+$0x0], $0xffff  }
0x75: {  	v56 =	vld.idx.msk [tilespmem:v63+s17+$0x0], $0xffff;
	v37 =	vmul.f32 v61, v58;
	v36 =	vmul.f32 v36, v4;
	v38 =	vadd.f32 v38, v43  }
0x76: {  	v8 =	vbroadcast v8, $0xF;
	v59 =	vor.u32 $0xB, v35;
	v40 =	vld.idx.msk [tilespmem:v52+s15+$0x0], $0xffff;
	v63 =	vor.u32 $0xC, v35  }
0x77: {  	v58 =	vmul.f32 v49, v48;
	v37 =	vmul.f32 v37, v5;
	v60 =	vld.idx.msk [tilespmem:v50+s17+$0x0], $0xffff;
	v36 =	vadd.f32 v36, v38  }
0x78: {  	v9 =	vbroadcast v9, $0xF;
	v55 =	vor.u32 $0xD, v35;
	v42 =	vld.idx.msk [tilespmem:v53+s15+$0x0], $0xffff;
	v50 =	vor.u32 $0xB, v34  }
0x79: {  	v52 =	vld.idx.msk [tilespmem:v54+s17+$0x0], $0xffff;
	v61 =	vmul.f32 v58, v6;
	v62 =	vmul.f32 v44, v39;
	v36 =	vadd.f32 v37, v36  }
0x7a: {  	v10 =	vbroadcast v10, $0xF;
	v54 =	vmul.f32 v56, v45;
	v56 =	vld.idx.msk [tilespmem:v57+s17+$0x0], $0xffff;
	v57 =	vor.u32 $0xD, v34  }
0x7b: {  	v48 =	vld.idx.msk [tilespmem:v59+s15+$0x0], $0xffff;
	v46 =	vor.u32 $0xC, v34;
	v53 =	vmul.f32 v62, v8;
	v36 =	vadd.f32 v61, v36  }
0x7c: {  	v11 =	vbroadcast v11, $0xF;
	v39 =	vld.idx.msk [tilespmem:v63+s15+$0x0], $0xffff;
	v59 =	vmul.f32 v60, v40  }
0x7d: {  	v62 =	vor.u32 $0xE, v34;
	v58 =	vmul.f32 v54, v9;
	v43 =	vld.idx.msk [tilespmem:v55+s15+$0x0], $0xffff;
	v36 =	vadd.f32 v53, v36  }
0x7e: {  	v51 =	vmul.f32 v52, v42;
	v60 =	vor.u32 $0xE, v35;
	v63 =	vmul.f32 v59, v10;
	v61 =	vld.idx.msk [tilespmem:v50+s17+$0x0], $0xffff  }
0x7f: {  	v55 =	vmul.f32 v56, v41;
	v56 =	vor.u32 $0x10, v35;
	v57 =	vld.idx.msk [tilespmem:v57+s17+$0x0], $0xffff;
	v36 =	vadd.f32 v58, v36  }
0x80: {  	v12 =	vbroadcast v12, $0xF;
	v13 =	vbroadcast v13, $0xF;
	v52 =	vor.u32 $0xF, v35;
	v53 =	vld.idx.msk [tilespmem:v46+s17+$0x0], $0xffff  }
0x81: {  	v54 =	vmul.f32 v51, v11;
	v46 =	vor.u32 $0xF, v34;
	v36 =	vadd.f32 v63, v36  }
0x82: {  	v14 =	vbroadcast v14, $0xF;
	v62 =	vld.idx.msk [tilespmem:v62+s17+$0x0], $0xffff;
	v59 =	vmul.f32 v55, v12;
	v58 =	vor.u32 $0x10, v34  }
0x83: {  	v40 =	vld.idx.msk [tilespmem:v60+s15+$0x0], $0xffff;
	v60 =	vmul.f32 v61, v48;
	v61 =	vor.u32 $0x11, v35;
	v36 =	vadd.f32 v54, v36  }
0x84: {  	v41 =	vld.idx.msk [tilespmem:v56+s15+$0x0], $0xffff;
	v56 =	vmul.f32 v57, v43;
	v57 =	vor.u32 $0x13, v35;
	v63 =	vor.u32 $0x11, v34  }
0x85: {  	v42 =	vld.idx.msk [tilespmem:v52+s15+$0x0], $0xffff;
	v51 =	vmul.f32 v60, v13;
	v52 =	vmul.f32 v53, v39;
	v36 =	vadd.f32 v59, v36  }
0x86: {  	v15 =	vbroadcast v15, $0xF;
	v53 =	vor.u32 $0x12, v35;
	v54 =	vld.idx.msk [tilespmem:v46+s17+$0x0], $0xffff  }
0x87: {  	v46 =	vor.u32 $0x12, v34;
	v55 =	vmul.f32 v52, v14;
	v58 =	vld.idx.msk [tilespmem:v58+s17+$0x0], $0xffff;
	v36 =	vadd.f32 v51, v36  }
0x88: {  	v16 =	vbroadcast v16, $0xF;
	v60 =	vmul.f32 v62, v40;
	v48 =	vld.idx.msk [tilespmem:v61+s15+$0x0], $0xffff;
	v61 =	vor.u32 $0x14, v35  }
0x89: {  	v47 =	vor.u32 $0x13, v34;
	v59 =	vmul.f32 v56, v15;
	v62 =	vld.idx.msk [tilespmem:v63+s17+$0x0], $0xffff;
	v36 =	vadd.f32 v55, v36  }
0x8a: {  	v17 =	vbroadcast v17, $0xF;
	v43 =	vld.idx.msk [tilespmem:v57+s15+$0x0], $0xffff;
	v52 =	vmul.f32 v60, v16;
	v63 =	vor.u32 $0x14, v34  }
0x8b: {  	v39 =	vld.idx.msk [tilespmem:v53+s15+$0x0], $0xffff;
	v53 =	vmul.f32 v54, v42;
	v54 =	vor.u32 $0x15, v35;
	v36 =	vadd.f32 v59, v36  }
0x8c: {  	v18 =	vbroadcast v18, $0xF;
	v55 =	vld.idx.msk [tilespmem:v46+s17+$0x0], $0xffff;
	v57 =	vmul.f32 v58, v41;
	v58 =	vor.u32 $0x16, v35  }
0x8d: {  	v46 =	vor.u32 $0x15, v34;
	v56 =	vmul.f32 v53, v17;
	v40 =	vld.idx.msk [tilespmem:v61+s15+$0x0], $0xffff;
	v36 =	vadd.f32 v52, v36  }
0x8e: {  	v19 =	vbroadcast v19, $0xF;
	v59 =	vld.idx.msk [tilespmem:v47+s17+$0x0], $0xffff;
	v61 =	vmul.f32 v62, v48;
	v62 =	vor.u32 $0x17, v35  }
0x8f: {  	v47 =	vor.u32 $0x16, v34;
	v60 =	vmul.f32 v57, v18;
	v63 =	vld.idx.msk [tilespmem:v63+s17+$0x0], $0xffff;
	v36 =	vadd.f32 v56, v36  }
0x90: {  	v20 =	vbroadcast v20, $0xF;
	v52 =	vor.u32 $0x17, v34;
	v42 =	vld.idx.msk [tilespmem:v54+s15+$0x0], $0xffff  }
0x91: {  	v53 =	vmul.f32 v61, v19;
	v54 =	vmul.f32 v55, v39;
	v41 =	vld.idx.msk [tilespmem:v58+s15+$0x0], $0xffff;
	v36 =	vadd.f32 v60, v36  }
0x92: {  	v21 =	vbroadcast v21, $0xF;
	v55 =	vor.u32 $0x18, v35;
	v56 =	vld.idx.msk [tilespmem:v46+s17+$0x0], $0xffff;
	v46 =	vor.u32 $0x18, v34  }
0x93: {  	v57 =	vmul.f32 v54, v20;
	v58 =	vmul.f32 v59, v43;
	v48 =	vld.idx.msk [tilespmem:v62+s15+$0x0], $0xffff;
	v36 =	vadd.f32 v53, v36  }
0x94: {  	v22 =	vbroadcast v22, $0xF;
	v59 =	vor.u32 $0x19, v35;
	v62 =	vmul.f32 v63, v40;
	v60 =	vld.idx.msk [tilespmem:v47+s17+$0x0], $0xffff  }
0x95: {  	v47 =	vor.u32 $0x19, v34;
	v61 =	vmul.f32 v58, v21;
	v36 =	vadd.f32 v57, v36  }
0x96: {  	v23 =	vbroadcast v23, $0xF;
	v63 =	vor.u32 $0x1A, v35;
	v52 =	vld.idx.msk [tilespmem:v52+s17+$0x0], $0xffff;
	v54 =	vmul.f32 v62, v22  }
0x97: {  	v53 =	vor.u32 $0x1A, v34;
	v39 =	vld.idx.msk [tilespmem:v55+s15+$0x0], $0xffff;
	v55 =	vmul.f32 v56, v42;
	v36 =	vadd.f32 v61, v36  }
0x98: {  	v24 =	vbroadcast v24, $0xF;
	v56 =	vor.u32 $0x1B, v35;
	v57 =	vld.idx.msk [tilespmem:v46+s17+$0x0], $0xffff;
	v46 =	vor.u32 $0x1B, v34  }
0x99: {  	v43 =	vld.idx.msk [tilespmem:v59+s15+$0x0], $0xffff;
	v58 =	vmul.f32 v55, v23;
	v59 =	vmul.f32 v60, v41;
	v36 =	vadd.f32 v54, v36  }
0x9a: {  	v25 =	vbroadcast v25, $0xF;
	v60 =	vor.u32 $0x1C, v35;
	v61 =	vld.idx.msk [tilespmem:v47+s17+$0x0], $0xffff;
	v47 =	vor.u32 $0x1C, v34  }
0x9b: {  	v40 =	vld.idx.msk [tilespmem:v63+s15+$0x0], $0xffff;
	v63 =	vmul.f32 v52, v48;
	v62 =	vmul.f32 v59, v24;
	v36 =	vadd.f32 v58, v36  }
0x9c: {  	v26 =	vbroadcast v26, $0xF;
	v52 =	vor.u32 $0x1D, v35;
	v53 =	vld.idx.msk [tilespmem:v53+s17+$0x0], $0xffff;
	v54 =	vor.u32 $0x1D, v34  }
0x9d: {  	v42 =	vld.idx.msk [tilespmem:v56+s15+$0x0], $0xffff;
	v55 =	vmul.f32 v63, v25;
	v56 =	vmul.f32 v57, v39;
	v36 =	vadd.f32 v62, v36  }
0x9e: {  	v27 =	vbroadcast v27, $0xF;
	v59 =	vor.u32 $0x1E, v34;
	v57 =	vor.u32 $0x1E, v35;
	v58 =	vld.idx.msk [tilespmem:v46+s17+$0x0], $0xffff  }
0x9f: {  	v41 =	vld.idx.msk [tilespmem:v60+s15+$0x0], $0xffff;
	v60 =	vmul.f32 v56, v26;
	v61 =	vmul.f32 v61, v43;
	v36 =	vadd.f32 v55, v36  }
0xa0: {  	v28 =	vbroadcast v28, $0xF;
	v34 =	vor.u32 $0x1F, v34;
	v35 =	vor.u32 $0x1F, v35;
	v62 =	vld.idx.msk [tilespmem:v47+s17+$0x0], $0xffff  }
0xa1: {  	v63 =	vld.idx.msk [tilespmem:v52+s15+$0x0], $0xffff;
	v51 =	vmul.f32 v53, v40;
	v48 =	vmul.f32 v61, v27;
	v36 =	vadd.f32 v60, v36  }
0xa2: {  	v29 =	vbroadcast v29, $0xF;
	v52 =	vld.idx.msk [tilespmem:v54+s17+$0x0], $0xffff  }
0xa3: {  	v39 =	vld.idx.msk [tilespmem:v57+s15+$0x0], $0xffff;
	v53 =	vmul.f32 v51, v28;
	v54 =	vmul.f32 v58, v42;
	v36 =	vadd.f32 v48, v36  }
0xa4: {  	v30 =	vbroadcast v30, $0xF;
	v55 =	vld.idx.msk [tilespmem:v59+s17+$0x0], $0xffff  }
0xa5: {  	v34 =	vld.idx.msk [tilespmem:v34+s17+$0x0], $0xffff;
	v56 =	vmul.f32 v54, v29;
	v57 =	vmul.f32 v62, v41;
	v36 =	vadd.f32 v53, v36  }
0xa6: {  	v31 =	vbroadcast v31, $0xF;
	v35 =	vld.idx.msk [tilespmem:v35+s15+$0x0], $0xffff  }
0xa7: {  	v59 =	vmul.f32 v52, v63;
	v58 =	vmul.f32 v57, v30;
	v36 =	vadd.f32 v56, v36  }
0xa8: {  	v32 =	vbroadcast v32, $0xF  }
0xa9: {  	v61 =	vmul.f32 v55, v39;
	v60 =	vmul.f32 v59, v31;
	v36 =	vadd.f32 v58, v36  }
0xaa: {  	v33 =	vbroadcast v33, $0xF  }
0xab: {  	v34 =	vmul.f32 v34, v35;
	v62 =	vmul.f32 v61, v32;
	v36 =	vadd.f32 v60, v36;
	_ =	sdelay $0x1  }
0xac: {  	v34 =	vmul.f32 v34, v33;
	v63 =	vadd.f32 v62, v36;
	_ =	sdelay $0x1  }
0xad: {  	v34 =	vadd.f32 v34, v63;
	_ =	sdelay $0x1  }
0xae: {  	v34 =	vsub.f32 $0.0e+00, v34;
	_ =	sdelay $0x1  }
0xaf: {  	v34 =	vmul.f32 $1.442695020e+00, v34;
	_ =	sdelay $0x1  }
0xb0: {  	(erf) = vpow2.f32 v34;
	_ =	sdelay $0x8  }
0xb1: {  	v34 =	vpop (erf)  }
0xb2: {  	v34 =	vadd.f32 $1.000000000e+00, v34;
	_ =	sdelay $0x1  }
0xb3: {  	(erf) = vrcp.f32 v34;
	_ =	sdelay $0x8  }
0xb4: {  	s31 =	simm.s32 $0x10800;
	v34 =	vpop (erf)  }
0xb5: {  	s0 =	simm.s32 $0x10;
	[tilespmem:s31+$0x0] =	vst v34  }
0xb6: {  	s3 =	simm.s32 $0x210;
	v35 =	vld [tilespmem:s0+$0x0]  }
0xb7: {  	s4 =	simm.s32 $0x20;
	s11 =	simm.s32 $0x10;
	v34 =	vld [tilespmem:s3+$0x0]  }
.LBB2_4:
0xb8: {  	p0 =	sne.s32 s4, $0x70;
	_ =	sdelay $0x1  }
0xb9: {  	v36 =	vmov s0;
	s0 =	smov.u32 s4  }
0xba: {  	v36 =	vshll.u32 v36, $0x7;
	v35 =	vshrl.u32 v35, $0x2  }
0xbb: {  	v36 =	vor.u32 v0, v36;
	v35 =	vand.u32 $0x60, v35;
	v34 =	vshrl.u32 v34, $0x2  }
0xbc: {  	v34 =	vand.u32 $0x60, v34;
	v35 =	vor.u32 v36, v35  }
0xbd: {  	v34 =	vor.u32 v36, v34  }
0xbe: {  	v36 =	vor.u32 $0x1, v35  }
0xbf: {  	v37 =	vor.u32 $0x1, v34  }
0xc0: {  	v38 =	vor.u32 $0x2, v35  }
0xc1: {  	v40 =	vor.u32 $0x2, v34;
	v39 =	vld.idx.msk [tilespmem:v35+s15+$0x0], $0xffff  }
0xc2: {  	v42 =	vor.u32 $0x3, v35;
	v41 =	vld.idx.msk [tilespmem:v34+s17+$0x0], $0xffff  }
0xc3: {  	v43 =	vor.u32 $0x3, v34;
	v36 =	vld.idx.msk [tilespmem:v36+s15+$0x0], $0xffff  }
0xc4: {  	v44 =	vor.u32 $0x4, v35;
	v37 =	vld.idx.msk [tilespmem:v37+s17+$0x0], $0xffff  }
0xc5: {  	v45 =	vor.u32 $0x4, v34;
	v38 =	vld.idx.msk [tilespmem:v38+s15+$0x0], $0xffff  }
0xc6: {  	v46 =	vor.u32 $0x5, v35;
	v40 =	vld.idx.msk [tilespmem:v40+s17+$0x0], $0xffff  }
0xc7: {  	v47 =	vor.u32 $0x5, v34;
	v42 =	vld.idx.msk [tilespmem:v42+s15+$0x0], $0xffff  }
0xc8: {  	v39 =	vmul.f32 v41, v39;
	v41 =	vld.idx.msk [tilespmem:v43+s17+$0x0], $0xffff;
	v43 =	vor.u32 $0x6, v35  }
0xc9: {  	v48 =	vor.u32 $0x6, v34;
	v44 =	vld.idx.msk [tilespmem:v44+s15+$0x0], $0xffff  }
0xca: {  	v39 =	vmul.f32 v39, v7;
	v36 =	vmul.f32 v37, v36;
	v37 =	vld.idx.msk [tilespmem:v45+s17+$0x0], $0xffff;
	v45 =	vor.u32 $0x7, v35  }
0xcb: {  	v50 =	vor.u32 $0x8, v35;
	v49 =	vor.u32 $0x7, v34;
	v46 =	vld.idx.msk [tilespmem:v46+s15+$0x0], $0xffff  }
0xcc: {  	v39 =	vadd.f32 v39, v1;
	v36 =	vmul.f32 v36, v2;
	v38 =	vmul.f32 v40, v38;
	v40 =	vld.idx.msk [tilespmem:v47+s17+$0x0], $0xffff  }
0xcd: {  	v51 =	vor.u32 $0x9, v35;
	v47 =	vor.u32 $0x8, v34;
	v43 =	vld.idx.msk [tilespmem:v43+s15+$0x0], $0xffff  }
0xce: {  	v36 =	vadd.f32 v36, v39;
	v38 =	vmul.f32 v38, v3;
	v39 =	vmul.f32 v41, v42;
	v41 =	vld.idx.msk [tilespmem:v48+s17+$0x0], $0xffff  }
0xcf: {  	v48 =	vor.u32 $0xA, v35;
	v42 =	vld.idx.msk [tilespmem:v45+s15+$0x0], $0xffff;
	v45 =	vor.u32 $0x9, v34  }
0xd0: {  	v36 =	vadd.f32 v38, v36;
	v38 =	vmul.f32 v39, v4;
	v37 =	vmul.f32 v37, v44;
	v39 =	vld.idx.msk [tilespmem:v49+s17+$0x0], $0xffff  }
0xd1: {  	v49 =	vor.u32 $0xA, v34;
	v44 =	vld.idx.msk [tilespmem:v50+s15+$0x0], $0xffff;
	v50 =	vor.u32 $0xB, v35  }
0xd2: {  	v36 =	vadd.f32 v38, v36;
	v37 =	vmul.f32 v37, v5;
	v38 =	vmul.f32 v40, v46;
	v40 =	vld.idx.msk [tilespmem:v47+s17+$0x0], $0xffff  }
0xd3: {  	v47 =	vor.u32 $0xB, v34;
	v46 =	vld.idx.msk [tilespmem:v51+s15+$0x0], $0xffff;
	v51 =	vor.u32 $0xC, v35  }
0xd4: {  	v36 =	vadd.f32 v37, v36;
	v37 =	vmul.f32 v38, v6;
	v38 =	vmul.f32 v41, v43;
	v41 =	vld.idx.msk [tilespmem:v45+s17+$0x0], $0xffff  }
0xd5: {  	v45 =	vor.u32 $0xC, v34;
	v43 =	vld.idx.msk [tilespmem:v48+s15+$0x0], $0xffff;
	v48 =	vor.u32 $0xD, v35  }
0xd6: {  	v36 =	vadd.f32 v37, v36;
	v37 =	vmul.f32 v38, v8;
	v38 =	vmul.f32 v39, v42;
	v39 =	vld.idx.msk [tilespmem:v49+s17+$0x0], $0xffff  }
0xd7: {  	v49 =	vor.u32 $0xD, v34;
	v42 =	vld.idx.msk [tilespmem:v50+s15+$0x0], $0xffff;
	v50 =	vor.u32 $0xE, v35  }
0xd8: {  	v36 =	vadd.f32 v37, v36;
	v37 =	vmul.f32 v38, v9;
	v38 =	vmul.f32 v40, v44;
	v40 =	vld.idx.msk [tilespmem:v47+s17+$0x0], $0xffff  }
0xd9: {  	v47 =	vor.u32 $0xE, v34;
	v44 =	vld.idx.msk [tilespmem:v51+s15+$0x0], $0xffff;
	v51 =	vor.u32 $0xF, v35  }
0xda: {  	v36 =	vadd.f32 v37, v36;
	v37 =	vmul.f32 v38, v10;
	v38 =	vmul.f32 v41, v46;
	v41 =	vld.idx.msk [tilespmem:v45+s17+$0x0], $0xffff  }
0xdb: {  	v46 =	vor.u32 $0xF, v34;
	v45 =	vld.idx.msk [tilespmem:v48+s15+$0x0], $0xffff;
	v48 =	vor.u32 $0x10, v35  }
0xdc: {  	v36 =	vadd.f32 v37, v36;
	v37 =	vmul.f32 v38, v11;
	v38 =	vmul.f32 v39, v43;
	v39 =	vld.idx.msk [tilespmem:v49+s17+$0x0], $0xffff  }
0xdd: {  	v49 =	vor.u32 $0x10, v34;
	v43 =	vld.idx.msk [tilespmem:v50+s15+$0x0], $0xffff;
	v50 =	vor.u32 $0x11, v35  }
0xde: {  	v36 =	vadd.f32 v37, v36;
	v37 =	vmul.f32 v38, v12;
	v38 =	vmul.f32 v40, v42;
	v40 =	vld.idx.msk [tilespmem:v47+s17+$0x0], $0xffff  }
0xdf: {  	v47 =	vor.u32 $0x11, v34;
	v42 =	vld.idx.msk [tilespmem:v51+s15+$0x0], $0xffff;
	v51 =	vor.u32 $0x12, v35  }
0xe0: {  	v36 =	vadd.f32 v37, v36;
	v37 =	vmul.f32 v38, v13;
	v38 =	vmul.f32 v41, v44;
	v41 =	vld.idx.msk [tilespmem:v46+s17+$0x0], $0xffff  }
0xe1: {  	v46 =	vor.u32 $0x12, v34;
	v44 =	vld.idx.msk [tilespmem:v48+s15+$0x0], $0xffff;
	v48 =	vor.u32 $0x13, v35  }
0xe2: {  	v36 =	vadd.f32 v37, v36;
	v37 =	vmul.f32 v38, v14;
	v38 =	vmul.f32 v39, v45;
	v39 =	vld.idx.msk [tilespmem:v49+s17+$0x0], $0xffff  }
0xe3: {  	v49 =	vor.u32 $0x13, v34;
	v45 =	vld.idx.msk [tilespmem:v50+s15+$0x0], $0xffff;
	v50 =	vor.u32 $0x14, v35  }
0xe4: {  	v36 =	vadd.f32 v37, v36;
	v37 =	vmul.f32 v38, v15;
	v38 =	vmul.f32 v40, v43;
	v40 =	vld.idx.msk [tilespmem:v47+s17+$0x0], $0xffff  }
0xe5: {  	v47 =	vor.u32 $0x14, v34;
	v43 =	vld.idx.msk [tilespmem:v51+s15+$0x0], $0xffff;
	v51 =	vor.u32 $0x15, v35  }
0xe6: {  	v36 =	vadd.f32 v37, v36;
	v37 =	vmul.f32 v38, v16;
	v38 =	vmul.f32 v41, v42;
	v41 =	vld.idx.msk [tilespmem:v46+s17+$0x0], $0xffff  }
0xe7: {  	v46 =	vor.u32 $0x15, v34;
	v42 =	vld.idx.msk [tilespmem:v48+s15+$0x0], $0xffff;
	v48 =	vor.u32 $0x16, v35  }
0xe8: {  	v36 =	vadd.f32 v37, v36;
	v37 =	vmul.f32 v38, v17;
	v38 =	vmul.f32 v39, v44;
	v39 =	vld.idx.msk [tilespmem:v49+s17+$0x0], $0xffff  }
0xe9: {  	v49 =	vor.u32 $0x16, v34;
	v44 =	vld.idx.msk [tilespmem:v50+s15+$0x0], $0xffff;
	v50 =	vor.u32 $0x17, v35  }
0xea: {  	v36 =	vadd.f32 v37, v36;
	v37 =	vmul.f32 v38, v18;
	v38 =	vmul.f32 v40, v45;
	v40 =	vld.idx.msk [tilespmem:v47+s17+$0x0], $0xffff  }
0xeb: {  	v47 =	vor.u32 $0x17, v34;
	v45 =	vld.idx.msk [tilespmem:v51+s15+$0x0], $0xffff;
	v51 =	vor.u32 $0x18, v35  }
0xec: {  	v36 =	vadd.f32 v37, v36;
	v37 =	vmul.f32 v38, v19;
	v38 =	vmul.f32 v41, v43;
	v41 =	vld.idx.msk [tilespmem:v46+s17+$0x0], $0xffff  }
0xed: {  	v46 =	vor.u32 $0x18, v34;
	v43 =	vld.idx.msk [tilespmem:v48+s15+$0x0], $0xffff;
	v48 =	vor.u32 $0x19, v35  }
0xee: {  	v36 =	vadd.f32 v37, v36;
	v37 =	vmul.f32 v38, v20;
	v38 =	vmul.f32 v39, v42;
	v39 =	vld.idx.msk [tilespmem:v49+s17+$0x0], $0xffff  }
0xef: {  	v49 =	vor.u32 $0x19, v34;
	v42 =	vld.idx.msk [tilespmem:v50+s15+$0x0], $0xffff;
	v50 =	vor.u32 $0x1A, v35  }
0xf0: {  	v36 =	vadd.f32 v37, v36;
	v37 =	vmul.f32 v38, v21;
	v38 =	vmul.f32 v40, v44;
	v40 =	vld.idx.msk [tilespmem:v47+s17+$0x0], $0xffff  }
0xf1: {  	v47 =	vor.u32 $0x1A, v34;
	v44 =	vld.idx.msk [tilespmem:v51+s15+$0x0], $0xffff;
	v51 =	vor.u32 $0x1B, v35  }
0xf2: {  	v36 =	vadd.f32 v37, v36;
	v37 =	vmul.f32 v38, v22;
	v38 =	vmul.f32 v41, v45;
	v41 =	vld.idx.msk [tilespmem:v46+s17+$0x0], $0xffff  }
0xf3: {  	v46 =	vor.u32 $0x1B, v34;
	v45 =	vld.idx.msk [tilespmem:v48+s15+$0x0], $0xffff;
	v48 =	vor.u32 $0x1C, v35  }
0xf4: {  	v36 =	vadd.f32 v37, v36;
	v37 =	vmul.f32 v38, v23;
	v38 =	vmul.f32 v39, v43;
	v39 =	vld.idx.msk [tilespmem:v49+s17+$0x0], $0xffff  }
0xf5: {  	v49 =	vor.u32 $0x1C, v34;
	v43 =	vld.idx.msk [tilespmem:v50+s15+$0x0], $0xffff;
	v50 =	vor.u32 $0x1D, v35  }
0xf6: {  	v36 =	vadd.f32 v37, v36;
	v37 =	vmul.f32 v38, v24;
	v38 =	vmul.f32 v40, v42;
	v40 =	vld.idx.msk [tilespmem:v47+s17+$0x0], $0xffff  }
0xf7: {  	v47 =	vor.u32 $0x1D, v34;
	v42 =	vld.idx.msk [tilespmem:v51+s15+$0x0], $0xffff;
	v51 =	vor.u32 $0x1E, v35  }
0xf8: {  	v36 =	vadd.f32 v37, v36;
	v37 =	vmul.f32 v38, v25;
	v38 =	vmul.f32 v41, v44;
	v41 =	vld.idx.msk [tilespmem:v46+s17+$0x0], $0xffff  }
0xf9: {  	v35 =	vor.u32 $0x1F, v35;
	v46 =	vor.u32 $0x1E, v34;
	v44 =	vld.idx.msk [tilespmem:v48+s15+$0x0], $0xffff  }
0xfa: {  	v36 =	vadd.f32 v37, v36;
	v37 =	vmul.f32 v38, v26;
	v38 =	vmul.f32 v39, v45;
	v39 =	vld.idx.msk [tilespmem:v49+s17+$0x0], $0xffff  }
0xfb: {  	v34 =	vor.u32 $0x1F, v34;
	v45 =	vld.idx.msk [tilespmem:v50+s15+$0x0], $0xffff  }
0xfc: {  	v36 =	vadd.f32 v37, v36;
	v37 =	vmul.f32 v38, v27;
	v38 =	vmul.f32 v40, v43;
	v40 =	vld.idx.msk [tilespmem:v47+s17+$0x0], $0xffff  }
0xfd: {  	v43 =	vld.idx.msk [tilespmem:v51+s15+$0x0], $0xffff  }
0xfe: {  	v36 =	vadd.f32 v37, v36;
	v37 =	vmul.f32 v38, v28;
	v38 =	vmul.f32 v41, v42;
	v41 =	vld.idx.msk [tilespmem:v46+s17+$0x0], $0xffff  }
0xff: {  	v35 =	vld.idx.msk [tilespmem:v35+s15+$0x0], $0xffff  }
0x100: {  	v36 =	vadd.f32 v37, v36;
	v37 =	vmul.f32 v38, v29;
	v38 =	vmul.f32 v39, v44;
	v34 =	vld.idx.msk [tilespmem:v34+s17+$0x0], $0xffff;
	_ =	sdelay $0x1  }
0x101: {  	v36 =	vadd.f32 v37, v36;
	v37 =	vmul.f32 v38, v30;
	v38 =	vmul.f32 v40, v45;
	_ =	sdelay $0x1  }
0x102: {  	v36 =	vadd.f32 v37, v36;
	v37 =	vmul.f32 v38, v31;
	v38 =	vmul.f32 v41, v43;
	_ =	sdelay $0x1  }
0x103: {  	v36 =	vadd.f32 v37, v36;
	v37 =	vmul.f32 v38, v32;
	v34 =	vmul.f32 v34, v35;
	_ =	sdelay $0x1  }
0x104: {  	v35 =	vadd.f32 v37, v36;
	v34 =	vmul.f32 v34, v33;
	_ =	sdelay $0x1  }
0x105: {  	v34 =	vadd.f32 v34, v35;
	_ =	sdelay $0x1  }
0x106: {  	v34 =	vsub.f32 $0.0e+00, v34;
	_ =	sdelay $0x1  }
0x107: {  	v34 =	vmul.f32 $1.442695020e+00, v34;
	_ =	sdelay $0x1  }
0x108: {  	(erf) = vpow2.f32 v34;
	_ =	sdelay $0x8  }
0x109: {  	v34 =	vpop (erf)  }
0x10a: {  	v34 =	vadd.f32 $1.000000000e+00, v34;
	_ =	sdelay $0x1  }
0x10b: {  	(erf) = vrcp.f32 v34;
	_ =	sdelay $0x7  }
.Ltmp1:
0x10c: {  	(pc) =	sbr.rel @p0 .LBB2_4-.Ltmp1, $4  }
0x10d: {  	s31 =	sadd.s32 $0x10, s31;
	v34 =	vpop (erf)  }
0x10e: {  	s11 =	sadd.s32 $0x10, s11;
	[tilespmem:s31+$0x0] =	vst v34  }
0x10f: {  	s3 =	sadd.s32 $0x10, s3;
	v35 =	vld [tilespmem:s11+$0x0]  }
0x110: {  	s4 =	sadd.s32 $0x10, s4;
	v34 =	vld [tilespmem:s3+$0x0]  }
0x111: {  	_ =	sdelay $0x1  }
0x112: {  	v36 =	vmov s0  }
0x113: {  	v36 =	vshll.u32 v36, $0x7;
	v35 =	vshrl.u32 v35, $0x2  }
0x114: {  	v36 =	vor.u32 v0, v36;
	v35 =	vand.u32 $0x60, v35;
	v34 =	vshrl.u32 v34, $0x2  }
0x115: {  	v34 =	vand.u32 $0x60, v34;
	v35 =	vor.u32 v36, v35  }
0x116: {  	v34 =	vor.u32 v36, v34  }
0x117: {  	v60 =	vor.u32 $0x1, v35  }
0x118: {  	v38 =	vor.u32 $0x2, v35  }
0x119: {  	v37 =	vor.u32 $0x1, v34  }
0x11a: {  	v42 =	vor.u32 $0x3, v35;
	v39 =	vld.idx.msk [tilespmem:v35+s15+$0x0], $0xffff  }
0x11b: {  	v40 =	vor.u32 $0x2, v34;
	v41 =	vld.idx.msk [tilespmem:v34+s17+$0x0], $0xffff  }
0x11c: {  	v44 =	vor.u32 $0x4, v35;
	v36 =	vld.idx.msk [tilespmem:v60+s15+$0x0], $0xffff  }
0x11d: {  	v43 =	vor.u32 $0x3, v34;
	v38 =	vld.idx.msk [tilespmem:v38+s15+$0x0], $0xffff  }
0x11e: {  	v46 =	vor.u32 $0x5, v35;
	v37 =	vld.idx.msk [tilespmem:v37+s17+$0x0], $0xffff  }
0x11f: {  	v45 =	vor.u32 $0x4, v34;
	v42 =	vld.idx.msk [tilespmem:v42+s15+$0x0], $0xffff  }
0x120: {  	v47 =	vor.u32 $0x5, v34;
	v40 =	vld.idx.msk [tilespmem:v40+s17+$0x0], $0xffff  }
0x121: {  	v62 =	vor.u32 $0x6, v35;
	v44 =	vld.idx.msk [tilespmem:v44+s15+$0x0], $0xffff;
	v39 =	vmul.f32 v41, v39  }
0x122: {  	v48 =	vor.u32 $0x6, v34;
	v61 =	vld.idx.msk [tilespmem:v43+s17+$0x0], $0xffff  }
0x123: {  	v52 =	vor.u32 $0x7, v35;
	v46 =	vld.idx.msk [tilespmem:v46+s15+$0x0], $0xffff;
	v36 =	vmul.f32 v37, v36;
	v39 =	vmul.f32 v39, v7  }
0x124: {  	v49 =	vor.u32 $0x7, v34;
	v50 =	vor.u32 $0x8, v34;
	v63 =	vld.idx.msk [tilespmem:v45+s17+$0x0], $0xffff  }
0x125: {  	v47 =	vld.idx.msk [tilespmem:v47+s17+$0x0], $0xffff;
	v38 =	vmul.f32 v40, v38;
	v36 =	vmul.f32 v36, v2;
	v39 =	vadd.f32 v39, v1  }
0x126: {  	v53 =	vor.u32 $0x8, v35;
	v55 =	vor.u32 $0x9, v35;
	v43 =	vld.idx.msk [tilespmem:v62+s15+$0x0], $0xffff  }
0x127: {  	v56 =	vld.idx.msk [tilespmem:v48+s17+$0x0], $0xffff;
	v54 =	vmul.f32 v61, v42;
	v38 =	vmul.f32 v38, v3;
	v36 =	vadd.f32 v36, v39  }
0x128: {  	v59 =	vor.u32 $0xA, v35;
	v57 =	vor.u32 $0x9, v34;
	v45 =	vld.idx.msk [tilespmem:v52+s15+$0x0], $0xffff  }
0x129: {  	v60 =	vld.idx.msk [tilespmem:v49+s17+$0x0], $0xffff;
	v37 =	vmul.f32 v63, v44;
	v58 =	vmul.f32 v54, v4;
	v36 =	vadd.f32 v38, v36  }
0x12a: {  	v52 =	vld.idx.msk [tilespmem:v50+s17+$0x0], $0xffff;
	v61 =	vor.u32 $0xA, v34;
	v62 =	vmul.f32 v47, v46  }
0x12b: {  	v40 =	vld.idx.msk [tilespmem:v53+s15+$0x0], $0xffff;
	v63 =	vor.u32 $0xB, v35;
	v37 =	vmul.f32 v37, v5;
	v36 =	vadd.f32 v58, v36  }
0x12c: {  	v41 =	vld.idx.msk [tilespmem:v55+s15+$0x0], $0xffff;
	v53 =	vor.u32 $0xB, v34;
	v55 =	vmul.f32 v56, v43  }
0x12d: {  	v57 =	vld.idx.msk [tilespmem:v57+s17+$0x0], $0xffff;
	v56 =	vor.u32 $0xC, v35;
	v54 =	vmul.f32 v62, v6;
	v36 =	vadd.f32 v37, v36  }
0x12e: {  	v39 =	vld.idx.msk [tilespmem:v59+s15+$0x0], $0xffff;
	v59 =	vmul.f32 v60, v45;
	v60 =	vor.u32 $0xD, v35  }
0x12f: {  	v48 =	vor.u32 $0xC, v34;
	v61 =	vld.idx.msk [tilespmem:v61+s17+$0x0], $0xffff;
	v58 =	vmul.f32 v55, v8;
	v36 =	vadd.f32 v54, v36  }
0x130: {  	v46 =	vld.idx.msk [tilespmem:v63+s15+$0x0], $0xffff;
	v63 =	vmul.f32 v52, v40;
	v52 =	vor.u32 $0xE, v35  }
0x131: {  	v49 =	vor.u32 $0xD, v34;
	v53 =	vld.idx.msk [tilespmem:v53+s17+$0x0], $0xffff;
	v62 =	vmul.f32 v59, v9;
	v36 =	vadd.f32 v58, v36  }
0x132: {  	v42 =	vld.idx.msk [tilespmem:v56+s15+$0x0], $0xffff;
	v56 =	vmul.f32 v57, v41  }
0x133: {  	v55 =	vmul.f32 v63, v10;
	v44 =	vld.idx.msk [tilespmem:v60+s15+$0x0], $0xffff;
	v54 =	vor.u32 $0xE, v34;
	v36 =	vadd.f32 v62, v36  }
0x134: {  	v57 =	vor.u32 $0xF, v35;
	v59 =	vmul.f32 v56, v11;
	v58 =	vld.idx.msk [tilespmem:v48+s17+$0x0], $0xffff  }
0x135: {  	v60 =	vmul.f32 v61, v39;
	v40 =	vld.idx.msk [tilespmem:v52+s15+$0x0], $0xffff;
	v48 =	vor.u32 $0xF, v34;
	v36 =	vadd.f32 v55, v36  }
0x136: {  	v61 =	vor.u32 $0x10, v35;
	v52 =	vmul.f32 v53, v46;
	v62 =	vld.idx.msk [tilespmem:v49+s17+$0x0], $0xffff  }
0x137: {  	v63 =	vmul.f32 v60, v12;
	v49 =	vor.u32 $0x10, v34;
	v36 =	vadd.f32 v59, v36  }
0x138: {  	v53 =	vor.u32 $0x11, v35;
	v56 =	vmul.f32 v52, v13;
	v54 =	vld.idx.msk [tilespmem:v54+s17+$0x0], $0xffff  }
0x139: {  	v41 =	vld.idx.msk [tilespmem:v57+s15+$0x0], $0xffff;
	v55 =	vor.u32 $0x11, v34;
	v57 =	vmul.f32 v58, v42;
	v36 =	vadd.f32 v63, v36  }
0x13a: {  	v58 =	vor.u32 $0x12, v35;
	v59 =	vld.idx.msk [tilespmem:v48+s17+$0x0], $0xffff;
	v48 =	vor.u32 $0x12, v34  }
0x13b: {  	v39 =	vld.idx.msk [tilespmem:v61+s15+$0x0], $0xffff;
	v60 =	vmul.f32 v57, v14;
	v61 =	vmul.f32 v62, v44;
	v36 =	vadd.f32 v56, v36  }
0x13c: {  	v62 =	vor.u32 $0x13, v35;
	v63 =	vld.idx.msk [tilespmem:v49+s17+$0x0], $0xffff;
	v49 =	vor.u32 $0x13, v34  }
0x13d: {  	v46 =	vld.idx.msk [tilespmem:v53+s15+$0x0], $0xffff;
	v53 =	vmul.f32 v54, v40;
	v52 =	vmul.f32 v61, v15;
	v36 =	vadd.f32 v60, v36  }
0x13e: {  	v54 =	vor.u32 $0x14, v35;
	v55 =	vld.idx.msk [tilespmem:v55+s17+$0x0], $0xffff;
	v56 =	vor.u32 $0x14, v34  }
0x13f: {  	v42 =	vld.idx.msk [tilespmem:v58+s15+$0x0], $0xffff;
	v57 =	vmul.f32 v53, v16;
	v58 =	vmul.f32 v59, v41;
	v36 =	vadd.f32 v52, v36  }
0x140: {  	v59 =	vor.u32 $0x15, v35;
	v60 =	vld.idx.msk [tilespmem:v48+s17+$0x0], $0xffff;
	v48 =	vor.u32 $0x15, v34  }
0x141: {  	v44 =	vld.idx.msk [tilespmem:v62+s15+$0x0], $0xffff;
	v61 =	vmul.f32 v58, v17;
	v62 =	vmul.f32 v63, v39;
	v36 =	vadd.f32 v57, v36  }
0x142: {  	v63 =	vor.u32 $0x16, v35;
	v52 =	vld.idx.msk [tilespmem:v49+s17+$0x0], $0xffff;
	v49 =	vor.u32 $0x16, v34  }
0x143: {  	v40 =	vld.idx.msk [tilespmem:v54+s15+$0x0], $0xffff;
	v54 =	vmul.f32 v55, v46;
	v53 =	vmul.f32 v62, v18;
	v36 =	vadd.f32 v61, v36  }
0x144: {  	v55 =	vor.u32 $0x17, v35;
	v56 =	vld.idx.msk [tilespmem:v56+s17+$0x0], $0xffff;
	v57 =	vor.u32 $0x17, v34  }
0x145: {  	v41 =	vld.idx.msk [tilespmem:v59+s15+$0x0], $0xffff;
	v58 =	vmul.f32 v54, v19;
	v59 =	vmul.f32 v60, v42;
	v36 =	vadd.f32 v53, v36  }
0x146: {  	v60 =	vor.u32 $0x18, v35;
	v61 =	vld.idx.msk [tilespmem:v48+s17+$0x0], $0xffff;
	v48 =	vor.u32 $0x18, v34  }
0x147: {  	v39 =	vld.idx.msk [tilespmem:v63+s15+$0x0], $0xffff;
	v62 =	vmul.f32 v59, v20;
	v63 =	vmul.f32 v52, v44;
	v36 =	vadd.f32 v58, v36  }
0x148: {  	v52 =	vor.u32 $0x19, v35;
	v53 =	vld.idx.msk [tilespmem:v49+s17+$0x0], $0xffff;
	v49 =	vor.u32 $0x19, v34  }
0x149: {  	v46 =	vld.idx.msk [tilespmem:v55+s15+$0x0], $0xffff;
	v55 =	vmul.f32 v56, v40;
	v54 =	vmul.f32 v63, v21;
	v36 =	vadd.f32 v62, v36  }
0x14a: {  	v56 =	vor.u32 $0x1A, v35;
	v57 =	vld.idx.msk [tilespmem:v57+s17+$0x0], $0xffff;
	v58 =	vor.u32 $0x1A, v34  }
0x14b: {  	v42 =	vld.idx.msk [tilespmem:v60+s15+$0x0], $0xffff;
	v59 =	vmul.f32 v55, v22;
	v60 =	vmul.f32 v61, v41;
	v36 =	vadd.f32 v54, v36  }
0x14c: {  	v61 =	vor.u32 $0x1B, v35;
	v62 =	vld.idx.msk [tilespmem:v48+s17+$0x0], $0xffff;
	v48 =	vor.u32 $0x1B, v34  }
0x14d: {  	v44 =	vld.idx.msk [tilespmem:v52+s15+$0x0], $0xffff;
	v63 =	vmul.f32 v60, v23;
	v52 =	vmul.f32 v53, v39;
	v36 =	vadd.f32 v59, v36  }
0x14e: {  	v53 =	vor.u32 $0x1C, v35;
	v54 =	vld.idx.msk [tilespmem:v49+s17+$0x0], $0xffff;
	v49 =	vor.u32 $0x1C, v34  }
0x14f: {  	v40 =	vld.idx.msk [tilespmem:v56+s15+$0x0], $0xffff;
	v56 =	vmul.f32 v57, v46;
	v55 =	vmul.f32 v52, v24;
	v36 =	vadd.f32 v63, v36  }
0x150: {  	v57 =	vor.u32 $0x1D, v35;
	v58 =	vld.idx.msk [tilespmem:v58+s17+$0x0], $0xffff;
	v59 =	vor.u32 $0x1D, v34  }
0x151: {  	v41 =	vld.idx.msk [tilespmem:v61+s15+$0x0], $0xffff;
	v60 =	vmul.f32 v56, v25;
	v61 =	vmul.f32 v62, v42;
	v36 =	vadd.f32 v55, v36  }
0x152: {  	v52 =	vor.u32 $0x1E, v34;
	v62 =	vor.u32 $0x1E, v35;
	v63 =	vld.idx.msk [tilespmem:v48+s17+$0x0], $0xffff  }
0x153: {  	v39 =	vld.idx.msk [tilespmem:v53+s15+$0x0], $0xffff;
	v53 =	vmul.f32 v61, v26;
	v54 =	vmul.f32 v54, v44;
	v36 =	vadd.f32 v60, v36  }
0x154: {  	v34 =	vor.u32 $0x1F, v34;
	v35 =	vor.u32 $0x1F, v35;
	v55 =	vld.idx.msk [tilespmem:v49+s17+$0x0], $0xffff  }
0x155: {  	v56 =	vld.idx.msk [tilespmem:v57+s15+$0x0], $0xffff;
	v58 =	vmul.f32 v58, v40;
	v57 =	vmul.f32 v54, v27;
	v36 =	vadd.f32 v53, v36  }
0x156: {  	v59 =	vld.idx.msk [tilespmem:v59+s17+$0x0], $0xffff  }
0x157: {  	v42 =	vld.idx.msk [tilespmem:v62+s15+$0x0], $0xffff;
	v60 =	vmul.f32 v58, v28;
	v61 =	vmul.f32 v63, v41;
	v36 =	vadd.f32 v57, v36  }
0x158: {  	v62 =	vld.idx.msk [tilespmem:v52+s17+$0x0], $0xffff  }
0x159: {  	v34 =	vld.idx.msk [tilespmem:v34+s17+$0x0], $0xffff;
	v63 =	vmul.f32 v61, v29;
	v43 =	vmul.f32 v55, v39;
	v36 =	vadd.f32 v60, v36  }
0x15a: {  	v35 =	vld.idx.msk [tilespmem:v35+s15+$0x0], $0xffff  }
0x15b: {  	v45 =	vmul.f32 v59, v56;
	v44 =	vmul.f32 v43, v30;
	v36 =	vadd.f32 v63, v36;
	_ =	sdelay $0x1  }
0x15c: {  	v47 =	vmul.f32 v62, v42;
	v46 =	vmul.f32 v45, v31;
	v36 =	vadd.f32 v44, v36;
	_ =	sdelay $0x1  }
0x15d: {  	v34 =	vmul.f32 v34, v35;
	v48 =	vmul.f32 v47, v32;
	v36 =	vadd.f32 v46, v36;
	_ =	sdelay $0x1  }
0x15e: {  	v34 =	vmul.f32 v34, v33;
	v49 =	vadd.f32 v48, v36;
	_ =	sdelay $0x1  }
0x15f: {  	v34 =	vadd.f32 v34, v49;
	_ =	sdelay $0x1  }
0x160: {  	v34 =	vsub.f32 $0.0e+00, v34;
	_ =	sdelay $0x1  }
0x161: {  	v34 =	vmul.f32 $1.442695020e+00, v34;
	_ =	sdelay $0x1  }
0x162: {  	(erf) = vpow2.f32 v34;
	_ =	sdelay $0x8  }
0x163: {  	v34 =	vpop (erf)  }
0x164: {  	v34 =	vadd.f32 $1.000000000e+00, v34;
	_ =	sdelay $0x1  }
0x165: {  	(erf) = vrcp.f32 v34;
	_ =	sdelay $0x8  }
0x166: {  	s3 =	sadd.s32 $0x10, s31;
	v34 =	vpop (erf)  }
0x167: {  	s4 =	simm.s32 $0x80;
	[tilespmem:s3+$0x0] =	vst v34  }
0x168: {  	[tilespmem:s15], [sflag:$0x1] =	stream.indirect.gather [hbm4b:s1+s4], $0x80, s23, s4, $0xb8;
	[tilespmem:$0x10A30] =	vst v63  }
0x169: {  	_ = 	snop  }
0x16a: {  	[tilespmem:s17], [sflag:$0x1] =	stream.indirect.gather [hbm4b:s2+s4], $0x80, s24, s4, $0xb8;
	[tilespmem:$0x10A30] =	vst v63  }
0x16b: {  	_ =	swait.ge [sflag:s25], $0x4000  }
0x16c: {  	[sflag:s25] =	ssyncset.done $0x0  }
0x16d: {  	[sflag:s25] =	ssyncadd.s32 $0xFFFFC000  }
0x16e: {  	_ =	swait.ge [sflag:s25], $0x4000  }
0x16f: {  	[sflag:s25] =	ssyncset.done $0x0  }
0x170: {  	[sflag:s25] =	ssyncadd.s32 $0xFFFFC000  }
0x171: {  	s3 =	simm.s32 $0x280;
	v50 =	vld [tilespmem:s4+$0x0]  }
0x172: {  	v51 =	vld [tilespmem:s3+$0x0]  }
0x173: {  	s11 =	simm.s32 $0x0  }
0x174: {  	v52 =	vmov s11  }
0x175: {  	v36 =	vshll.u32 v52, $0x7  }
0x176: {  	v36 =	vor.u32 v0, v36;
	v34 =	vshrl.u32 v50, $0x2  }
0x177: {  	v53 =	vadd.s32 $0x4000, v36;
	v35 =	vshrl.u32 v51, $0x2;
	v34 =	vand.u32 $0x60, v34  }
0x178: {  	v35 =	vand.u32 $0x60, v35;
	v38 =	vor.u32 v53, v34  }
0x179: {  	v37 =	vor.u32 v53, v35  }
0x17a: {  	v54 =	vor.u32 $0x1, v38  }
0x17b: {  	v55 =	vor.u32 $0x1, v37  }
0x17c: {  	v56 =	vor.u32 $0x2, v38  }
0x17d: {  	v58 =	vor.u32 $0x2, v37;
	v57 =	vld.idx.msk [tilespmem:v38+s15+$0x0], $0xffff  }
0x17e: {  	v60 =	vor.u32 $0x3, v38;
	v59 =	vld.idx.msk [tilespmem:v37+s17+$0x0], $0xffff  }
0x17f: {  	v61 =	vor.u32 $0x3, v37;
	v39 =	vld.idx.msk [tilespmem:v54+s15+$0x0], $0xffff  }
0x180: {  	v62 =	vor.u32 $0x4, v38;
	v40 =	vld.idx.msk [tilespmem:v55+s17+$0x0], $0xffff  }
0x181: {  	v63 =	vor.u32 $0x4, v37;
	v41 =	vld.idx.msk [tilespmem:v56+s15+$0x0], $0xffff  }
0x182: {  	v51 =	vor.u32 $0x6, v37;
	v43 =	vld.idx.msk [tilespmem:v58+s17+$0x0], $0xffff  }
0x183: {  	v54 =	vor.u32 $0x5, v38;
	v45 =	vld.idx.msk [tilespmem:v60+s15+$0x0], $0xffff  }
0x184: {  	v55 =	vor.u32 $0x5, v37;
	v56 =	vld.idx.msk [tilespmem:v61+s17+$0x0], $0xffff  }
0x185: {  	v47 =	vld.idx.msk [tilespmem:v62+s15+$0x0], $0xffff;
	v37 =	vor.u32 $0x7, v37;
	v42 =	vmul.f32 v59, v57  }
0x186: {  	v58 =	vadd.s32 $0x4008, v36;
	v48 =	vld.idx.msk [tilespmem:v63+s17+$0x0], $0xffff;
	v57 =	vor.u32 $0x6, v38  }
0x187: {  	v61 =	vld.idx.msk [tilespmem:v51+s17+$0x0], $0xffff;
	v38 =	vor.u32 $0x7, v38;
	v39 =	vmul.f32 v40, v39;
	v42 =	vmul.f32 v42, v7  }
0x188: {  	v49 =	vld.idx.msk [tilespmem:v54+s15+$0x0], $0xffff;
	v41 =	vmul.f32 v43, v41;
	v43 =	vor.u32 v34, v58  }
0x189: {  	v50 =	vld.idx.msk [tilespmem:v55+s17+$0x0], $0xffff;
	v40 =	vor.u32 v35, v58;
	v39 =	vmul.f32 v39, v2;
	v42 =	vadd.f32 v42, v1  }
0x18a: {  	v59 =	vmul.f32 v56, v45;
	v37 =	vld.idx.msk [tilespmem:v37+s17+$0x0], $0xffff;
	v51 =	vor.u32 $0x1, v40  }
0x18b: {  	v60 =	vor.u32 $0x1, v43;
	v41 =	vmul.f32 v41, v3;
	v46 =	vld.idx.msk [tilespmem:v57+s15+$0x0], $0xffff;
	v39 =	vadd.f32 v39, v42  }
0x18c: {  	v63 =	vmul.f32 v48, v47;
	v47 =	vor.u32 $0x2, v43;
	v38 =	vld.idx.msk [tilespmem:v38+s15+$0x0], $0xffff  }
0x18d: {  	v58 =	vor.u32 $0x3, v43;
	v62 =	vmul.f32 v59, v4;
	v52 =	vld.idx.msk [tilespmem:v43+s15+$0x0], $0xffff;
	v39 =	vadd.f32 v41, v39  }
0x18e: {  	v48 =	vor.u32 $0x2, v40;
	v57 =	vmul.f32 v50, v49;
	v59 =	vld.idx.msk [tilespmem:v40+s17+$0x0], $0xffff  }
0x18f: {  	v56 =	vmul.f32 v63, v5;
	v63 =	vld.idx.msk [tilespmem:v51+s17+$0x0], $0xffff;
	v51 =	vor.u32 $0x4, v40;
	v39 =	vadd.f32 v62, v39  }
0x190: {  	v44 =	vld.idx.msk [tilespmem:v60+s15+$0x0], $0xffff;
	v60 =	vmul.f32 v57, v6;
	v57 =	vor.u32 $0x5, v40  }
0x191: {  	v53 =	vor.u32 $0x3, v40;
	v47 =	vld.idx.msk [tilespmem:v47+s15+$0x0], $0xffff;
	v61 =	vmul.f32 v61, v46;
	v39 =	vadd.f32 v56, v39  }
0x192: {  	v49 =	vld.idx.msk [tilespmem:v58+s15+$0x0], $0xffff;
	v62 =	vor.u32 $0x4, v43;
	v37 =	vmul.f32 v37, v38  }
0x193: {  	v38 =	vor.u32 $0x5, v43;
	v55 =	vmul.f32 v61, v8;
	v56 =	vld.idx.msk [tilespmem:v48+s17+$0x0], $0xffff;
	v39 =	vadd.f32 v60, v39  }
0x194: {  	v58 =	vmul.f32 v59, v52;
	v59 =	vor.u32 $0x6, v43;
	v54 =	vld.idx.msk [tilespmem:v51+s17+$0x0], $0xffff  }
0x195: {  	v43 =	vor.u32 $0x7, v43;
	v37 =	vmul.f32 v37, v9;
	v57 =	vld.idx.msk [tilespmem:v57+s17+$0x0], $0xffff;
	v39 =	vadd.f32 v55, v39  }
0x196: {  	v60 =	vld.idx.msk [tilespmem:v53+s17+$0x0], $0xffff;
	v53 =	vor.u32 $0x6, v40;
	v40 =	vor.u32 $0x7, v40  }
0x197: {  	v61 =	vmul.f32 v58, v10;
	v45 =	vld.idx.msk [tilespmem:v62+s15+$0x0], $0xffff;
	v62 =	vmul.f32 v63, v44;
	v37 =	vadd.f32 v37, v39  }
0x198: {  	v63 =	vadd.s32 $0x4010, v36;
	v38 =	vld.idx.msk [tilespmem:v38+s15+$0x0], $0xffff;
	v56 =	vmul.f32 v56, v47  }
0x199: {  	v42 =	vor.u32 v34, v63;
	v48 =	vld.idx.msk [tilespmem:v59+s15+$0x0], $0xffff;
	v55 =	vmul.f32 v62, v11;
	v37 =	vadd.f32 v61, v37  }
0x19a: {  	v44 =	vor.u32 v35, v63;
	v43 =	vld.idx.msk [tilespmem:v43+s15+$0x0], $0xffff;
	v58 =	vmul.f32 v56, v12  }
0x19b: {  	v59 =	vmul.f32 v60, v49;
	v60 =	vor.u32 $0x1, v42;
	v40 =	vld.idx.msk [tilespmem:v40+s17+$0x0], $0xffff;
	v37 =	vadd.f32 v55, v37  }
0x19c: {  	v51 =	vor.u32 $0x1, v44;
	v46 =	vor.u32 $0x2, v44;
	v61 =	vld.idx.msk [tilespmem:v53+s17+$0x0], $0xffff  }
0x19d: {  	v63 =	vmul.f32 v54, v45;
	v62 =	vmul.f32 v59, v13;
	v37 =	vadd.f32 v58, v37  }
0x19e: {  	v45 =	vor.u32 $0x2, v42;
	v38 =	vmul.f32 v57, v38;
	v52 =	vld.idx.msk [tilespmem:v42+s15+$0x0], $0xffff  }
0x19f: {  	v57 =	vor.u32 $0x3, v42;
	v56 =	vmul.f32 v63, v14;
	v58 =	vld.idx.msk [tilespmem:v44+s17+$0x0], $0xffff;
	v37 =	vadd.f32 v62, v37  }
0x1a0: {  	v59 =	vor.u32 $0x3, v44;
	v38 =	vmul.f32 v38, v15;
	v63 =	vor.u32 $0x4, v44;
	v49 =	vld.idx.msk [tilespmem:v60+s15+$0x0], $0xffff  }
0x1a1: {  	v55 =	vmul.f32 v40, v43;
	v43 =	vld.idx.msk [tilespmem:v46+s17+$0x0], $0xffff;
	v60 =	vmul.f32 v61, v48;
	v37 =	vadd.f32 v56, v37  }
0x1a2: {  	v61 =	vor.u32 $0x4, v42;
	v62 =	vld.idx.msk [tilespmem:v51+s17+$0x0], $0xffff  }
0x1a3: {  	v40 =	vor.u32 $0x5, v42;
	v45 =	vld.idx.msk [tilespmem:v45+s15+$0x0], $0xffff;
	v54 =	vmul.f32 v60, v16;
	v37 =	vadd.f32 v38, v37  }
0x1a4: {  	v36 =	vadd.s32 $0x4018, v36;
	v46 =	vor.u32 $0x5, v44;
	v41 =	vld.idx.msk [tilespmem:v57+s15+$0x0], $0xffff;
	v60 =	vor.u32 $0x6, v44  }
0x1a5: {  	v59 =	vld.idx.msk [tilespmem:v59+s17+$0x0], $0xffff;
	v56 =	vmul.f32 v55, v17;
	v57 =	vmul.f32 v58, v52;
	v37 =	vadd.f32 v54, v37  }
0x1a6: {  	v35 =	vor.u32 v35, v36;
	v63 =	vld.idx.msk [tilespmem:v63+s17+$0x0], $0xffff;
	v44 =	vor.u32 $0x7, v44;
	v58 =	vor.u32 $0x6, v42  }
0x1a7: {  	v48 =	vld.idx.msk [tilespmem:v61+s15+$0x0], $0xffff;
	v61 =	vmul.f32 v57, v18;
	v62 =	vmul.f32 v62, v49;
	v37 =	vadd.f32 v56, v37  }
0x1a8: {  	v53 =	vor.u32 $0x2, v35;
	v42 =	vor.u32 $0x7, v42;
	v40 =	vld.idx.msk [tilespmem:v40+s15+$0x0], $0xffff  }
0x1a9: {  	v55 =	vmul.f32 v43, v45;
	v60 =	vld.idx.msk [tilespmem:v60+s17+$0x0], $0xffff;
	v54 =	vmul.f32 v62, v19;
	v37 =	vadd.f32 v61, v37  }
0x1aa: {  	v34 =	vor.u32 v34, v36;
	v56 =	vld.idx.msk [tilespmem:v46+s17+$0x0], $0xffff  }
0x1ab: {  	v57 =	vmul.f32 v55, v20;
	v36 =	vld.idx.msk [tilespmem:v58+s15+$0x0], $0xffff;
	v58 =	vmul.f32 v59, v41;
	v37 =	vadd.f32 v54, v37  }
0x1ac: {  	v44 =	vld.idx.msk [tilespmem:v44+s17+$0x0], $0xffff;
	v59 =	vor.u32 $0x1, v34;
	v63 =	vmul.f32 v63, v48  }
0x1ad: {  	v42 =	vld.idx.msk [tilespmem:v42+s15+$0x0], $0xffff;
	v61 =	vor.u32 $0x1, v35;
	v62 =	vmul.f32 v58, v21;
	v37 =	vadd.f32 v57, v37  }
0x1ae: {  	v53 =	vld.idx.msk [tilespmem:v53+s17+$0x0], $0xffff;
	v52 =	vor.u32 $0x2, v34  }
0x1af: {  	v49 =	vld.idx.msk [tilespmem:v34+s15+$0x0], $0xffff;
	v54 =	vmul.f32 v63, v22;
	v55 =	vmul.f32 v56, v40;
	v37 =	vadd.f32 v62, v37  }
0x1b0: {  	v58 =	vor.u32 $0x3, v35;
	v56 =	vor.u32 $0x3, v34;
	v57 =	vld.idx.msk [tilespmem:v35+s17+$0x0], $0xffff  }
0x1b1: {  	v41 =	vld.idx.msk [tilespmem:v59+s15+$0x0], $0xffff;
	v36 =	vmul.f32 v60, v36;
	v59 =	vmul.f32 v55, v23;
	v37 =	vadd.f32 v54, v37  }
0x1b2: {  	v60 =	vor.u32 $0x4, v34;
	v63 =	vmul.f32 v44, v42;
	v61 =	vld.idx.msk [tilespmem:v61+s17+$0x0], $0xffff  }
0x1b3: {  	v47 =	vld.idx.msk [tilespmem:v52+s15+$0x0], $0xffff;
	v36 =	vmul.f32 v36, v24;
	v62 =	vor.u32 $0x4, v35;
	v37 =	vadd.f32 v59, v37  }
0x1b4: {  	v52 =	vor.u32 $0x5, v34;
	v55 =	vmul.f32 v63, v25  }
0x1b5: {  	v54 =	vor.u32 $0x5, v35;
	v40 =	vld.idx.msk [tilespmem:v56+s15+$0x0], $0xffff;
	v56 =	vmul.f32 v57, v49;
	v36 =	vadd.f32 v36, v37  }
0x1b6: {  	v58 =	vld.idx.msk [tilespmem:v58+s17+$0x0], $0xffff;
	v57 =	vor.u32 $0x6, v34;
	v59 =	vor.u32 $0x6, v35  }
0x1b7: {  	v39 =	vld.idx.msk [tilespmem:v60+s15+$0x0], $0xffff;
	v61 =	vmul.f32 v61, v41;
	v60 =	vmul.f32 v56, v26;
	v36 =	vadd.f32 v55, v36  }
0x1b8: {  	v51 =	vmul.f32 v53, v47;
	v34 =	vor.u32 $0x7, v34;
	v62 =	vld.idx.msk [tilespmem:v62+s17+$0x0], $0xffff  }
0x1b9: {  	v42 =	vld.idx.msk [tilespmem:v52+s15+$0x0], $0xffff;
	v35 =	vor.u32 $0x7, v35;
	v63 =	vmul.f32 v61, v27;
	v36 =	vadd.f32 v60, v36  }
0x1ba: {  	v52 =	vld.idx.msk [tilespmem:v54+s17+$0x0], $0xffff  }
0x1bb: {  	v53 =	vmul.f32 v51, v28;
	v54 =	vmul.f32 v58, v40;
	v43 =	vld.idx.msk [tilespmem:v57+s15+$0x0], $0xffff;
	v36 =	vadd.f32 v63, v36  }
0x1bc: {  	v55 =	vld.idx.msk [tilespmem:v59+s17+$0x0], $0xffff  }
0x1bd: {  	v34 =	vld.idx.msk [tilespmem:v34+s15+$0x0], $0xffff;
	v56 =	vmul.f32 v54, v29;
	v57 =	vmul.f32 v62, v39;
	v36 =	vadd.f32 v53, v36  }
0x1be: {  	v35 =	vld.idx.msk [tilespmem:v35+s17+$0x0], $0xffff  }
0x1bf: {  	v58 =	vmul.f32 v57, v30;
	v59 =	vmul.f32 v52, v42;
	v36 =	vadd.f32 v56, v36;
	_ =	sdelay $0x1  }
0x1c0: {  	v60 =	vmul.f32 v59, v31;
	v61 =	vmul.f32 v55, v43;
	v36 =	vadd.f32 v58, v36;
	_ =	sdelay $0x1  }
0x1c1: {  	v34 =	vmul.f32 v35, v34;
	v62 =	vmul.f32 v61, v32;
	v36 =	vadd.f32 v60, v36;
	_ =	sdelay $0x1  }
0x1c2: {  	v34 =	vmul.f32 v34, v33;
	v63 =	vadd.f32 v62, v36;
	_ =	sdelay $0x1  }
0x1c3: {  	v34 =	vadd.f32 v34, v63;
	_ =	sdelay $0x1  }
0x1c4: {  	v34 =	vsub.f32 $0.0e+00, v34;
	_ =	sdelay $0x1  }
0x1c5: {  	v34 =	vmul.f32 $1.442695020e+00, v34;
	_ =	sdelay $0x1  }
0x1c6: {  	(erf) = vpow2.f32 v34;
	_ =	sdelay $0x8  }
0x1c7: {  	v34 =	vpop (erf)  }
0x1c8: {  	v34 =	vadd.f32 $1.000000000e+00, v34;
	_ =	sdelay $0x1  }
0x1c9: {  	(erf) = vrcp.f32 v34;
	_ =	sdelay $0x8  }
0x1ca: {  	s31 =	simm.s32 $0x10880;
	v34 =	vpop (erf)  }
0x1cb: {  	s0 =	simm.s32 $0x90;
	[tilespmem:s31+$0x0] =	vst v34  }
0x1cc: {  	s4 =	simm.s32 $0x290;
	v34 =	vld [tilespmem:s0+$0x0]  }
0x1cd: {  	s11 =	simm.s32 $0x20;
	s3 =	simm.s32 $0x10;
	v37 =	vld [tilespmem:s4+$0x0]  }
.LBB2_6:
0x1ce: {  	p0 =	sne.s32 s11, $0x70  }
0x1cf: {  	v35 =	vmov s3;
	s3 =	smov.u32 s11  }
0x1d0: {  	v35 =	vshll.u32 v35, $0x7  }
0x1d1: {  	v36 =	vor.u32 v0, v35;
	v34 =	vshrl.u32 v34, $0x2  }
0x1d2: {  	v35 =	vand.u32 $0x60, v34;
	v34 =	vshrl.u32 v37, $0x2;
	v37 =	vadd.s32 $0x4000, v36  }
0x1d3: {  	v34 =	vand.u32 $0x60, v34;
	v38 =	vor.u32 v37, v35  }
0x1d4: {  	v37 =	vor.u32 v37, v34  }
0x1d5: {  	v39 =	vor.u32 $0x1, v38  }
0x1d6: {  	v40 =	vor.u32 $0x1, v37  }
0x1d7: {  	v41 =	vor.u32 $0x2, v38  }
0x1d8: {  	v43 =	vor.u32 $0x2, v37;
	v42 =	vld.idx.msk [tilespmem:v38+s15+$0x0], $0xffff  }
0x1d9: {  	v45 =	vor.u32 $0x3, v38;
	v44 =	vld.idx.msk [tilespmem:v37+s17+$0x0], $0xffff  }
0x1da: {  	v46 =	vor.u32 $0x3, v37;
	v39 =	vld.idx.msk [tilespmem:v39+s15+$0x0], $0xffff  }
0x1db: {  	v47 =	vor.u32 $0x4, v38;
	v40 =	vld.idx.msk [tilespmem:v40+s17+$0x0], $0xffff  }
0x1dc: {  	v48 =	vor.u32 $0x4, v37;
	v41 =	vld.idx.msk [tilespmem:v41+s15+$0x0], $0xffff  }
0x1dd: {  	v49 =	vor.u32 $0x5, v38;
	v43 =	vld.idx.msk [tilespmem:v43+s17+$0x0], $0xffff  }
0x1de: {  	v50 =	vor.u32 $0x5, v37;
	v45 =	vld.idx.msk [tilespmem:v45+s15+$0x0], $0xffff  }
0x1df: {  	v42 =	vmul.f32 v44, v42;
	v44 =	vld.idx.msk [tilespmem:v46+s17+$0x0], $0xffff;
	v46 =	vor.u32 $0x6, v38  }
0x1e0: {  	v52 =	vadd.s32 $0x4008, v36;
	v51 =	vor.u32 $0x6, v37;
	v47 =	vld.idx.msk [tilespmem:v47+s15+$0x0], $0xffff  }
0x1e1: {  	v38 =	vor.u32 $0x7, v38;
	v42 =	vmul.f32 v42, v7;
	v39 =	vmul.f32 v40, v39;
	v40 =	vld.idx.msk [tilespmem:v48+s17+$0x0], $0xffff  }
0x1e2: {  	v37 =	vor.u32 $0x7, v37;
	v48 =	vld.idx.msk [tilespmem:v49+s15+$0x0], $0xffff;
	v49 =	vor.u32 v35, v52  }
0x1e3: {  	v42 =	vadd.f32 v42, v1;
	v39 =	vmul.f32 v39, v2;
	v41 =	vmul.f32 v43, v41;
	v43 =	vld.idx.msk [tilespmem:v50+s17+$0x0], $0xffff  }
0x1e4: {  	v50 =	vor.u32 v34, v52;
	v52 =	vor.u32 $0x1, v49;
	v46 =	vld.idx.msk [tilespmem:v46+s15+$0x0], $0xffff  }
0x1e5: {  	v39 =	vadd.f32 v39, v42;
	v41 =	vmul.f32 v41, v3;
	v42 =	vmul.f32 v44, v45;
	v44 =	vld.idx.msk [tilespmem:v51+s17+$0x0], $0xffff  }
0x1e6: {  	v45 =	vor.u32 $0x1, v50;
	v51 =	vor.u32 $0x2, v49;
	v38 =	vld.idx.msk [tilespmem:v38+s15+$0x0], $0xffff  }
0x1e7: {  	v39 =	vadd.f32 v41, v39;
	v41 =	vmul.f32 v42, v4;
	v40 =	vmul.f32 v40, v47;
	v37 =	vld.idx.msk [tilespmem:v37+s17+$0x0], $0xffff  }
0x1e8: {  	v53 =	vor.u32 $0x3, v49;
	v47 =	vor.u32 $0x2, v50;
	v42 =	vld.idx.msk [tilespmem:v49+s15+$0x0], $0xffff  }
0x1e9: {  	v39 =	vadd.f32 v41, v39;
	v40 =	vmul.f32 v40, v5;
	v41 =	vmul.f32 v43, v48;
	v43 =	vld.idx.msk [tilespmem:v50+s17+$0x0], $0xffff  }
0x1ea: {  	v54 =	vor.u32 $0x4, v49;
	v48 =	vld.idx.msk [tilespmem:v52+s15+$0x0], $0xffff;
	v52 =	vor.u32 $0x3, v50  }
0x1eb: {  	v39 =	vadd.f32 v40, v39;
	v40 =	vmul.f32 v41, v6;
	v41 =	vmul.f32 v44, v46;
	v44 =	vld.idx.msk [tilespmem:v45+s17+$0x0], $0xffff  }
0x1ec: {  	v46 =	vor.u32 $0x4, v50;
	v45 =	vld.idx.msk [tilespmem:v51+s15+$0x0], $0xffff;
	v51 =	vor.u32 $0x5, v49  }
0x1ed: {  	v39 =	vadd.f32 v40, v39;
	v40 =	vmul.f32 v41, v8;
	v37 =	vmul.f32 v37, v38;
	v38 =	vld.idx.msk [tilespmem:v47+s17+$0x0], $0xffff  }
0x1ee: {  	v47 =	vor.u32 $0x5, v50;
	v41 =	vld.idx.msk [tilespmem:v53+s15+$0x0], $0xffff;
	v53 =	vor.u32 $0x6, v49  }
0x1ef: {  	v39 =	vadd.f32 v40, v39;
	v37 =	vmul.f32 v37, v9;
	v40 =	vmul.f32 v43, v42;
	v42 =	vld.idx.msk [tilespmem:v52+s17+$0x0], $0xffff  }
0x1f0: {  	v49 =	vor.u32 $0x7, v49;
	v52 =	vor.u32 $0x6, v50;
	v43 =	vld.idx.msk [tilespmem:v54+s15+$0x0], $0xffff;
	v54 =	vadd.s32 $0x4010, v36  }
0x1f1: {  	v37 =	vadd.f32 v37, v39;
	v39 =	vmul.f32 v40, v10;
	v40 =	vmul.f32 v44, v48;
	v44 =	vld.idx.msk [tilespmem:v46+s17+$0x0], $0xffff  }
0x1f2: {  	v48 =	vor.u32 $0x7, v50;
	v50 =	vor.u32 v35, v54;
	v46 =	vld.idx.msk [tilespmem:v51+s15+$0x0], $0xffff  }
0x1f3: {  	v37 =	vadd.f32 v39, v37;
	v39 =	vmul.f32 v40, v11;
	v38 =	vmul.f32 v38, v45;
	v40 =	vld.idx.msk [tilespmem:v47+s17+$0x0], $0xffff  }
0x1f4: {  	v51 =	vor.u32 $0x1, v50;
	v47 =	vor.u32 v34, v54;
	v45 =	vld.idx.msk [tilespmem:v53+s15+$0x0], $0xffff  }
0x1f5: {  	v37 =	vadd.f32 v39, v37;
	v38 =	vmul.f32 v38, v12;
	v39 =	vmul.f32 v42, v41;
	v41 =	vld.idx.msk [tilespmem:v52+s17+$0x0], $0xffff  }
0x1f6: {  	v52 =	vor.u32 $0x2, v50;
	v42 =	vld.idx.msk [tilespmem:v49+s15+$0x0], $0xffff;
	v49 =	vor.u32 $0x1, v47  }
0x1f7: {  	v37 =	vadd.f32 v38, v37;
	v38 =	vmul.f32 v39, v13;
	v39 =	vmul.f32 v44, v43;
	v43 =	vld.idx.msk [tilespmem:v48+s17+$0x0], $0xffff  }
0x1f8: {  	v53 =	vor.u32 $0x3, v50;
	v48 =	vor.u32 $0x2, v47;
	v44 =	vld.idx.msk [tilespmem:v50+s15+$0x0], $0xffff  }
0x1f9: {  	v37 =	vadd.f32 v38, v37;
	v38 =	vmul.f32 v39, v14;
	v39 =	vmul.f32 v40, v46;
	v40 =	vld.idx.msk [tilespmem:v47+s17+$0x0], $0xffff  }
0x1fa: {  	v54 =	vor.u32 $0x4, v50;
	v46 =	vld.idx.msk [tilespmem:v51+s15+$0x0], $0xffff;
	v51 =	vor.u32 $0x3, v47  }
0x1fb: {  	v37 =	vadd.f32 v38, v37;
	v38 =	vmul.f32 v39, v15;
	v39 =	vmul.f32 v41, v45;
	v41 =	vld.idx.msk [tilespmem:v49+s17+$0x0], $0xffff  }
0x1fc: {  	v49 =	vor.u32 $0x4, v47;
	v45 =	vld.idx.msk [tilespmem:v52+s15+$0x0], $0xffff;
	v52 =	vor.u32 $0x5, v50  }
0x1fd: {  	v37 =	vadd.f32 v38, v37;
	v38 =	vmul.f32 v39, v16;
	v39 =	vmul.f32 v43, v42;
	v42 =	vld.idx.msk [tilespmem:v48+s17+$0x0], $0xffff  }
0x1fe: {  	v48 =	vor.u32 $0x5, v47;
	v43 =	vld.idx.msk [tilespmem:v53+s15+$0x0], $0xffff;
	v53 =	vor.u32 $0x6, v50  }
0x1ff: {  	v37 =	vadd.f32 v38, v37;
	v38 =	vmul.f32 v39, v17;
	v39 =	vmul.f32 v40, v44;
	v40 =	vld.idx.msk [tilespmem:v51+s17+$0x0], $0xffff  }
0x200: {  	v36 =	vadd.s32 $0x4018, v36;
	v50 =	vor.u32 $0x7, v50;
	v51 =	vor.u32 $0x6, v47;
	v44 =	vld.idx.msk [tilespmem:v54+s15+$0x0], $0xffff  }
0x201: {  	v37 =	vadd.f32 v38, v37;
	v38 =	vmul.f32 v39, v18;
	v39 =	vmul.f32 v41, v46;
	v41 =	vld.idx.msk [tilespmem:v49+s17+$0x0], $0xffff  }
0x202: {  	v35 =	vor.u32 v35, v36;
	v47 =	vor.u32 $0x7, v47;
	v46 =	vld.idx.msk [tilespmem:v52+s15+$0x0], $0xffff  }
0x203: {  	v37 =	vadd.f32 v38, v37;
	v38 =	vmul.f32 v39, v19;
	v39 =	vmul.f32 v42, v45;
	v42 =	vld.idx.msk [tilespmem:v48+s17+$0x0], $0xffff  }
0x204: {  	v34 =	vor.u32 v34, v36;
	v36 =	vor.u32 $0x1, v35;
	v45 =	vld.idx.msk [tilespmem:v53+s15+$0x0], $0xffff  }
0x205: {  	v37 =	vadd.f32 v38, v37;
	v38 =	vmul.f32 v39, v20;
	v39 =	vmul.f32 v40, v43;
	v40 =	vld.idx.msk [tilespmem:v51+s17+$0x0], $0xffff  }
0x206: {  	v49 =	vor.u32 $0x2, v35;
	v48 =	vor.u32 $0x1, v34;
	v43 =	vld.idx.msk [tilespmem:v50+s15+$0x0], $0xffff  }
0x207: {  	v37 =	vadd.f32 v38, v37;
	v38 =	vmul.f32 v39, v21;
	v39 =	vmul.f32 v41, v44;
	v41 =	vld.idx.msk [tilespmem:v47+s17+$0x0], $0xffff  }
0x208: {  	v50 =	vor.u32 $0x3, v35;
	v47 =	vor.u32 $0x2, v34;
	v44 =	vld.idx.msk [tilespmem:v35+s15+$0x0], $0xffff  }
0x209: {  	v37 =	vadd.f32 v38, v37;
	v38 =	vmul.f32 v39, v22;
	v39 =	vmul.f32 v42, v46;
	v42 =	vld.idx.msk [tilespmem:v34+s17+$0x0], $0xffff  }
0x20a: {  	v51 =	vor.u32 $0x4, v35;
	v46 =	vor.u32 $0x3, v34;
	v36 =	vld.idx.msk [tilespmem:v36+s15+$0x0], $0xffff  }
0x20b: {  	v37 =	vadd.f32 v38, v37;
	v38 =	vmul.f32 v39, v23;
	v39 =	vmul.f32 v40, v45;
	v40 =	vld.idx.msk [tilespmem:v48+s17+$0x0], $0xffff  }
0x20c: {  	v48 =	vor.u32 $0x4, v34;
	v45 =	vld.idx.msk [tilespmem:v49+s15+$0x0], $0xffff;
	v49 =	vor.u32 $0x5, v35  }
0x20d: {  	v37 =	vadd.f32 v38, v37;
	v38 =	vmul.f32 v39, v24;
	v39 =	vmul.f32 v41, v43;
	v41 =	vld.idx.msk [tilespmem:v47+s17+$0x0], $0xffff  }
0x20e: {  	v47 =	vor.u32 $0x5, v34;
	v43 =	vld.idx.msk [tilespmem:v50+s15+$0x0], $0xffff;
	v50 =	vor.u32 $0x6, v35  }
0x20f: {  	v37 =	vadd.f32 v38, v37;
	v38 =	vmul.f32 v39, v25;
	v39 =	vmul.f32 v42, v44;
	v42 =	vld.idx.msk [tilespmem:v46+s17+$0x0], $0xffff  }
0x210: {  	v35 =	vor.u32 $0x7, v35;
	v46 =	vor.u32 $0x6, v34;
	v44 =	vld.idx.msk [tilespmem:v51+s15+$0x0], $0xffff  }
0x211: {  	v37 =	vadd.f32 v38, v37;
	v38 =	vmul.f32 v39, v26;
	v36 =	vmul.f32 v40, v36;
	v39 =	vld.idx.msk [tilespmem:v48+s17+$0x0], $0xffff  }
0x212: {  	v34 =	vor.u32 $0x7, v34;
	v40 =	vld.idx.msk [tilespmem:v49+s15+$0x0], $0xffff  }
0x213: {  	v37 =	vadd.f32 v38, v37;
	v36 =	vmul.f32 v36, v27;
	v38 =	vmul.f32 v41, v45;
	v41 =	vld.idx.msk [tilespmem:v47+s17+$0x0], $0xffff  }
0x214: {  	v45 =	vld.idx.msk [tilespmem:v50+s15+$0x0], $0xffff  }
0x215: {  	v36 =	vadd.f32 v36, v37;
	v37 =	vmul.f32 v38, v28;
	v38 =	vmul.f32 v42, v43;
	v42 =	vld.idx.msk [tilespmem:v46+s17+$0x0], $0xffff  }
0x216: {  	v35 =	vld.idx.msk [tilespmem:v35+s15+$0x0], $0xffff  }
0x217: {  	v36 =	vadd.f32 v37, v36;
	v37 =	vmul.f32 v38, v29;
	v38 =	vmul.f32 v39, v44;
	v34 =	vld.idx.msk [tilespmem:v34+s17+$0x0], $0xffff;
	_ =	sdelay $0x1  }
0x218: {  	v36 =	vadd.f32 v37, v36;
	v37 =	vmul.f32 v38, v30;
	v38 =	vmul.f32 v41, v40;
	_ =	sdelay $0x1  }
0x219: {  	v36 =	vadd.f32 v37, v36;
	v37 =	vmul.f32 v38, v31;
	v38 =	vmul.f32 v42, v45;
	_ =	sdelay $0x1  }
0x21a: {  	v36 =	vadd.f32 v37, v36;
	v37 =	vmul.f32 v38, v32;
	v34 =	vmul.f32 v34, v35;
	_ =	sdelay $0x1  }
0x21b: {  	v35 =	vadd.f32 v37, v36;
	v34 =	vmul.f32 v34, v33;
	_ =	sdelay $0x1  }
0x21c: {  	v34 =	vadd.f32 v34, v35;
	_ =	sdelay $0x1  }
0x21d: {  	v34 =	vsub.f32 $0.0e+00, v34;
	_ =	sdelay $0x1  }
0x21e: {  	v34 =	vmul.f32 $1.442695020e+00, v34;
	_ =	sdelay $0x1  }
0x21f: {  	(erf) = vpow2.f32 v34;
	_ =	sdelay $0x8  }
0x220: {  	v34 =	vpop (erf)  }
0x221: {  	v34 =	vadd.f32 $1.000000000e+00, v34;
	_ =	sdelay $0x1  }
0x222: {  	(erf) = vrcp.f32 v34;
	_ =	sdelay $0x7  }
.Ltmp2:
0x223: {  	(pc) =	sbr.rel @p0 .LBB2_6-.Ltmp2, $4  }
0x224: {  	s31 =	sadd.s32 $0x10, s31;
	v34 =	vpop (erf)  }
0x225: {  	s0 =	sadd.s32 $0x10, s0;
	[tilespmem:s31+$0x0] =	vst v34  }
0x226: {  	s4 =	sadd.s32 $0x10, s4;
	v34 =	vld [tilespmem:s0+$0x0]  }
0x227: {  	s11 =	sadd.s32 $0x10, s11;
	v37 =	vld [tilespmem:s4+$0x0]  }
0x228: {  	_ = 	snop  }
0x229: {  	v35 =	vmov s3  }
0x22a: {  	v35 =	vshll.u32 v35, $0x7  }
0x22b: {  	v36 =	vor.u32 v0, v35;
	v34 =	vshrl.u32 v34, $0x2  }
0x22c: {  	v61 =	vadd.s32 $0x4000, v36;
	v34 =	vand.u32 $0x60, v34;
	v60 =	vshrl.u32 v37, $0x2  }
0x22d: {  	v35 =	vand.u32 $0x60, v60;
	v38 =	vor.u32 v61, v34  }
0x22e: {  	v37 =	vor.u32 v61, v35  }
0x22f: {  	v39 =	vor.u32 $0x1, v38  }
0x230: {  	v41 =	vor.u32 $0x2, v38  }
0x231: {  	v45 =	vor.u32 $0x3, v38  }
0x232: {  	v47 =	vor.u32 $0x4, v38;
	v42 =	vld.idx.msk [tilespmem:v38+s15+$0x0], $0xffff  }
0x233: {  	v40 =	vor.u32 $0x1, v37;
	v44 =	vld.idx.msk [tilespmem:v37+s17+$0x0], $0xffff  }
0x234: {  	v43 =	vor.u32 $0x2, v37;
	v39 =	vld.idx.msk [tilespmem:v39+s15+$0x0], $0xffff  }
0x235: {  	v46 =	vor.u32 $0x3, v37;
	v41 =	vld.idx.msk [tilespmem:v41+s15+$0x0], $0xffff  }
0x236: {  	v48 =	vor.u32 $0x4, v37;
	v45 =	vld.idx.msk [tilespmem:v45+s15+$0x0], $0xffff  }
0x237: {  	v47 =	vld.idx.msk [tilespmem:v47+s15+$0x0], $0xffff  }
0x238: {  	v49 =	vor.u32 $0x5, v38;
	v40 =	vld.idx.msk [tilespmem:v40+s17+$0x0], $0xffff  }
0x239: {  	v50 =	vor.u32 $0x5, v37;
	v43 =	vld.idx.msk [tilespmem:v43+s17+$0x0], $0xffff  }
0x23a: {  	v63 =	vor.u32 $0x6, v38;
	v62 =	vld.idx.msk [tilespmem:v46+s17+$0x0], $0xffff  }
0x23b: {  	v51 =	vor.u32 $0x6, v37;
	v48 =	vld.idx.msk [tilespmem:v48+s17+$0x0], $0xffff;
	v42 =	vmul.f32 v44, v42  }
0x23c: {  	v54 =	vadd.s32 $0x4008, v36;
	v38 =	vor.u32 $0x7, v38  }
0x23d: {  	v37 =	vor.u32 $0x7, v37;
	v49 =	vld.idx.msk [tilespmem:v49+s15+$0x0], $0xffff;
	v39 =	vmul.f32 v40, v39;
	v42 =	vmul.f32 v42, v7  }
0x23e: {  	v50 =	vld.idx.msk [tilespmem:v50+s17+$0x0], $0xffff;
	v41 =	vmul.f32 v43, v41;
	v43 =	vor.u32 v34, v54  }
0x23f: {  	v46 =	vld.idx.msk [tilespmem:v63+s15+$0x0], $0xffff;
	v40 =	vor.u32 v35, v54;
	v39 =	vmul.f32 v39, v2;
	v42 =	vadd.f32 v42, v1  }
0x240: {  	v57 =	vld.idx.msk [tilespmem:v51+s17+$0x0], $0xffff;
	v55 =	vmul.f32 v62, v45;
	v59 =	vmul.f32 v48, v47;
	v56 =	vor.u32 $0x1, v43  }
0x241: {  	v38 =	vld.idx.msk [tilespmem:v38+s15+$0x0], $0xffff;
	v48 =	vor.u32 $0x2, v40;
	v41 =	vmul.f32 v41, v3;
	v39 =	vadd.f32 v39, v42  }
0x242: {  	v37 =	vld.idx.msk [tilespmem:v37+s17+$0x0], $0xffff  }
0x243: {  	v51 =	vor.u32 $0x1, v40;
	v58 =	vmul.f32 v55, v4;
	v52 =	vld.idx.msk [tilespmem:v43+s15+$0x0], $0xffff;
	v39 =	vadd.f32 v41, v39  }
0x244: {  	v62 =	vmul.f32 v50, v49;
	v60 =	vor.u32 $0x2, v43;
	v63 =	vld.idx.msk [tilespmem:v40+s17+$0x0], $0xffff  }
0x245: {  	v49 =	vor.u32 $0x3, v43;
	v61 =	vmul.f32 v59, v5;
	v44 =	vld.idx.msk [tilespmem:v56+s15+$0x0], $0xffff;
	v39 =	vadd.f32 v58, v39  }
0x246: {  	v56 =	vmul.f32 v62, v6;
	v62 =	vld.idx.msk [tilespmem:v48+s17+$0x0], $0xffff;
	v48 =	vor.u32 $0x5, v40  }
0x247: {  	v57 =	vmul.f32 v57, v46;
	v53 =	vor.u32 $0x3, v40;
	v39 =	vadd.f32 v61, v39  }
0x248: {  	v37 =	vmul.f32 v37, v38;
	v59 =	vld.idx.msk [tilespmem:v51+s17+$0x0], $0xffff;
	v51 =	vor.u32 $0x4, v40;
	v58 =	vor.u32 $0x4, v43  }
0x249: {  	v47 =	vld.idx.msk [tilespmem:v60+s15+$0x0], $0xffff;
	v60 =	vmul.f32 v57, v8;
	v63 =	vmul.f32 v63, v52;
	v39 =	vadd.f32 v56, v39  }
0x24a: {  	v50 =	vor.u32 $0x6, v43;
	v49 =	vld.idx.msk [tilespmem:v49+s15+$0x0], $0xffff;
	v61 =	vor.u32 $0x5, v43  }
0x24b: {  	v37 =	vmul.f32 v37, v9;
	v57 =	vmul.f32 v63, v10;
	v63 =	vld.idx.msk [tilespmem:v48+s17+$0x0], $0xffff;
	v39 =	vadd.f32 v60, v39  }
0x24c: {  	v43 =	vor.u32 $0x7, v43;
	v56 =	vld.idx.msk [tilespmem:v53+s17+$0x0], $0xffff  }
0x24d: {  	v53 =	vor.u32 $0x6, v40;
	v45 =	vld.idx.msk [tilespmem:v58+s15+$0x0], $0xffff;
	v58 =	vmul.f32 v59, v44;
	v37 =	vadd.f32 v37, v39  }
0x24e: {  	v62 =	vmul.f32 v62, v47;
	v40 =	vor.u32 $0x7, v40;
	v59 =	vadd.s32 $0x4010, v36;
	v60 =	vld.idx.msk [tilespmem:v51+s17+$0x0], $0xffff  }
0x24f: {  	v42 =	vor.u32 v34, v59;
	v38 =	vld.idx.msk [tilespmem:v61+s15+$0x0], $0xffff;
	v61 =	vmul.f32 v58, v11;
	v37 =	vadd.f32 v57, v37  }
0x250: {  	v48 =	vld.idx.msk [tilespmem:v50+s15+$0x0], $0xffff;
	v55 =	vmul.f32 v62, v12;
	v44 =	vor.u32 v35, v59  }
0x251: {  	v51 =	vor.u32 $0x1, v44;
	v43 =	vld.idx.msk [tilespmem:v43+s15+$0x0], $0xffff;
	v56 =	vmul.f32 v56, v49;
	v37 =	vadd.f32 v61, v37  }
0x252: {  	v62 =	vor.u32 $0x3, v42;
	v49 =	vor.u32 $0x1, v42;
	v57 =	vld.idx.msk [tilespmem:v53+s17+$0x0], $0xffff  }
0x253: {  	v40 =	vld.idx.msk [tilespmem:v40+s17+$0x0], $0xffff;
	v58 =	vmul.f32 v56, v13;
	v59 =	vmul.f32 v60, v45;
	v37 =	vadd.f32 v55, v37  }
0x254: {  	v46 =	vor.u32 $0x2, v44;
	v60 =	vor.u32 $0x2, v42;
	v52 =	vld.idx.msk [tilespmem:v42+s15+$0x0], $0xffff  }
0x255: {  	v38 =	vmul.f32 v63, v38;
	v63 =	vld.idx.msk [tilespmem:v44+s17+$0x0], $0xffff;
	v61 =	vmul.f32 v59, v14;
	v37 =	vadd.f32 v58, v37  }
0x256: {  	v36 =	vadd.s32 $0x4018, v36;
	v47 =	vor.u32 $0x6, v42;
	v56 =	vor.u32 $0x3, v44;
	v50 =	vld.idx.msk [tilespmem:v51+s17+$0x0], $0xffff  }
0x257: {  	v41 =	vld.idx.msk [tilespmem:v62+s15+$0x0], $0xffff;
	v38 =	vmul.f32 v38, v15;
	v57 =	vmul.f32 v57, v48;
	v37 =	vadd.f32 v61, v37  }
0x258: {  	v34 =	vor.u32 v34, v36;
	v51 =	vor.u32 $0x4, v44;
	v49 =	vld.idx.msk [tilespmem:v49+s15+$0x0], $0xffff;
	v58 =	vor.u32 $0x4, v42  }
0x259: {  	v45 =	vld.idx.msk [tilespmem:v60+s15+$0x0], $0xffff;
	v60 =	vmul.f32 v40, v43;
	v59 =	vmul.f32 v57, v16;
	v37 =	vadd.f32 v38, v37  }
0x25a: {  	v35 =	vor.u32 v35, v36;
	v43 =	vld.idx.msk [tilespmem:v46+s17+$0x0], $0xffff;
	v46 =	vor.u32 $0x5, v44;
	v61 =	vor.u32 $0x5, v42  }
0x25b: {  	v36 =	vld.idx.msk [tilespmem:v47+s15+$0x0], $0xffff;
	v63 =	vmul.f32 v63, v52;
	v62 =	vmul.f32 v60, v17;
	v37 =	vadd.f32 v59, v37  }
0x25c: {  	v56 =	vld.idx.msk [tilespmem:v56+s17+$0x0], $0xffff;
	v57 =	vor.u32 $0x6, v44;
	v44 =	vor.u32 $0x7, v44  }
0x25d: {  	v48 =	vld.idx.msk [tilespmem:v58+s15+$0x0], $0xffff;
	v58 =	vmul.f32 v63, v18;
	v59 =	vmul.f32 v50, v49;
	v37 =	vadd.f32 v62, v37  }
0x25e: {  	v54 =	vor.u32 $0x1, v35;
	v42 =	vor.u32 $0x7, v42;
	v60 =	vld.idx.msk [tilespmem:v51+s17+$0x0], $0xffff  }
0x25f: {  	v40 =	vld.idx.msk [tilespmem:v61+s15+$0x0], $0xffff;
	v61 =	vmul.f32 v59, v19;
	v62 =	vmul.f32 v43, v45;
	v37 =	vadd.f32 v58, v37  }
0x260: {  	v63 =	vld.idx.msk [tilespmem:v46+s17+$0x0], $0xffff  }
0x261: {  	v51 =	vmul.f32 v56, v41;
	v53 =	vld.idx.msk [tilespmem:v57+s17+$0x0], $0xffff;
	v50 =	vmul.f32 v62, v20;
	v37 =	vadd.f32 v61, v37  }
0x262: {  	v52 =	vor.u32 $0x1, v34;
	v44 =	vld.idx.msk [tilespmem:v44+s17+$0x0], $0xffff  }
0x263: {  	v42 =	vld.idx.msk [tilespmem:v42+s15+$0x0], $0xffff;
	v55 =	vmul.f32 v51, v21;
	v56 =	vmul.f32 v60, v48;
	v37 =	vadd.f32 v50, v37  }
0x264: {  	v54 =	vld.idx.msk [tilespmem:v54+s17+$0x0], $0xffff;
	v57 =	vor.u32 $0x2, v34;
	v58 =	vor.u32 $0x2, v35  }
0x265: {  	v49 =	vld.idx.msk [tilespmem:v34+s15+$0x0], $0xffff;
	v59 =	vmul.f32 v56, v22;
	v60 =	vmul.f32 v63, v40;
	v37 =	vadd.f32 v55, v37  }
0x266: {  	v62 =	vld.idx.msk [tilespmem:v35+s17+$0x0], $0xffff;
	v36 =	vmul.f32 v53, v36;
	v61 =	vor.u32 $0x3, v34  }
0x267: {  	v41 =	vld.idx.msk [tilespmem:v52+s15+$0x0], $0xffff;
	v63 =	vor.u32 $0x3, v35;
	v52 =	vmul.f32 v60, v23;
	v37 =	vadd.f32 v59, v37  }
0x268: {  	v53 =	vor.u32 $0x4, v34;
	v56 =	vmul.f32 v44, v42  }
0x269: {  	v47 =	vld.idx.msk [tilespmem:v57+s15+$0x0], $0xffff;
	v36 =	vmul.f32 v36, v24;
	v55 =	vor.u32 $0x4, v35;
	v37 =	vadd.f32 v52, v37  }
0x26a: {  	v57 =	vor.u32 $0x5, v34;
	v60 =	vmul.f32 v56, v25;
	v58 =	vld.idx.msk [tilespmem:v58+s17+$0x0], $0xffff  }
0x26b: {  	v40 =	vld.idx.msk [tilespmem:v61+s15+$0x0], $0xffff;
	v61 =	vmul.f32 v62, v49;
	v59 =	vor.u32 $0x5, v35;
	v36 =	vadd.f32 v36, v37  }
0x26c: {  	v54 =	vmul.f32 v54, v41;
	v62 =	vor.u32 $0x6, v34;
	v63 =	vld.idx.msk [tilespmem:v63+s17+$0x0], $0xffff  }
0x26d: {  	v39 =	vld.idx.msk [tilespmem:v53+s15+$0x0], $0xffff;
	v53 =	vmul.f32 v61, v26;
	v52 =	vor.u32 $0x6, v35;
	v36 =	vadd.f32 v60, v36  }
0x26e: {  	v56 =	vmul.f32 v54, v27;
	v34 =	vor.u32 $0x7, v34;
	v55 =	vld.idx.msk [tilespmem:v55+s17+$0x0], $0xffff  }
0x26f: {  	v42 =	vld.idx.msk [tilespmem:v57+s15+$0x0], $0xffff;
	v35 =	vor.u32 $0x7, v35;
	v57 =	vmul.f32 v58, v47;
	v36 =	vadd.f32 v53, v36  }
0x270: {  	v58 =	vld.idx.msk [tilespmem:v59+s17+$0x0], $0xffff  }
0x271: {  	v43 =	vld.idx.msk [tilespmem:v62+s15+$0x0], $0xffff;
	v59 =	vmul.f32 v57, v28;
	v60 =	vmul.f32 v63, v40;
	v36 =	vadd.f32 v56, v36  }
0x272: {  	v61 =	vld.idx.msk [tilespmem:v52+s17+$0x0], $0xffff  }
0x273: {  	v34 =	vld.idx.msk [tilespmem:v34+s15+$0x0], $0xffff;
	v62 =	vmul.f32 v60, v29;
	v63 =	vmul.f32 v55, v39;
	v36 =	vadd.f32 v59, v36  }
0x274: {  	v35 =	vld.idx.msk [tilespmem:v35+s17+$0x0], $0xffff  }
0x275: {  	v41 =	vmul.f32 v63, v30;
	v45 =	vmul.f32 v58, v42;
	v36 =	vadd.f32 v62, v36;
	_ =	sdelay $0x1  }
0x276: {  	v46 =	vmul.f32 v45, v31;
	v47 =	vmul.f32 v61, v43;
	v36 =	vadd.f32 v41, v36;
	_ =	sdelay $0x1  }
0x277: {  	v34 =	vmul.f32 v35, v34;
	v48 =	vmul.f32 v47, v32;
	v36 =	vadd.f32 v46, v36;
	_ =	sdelay $0x1  }
0x278: {  	v34 =	vmul.f32 v34, v33;
	v49 =	vadd.f32 v48, v36;
	_ =	sdelay $0x1  }
0x279: {  	v34 =	vadd.f32 v34, v49;
	_ =	sdelay $0x1  }
0x27a: {  	v34 =	vsub.f32 $0.0e+00, v34;
	_ =	sdelay $0x1  }
0x27b: {  	v34 =	vmul.f32 $1.442695020e+00, v34;
	_ =	sdelay $0x1  }
0x27c: {  	(erf) = vpow2.f32 v34;
	_ =	sdelay $0x8  }
0x27d: {  	v34 =	vpop (erf)  }
0x27e: {  	v34 =	vadd.f32 $1.000000000e+00, v34;
	_ =	sdelay $0x1  }
0x27f: {  	(erf) = vrcp.f32 v34;
	_ =	sdelay $0x8  }
0x280: {  	s0 =	sadd.s32 $0x10, s31;
	v34 =	vpop (erf)  }
0x281: {  	[tilespmem:s0+$0x0] =	vst v34  }
0x282: {  	[tilespmem:s19], [sflag:$0x2] =	stream.indirect.gather [hbm4b:s1+s13], $0x80, s26, s13, $0xb8;
	[tilespmem:$0x10A30] =	vst v63  }
0x283: {  	_ = 	snop  }
0x284: {  	[tilespmem:s21], [sflag:$0x2] =	stream.indirect.gather [hbm4b:s2+s13], $0x80, s28, s13, $0xb8;
	[tilespmem:$0x10A30] =	vst v63  }
0x285: {  	_ =	swait.ge [sflag:s22], $0x4000  }
0x286: {  	[sflag:s22] =	ssyncset.done $0x0  }
0x287: {  	[sflag:s22] =	ssyncadd.s32 $0xFFFFC000  }
0x288: {  	_ =	swait.ge [sflag:s22], $0x4000  }
0x289: {  	[sflag:s22] =	ssyncset.done $0x0  }
0x28a: {  	s3 =	simm.s32 $0x100;
	[sflag:s22] =	ssyncadd.s32 $0xFFFFC000  }
0x28b: {  	s4 =	simm.s32 $0x300;
	v50 =	vld [tilespmem:s3+$0x0]  }
0x28c: {  	v51 =	vld [tilespmem:s4+$0x0];
	_ =	sdelay $0x1  }
0x28d: {  	s11 =	simm.s32 $0x0  }
0x28e: {  	v52 =	vmov s11  }
0x28f: {  	v36 =	vshll.u32 v52, $0x7;
	v34 =	vshrl.u32 v50, $0x2  }
0x290: {  	v36 =	vor.u32 v0, v36;
	v35 =	vshrl.u32 v51, $0x2;
	v34 =	vand.u32 $0x60, v34  }
0x291: {  	v53 =	vand.u32 $0x60, v35;
	v35 =	vor.u32 v36, v34  }
0x292: {  	v34 =	vor.u32 v36, v53  }
0x293: {  	v54 =	vor.u32 $0x1, v35  }
0x294: {  	v37 =	vor.u32 $0x1, v34  }
0x295: {  	v55 =	vor.u32 $0x2, v35  }
0x296: {  	v57 =	vor.u32 $0x2, v34;
	v56 =	vld.idx.msk [tilespmem:v35+s15+$0x0], $0xffff  }
0x297: {  	v59 =	vor.u32 $0x3, v35;
	v58 =	vld.idx.msk [tilespmem:v34+s17+$0x0], $0xffff  }
0x298: {  	v60 =	vor.u32 $0x3, v34;
	v36 =	vld.idx.msk [tilespmem:v54+s15+$0x0], $0xffff  }
0x299: {  	v61 =	vor.u32 $0x4, v35;
	v37 =	vld.idx.msk [tilespmem:v37+s17+$0x0], $0xffff  }
0x29a: {  	v63 =	vor.u32 $0x5, v35;
	v38 =	vld.idx.msk [tilespmem:v55+s15+$0x0], $0xffff  }
0x29b: {  	v62 =	vor.u32 $0x4, v34;
	v40 =	vld.idx.msk [tilespmem:v57+s17+$0x0], $0xffff  }
0x29c: {  	v52 =	vor.u32 $0x5, v34;
	v42 =	vld.idx.msk [tilespmem:v59+s15+$0x0], $0xffff  }
0x29d: {  	v53 =	vld.idx.msk [tilespmem:v60+s17+$0x0], $0xffff;
	v54 =	vor.u32 $0x6, v35;
	v39 =	vmul.f32 v58, v56  }
0x29e: {  	v44 =	vld.idx.msk [tilespmem:v61+s15+$0x0], $0xffff;
	v55 =	vor.u32 $0x6, v34  }
0x29f: {  	v57 =	vor.u32 $0x7, v35;
	v46 =	vld.idx.msk [tilespmem:v63+s15+$0x0], $0xffff;
	v36 =	vmul.f32 v37, v36;
	v39 =	vmul.f32 v39, v7  }
0x2a0: {  	v59 =	vor.u32 $0x8, v35;
	v56 =	vld.idx.msk [tilespmem:v62+s17+$0x0], $0xffff;
	v58 =	vor.u32 $0x7, v34  }
0x2a1: {  	v47 =	vld.idx.msk [tilespmem:v52+s17+$0x0], $0xffff;
	v38 =	vmul.f32 v40, v38;
	v36 =	vmul.f32 v36, v2;
	v39 =	vadd.f32 v39, v1  }
0x2a2: {  	v60 =	vor.u32 $0x8, v34;
	v52 =	vor.u32 $0x9, v34;
	v43 =	vld.idx.msk [tilespmem:v54+s15+$0x0], $0xffff  }
0x2a3: {  	v61 =	vmul.f32 v53, v42;
	v63 =	vld.idx.msk [tilespmem:v55+s17+$0x0], $0xffff;
	v38 =	vmul.f32 v38, v3;
	v36 =	vadd.f32 v36, v39  }
0x2a4: {  	v62 =	vor.u32 $0x9, v35;
	v45 =	vld.idx.msk [tilespmem:v57+s15+$0x0], $0xffff;
	v54 =	vor.u32 $0xA, v35  }
0x2a5: {  	v53 =	vmul.f32 v61, v4;
	v37 =	vmul.f32 v56, v44;
	v55 =	vld.idx.msk [tilespmem:v58+s17+$0x0], $0xffff;
	v36 =	vadd.f32 v38, v36  }
0x2a6: {  	v40 =	vld.idx.msk [tilespmem:v59+s15+$0x0], $0xffff;
	v57 =	vmul.f32 v47, v46;
	v56 =	vor.u32 $0xA, v34  }
0x2a7: {  	v59 =	vld.idx.msk [tilespmem:v60+s17+$0x0], $0xffff;
	v58 =	vor.u32 $0xB, v35;
	v37 =	vmul.f32 v37, v5;
	v36 =	vadd.f32 v53, v36  }
0x2a8: {  	v60 =	vor.u32 $0xB, v34;
	v52 =	vld.idx.msk [tilespmem:v52+s17+$0x0], $0xffff;
	v61 =	vmul.f32 v57, v6  }
0x2a9: {  	v41 =	vld.idx.msk [tilespmem:v62+s15+$0x0], $0xffff;
	v62 =	vmul.f32 v63, v43;
	v63 =	vor.u32 $0xC, v35;
	v36 =	vadd.f32 v37, v36  }
0x2aa: {  	v39 =	vld.idx.msk [tilespmem:v54+s15+$0x0], $0xffff;
	v54 =	vmul.f32 v55, v45;
	v55 =	vor.u32 $0xD, v35  }
0x2ab: {  	v48 =	vor.u32 $0xC, v34;
	v53 =	vmul.f32 v62, v8;
	v56 =	vld.idx.msk [tilespmem:v56+s17+$0x0], $0xffff;
	v36 =	vadd.f32 v61, v36  }
0x2ac: {  	v46 =	vld.idx.msk [tilespmem:v58+s15+$0x0], $0xffff;
	v58 =	vmul.f32 v59, v40;
	v59 =	vor.u32 $0xE, v35  }
0x2ad: {  	v49 =	vor.u32 $0xD, v34;
	v60 =	vld.idx.msk [tilespmem:v60+s17+$0x0], $0xffff;
	v57 =	vmul.f32 v54, v9;
	v36 =	vadd.f32 v53, v36  }
0x2ae: {  	v42 =	vld.idx.msk [tilespmem:v63+s15+$0x0], $0xffff;
	v63 =	vmul.f32 v52, v41  }
0x2af: {  	v62 =	vmul.f32 v58, v10;
	v61 =	vor.u32 $0xE, v34;
	v44 =	vld.idx.msk [tilespmem:v55+s15+$0x0], $0xffff;
	v36 =	vadd.f32 v57, v36  }
0x2b0: {  	v52 =	vor.u32 $0xF, v35;
	v54 =	vmul.f32 v63, v11;
	v53 =	vld.idx.msk [tilespmem:v48+s17+$0x0], $0xffff  }
0x2b1: {  	v55 =	vmul.f32 v56, v39;
	v40 =	vld.idx.msk [tilespmem:v59+s15+$0x0], $0xffff;
	v48 =	vor.u32 $0xF, v34;
	v36 =	vadd.f32 v62, v36  }
0x2b2: {  	v56 =	vor.u32 $0x10, v35;
	v59 =	vmul.f32 v60, v46;
	v57 =	vld.idx.msk [tilespmem:v49+s17+$0x0], $0xffff  }
0x2b3: {  	v58 =	vmul.f32 v55, v12;
	v49 =	vor.u32 $0x10, v34;
	v36 =	vadd.f32 v54, v36  }
0x2b4: {  	v60 =	vor.u32 $0x11, v35;
	v63 =	vmul.f32 v59, v13;
	v61 =	vld.idx.msk [tilespmem:v61+s17+$0x0], $0xffff  }
0x2b5: {  	v41 =	vld.idx.msk [tilespmem:v52+s15+$0x0], $0xffff;
	v62 =	vor.u32 $0x11, v34;
	v52 =	vmul.f32 v53, v42;
	v36 =	vadd.f32 v58, v36  }
0x2b6: {  	v53 =	vor.u32 $0x12, v35;
	v54 =	vld.idx.msk [tilespmem:v48+s17+$0x0], $0xffff;
	v48 =	vor.u32 $0x12, v34  }
0x2b7: {  	v39 =	vld.idx.msk [tilespmem:v56+s15+$0x0], $0xffff;
	v55 =	vmul.f32 v52, v14;
	v56 =	vmul.f32 v57, v44;
	v36 =	vadd.f32 v63, v36  }
0x2b8: {  	v57 =	vor.u32 $0x13, v35;
	v58 =	vld.idx.msk [tilespmem:v49+s17+$0x0], $0xffff;
	v49 =	vor.u32 $0x13, v34  }
0x2b9: {  	v46 =	vld.idx.msk [tilespmem:v60+s15+$0x0], $0xffff;
	v60 =	vmul.f32 v61, v40;
	v59 =	vmul.f32 v56, v15;
	v36 =	vadd.f32 v55, v36  }
0x2ba: {  	v61 =	vor.u32 $0x14, v35;
	v62 =	vld.idx.msk [tilespmem:v62+s17+$0x0], $0xffff;
	v63 =	vor.u32 $0x14, v34  }
0x2bb: {  	v42 =	vld.idx.msk [tilespmem:v53+s15+$0x0], $0xffff;
	v52 =	vmul.f32 v60, v16;
	v53 =	vmul.f32 v54, v41;
	v36 =	vadd.f32 v59, v36  }
0x2bc: {  	v54 =	vor.u32 $0x15, v35;
	v55 =	vld.idx.msk [tilespmem:v48+s17+$0x0], $0xffff;
	v48 =	vor.u32 $0x15, v34  }
0x2bd: {  	v44 =	vld.idx.msk [tilespmem:v57+s15+$0x0], $0xffff;
	v56 =	vmul.f32 v53, v17;
	v57 =	vmul.f32 v58, v39;
	v36 =	vadd.f32 v52, v36  }
0x2be: {  	v58 =	vor.u32 $0x16, v35;
	v59 =	vld.idx.msk [tilespmem:v49+s17+$0x0], $0xffff;
	v49 =	vor.u32 $0x16, v34  }
0x2bf: {  	v40 =	vld.idx.msk [tilespmem:v61+s15+$0x0], $0xffff;
	v61 =	vmul.f32 v62, v46;
	v60 =	vmul.f32 v57, v18;
	v36 =	vadd.f32 v56, v36  }
0x2c0: {  	v62 =	vor.u32 $0x17, v35;
	v63 =	vld.idx.msk [tilespmem:v63+s17+$0x0], $0xffff;
	v52 =	vor.u32 $0x17, v34  }
0x2c1: {  	v41 =	vld.idx.msk [tilespmem:v54+s15+$0x0], $0xffff;
	v53 =	vmul.f32 v61, v19;
	v54 =	vmul.f32 v55, v42;
	v36 =	vadd.f32 v60, v36  }
0x2c2: {  	v55 =	vor.u32 $0x18, v35;
	v56 =	vld.idx.msk [tilespmem:v48+s17+$0x0], $0xffff;
	v48 =	vor.u32 $0x18, v34  }
0x2c3: {  	v39 =	vld.idx.msk [tilespmem:v58+s15+$0x0], $0xffff;
	v57 =	vmul.f32 v54, v20;
	v58 =	vmul.f32 v59, v44;
	v36 =	vadd.f32 v53, v36  }
0x2c4: {  	v59 =	vor.u32 $0x19, v35;
	v60 =	vld.idx.msk [tilespmem:v49+s17+$0x0], $0xffff;
	v49 =	vor.u32 $0x19, v34  }
0x2c5: {  	v46 =	vld.idx.msk [tilespmem:v62+s15+$0x0], $0xffff;
	v62 =	vmul.f32 v63, v40;
	v61 =	vmul.f32 v58, v21;
	v36 =	vadd.f32 v57, v36  }
0x2c6: {  	v63 =	vor.u32 $0x1A, v35;
	v52 =	vld.idx.msk [tilespmem:v52+s17+$0x0], $0xffff;
	v53 =	vor.u32 $0x1A, v34  }
0x2c7: {  	v42 =	vld.idx.msk [tilespmem:v55+s15+$0x0], $0xffff;
	v54 =	vmul.f32 v62, v22;
	v55 =	vmul.f32 v56, v41;
	v36 =	vadd.f32 v61, v36  }
0x2c8: {  	v56 =	vor.u32 $0x1B, v35;
	v57 =	vld.idx.msk [tilespmem:v48+s17+$0x0], $0xffff;
	v48 =	vor.u32 $0x1B, v34  }
0x2c9: {  	v44 =	vld.idx.msk [tilespmem:v59+s15+$0x0], $0xffff;
	v58 =	vmul.f32 v55, v23;
	v59 =	vmul.f32 v60, v39;
	v36 =	vadd.f32 v54, v36  }
0x2ca: {  	v60 =	vor.u32 $0x1C, v35;
	v61 =	vld.idx.msk [tilespmem:v49+s17+$0x0], $0xffff;
	v49 =	vor.u32 $0x1C, v34  }
0x2cb: {  	v40 =	vld.idx.msk [tilespmem:v63+s15+$0x0], $0xffff;
	v63 =	vmul.f32 v52, v46;
	v62 =	vmul.f32 v59, v24;
	v36 =	vadd.f32 v58, v36  }
0x2cc: {  	v52 =	vor.u32 $0x1D, v35;
	v53 =	vld.idx.msk [tilespmem:v53+s17+$0x0], $0xffff;
	v54 =	vor.u32 $0x1D, v34  }
0x2cd: {  	v41 =	vld.idx.msk [tilespmem:v56+s15+$0x0], $0xffff;
	v55 =	vmul.f32 v63, v25;
	v56 =	vmul.f32 v57, v42;
	v36 =	vadd.f32 v62, v36  }
0x2ce: {  	v59 =	vor.u32 $0x1E, v34;
	v57 =	vor.u32 $0x1E, v35;
	v58 =	vld.idx.msk [tilespmem:v48+s17+$0x0], $0xffff  }
0x2cf: {  	v39 =	vld.idx.msk [tilespmem:v60+s15+$0x0], $0xffff;
	v60 =	vmul.f32 v56, v26;
	v61 =	vmul.f32 v61, v44;
	v36 =	vadd.f32 v55, v36  }
0x2d0: {  	v34 =	vor.u32 $0x1F, v34;
	v35 =	vor.u32 $0x1F, v35;
	v62 =	vld.idx.msk [tilespmem:v49+s17+$0x0], $0xffff  }
0x2d1: {  	v63 =	vld.idx.msk [tilespmem:v52+s15+$0x0], $0xffff;
	v51 =	vmul.f32 v53, v40;
	v49 =	vmul.f32 v61, v27;
	v36 =	vadd.f32 v60, v36  }
0x2d2: {  	v52 =	vld.idx.msk [tilespmem:v54+s17+$0x0], $0xffff  }
0x2d3: {  	v42 =	vld.idx.msk [tilespmem:v57+s15+$0x0], $0xffff;
	v53 =	vmul.f32 v51, v28;
	v54 =	vmul.f32 v58, v41;
	v36 =	vadd.f32 v49, v36  }
0x2d4: {  	v55 =	vld.idx.msk [tilespmem:v59+s17+$0x0], $0xffff  }
0x2d5: {  	v34 =	vld.idx.msk [tilespmem:v34+s17+$0x0], $0xffff;
	v56 =	vmul.f32 v54, v29;
	v57 =	vmul.f32 v62, v39;
	v36 =	vadd.f32 v53, v36  }
0x2d6: {  	v35 =	vld.idx.msk [tilespmem:v35+s15+$0x0], $0xffff  }
0x2d7: {  	v59 =	vmul.f32 v52, v63;
	v58 =	vmul.f32 v57, v30;
	v36 =	vadd.f32 v56, v36;
	_ =	sdelay $0x1  }
0x2d8: {  	v61 =	vmul.f32 v55, v42;
	v60 =	vmul.f32 v59, v31;
	v36 =	vadd.f32 v58, v36;
	_ =	sdelay $0x1  }
0x2d9: {  	v34 =	vmul.f32 v34, v35;
	v62 =	vmul.f32 v61, v32;
	v36 =	vadd.f32 v60, v36;
	_ =	sdelay $0x1  }
0x2da: {  	v34 =	vmul.f32 v34, v33;
	v63 =	vadd.f32 v62, v36;
	_ =	sdelay $0x1  }
0x2db: {  	v34 =	vadd.f32 v34, v63;
	_ =	sdelay $0x1  }
0x2dc: {  	v34 =	vsub.f32 $0.0e+00, v34;
	_ =	sdelay $0x1  }
0x2dd: {  	v34 =	vmul.f32 $1.442695020e+00, v34;
	_ =	sdelay $0x1  }
0x2de: {  	(erf) = vpow2.f32 v34;
	_ =	sdelay $0x8  }
0x2df: {  	v34 =	vpop (erf)  }
0x2e0: {  	v34 =	vadd.f32 $1.000000000e+00, v34;
	_ =	sdelay $0x1  }
0x2e1: {  	(erf) = vrcp.f32 v34;
	_ =	sdelay $0x8  }
0x2e2: {  	s31 =	simm.s32 $0x10900;
	v34 =	vpop (erf)  }
0x2e3: {  	s0 =	simm.s32 $0x110;
	[tilespmem:s31+$0x0] =	vst v34  }
0x2e4: {  	s3 =	simm.s32 $0x310;
	v35 =	vld [tilespmem:s0+$0x0]  }
0x2e5: {  	s11 =	simm.s32 $0x20;
	s4 =	simm.s32 $0x10;
	v34 =	vld [tilespmem:s3+$0x0]  }
.LBB2_8:
0x2e6: {  	p0 =	sne.s32 s11, $0x70;
	_ =	sdelay $0x1  }
0x2e7: {  	v36 =	vmov s4;
	s4 =	smov.u32 s11  }
0x2e8: {  	v36 =	vshll.u32 v36, $0x7;
	v35 =	vshrl.u32 v35, $0x2  }
0x2e9: {  	v36 =	vor.u32 v0, v36;
	v35 =	vand.u32 $0x60, v35;
	v34 =	vshrl.u32 v34, $0x2  }
0x2ea: {  	v34 =	vand.u32 $0x60, v34;
	v35 =	vor.u32 v36, v35  }
0x2eb: {  	v34 =	vor.u32 v36, v34  }
0x2ec: {  	v36 =	vor.u32 $0x1, v35  }
0x2ed: {  	v37 =	vor.u32 $0x1, v34  }
0x2ee: {  	v38 =	vor.u32 $0x2, v35  }
0x2ef: {  	v40 =	vor.u32 $0x2, v34;
	v39 =	vld.idx.msk [tilespmem:v35+s15+$0x0], $0xffff  }
0x2f0: {  	v42 =	vor.u32 $0x3, v35;
	v41 =	vld.idx.msk [tilespmem:v34+s17+$0x0], $0xffff  }
0x2f1: {  	v43 =	vor.u32 $0x3, v34;
	v36 =	vld.idx.msk [tilespmem:v36+s15+$0x0], $0xffff  }
0x2f2: {  	v44 =	vor.u32 $0x4, v35;
	v37 =	vld.idx.msk [tilespmem:v37+s17+$0x0], $0xffff  }
0x2f3: {  	v45 =	vor.u32 $0x4, v34;
	v38 =	vld.idx.msk [tilespmem:v38+s15+$0x0], $0xffff  }
0x2f4: {  	v46 =	vor.u32 $0x5, v35;
	v40 =	vld.idx.msk [tilespmem:v40+s17+$0x0], $0xffff  }
0x2f5: {  	v47 =	vor.u32 $0x5, v34;
	v42 =	vld.idx.msk [tilespmem:v42+s15+$0x0], $0xffff  }
0x2f6: {  	v39 =	vmul.f32 v41, v39;
	v41 =	vld.idx.msk [tilespmem:v43+s17+$0x0], $0xffff;
	v43 =	vor.u32 $0x6, v35  }
0x2f7: {  	v48 =	vor.u32 $0x6, v34;
	v44 =	vld.idx.msk [tilespmem:v44+s15+$0x0], $0xffff  }
0x2f8: {  	v39 =	vmul.f32 v39, v7;
	v36 =	vmul.f32 v37, v36;
	v37 =	vld.idx.msk [tilespmem:v45+s17+$0x0], $0xffff;
	v45 =	vor.u32 $0x7, v35  }
0x2f9: {  	v50 =	vor.u32 $0x8, v35;
	v49 =	vor.u32 $0x7, v34;
	v46 =	vld.idx.msk [tilespmem:v46+s15+$0x0], $0xffff  }
0x2fa: {  	v39 =	vadd.f32 v39, v1;
	v36 =	vmul.f32 v36, v2;
	v38 =	vmul.f32 v40, v38;
	v40 =	vld.idx.msk [tilespmem:v47+s17+$0x0], $0xffff  }
0x2fb: {  	v51 =	vor.u32 $0x9, v35;
	v47 =	vor.u32 $0x8, v34;
	v43 =	vld.idx.msk [tilespmem:v43+s15+$0x0], $0xffff  }
0x2fc: {  	v36 =	vadd.f32 v36, v39;
	v38 =	vmul.f32 v38, v3;
	v39 =	vmul.f32 v41, v42;
	v41 =	vld.idx.msk [tilespmem:v48+s17+$0x0], $0xffff  }
0x2fd: {  	v48 =	vor.u32 $0xA, v35;
	v42 =	vld.idx.msk [tilespmem:v45+s15+$0x0], $0xffff;
	v45 =	vor.u32 $0x9, v34  }
0x2fe: {  	v36 =	vadd.f32 v38, v36;
	v38 =	vmul.f32 v39, v4;
	v37 =	vmul.f32 v37, v44;
	v39 =	vld.idx.msk [tilespmem:v49+s17+$0x0], $0xffff  }
0x2ff: {  	v49 =	vor.u32 $0xA, v34;
	v44 =	vld.idx.msk [tilespmem:v50+s15+$0x0], $0xffff;
	v50 =	vor.u32 $0xB, v35  }
0x300: {  	v36 =	vadd.f32 v38, v36;
	v37 =	vmul.f32 v37, v5;
	v38 =	vmul.f32 v40, v46;
	v40 =	vld.idx.msk [tilespmem:v47+s17+$0x0], $0xffff  }
0x301: {  	v47 =	vor.u32 $0xB, v34;
	v46 =	vld.idx.msk [tilespmem:v51+s15+$0x0], $0xffff;
	v51 =	vor.u32 $0xC, v35  }
0x302: {  	v36 =	vadd.f32 v37, v36;
	v37 =	vmul.f32 v38, v6;
	v38 =	vmul.f32 v41, v43;
	v41 =	vld.idx.msk [tilespmem:v45+s17+$0x0], $0xffff  }
0x303: {  	v45 =	vor.u32 $0xC, v34;
	v43 =	vld.idx.msk [tilespmem:v48+s15+$0x0], $0xffff;
	v48 =	vor.u32 $0xD, v35  }
0x304: {  	v36 =	vadd.f32 v37, v36;
	v37 =	vmul.f32 v38, v8;
	v38 =	vmul.f32 v39, v42;
	v39 =	vld.idx.msk [tilespmem:v49+s17+$0x0], $0xffff  }
0x305: {  	v49 =	vor.u32 $0xD, v34;
	v42 =	vld.idx.msk [tilespmem:v50+s15+$0x0], $0xffff;
	v50 =	vor.u32 $0xE, v35  }
0x306: {  	v36 =	vadd.f32 v37, v36;
	v37 =	vmul.f32 v38, v9;
	v38 =	vmul.f32 v40, v44;
	v40 =	vld.idx.msk [tilespmem:v47+s17+$0x0], $0xffff  }
0x307: {  	v47 =	vor.u32 $0xE, v34;
	v44 =	vld.idx.msk [tilespmem:v51+s15+$0x0], $0xffff;
	v51 =	vor.u32 $0xF, v35  }
0x308: {  	v36 =	vadd.f32 v37, v36;
	v37 =	vmul.f32 v38, v10;
	v38 =	vmul.f32 v41, v46;
	v41 =	vld.idx.msk [tilespmem:v45+s17+$0x0], $0xffff  }
0x309: {  	v46 =	vor.u32 $0xF, v34;
	v45 =	vld.idx.msk [tilespmem:v48+s15+$0x0], $0xffff;
	v48 =	vor.u32 $0x10, v35  }
0x30a: {  	v36 =	vadd.f32 v37, v36;
	v37 =	vmul.f32 v38, v11;
	v38 =	vmul.f32 v39, v43;
	v39 =	vld.idx.msk [tilespmem:v49+s17+$0x0], $0xffff  }
0x30b: {  	v49 =	vor.u32 $0x10, v34;
	v43 =	vld.idx.msk [tilespmem:v50+s15+$0x0], $0xffff;
	v50 =	vor.u32 $0x11, v35  }
0x30c: {  	v36 =	vadd.f32 v37, v36;
	v37 =	vmul.f32 v38, v12;
	v38 =	vmul.f32 v40, v42;
	v40 =	vld.idx.msk [tilespmem:v47+s17+$0x0], $0xffff  }
0x30d: {  	v47 =	vor.u32 $0x11, v34;
	v42 =	vld.idx.msk [tilespmem:v51+s15+$0x0], $0xffff;
	v51 =	vor.u32 $0x12, v35  }
0x30e: {  	v36 =	vadd.f32 v37, v36;
	v37 =	vmul.f32 v38, v13;
	v38 =	vmul.f32 v41, v44;
	v41 =	vld.idx.msk [tilespmem:v46+s17+$0x0], $0xffff  }
0x30f: {  	v46 =	vor.u32 $0x12, v34;
	v44 =	vld.idx.msk [tilespmem:v48+s15+$0x0], $0xffff;
	v48 =	vor.u32 $0x13, v35  }
0x310: {  	v36 =	vadd.f32 v37, v36;
	v37 =	vmul.f32 v38, v14;
	v38 =	vmul.f32 v39, v45;
	v39 =	vld.idx.msk [tilespmem:v49+s17+$0x0], $0xffff  }
0x311: {  	v49 =	vor.u32 $0x13, v34;
	v45 =	vld.idx.msk [tilespmem:v50+s15+$0x0], $0xffff;
	v50 =	vor.u32 $0x14, v35  }
0x312: {  	v36 =	vadd.f32 v37, v36;
	v37 =	vmul.f32 v38, v15;
	v38 =	vmul.f32 v40, v43;
	v40 =	vld.idx.msk [tilespmem:v47+s17+$0x0], $0xffff  }
0x313: {  	v47 =	vor.u32 $0x14, v34;
	v43 =	vld.idx.msk [tilespmem:v51+s15+$0x0], $0xffff;
	v51 =	vor.u32 $0x15, v35  }
0x314: {  	v36 =	vadd.f32 v37, v36;
	v37 =	vmul.f32 v38, v16;
	v38 =	vmul.f32 v41, v42;
	v41 =	vld.idx.msk [tilespmem:v46+s17+$0x0], $0xffff  }
0x315: {  	v46 =	vor.u32 $0x15, v34;
	v42 =	vld.idx.msk [tilespmem:v48+s15+$0x0], $0xffff;
	v48 =	vor.u32 $0x16, v35  }
0x316: {  	v36 =	vadd.f32 v37, v36;
	v37 =	vmul.f32 v38, v17;
	v38 =	vmul.f32 v39, v44;
	v39 =	vld.idx.msk [tilespmem:v49+s17+$0x0], $0xffff  }
0x317: {  	v49 =	vor.u32 $0x16, v34;
	v44 =	vld.idx.msk [tilespmem:v50+s15+$0x0], $0xffff;
	v50 =	vor.u32 $0x17, v35  }
0x318: {  	v36 =	vadd.f32 v37, v36;
	v37 =	vmul.f32 v38, v18;
	v38 =	vmul.f32 v40, v45;
	v40 =	vld.idx.msk [tilespmem:v47+s17+$0x0], $0xffff  }
0x319: {  	v47 =	vor.u32 $0x17, v34;
	v45 =	vld.idx.msk [tilespmem:v51+s15+$0x0], $0xffff;
	v51 =	vor.u32 $0x18, v35  }
0x31a: {  	v36 =	vadd.f32 v37, v36;
	v37 =	vmul.f32 v38, v19;
	v38 =	vmul.f32 v41, v43;
	v41 =	vld.idx.msk [tilespmem:v46+s17+$0x0], $0xffff  }
0x31b: {  	v46 =	vor.u32 $0x18, v34;
	v43 =	vld.idx.msk [tilespmem:v48+s15+$0x0], $0xffff;
	v48 =	vor.u32 $0x19, v35  }
0x31c: {  	v36 =	vadd.f32 v37, v36;
	v37 =	vmul.f32 v38, v20;
	v38 =	vmul.f32 v39, v42;
	v39 =	vld.idx.msk [tilespmem:v49+s17+$0x0], $0xffff  }
0x31d: {  	v49 =	vor.u32 $0x19, v34;
	v42 =	vld.idx.msk [tilespmem:v50+s15+$0x0], $0xffff;
	v50 =	vor.u32 $0x1A, v35  }
0x31e: {  	v36 =	vadd.f32 v37, v36;
	v37 =	vmul.f32 v38, v21;
	v38 =	vmul.f32 v40, v44;
	v40 =	vld.idx.msk [tilespmem:v47+s17+$0x0], $0xffff  }
0x31f: {  	v47 =	vor.u32 $0x1A, v34;
	v44 =	vld.idx.msk [tilespmem:v51+s15+$0x0], $0xffff;
	v51 =	vor.u32 $0x1B, v35  }
0x320: {  	v36 =	vadd.f32 v37, v36;
	v37 =	vmul.f32 v38, v22;
	v38 =	vmul.f32 v41, v45;
	v41 =	vld.idx.msk [tilespmem:v46+s17+$0x0], $0xffff  }
0x321: {  	v46 =	vor.u32 $0x1B, v34;
	v45 =	vld.idx.msk [tilespmem:v48+s15+$0x0], $0xffff;
	v48 =	vor.u32 $0x1C, v35  }
0x322: {  	v36 =	vadd.f32 v37, v36;
	v37 =	vmul.f32 v38, v23;
	v38 =	vmul.f32 v39, v43;
	v39 =	vld.idx.msk [tilespmem:v49+s17+$0x0], $0xffff  }
0x323: {  	v49 =	vor.u32 $0x1C, v34;
	v43 =	vld.idx.msk [tilespmem:v50+s15+$0x0], $0xffff;
	v50 =	vor.u32 $0x1D, v35  }
0x324: {  	v36 =	vadd.f32 v37, v36;
	v37 =	vmul.f32 v38, v24;
	v38 =	vmul.f32 v40, v42;
	v40 =	vld.idx.msk [tilespmem:v47+s17+$0x0], $0xffff  }
0x325: {  	v47 =	vor.u32 $0x1D, v34;
	v42 =	vld.idx.msk [tilespmem:v51+s15+$0x0], $0xffff;
	v51 =	vor.u32 $0x1E, v35  }
0x326: {  	v36 =	vadd.f32 v37, v36;
	v37 =	vmul.f32 v38, v25;
	v38 =	vmul.f32 v41, v44;
	v41 =	vld.idx.msk [tilespmem:v46+s17+$0x0], $0xffff  }
0x327: {  	v35 =	vor.u32 $0x1F, v35;
	v46 =	vor.u32 $0x1E, v34;
	v44 =	vld.idx.msk [tilespmem:v48+s15+$0x0], $0xffff  }
0x328: {  	v36 =	vadd.f32 v37, v36;
	v37 =	vmul.f32 v38, v26;
	v38 =	vmul.f32 v39, v45;
	v39 =	vld.idx.msk [tilespmem:v49+s17+$0x0], $0xffff  }
0x329: {  	v34 =	vor.u32 $0x1F, v34;
	v45 =	vld.idx.msk [tilespmem:v50+s15+$0x0], $0xffff  }
0x32a: {  	v36 =	vadd.f32 v37, v36;
	v37 =	vmul.f32 v38, v27;
	v38 =	vmul.f32 v40, v43;
	v40 =	vld.idx.msk [tilespmem:v47+s17+$0x0], $0xffff  }
0x32b: {  	v43 =	vld.idx.msk [tilespmem:v51+s15+$0x0], $0xffff  }
0x32c: {  	v36 =	vadd.f32 v37, v36;
	v37 =	vmul.f32 v38, v28;
	v38 =	vmul.f32 v41, v42;
	v41 =	vld.idx.msk [tilespmem:v46+s17+$0x0], $0xffff  }
0x32d: {  	v35 =	vld.idx.msk [tilespmem:v35+s15+$0x0], $0xffff  }
0x32e: {  	v36 =	vadd.f32 v37, v36;
	v37 =	vmul.f32 v38, v29;
	v38 =	vmul.f32 v39, v44;
	v34 =	vld.idx.msk [tilespmem:v34+s17+$0x0], $0xffff;
	_ =	sdelay $0x1  }
0x32f: {  	v36 =	vadd.f32 v37, v36;
	v37 =	vmul.f32 v38, v30;
	v38 =	vmul.f32 v40, v45;
	_ =	sdelay $0x1  }
0x330: {  	v36 =	vadd.f32 v37, v36;
	v37 =	vmul.f32 v38, v31;
	v38 =	vmul.f32 v41, v43;
	_ =	sdelay $0x1  }
0x331: {  	v36 =	vadd.f32 v37, v36;
	v37 =	vmul.f32 v38, v32;
	v34 =	vmul.f32 v34, v35;
	_ =	sdelay $0x1  }
0x332: {  	v35 =	vadd.f32 v37, v36;
	v34 =	vmul.f32 v34, v33;
	_ =	sdelay $0x1  }
0x333: {  	v34 =	vadd.f32 v34, v35;
	_ =	sdelay $0x1  }
0x334: {  	v34 =	vsub.f32 $0.0e+00, v34;
	_ =	sdelay $0x1  }
0x335: {  	v34 =	vmul.f32 $1.442695020e+00, v34;
	_ =	sdelay $0x1  }
0x336: {  	(erf) = vpow2.f32 v34;
	_ =	sdelay $0x8  }
0x337: {  	v34 =	vpop (erf)  }
0x338: {  	v34 =	vadd.f32 $1.000000000e+00, v34;
	_ =	sdelay $0x1  }
0x339: {  	(erf) = vrcp.f32 v34;
	_ =	sdelay $0x7  }
.Ltmp3:
0x33a: {  	(pc) =	sbr.rel @p0 .LBB2_8-.Ltmp3, $4  }
0x33b: {  	s31 =	sadd.s32 $0x10, s31;
	v34 =	vpop (erf)  }
0x33c: {  	s0 =	sadd.s32 $0x10, s0;
	[tilespmem:s31+$0x0] =	vst v34  }
0x33d: {  	s3 =	sadd.s32 $0x10, s3;
	v35 =	vld [tilespmem:s0+$0x0]  }
0x33e: {  	s11 =	sadd.s32 $0x10, s11;
	v34 =	vld [tilespmem:s3+$0x0]  }
0x33f: {  	_ =	sdelay $0x1  }
0x340: {  	v36 =	vmov s4  }
0x341: {  	v36 =	vshll.u32 v36, $0x7;
	v35 =	vshrl.u32 v35, $0x2  }
0x342: {  	v36 =	vor.u32 v0, v36;
	v35 =	vand.u32 $0x60, v35;
	v34 =	vshrl.u32 v34, $0x2  }
0x343: {  	v34 =	vand.u32 $0x60, v34;
	v35 =	vor.u32 v36, v35  }
0x344: {  	v34 =	vor.u32 v36, v34  }
0x345: {  	v60 =	vor.u32 $0x1, v35  }
0x346: {  	v38 =	vor.u32 $0x2, v35  }
0x347: {  	v37 =	vor.u32 $0x1, v34  }
0x348: {  	v42 =	vor.u32 $0x3, v35;
	v39 =	vld.idx.msk [tilespmem:v35+s15+$0x0], $0xffff  }
0x349: {  	v40 =	vor.u32 $0x2, v34;
	v41 =	vld.idx.msk [tilespmem:v34+s17+$0x0], $0xffff  }
0x34a: {  	v44 =	vor.u32 $0x4, v35;
	v36 =	vld.idx.msk [tilespmem:v60+s15+$0x0], $0xffff  }
0x34b: {  	v43 =	vor.u32 $0x3, v34;
	v38 =	vld.idx.msk [tilespmem:v38+s15+$0x0], $0xffff  }
0x34c: {  	v46 =	vor.u32 $0x5, v35;
	v37 =	vld.idx.msk [tilespmem:v37+s17+$0x0], $0xffff  }
0x34d: {  	v45 =	vor.u32 $0x4, v34;
	v42 =	vld.idx.msk [tilespmem:v42+s15+$0x0], $0xffff  }
0x34e: {  	v47 =	vor.u32 $0x5, v34;
	v40 =	vld.idx.msk [tilespmem:v40+s17+$0x0], $0xffff  }
0x34f: {  	v62 =	vor.u32 $0x6, v35;
	v44 =	vld.idx.msk [tilespmem:v44+s15+$0x0], $0xffff;
	v39 =	vmul.f32 v41, v39  }
0x350: {  	v48 =	vor.u32 $0x6, v34;
	v61 =	vld.idx.msk [tilespmem:v43+s17+$0x0], $0xffff  }
0x351: {  	v52 =	vor.u32 $0x7, v35;
	v46 =	vld.idx.msk [tilespmem:v46+s15+$0x0], $0xffff;
	v36 =	vmul.f32 v37, v36;
	v39 =	vmul.f32 v39, v7  }
0x352: {  	v49 =	vor.u32 $0x7, v34;
	v50 =	vor.u32 $0x8, v34;
	v63 =	vld.idx.msk [tilespmem:v45+s17+$0x0], $0xffff  }
0x353: {  	v47 =	vld.idx.msk [tilespmem:v47+s17+$0x0], $0xffff;
	v38 =	vmul.f32 v40, v38;
	v36 =	vmul.f32 v36, v2;
	v39 =	vadd.f32 v39, v1  }
0x354: {  	v53 =	vor.u32 $0x8, v35;
	v55 =	vor.u32 $0x9, v35;
	v43 =	vld.idx.msk [tilespmem:v62+s15+$0x0], $0xffff  }
0x355: {  	v56 =	vld.idx.msk [tilespmem:v48+s17+$0x0], $0xffff;
	v54 =	vmul.f32 v61, v42;
	v38 =	vmul.f32 v38, v3;
	v36 =	vadd.f32 v36, v39  }
0x356: {  	v59 =	vor.u32 $0xA, v35;
	v57 =	vor.u32 $0x9, v34;
	v45 =	vld.idx.msk [tilespmem:v52+s15+$0x0], $0xffff  }
0x357: {  	v60 =	vld.idx.msk [tilespmem:v49+s17+$0x0], $0xffff;
	v37 =	vmul.f32 v63, v44;
	v58 =	vmul.f32 v54, v4;
	v36 =	vadd.f32 v38, v36  }
0x358: {  	v52 =	vld.idx.msk [tilespmem:v50+s17+$0x0], $0xffff;
	v61 =	vor.u32 $0xA, v34;
	v62 =	vmul.f32 v47, v46  }
0x359: {  	v40 =	vld.idx.msk [tilespmem:v53+s15+$0x0], $0xffff;
	v63 =	vor.u32 $0xB, v35;
	v37 =	vmul.f32 v37, v5;
	v36 =	vadd.f32 v58, v36  }
0x35a: {  	v41 =	vld.idx.msk [tilespmem:v55+s15+$0x0], $0xffff;
	v53 =	vor.u32 $0xB, v34;
	v55 =	vmul.f32 v56, v43  }
0x35b: {  	v57 =	vld.idx.msk [tilespmem:v57+s17+$0x0], $0xffff;
	v56 =	vor.u32 $0xC, v35;
	v54 =	vmul.f32 v62, v6;
	v36 =	vadd.f32 v37, v36  }
0x35c: {  	v39 =	vld.idx.msk [tilespmem:v59+s15+$0x0], $0xffff;
	v59 =	vmul.f32 v60, v45;
	v60 =	vor.u32 $0xD, v35  }
0x35d: {  	v48 =	vor.u32 $0xC, v34;
	v61 =	vld.idx.msk [tilespmem:v61+s17+$0x0], $0xffff;
	v58 =	vmul.f32 v55, v8;
	v36 =	vadd.f32 v54, v36  }
0x35e: {  	v46 =	vld.idx.msk [tilespmem:v63+s15+$0x0], $0xffff;
	v63 =	vmul.f32 v52, v40;
	v52 =	vor.u32 $0xE, v35  }
0x35f: {  	v49 =	vor.u32 $0xD, v34;
	v53 =	vld.idx.msk [tilespmem:v53+s17+$0x0], $0xffff;
	v62 =	vmul.f32 v59, v9;
	v36 =	vadd.f32 v58, v36  }
0x360: {  	v42 =	vld.idx.msk [tilespmem:v56+s15+$0x0], $0xffff;
	v56 =	vmul.f32 v57, v41  }
0x361: {  	v55 =	vmul.f32 v63, v10;
	v44 =	vld.idx.msk [tilespmem:v60+s15+$0x0], $0xffff;
	v54 =	vor.u32 $0xE, v34;
	v36 =	vadd.f32 v62, v36  }
0x362: {  	v57 =	vor.u32 $0xF, v35;
	v59 =	vmul.f32 v56, v11;
	v58 =	vld.idx.msk [tilespmem:v48+s17+$0x0], $0xffff  }
0x363: {  	v60 =	vmul.f32 v61, v39;
	v40 =	vld.idx.msk [tilespmem:v52+s15+$0x0], $0xffff;
	v48 =	vor.u32 $0xF, v34;
	v36 =	vadd.f32 v55, v36  }
0x364: {  	v61 =	vor.u32 $0x10, v35;
	v52 =	vmul.f32 v53, v46;
	v62 =	vld.idx.msk [tilespmem:v49+s17+$0x0], $0xffff  }
0x365: {  	v63 =	vmul.f32 v60, v12;
	v49 =	vor.u32 $0x10, v34;
	v36 =	vadd.f32 v59, v36  }
0x366: {  	v53 =	vor.u32 $0x11, v35;
	v56 =	vmul.f32 v52, v13;
	v54 =	vld.idx.msk [tilespmem:v54+s17+$0x0], $0xffff  }
0x367: {  	v41 =	vld.idx.msk [tilespmem:v57+s15+$0x0], $0xffff;
	v55 =	vor.u32 $0x11, v34;
	v57 =	vmul.f32 v58, v42;
	v36 =	vadd.f32 v63, v36  }
0x368: {  	v58 =	vor.u32 $0x12, v35;
	v59 =	vld.idx.msk [tilespmem:v48+s17+$0x0], $0xffff;
	v48 =	vor.u32 $0x12, v34  }
0x369: {  	v39 =	vld.idx.msk [tilespmem:v61+s15+$0x0], $0xffff;
	v60 =	vmul.f32 v57, v14;
	v61 =	vmul.f32 v62, v44;
	v36 =	vadd.f32 v56, v36  }
0x36a: {  	v62 =	vor.u32 $0x13, v35;
	v63 =	vld.idx.msk [tilespmem:v49+s17+$0x0], $0xffff;
	v49 =	vor.u32 $0x13, v34  }
0x36b: {  	v46 =	vld.idx.msk [tilespmem:v53+s15+$0x0], $0xffff;
	v53 =	vmul.f32 v54, v40;
	v52 =	vmul.f32 v61, v15;
	v36 =	vadd.f32 v60, v36  }
0x36c: {  	v54 =	vor.u32 $0x14, v35;
	v55 =	vld.idx.msk [tilespmem:v55+s17+$0x0], $0xffff;
	v56 =	vor.u32 $0x14, v34  }
0x36d: {  	v42 =	vld.idx.msk [tilespmem:v58+s15+$0x0], $0xffff;
	v57 =	vmul.f32 v53, v16;
	v58 =	vmul.f32 v59, v41;
	v36 =	vadd.f32 v52, v36  }
0x36e: {  	v59 =	vor.u32 $0x15, v35;
	v60 =	vld.idx.msk [tilespmem:v48+s17+$0x0], $0xffff;
	v48 =	vor.u32 $0x15, v34  }
0x36f: {  	v44 =	vld.idx.msk [tilespmem:v62+s15+$0x0], $0xffff;
	v61 =	vmul.f32 v58, v17;
	v62 =	vmul.f32 v63, v39;
	v36 =	vadd.f32 v57, v36  }
0x370: {  	v63 =	vor.u32 $0x16, v35;
	v52 =	vld.idx.msk [tilespmem:v49+s17+$0x0], $0xffff;
	v49 =	vor.u32 $0x16, v34  }
0x371: {  	v40 =	vld.idx.msk [tilespmem:v54+s15+$0x0], $0xffff;
	v54 =	vmul.f32 v55, v46;
	v53 =	vmul.f32 v62, v18;
	v36 =	vadd.f32 v61, v36  }
0x372: {  	v55 =	vor.u32 $0x17, v35;
	v56 =	vld.idx.msk [tilespmem:v56+s17+$0x0], $0xffff;
	v57 =	vor.u32 $0x17, v34  }
0x373: {  	v41 =	vld.idx.msk [tilespmem:v59+s15+$0x0], $0xffff;
	v58 =	vmul.f32 v54, v19;
	v59 =	vmul.f32 v60, v42;
	v36 =	vadd.f32 v53, v36  }
0x374: {  	v60 =	vor.u32 $0x18, v35;
	v61 =	vld.idx.msk [tilespmem:v48+s17+$0x0], $0xffff;
	v48 =	vor.u32 $0x18, v34  }
0x375: {  	v39 =	vld.idx.msk [tilespmem:v63+s15+$0x0], $0xffff;
	v62 =	vmul.f32 v59, v20;
	v63 =	vmul.f32 v52, v44;
	v36 =	vadd.f32 v58, v36  }
0x376: {  	v52 =	vor.u32 $0x19, v35;
	v53 =	vld.idx.msk [tilespmem:v49+s17+$0x0], $0xffff;
	v49 =	vor.u32 $0x19, v34  }
0x377: {  	v46 =	vld.idx.msk [tilespmem:v55+s15+$0x0], $0xffff;
	v55 =	vmul.f32 v56, v40;
	v54 =	vmul.f32 v63, v21;
	v36 =	vadd.f32 v62, v36  }
0x378: {  	v56 =	vor.u32 $0x1A, v35;
	v57 =	vld.idx.msk [tilespmem:v57+s17+$0x0], $0xffff;
	v58 =	vor.u32 $0x1A, v34  }
0x379: {  	v42 =	vld.idx.msk [tilespmem:v60+s15+$0x0], $0xffff;
	v59 =	vmul.f32 v55, v22;
	v60 =	vmul.f32 v61, v41;
	v36 =	vadd.f32 v54, v36  }
0x37a: {  	v61 =	vor.u32 $0x1B, v35;
	v62 =	vld.idx.msk [tilespmem:v48+s17+$0x0], $0xffff;
	v48 =	vor.u32 $0x1B, v34  }
0x37b: {  	v44 =	vld.idx.msk [tilespmem:v52+s15+$0x0], $0xffff;
	v63 =	vmul.f32 v60, v23;
	v52 =	vmul.f32 v53, v39;
	v36 =	vadd.f32 v59, v36  }
0x37c: {  	v53 =	vor.u32 $0x1C, v35;
	v54 =	vld.idx.msk [tilespmem:v49+s17+$0x0], $0xffff;
	v49 =	vor.u32 $0x1C, v34  }
0x37d: {  	v40 =	vld.idx.msk [tilespmem:v56+s15+$0x0], $0xffff;
	v56 =	vmul.f32 v57, v46;
	v55 =	vmul.f32 v52, v24;
	v36 =	vadd.f32 v63, v36  }
0x37e: {  	v57 =	vor.u32 $0x1D, v35;
	v58 =	vld.idx.msk [tilespmem:v58+s17+$0x0], $0xffff;
	v59 =	vor.u32 $0x1D, v34  }
0x37f: {  	v41 =	vld.idx.msk [tilespmem:v61+s15+$0x0], $0xffff;
	v60 =	vmul.f32 v56, v25;
	v61 =	vmul.f32 v62, v42;
	v36 =	vadd.f32 v55, v36  }
0x380: {  	v52 =	vor.u32 $0x1E, v34;
	v62 =	vor.u32 $0x1E, v35;
	v63 =	vld.idx.msk [tilespmem:v48+s17+$0x0], $0xffff  }
0x381: {  	v39 =	vld.idx.msk [tilespmem:v53+s15+$0x0], $0xffff;
	v53 =	vmul.f32 v61, v26;
	v54 =	vmul.f32 v54, v44;
	v36 =	vadd.f32 v60, v36  }
0x382: {  	v34 =	vor.u32 $0x1F, v34;
	v35 =	vor.u32 $0x1F, v35;
	v55 =	vld.idx.msk [tilespmem:v49+s17+$0x0], $0xffff  }
0x383: {  	v56 =	vld.idx.msk [tilespmem:v57+s15+$0x0], $0xffff;
	v58 =	vmul.f32 v58, v40;
	v57 =	vmul.f32 v54, v27;
	v36 =	vadd.f32 v53, v36  }
0x384: {  	v59 =	vld.idx.msk [tilespmem:v59+s17+$0x0], $0xffff  }
0x385: {  	v42 =	vld.idx.msk [tilespmem:v62+s15+$0x0], $0xffff;
	v60 =	vmul.f32 v58, v28;
	v61 =	vmul.f32 v63, v41;
	v36 =	vadd.f32 v57, v36  }
0x386: {  	v62 =	vld.idx.msk [tilespmem:v52+s17+$0x0], $0xffff  }
0x387: {  	v34 =	vld.idx.msk [tilespmem:v34+s17+$0x0], $0xffff;
	v63 =	vmul.f32 v61, v29;
	v43 =	vmul.f32 v55, v39;
	v36 =	vadd.f32 v60, v36  }
0x388: {  	v35 =	vld.idx.msk [tilespmem:v35+s15+$0x0], $0xffff  }
0x389: {  	v45 =	vmul.f32 v59, v56;
	v44 =	vmul.f32 v43, v30;
	v36 =	vadd.f32 v63, v36;
	_ =	sdelay $0x1  }
0x38a: {  	v47 =	vmul.f32 v62, v42;
	v46 =	vmul.f32 v45, v31;
	v36 =	vadd.f32 v44, v36;
	_ =	sdelay $0x1  }
0x38b: {  	v34 =	vmul.f32 v34, v35;
	v48 =	vmul.f32 v47, v32;
	v36 =	vadd.f32 v46, v36;
	_ =	sdelay $0x1  }
0x38c: {  	v34 =	vmul.f32 v34, v33;
	v49 =	vadd.f32 v48, v36;
	_ =	sdelay $0x1  }
0x38d: {  	v34 =	vadd.f32 v34, v49;
	_ =	sdelay $0x1  }
0x38e: {  	v34 =	vsub.f32 $0.0e+00, v34;
	_ =	sdelay $0x1  }
0x38f: {  	v34 =	vmul.f32 $1.442695020e+00, v34;
	_ =	sdelay $0x1  }
0x390: {  	(erf) = vpow2.f32 v34;
	_ =	sdelay $0x8  }
0x391: {  	v34 =	vpop (erf)  }
0x392: {  	v34 =	vadd.f32 $1.000000000e+00, v34;
	_ =	sdelay $0x1  }
0x393: {  	(erf) = vrcp.f32 v34;
	_ =	sdelay $0x8  }
0x394: {  	s0 =	sadd.s32 $0x10, s31;
	v34 =	vpop (erf)  }
0x395: {  	[tilespmem:s0+$0x0] =	vst v34  }
0x396: {  	_ =	swait.ge [sflag:s25], $0x4000  }
0x397: {  	[sflag:s25] =	ssyncset.done $0x0  }
0x398: {  	[sflag:s25] =	ssyncadd.s32 $0xFFFFC000  }
0x399: {  	_ =	swait.ge [sflag:s25], $0x4000  }
0x39a: {  	[sflag:s25] =	ssyncset.done $0x0  }
0x39b: {  	s4 =	simm.s32 $0x180;
	[sflag:s25] =	ssyncadd.s32 $0xFFFFC000  }
0x39c: {  	s3 =	simm.s32 $0x380;
	v50 =	vld [tilespmem:s4+$0x0]  }
0x39d: {  	v51 =	vld [tilespmem:s3+$0x0]  }
0x39e: {  	s11 =	simm.s32 $0x0  }
0x39f: {  	v52 =	vmov s11  }
0x3a0: {  	v36 =	vshll.u32 v52, $0x7  }
0x3a1: {  	v36 =	vor.u32 v0, v36;
	v34 =	vshrl.u32 v50, $0x2  }
0x3a2: {  	v53 =	vadd.s32 $0x4000, v36;
	v35 =	vshrl.u32 v51, $0x2;
	v34 =	vand.u32 $0x60, v34  }
0x3a3: {  	v35 =	vand.u32 $0x60, v35;
	v38 =	vor.u32 v53, v34  }
0x3a4: {  	v37 =	vor.u32 v53, v35  }
0x3a5: {  	v54 =	vor.u32 $0x1, v38  }
0x3a6: {  	v55 =	vor.u32 $0x1, v37  }
0x3a7: {  	v56 =	vor.u32 $0x2, v38  }
0x3a8: {  	v58 =	vor.u32 $0x2, v37;
	v57 =	vld.idx.msk [tilespmem:v38+s15+$0x0], $0xffff  }
0x3a9: {  	v60 =	vor.u32 $0x3, v38;
	v59 =	vld.idx.msk [tilespmem:v37+s17+$0x0], $0xffff  }
0x3aa: {  	v61 =	vor.u32 $0x3, v37;
	v39 =	vld.idx.msk [tilespmem:v54+s15+$0x0], $0xffff  }
0x3ab: {  	v62 =	vor.u32 $0x4, v38;
	v40 =	vld.idx.msk [tilespmem:v55+s17+$0x0], $0xffff  }
0x3ac: {  	v63 =	vor.u32 $0x4, v37;
	v41 =	vld.idx.msk [tilespmem:v56+s15+$0x0], $0xffff  }
0x3ad: {  	v51 =	vor.u32 $0x6, v37;
	v43 =	vld.idx.msk [tilespmem:v58+s17+$0x0], $0xffff  }
0x3ae: {  	v54 =	vor.u32 $0x5, v38;
	v45 =	vld.idx.msk [tilespmem:v60+s15+$0x0], $0xffff  }
0x3af: {  	v55 =	vor.u32 $0x5, v37;
	v56 =	vld.idx.msk [tilespmem:v61+s17+$0x0], $0xffff  }
0x3b0: {  	v47 =	vld.idx.msk [tilespmem:v62+s15+$0x0], $0xffff;
	v37 =	vor.u32 $0x7, v37;
	v42 =	vmul.f32 v59, v57  }
0x3b1: {  	v58 =	vadd.s32 $0x4008, v36;
	v48 =	vld.idx.msk [tilespmem:v63+s17+$0x0], $0xffff;
	v57 =	vor.u32 $0x6, v38  }
0x3b2: {  	v61 =	vld.idx.msk [tilespmem:v51+s17+$0x0], $0xffff;
	v38 =	vor.u32 $0x7, v38;
	v39 =	vmul.f32 v40, v39;
	v42 =	vmul.f32 v42, v7  }
0x3b3: {  	v49 =	vld.idx.msk [tilespmem:v54+s15+$0x0], $0xffff;
	v41 =	vmul.f32 v43, v41;
	v43 =	vor.u32 v34, v58  }
0x3b4: {  	v50 =	vld.idx.msk [tilespmem:v55+s17+$0x0], $0xffff;
	v40 =	vor.u32 v35, v58;
	v39 =	vmul.f32 v39, v2;
	v42 =	vadd.f32 v42, v1  }
0x3b5: {  	v59 =	vmul.f32 v56, v45;
	v37 =	vld.idx.msk [tilespmem:v37+s17+$0x0], $0xffff;
	v51 =	vor.u32 $0x1, v40  }
0x3b6: {  	v60 =	vor.u32 $0x1, v43;
	v41 =	vmul.f32 v41, v3;
	v46 =	vld.idx.msk [tilespmem:v57+s15+$0x0], $0xffff;
	v39 =	vadd.f32 v39, v42  }
0x3b7: {  	v63 =	vmul.f32 v48, v47;
	v47 =	vor.u32 $0x2, v43;
	v38 =	vld.idx.msk [tilespmem:v38+s15+$0x0], $0xffff  }
0x3b8: {  	v58 =	vor.u32 $0x3, v43;
	v62 =	vmul.f32 v59, v4;
	v52 =	vld.idx.msk [tilespmem:v43+s15+$0x0], $0xffff;
	v39 =	vadd.f32 v41, v39  }
0x3b9: {  	v48 =	vor.u32 $0x2, v40;
	v57 =	vmul.f32 v50, v49;
	v59 =	vld.idx.msk [tilespmem:v40+s17+$0x0], $0xffff  }
0x3ba: {  	v56 =	vmul.f32 v63, v5;
	v63 =	vld.idx.msk [tilespmem:v51+s17+$0x0], $0xffff;
	v51 =	vor.u32 $0x4, v40;
	v39 =	vadd.f32 v62, v39  }
0x3bb: {  	v44 =	vld.idx.msk [tilespmem:v60+s15+$0x0], $0xffff;
	v60 =	vmul.f32 v57, v6;
	v57 =	vor.u32 $0x5, v40  }
0x3bc: {  	v53 =	vor.u32 $0x3, v40;
	v47 =	vld.idx.msk [tilespmem:v47+s15+$0x0], $0xffff;
	v61 =	vmul.f32 v61, v46;
	v39 =	vadd.f32 v56, v39  }
0x3bd: {  	v49 =	vld.idx.msk [tilespmem:v58+s15+$0x0], $0xffff;
	v62 =	vor.u32 $0x4, v43;
	v37 =	vmul.f32 v37, v38  }
0x3be: {  	v38 =	vor.u32 $0x5, v43;
	v55 =	vmul.f32 v61, v8;
	v56 =	vld.idx.msk [tilespmem:v48+s17+$0x0], $0xffff;
	v39 =	vadd.f32 v60, v39  }
0x3bf: {  	v58 =	vmul.f32 v59, v52;
	v59 =	vor.u32 $0x6, v43;
	v54 =	vld.idx.msk [tilespmem:v51+s17+$0x0], $0xffff  }
0x3c0: {  	v43 =	vor.u32 $0x7, v43;
	v37 =	vmul.f32 v37, v9;
	v57 =	vld.idx.msk [tilespmem:v57+s17+$0x0], $0xffff;
	v39 =	vadd.f32 v55, v39  }
0x3c1: {  	v60 =	vld.idx.msk [tilespmem:v53+s17+$0x0], $0xffff;
	v53 =	vor.u32 $0x6, v40;
	v40 =	vor.u32 $0x7, v40  }
0x3c2: {  	v61 =	vmul.f32 v58, v10;
	v45 =	vld.idx.msk [tilespmem:v62+s15+$0x0], $0xffff;
	v62 =	vmul.f32 v63, v44;
	v37 =	vadd.f32 v37, v39  }
0x3c3: {  	v63 =	vadd.s32 $0x4010, v36;
	v38 =	vld.idx.msk [tilespmem:v38+s15+$0x0], $0xffff;
	v56 =	vmul.f32 v56, v47  }
0x3c4: {  	v42 =	vor.u32 v34, v63;
	v48 =	vld.idx.msk [tilespmem:v59+s15+$0x0], $0xffff;
	v55 =	vmul.f32 v62, v11;
	v37 =	vadd.f32 v61, v37  }
0x3c5: {  	v44 =	vor.u32 v35, v63;
	v43 =	vld.idx.msk [tilespmem:v43+s15+$0x0], $0xffff;
	v58 =	vmul.f32 v56, v12  }
0x3c6: {  	v59 =	vmul.f32 v60, v49;
	v60 =	vor.u32 $0x1, v42;
	v40 =	vld.idx.msk [tilespmem:v40+s17+$0x0], $0xffff;
	v37 =	vadd.f32 v55, v37  }
0x3c7: {  	v51 =	vor.u32 $0x1, v44;
	v46 =	vor.u32 $0x2, v44;
	v61 =	vld.idx.msk [tilespmem:v53+s17+$0x0], $0xffff  }
0x3c8: {  	v63 =	vmul.f32 v54, v45;
	v62 =	vmul.f32 v59, v13;
	v37 =	vadd.f32 v58, v37  }
0x3c9: {  	v45 =	vor.u32 $0x2, v42;
	v38 =	vmul.f32 v57, v38;
	v52 =	vld.idx.msk [tilespmem:v42+s15+$0x0], $0xffff  }
0x3ca: {  	v57 =	vor.u32 $0x3, v42;
	v56 =	vmul.f32 v63, v14;
	v58 =	vld.idx.msk [tilespmem:v44+s17+$0x0], $0xffff;
	v37 =	vadd.f32 v62, v37  }
0x3cb: {  	v59 =	vor.u32 $0x3, v44;
	v38 =	vmul.f32 v38, v15;
	v63 =	vor.u32 $0x4, v44;
	v49 =	vld.idx.msk [tilespmem:v60+s15+$0x0], $0xffff  }
0x3cc: {  	v55 =	vmul.f32 v40, v43;
	v43 =	vld.idx.msk [tilespmem:v46+s17+$0x0], $0xffff;
	v60 =	vmul.f32 v61, v48;
	v37 =	vadd.f32 v56, v37  }
0x3cd: {  	v61 =	vor.u32 $0x4, v42;
	v62 =	vld.idx.msk [tilespmem:v51+s17+$0x0], $0xffff  }
0x3ce: {  	v40 =	vor.u32 $0x5, v42;
	v45 =	vld.idx.msk [tilespmem:v45+s15+$0x0], $0xffff;
	v54 =	vmul.f32 v60, v16;
	v37 =	vadd.f32 v38, v37  }
0x3cf: {  	v36 =	vadd.s32 $0x4018, v36;
	v46 =	vor.u32 $0x5, v44;
	v41 =	vld.idx.msk [tilespmem:v57+s15+$0x0], $0xffff;
	v60 =	vor.u32 $0x6, v44  }
0x3d0: {  	v59 =	vld.idx.msk [tilespmem:v59+s17+$0x0], $0xffff;
	v56 =	vmul.f32 v55, v17;
	v57 =	vmul.f32 v58, v52;
	v37 =	vadd.f32 v54, v37  }
0x3d1: {  	v35 =	vor.u32 v35, v36;
	v63 =	vld.idx.msk [tilespmem:v63+s17+$0x0], $0xffff;
	v44 =	vor.u32 $0x7, v44;
	v58 =	vor.u32 $0x6, v42  }
0x3d2: {  	v48 =	vld.idx.msk [tilespmem:v61+s15+$0x0], $0xffff;
	v61 =	vmul.f32 v57, v18;
	v62 =	vmul.f32 v62, v49;
	v37 =	vadd.f32 v56, v37  }
0x3d3: {  	v53 =	vor.u32 $0x2, v35;
	v42 =	vor.u32 $0x7, v42;
	v40 =	vld.idx.msk [tilespmem:v40+s15+$0x0], $0xffff  }
0x3d4: {  	v55 =	vmul.f32 v43, v45;
	v60 =	vld.idx.msk [tilespmem:v60+s17+$0x0], $0xffff;
	v54 =	vmul.f32 v62, v19;
	v37 =	vadd.f32 v61, v37  }
0x3d5: {  	v34 =	vor.u32 v34, v36;
	v56 =	vld.idx.msk [tilespmem:v46+s17+$0x0], $0xffff  }
0x3d6: {  	v57 =	vmul.f32 v55, v20;
	v36 =	vld.idx.msk [tilespmem:v58+s15+$0x0], $0xffff;
	v58 =	vmul.f32 v59, v41;
	v37 =	vadd.f32 v54, v37  }
0x3d7: {  	v44 =	vld.idx.msk [tilespmem:v44+s17+$0x0], $0xffff;
	v59 =	vor.u32 $0x1, v34;
	v63 =	vmul.f32 v63, v48  }
0x3d8: {  	v42 =	vld.idx.msk [tilespmem:v42+s15+$0x0], $0xffff;
	v61 =	vor.u32 $0x1, v35;
	v62 =	vmul.f32 v58, v21;
	v37 =	vadd.f32 v57, v37  }
0x3d9: {  	v53 =	vld.idx.msk [tilespmem:v53+s17+$0x0], $0xffff;
	v52 =	vor.u32 $0x2, v34  }
0x3da: {  	v49 =	vld.idx.msk [tilespmem:v34+s15+$0x0], $0xffff;
	v54 =	vmul.f32 v63, v22;
	v55 =	vmul.f32 v56, v40;
	v37 =	vadd.f32 v62, v37  }
0x3db: {  	v58 =	vor.u32 $0x3, v35;
	v56 =	vor.u32 $0x3, v34;
	v57 =	vld.idx.msk [tilespmem:v35+s17+$0x0], $0xffff  }
0x3dc: {  	v41 =	vld.idx.msk [tilespmem:v59+s15+$0x0], $0xffff;
	v36 =	vmul.f32 v60, v36;
	v59 =	vmul.f32 v55, v23;
	v37 =	vadd.f32 v54, v37  }
0x3dd: {  	v60 =	vor.u32 $0x4, v34;
	v63 =	vmul.f32 v44, v42;
	v61 =	vld.idx.msk [tilespmem:v61+s17+$0x0], $0xffff  }
0x3de: {  	v47 =	vld.idx.msk [tilespmem:v52+s15+$0x0], $0xffff;
	v36 =	vmul.f32 v36, v24;
	v62 =	vor.u32 $0x4, v35;
	v37 =	vadd.f32 v59, v37  }
0x3df: {  	v52 =	vor.u32 $0x5, v34;
	v55 =	vmul.f32 v63, v25  }
0x3e0: {  	v54 =	vor.u32 $0x5, v35;
	v40 =	vld.idx.msk [tilespmem:v56+s15+$0x0], $0xffff;
	v56 =	vmul.f32 v57, v49;
	v36 =	vadd.f32 v36, v37  }
0x3e1: {  	v58 =	vld.idx.msk [tilespmem:v58+s17+$0x0], $0xffff;
	v57 =	vor.u32 $0x6, v34;
	v59 =	vor.u32 $0x6, v35  }
0x3e2: {  	v39 =	vld.idx.msk [tilespmem:v60+s15+$0x0], $0xffff;
	v61 =	vmul.f32 v61, v41;
	v60 =	vmul.f32 v56, v26;
	v36 =	vadd.f32 v55, v36  }
0x3e3: {  	v51 =	vmul.f32 v53, v47;
	v34 =	vor.u32 $0x7, v34;
	v62 =	vld.idx.msk [tilespmem:v62+s17+$0x0], $0xffff  }
0x3e4: {  	v42 =	vld.idx.msk [tilespmem:v52+s15+$0x0], $0xffff;
	v35 =	vor.u32 $0x7, v35;
	v63 =	vmul.f32 v61, v27;
	v36 =	vadd.f32 v60, v36  }
0x3e5: {  	v52 =	vld.idx.msk [tilespmem:v54+s17+$0x0], $0xffff  }
0x3e6: {  	v53 =	vmul.f32 v51, v28;
	v54 =	vmul.f32 v58, v40;
	v43 =	vld.idx.msk [tilespmem:v57+s15+$0x0], $0xffff;
	v36 =	vadd.f32 v63, v36  }
0x3e7: {  	v55 =	vld.idx.msk [tilespmem:v59+s17+$0x0], $0xffff  }
0x3e8: {  	v34 =	vld.idx.msk [tilespmem:v34+s15+$0x0], $0xffff;
	v56 =	vmul.f32 v54, v29;
	v57 =	vmul.f32 v62, v39;
	v36 =	vadd.f32 v53, v36  }
0x3e9: {  	v35 =	vld.idx.msk [tilespmem:v35+s17+$0x0], $0xffff  }
0x3ea: {  	v58 =	vmul.f32 v57, v30;
	v59 =	vmul.f32 v52, v42;
	v36 =	vadd.f32 v56, v36;
	_ =	sdelay $0x1  }
0x3eb: {  	v60 =	vmul.f32 v59, v31;
	v61 =	vmul.f32 v55, v43;
	v36 =	vadd.f32 v58, v36;
	_ =	sdelay $0x1  }
0x3ec: {  	v34 =	vmul.f32 v35, v34;
	v62 =	vmul.f32 v61, v32;
	v36 =	vadd.f32 v60, v36;
	_ =	sdelay $0x1  }
0x3ed: {  	v34 =	vmul.f32 v34, v33;
	v63 =	vadd.f32 v62, v36;
	_ =	sdelay $0x1  }
0x3ee: {  	v34 =	vadd.f32 v34, v63;
	_ =	sdelay $0x1  }
0x3ef: {  	v34 =	vsub.f32 $0.0e+00, v34;
	_ =	sdelay $0x1  }
0x3f0: {  	v34 =	vmul.f32 $1.442695020e+00, v34;
	_ =	sdelay $0x1  }
0x3f1: {  	(erf) = vpow2.f32 v34;
	_ =	sdelay $0x8  }
0x3f2: {  	v34 =	vpop (erf)  }
0x3f3: {  	v34 =	vadd.f32 $1.000000000e+00, v34;
	_ =	sdelay $0x1  }
0x3f4: {  	(erf) = vrcp.f32 v34;
	_ =	sdelay $0x8  }
0x3f5: {  	s31 =	simm.s32 $0x10980;
	v34 =	vpop (erf)  }
0x3f6: {  	s0 =	simm.s32 $0x190;
	[tilespmem:s31+$0x0] =	vst v34  }
0x3f7: {  	s4 =	simm.s32 $0x390;
	v34 =	vld [tilespmem:s0+$0x0]  }
0x3f8: {  	s11 =	simm.s32 $0x20;
	s3 =	simm.s32 $0x10;
	v37 =	vld [tilespmem:s4+$0x0]  }
.LBB2_10:
0x3f9: {  	p0 =	sne.s32 s11, $0x70  }
0x3fa: {  	v35 =	vmov s3;
	s3 =	smov.u32 s11  }
0x3fb: {  	v35 =	vshll.u32 v35, $0x7  }
0x3fc: {  	v36 =	vor.u32 v0, v35;
	v34 =	vshrl.u32 v34, $0x2  }
0x3fd: {  	v35 =	vand.u32 $0x60, v34;
	v34 =	vshrl.u32 v37, $0x2;
	v37 =	vadd.s32 $0x4000, v36  }
0x3fe: {  	v34 =	vand.u32 $0x60, v34;
	v38 =	vor.u32 v37, v35  }
0x3ff: {  	v37 =	vor.u32 v37, v34  }
0x400: {  	v39 =	vor.u32 $0x1, v38  }
0x401: {  	v40 =	vor.u32 $0x1, v37  }
0x402: {  	v41 =	vor.u32 $0x2, v38  }
0x403: {  	v43 =	vor.u32 $0x2, v37;
	v42 =	vld.idx.msk [tilespmem:v38+s15+$0x0], $0xffff  }
0x404: {  	v45 =	vor.u32 $0x3, v38;
	v44 =	vld.idx.msk [tilespmem:v37+s17+$0x0], $0xffff  }
0x405: {  	v46 =	vor.u32 $0x3, v37;
	v39 =	vld.idx.msk [tilespmem:v39+s15+$0x0], $0xffff  }
0x406: {  	v47 =	vor.u32 $0x4, v38;
	v40 =	vld.idx.msk [tilespmem:v40+s17+$0x0], $0xffff  }
0x407: {  	v48 =	vor.u32 $0x4, v37;
	v41 =	vld.idx.msk [tilespmem:v41+s15+$0x0], $0xffff  }
0x408: {  	v49 =	vor.u32 $0x5, v38;
	v43 =	vld.idx.msk [tilespmem:v43+s17+$0x0], $0xffff  }
0x409: {  	v50 =	vor.u32 $0x5, v37;
	v45 =	vld.idx.msk [tilespmem:v45+s15+$0x0], $0xffff  }
0x40a: {  	v42 =	vmul.f32 v44, v42;
	v44 =	vld.idx.msk [tilespmem:v46+s17+$0x0], $0xffff;
	v46 =	vor.u32 $0x6, v38  }
0x40b: {  	v52 =	vadd.s32 $0x4008, v36;
	v51 =	vor.u32 $0x6, v37;
	v47 =	vld.idx.msk [tilespmem:v47+s15+$0x0], $0xffff  }
0x40c: {  	v38 =	vor.u32 $0x7, v38;
	v42 =	vmul.f32 v42, v7;
	v39 =	vmul.f32 v40, v39;
	v40 =	vld.idx.msk [tilespmem:v48+s17+$0x0], $0xffff  }
0x40d: {  	v37 =	vor.u32 $0x7, v37;
	v48 =	vld.idx.msk [tilespmem:v49+s15+$0x0], $0xffff;
	v49 =	vor.u32 v35, v52  }
0x40e: {  	v42 =	vadd.f32 v42, v1;
	v39 =	vmul.f32 v39, v2;
	v41 =	vmul.f32 v43, v41;
	v43 =	vld.idx.msk [tilespmem:v50+s17+$0x0], $0xffff  }
0x40f: {  	v50 =	vor.u32 v34, v52;
	v52 =	vor.u32 $0x1, v49;
	v46 =	vld.idx.msk [tilespmem:v46+s15+$0x0], $0xffff  }
0x410: {  	v39 =	vadd.f32 v39, v42;
	v41 =	vmul.f32 v41, v3;
	v42 =	vmul.f32 v44, v45;
	v44 =	vld.idx.msk [tilespmem:v51+s17+$0x0], $0xffff  }
0x411: {  	v45 =	vor.u32 $0x1, v50;
	v51 =	vor.u32 $0x2, v49;
	v38 =	vld.idx.msk [tilespmem:v38+s15+$0x0], $0xffff  }
0x412: {  	v39 =	vadd.f32 v41, v39;
	v41 =	vmul.f32 v42, v4;
	v40 =	vmul.f32 v40, v47;
	v37 =	vld.idx.msk [tilespmem:v37+s17+$0x0], $0xffff  }
0x413: {  	v53 =	vor.u32 $0x3, v49;
	v47 =	vor.u32 $0x2, v50;
	v42 =	vld.idx.msk [tilespmem:v49+s15+$0x0], $0xffff  }
0x414: {  	v39 =	vadd.f32 v41, v39;
	v40 =	vmul.f32 v40, v5;
	v41 =	vmul.f32 v43, v48;
	v43 =	vld.idx.msk [tilespmem:v50+s17+$0x0], $0xffff  }
0x415: {  	v54 =	vor.u32 $0x4, v49;
	v48 =	vld.idx.msk [tilespmem:v52+s15+$0x0], $0xffff;
	v52 =	vor.u32 $0x3, v50  }
0x416: {  	v39 =	vadd.f32 v40, v39;
	v40 =	vmul.f32 v41, v6;
	v41 =	vmul.f32 v44, v46;
	v44 =	vld.idx.msk [tilespmem:v45+s17+$0x0], $0xffff  }
0x417: {  	v46 =	vor.u32 $0x4, v50;
	v45 =	vld.idx.msk [tilespmem:v51+s15+$0x0], $0xffff;
	v51 =	vor.u32 $0x5, v49  }
0x418: {  	v39 =	vadd.f32 v40, v39;
	v40 =	vmul.f32 v41, v8;
	v37 =	vmul.f32 v37, v38;
	v38 =	vld.idx.msk [tilespmem:v47+s17+$0x0], $0xffff  }
0x419: {  	v47 =	vor.u32 $0x5, v50;
	v41 =	vld.idx.msk [tilespmem:v53+s15+$0x0], $0xffff;
	v53 =	vor.u32 $0x6, v49  }
0x41a: {  	v39 =	vadd.f32 v40, v39;
	v37 =	vmul.f32 v37, v9;
	v40 =	vmul.f32 v43, v42;
	v42 =	vld.idx.msk [tilespmem:v52+s17+$0x0], $0xffff  }
0x41b: {  	v49 =	vor.u32 $0x7, v49;
	v52 =	vor.u32 $0x6, v50;
	v43 =	vld.idx.msk [tilespmem:v54+s15+$0x0], $0xffff;
	v54 =	vadd.s32 $0x4010, v36  }
0x41c: {  	v37 =	vadd.f32 v37, v39;
	v39 =	vmul.f32 v40, v10;
	v40 =	vmul.f32 v44, v48;
	v44 =	vld.idx.msk [tilespmem:v46+s17+$0x0], $0xffff  }
0x41d: {  	v48 =	vor.u32 $0x7, v50;
	v50 =	vor.u32 v35, v54;
	v46 =	vld.idx.msk [tilespmem:v51+s15+$0x0], $0xffff  }
0x41e: {  	v37 =	vadd.f32 v39, v37;
	v39 =	vmul.f32 v40, v11;
	v38 =	vmul.f32 v38, v45;
	v40 =	vld.idx.msk [tilespmem:v47+s17+$0x0], $0xffff  }
0x41f: {  	v51 =	vor.u32 $0x1, v50;
	v47 =	vor.u32 v34, v54;
	v45 =	vld.idx.msk [tilespmem:v53+s15+$0x0], $0xffff  }
0x420: {  	v37 =	vadd.f32 v39, v37;
	v38 =	vmul.f32 v38, v12;
	v39 =	vmul.f32 v42, v41;
	v41 =	vld.idx.msk [tilespmem:v52+s17+$0x0], $0xffff  }
0x421: {  	v52 =	vor.u32 $0x2, v50;
	v42 =	vld.idx.msk [tilespmem:v49+s15+$0x0], $0xffff;
	v49 =	vor.u32 $0x1, v47  }
0x422: {  	v37 =	vadd.f32 v38, v37;
	v38 =	vmul.f32 v39, v13;
	v39 =	vmul.f32 v44, v43;
	v43 =	vld.idx.msk [tilespmem:v48+s17+$0x0], $0xffff  }
0x423: {  	v53 =	vor.u32 $0x3, v50;
	v48 =	vor.u32 $0x2, v47;
	v44 =	vld.idx.msk [tilespmem:v50+s15+$0x0], $0xffff  }
0x424: {  	v37 =	vadd.f32 v38, v37;
	v38 =	vmul.f32 v39, v14;
	v39 =	vmul.f32 v40, v46;
	v40 =	vld.idx.msk [tilespmem:v47+s17+$0x0], $0xffff  }
0x425: {  	v54 =	vor.u32 $0x4, v50;
	v46 =	vld.idx.msk [tilespmem:v51+s15+$0x0], $0xffff;
	v51 =	vor.u32 $0x3, v47  }
0x426: {  	v37 =	vadd.f32 v38, v37;
	v38 =	vmul.f32 v39, v15;
	v39 =	vmul.f32 v41, v45;
	v41 =	vld.idx.msk [tilespmem:v49+s17+$0x0], $0xffff  }
0x427: {  	v49 =	vor.u32 $0x4, v47;
	v45 =	vld.idx.msk [tilespmem:v52+s15+$0x0], $0xffff;
	v52 =	vor.u32 $0x5, v50  }
0x428: {  	v37 =	vadd.f32 v38, v37;
	v38 =	vmul.f32 v39, v16;
	v39 =	vmul.f32 v43, v42;
	v42 =	vld.idx.msk [tilespmem:v48+s17+$0x0], $0xffff  }
0x429: {  	v48 =	vor.u32 $0x5, v47;
	v43 =	vld.idx.msk [tilespmem:v53+s15+$0x0], $0xffff;
	v53 =	vor.u32 $0x6, v50  }
0x42a: {  	v37 =	vadd.f32 v38, v37;
	v38 =	vmul.f32 v39, v17;
	v39 =	vmul.f32 v40, v44;
	v40 =	vld.idx.msk [tilespmem:v51+s17+$0x0], $0xffff  }
0x42b: {  	v36 =	vadd.s32 $0x4018, v36;
	v50 =	vor.u32 $0x7, v50;
	v51 =	vor.u32 $0x6, v47;
	v44 =	vld.idx.msk [tilespmem:v54+s15+$0x0], $0xffff  }
0x42c: {  	v37 =	vadd.f32 v38, v37;
	v38 =	vmul.f32 v39, v18;
	v39 =	vmul.f32 v41, v46;
	v41 =	vld.idx.msk [tilespmem:v49+s17+$0x0], $0xffff  }
0x42d: {  	v35 =	vor.u32 v35, v36;
	v47 =	vor.u32 $0x7, v47;
	v46 =	vld.idx.msk [tilespmem:v52+s15+$0x0], $0xffff  }
0x42e: {  	v37 =	vadd.f32 v38, v37;
	v38 =	vmul.f32 v39, v19;
	v39 =	vmul.f32 v42, v45;
	v42 =	vld.idx.msk [tilespmem:v48+s17+$0x0], $0xffff  }
0x42f: {  	v34 =	vor.u32 v34, v36;
	v36 =	vor.u32 $0x1, v35;
	v45 =	vld.idx.msk [tilespmem:v53+s15+$0x0], $0xffff  }
0x430: {  	v37 =	vadd.f32 v38, v37;
	v38 =	vmul.f32 v39, v20;
	v39 =	vmul.f32 v40, v43;
	v40 =	vld.idx.msk [tilespmem:v51+s17+$0x0], $0xffff  }
0x431: {  	v49 =	vor.u32 $0x2, v35;
	v48 =	vor.u32 $0x1, v34;
	v43 =	vld.idx.msk [tilespmem:v50+s15+$0x0], $0xffff  }
0x432: {  	v37 =	vadd.f32 v38, v37;
	v38 =	vmul.f32 v39, v21;
	v39 =	vmul.f32 v41, v44;
	v41 =	vld.idx.msk [tilespmem:v47+s17+$0x0], $0xffff  }
0x433: {  	v50 =	vor.u32 $0x3, v35;
	v47 =	vor.u32 $0x2, v34;
	v44 =	vld.idx.msk [tilespmem:v35+s15+$0x0], $0xffff  }
0x434: {  	v37 =	vadd.f32 v38, v37;
	v38 =	vmul.f32 v39, v22;
	v39 =	vmul.f32 v42, v46;
	v42 =	vld.idx.msk [tilespmem:v34+s17+$0x0], $0xffff  }
0x435: {  	v51 =	vor.u32 $0x4, v35;
	v46 =	vor.u32 $0x3, v34;
	v36 =	vld.idx.msk [tilespmem:v36+s15+$0x0], $0xffff  }
0x436: {  	v37 =	vadd.f32 v38, v37;
	v38 =	vmul.f32 v39, v23;
	v39 =	vmul.f32 v40, v45;
	v40 =	vld.idx.msk [tilespmem:v48+s17+$0x0], $0xffff  }
0x437: {  	v48 =	vor.u32 $0x4, v34;
	v45 =	vld.idx.msk [tilespmem:v49+s15+$0x0], $0xffff;
	v49 =	vor.u32 $0x5, v35  }
0x438: {  	v37 =	vadd.f32 v38, v37;
	v38 =	vmul.f32 v39, v24;
	v39 =	vmul.f32 v41, v43;
	v41 =	vld.idx.msk [tilespmem:v47+s17+$0x0], $0xffff  }
0x439: {  	v47 =	vor.u32 $0x5, v34;
	v43 =	vld.idx.msk [tilespmem:v50+s15+$0x0], $0xffff;
	v50 =	vor.u32 $0x6, v35  }
0x43a: {  	v37 =	vadd.f32 v38, v37;
	v38 =	vmul.f32 v39, v25;
	v39 =	vmul.f32 v42, v44;
	v42 =	vld.idx.msk [tilespmem:v46+s17+$0x0], $0xffff  }
0x43b: {  	v35 =	vor.u32 $0x7, v35;
	v46 =	vor.u32 $0x6, v34;
	v44 =	vld.idx.msk [tilespmem:v51+s15+$0x0], $0xffff  }
0x43c: {  	v37 =	vadd.f32 v38, v37;
	v38 =	vmul.f32 v39, v26;
	v36 =	vmul.f32 v40, v36;
	v39 =	vld.idx.msk [tilespmem:v48+s17+$0x0], $0xffff  }
0x43d: {  	v34 =	vor.u32 $0x7, v34;
	v40 =	vld.idx.msk [tilespmem:v49+s15+$0x0], $0xffff  }
0x43e: {  	v37 =	vadd.f32 v38, v37;
	v36 =	vmul.f32 v36, v27;
	v38 =	vmul.f32 v41, v45;
	v41 =	vld.idx.msk [tilespmem:v47+s17+$0x0], $0xffff  }
0x43f: {  	v45 =	vld.idx.msk [tilespmem:v50+s15+$0x0], $0xffff  }
0x440: {  	v36 =	vadd.f32 v36, v37;
	v37 =	vmul.f32 v38, v28;
	v38 =	vmul.f32 v42, v43;
	v42 =	vld.idx.msk [tilespmem:v46+s17+$0x0], $0xffff  }
0x441: {  	v35 =	vld.idx.msk [tilespmem:v35+s15+$0x0], $0xffff  }
0x442: {  	v36 =	vadd.f32 v37, v36;
	v37 =	vmul.f32 v38, v29;
	v38 =	vmul.f32 v39, v44;
	v34 =	vld.idx.msk [tilespmem:v34+s17+$0x0], $0xffff;
	_ =	sdelay $0x1  }
0x443: {  	v36 =	vadd.f32 v37, v36;
	v37 =	vmul.f32 v38, v30;
	v38 =	vmul.f32 v41, v40;
	_ =	sdelay $0x1  }
0x444: {  	v36 =	vadd.f32 v37, v36;
	v37 =	vmul.f32 v38, v31;
	v38 =	vmul.f32 v42, v45;
	_ =	sdelay $0x1  }
0x445: {  	v36 =	vadd.f32 v37, v36;
	v37 =	vmul.f32 v38, v32;
	v34 =	vmul.f32 v34, v35;
	_ =	sdelay $0x1  }
0x446: {  	v35 =	vadd.f32 v37, v36;
	v34 =	vmul.f32 v34, v33;
	_ =	sdelay $0x1  }
0x447: {  	v34 =	vadd.f32 v34, v35;
	_ =	sdelay $0x1  }
0x448: {  	v34 =	vsub.f32 $0.0e+00, v34;
	_ =	sdelay $0x1  }
0x449: {  	v34 =	vmul.f32 $1.442695020e+00, v34;
	_ =	sdelay $0x1  }
0x44a: {  	(erf) = vpow2.f32 v34;
	_ =	sdelay $0x8  }
0x44b: {  	v34 =	vpop (erf)  }
0x44c: {  	v34 =	vadd.f32 $1.000000000e+00, v34;
	_ =	sdelay $0x1  }
0x44d: {  	(erf) = vrcp.f32 v34;
	_ =	sdelay $0x7  }
.Ltmp4:
0x44e: {  	(pc) =	sbr.rel @p0 .LBB2_10-.Ltmp4, $4  }
0x44f: {  	s31 =	sadd.s32 $0x10, s31;
	v34 =	vpop (erf)  }
0x450: {  	s0 =	sadd.s32 $0x10, s0;
	[tilespmem:s31+$0x0] =	vst v34  }
0x451: {  	s4 =	sadd.s32 $0x10, s4;
	v34 =	vld [tilespmem:s0+$0x0]  }
0x452: {  	s11 =	sadd.s32 $0x10, s11;
	v37 =	vld [tilespmem:s4+$0x0]  }
0x453: {  	_ = 	snop  }
0x454: {  	v35 =	vmov s3  }
0x455: {  	v35 =	vshll.u32 v35, $0x7  }
0x456: {  	v36 =	vor.u32 v0, v35;
	v34 =	vshrl.u32 v34, $0x2  }
0x457: {  	v61 =	vadd.s32 $0x4000, v36;
	v34 =	vand.u32 $0x60, v34;
	v60 =	vshrl.u32 v37, $0x2  }
0x458: {  	v35 =	vand.u32 $0x60, v60;
	v38 =	vor.u32 v61, v34  }
0x459: {  	v37 =	vor.u32 v61, v35  }
0x45a: {  	v39 =	vor.u32 $0x1, v38  }
0x45b: {  	v40 =	vor.u32 $0x1, v37  }
0x45c: {  	v41 =	vor.u32 $0x2, v38  }
0x45d: {  	v43 =	vor.u32 $0x2, v37;
	v42 =	vld.idx.msk [tilespmem:v38+s15+$0x0], $0xffff  }
0x45e: {  	v45 =	vor.u32 $0x3, v38;
	v44 =	vld.idx.msk [tilespmem:v37+s17+$0x0], $0xffff  }
0x45f: {  	v46 =	vor.u32 $0x3, v37;
	v39 =	vld.idx.msk [tilespmem:v39+s15+$0x0], $0xffff  }
0x460: {  	v47 =	vor.u32 $0x4, v38;
	v40 =	vld.idx.msk [tilespmem:v40+s17+$0x0], $0xffff  }
0x461: {  	v48 =	vor.u32 $0x4, v37;
	v41 =	vld.idx.msk [tilespmem:v41+s15+$0x0], $0xffff  }
0x462: {  	v49 =	vor.u32 $0x5, v38;
	v43 =	vld.idx.msk [tilespmem:v43+s17+$0x0], $0xffff  }
0x463: {  	v50 =	vor.u32 $0x5, v37;
	v45 =	vld.idx.msk [tilespmem:v45+s15+$0x0], $0xffff;
	v42 =	vmul.f32 v44, v42  }
0x464: {  	v63 =	vor.u32 $0x6, v38;
	v62 =	vld.idx.msk [tilespmem:v46+s17+$0x0], $0xffff  }
0x465: {  	v51 =	vor.u32 $0x6, v37;
	v47 =	vld.idx.msk [tilespmem:v47+s15+$0x0], $0xffff;
	v39 =	vmul.f32 v40, v39;
	v7 =	vmul.f32 v42, v7  }
0x466: {  	v53 =	vadd.s32 $0x4008, v36;
	v38 =	vor.u32 $0x7, v38;
	v37 =	vor.u32 $0x7, v37;
	v54 =	vld.idx.msk [tilespmem:v48+s17+$0x0], $0xffff  }
0x467: {  	v55 =	vld.idx.msk [tilespmem:v49+s15+$0x0], $0xffff;
	v56 =	vmul.f32 v43, v41;
	v2 =	vmul.f32 v39, v2;
	v1 =	vadd.f32 v7, v1  }
0x468: {  	v57 =	vld.idx.msk [tilespmem:v50+s17+$0x0], $0xffff;
	v40 =	vor.u32 v35, v53;
	v39 =	vor.u32 v34, v53  }
0x469: {  	v58 =	vld.idx.msk [tilespmem:v63+s15+$0x0], $0xffff;
	v1 =	vadd.f32 v2, v1;
	v2 =	vmul.f32 v56, v3;
	v3 =	vmul.f32 v62, v45  }
0x46a: {  	v60 =	vld.idx.msk [tilespmem:v51+s17+$0x0], $0xffff;
	v61 =	vor.u32 $0x1, v40;
	v59 =	vor.u32 $0x1, v39  }
0x46b: {  	v38 =	vld.idx.msk [tilespmem:v38+s15+$0x0], $0xffff;
	v1 =	vadd.f32 v2, v1;
	v2 =	vmul.f32 v3, v4;
	v3 =	vmul.f32 v54, v47  }
0x46c: {  	v37 =	vld.idx.msk [tilespmem:v37+s17+$0x0], $0xffff;
	v63 =	vor.u32 $0x2, v40;
	v62 =	vor.u32 $0x2, v39  }
0x46d: {  	v51 =	vld.idx.msk [tilespmem:v40+s17+$0x0], $0xffff;
	v1 =	vadd.f32 v2, v1;
	v2 =	vmul.f32 v3, v5;
	v3 =	vmul.f32 v57, v55  }
0x46e: {  	v52 =	vor.u32 $0x3, v40;
	v50 =	vor.u32 $0x3, v39;
	v49 =	vld.idx.msk [tilespmem:v39+s15+$0x0], $0xffff  }
0x46f: {  	v54 =	vld.idx.msk [tilespmem:v61+s17+$0x0], $0xffff;
	v1 =	vadd.f32 v2, v1;
	v2 =	vmul.f32 v3, v6;
	v3 =	vmul.f32 v60, v58  }
0x470: {  	v53 =	vor.u32 $0x4, v39;
	v7 =	vld.idx.msk [tilespmem:v59+s15+$0x0], $0xffff;
	v55 =	vor.u32 $0x4, v40  }
0x471: {  	v57 =	vld.idx.msk [tilespmem:v63+s17+$0x0], $0xffff;
	v1 =	vadd.f32 v2, v1;
	v2 =	vmul.f32 v3, v8;
	v3 =	vmul.f32 v37, v38  }
0x472: {  	v56 =	vor.u32 $0x5, v39;
	v4 =	vld.idx.msk [tilespmem:v62+s15+$0x0], $0xffff;
	v58 =	vor.u32 $0x5, v40  }
0x473: {  	v5 =	vld.idx.msk [tilespmem:v50+s15+$0x0], $0xffff;
	v1 =	vadd.f32 v2, v1;
	v2 =	vmul.f32 v3, v9;
	v3 =	vmul.f32 v51, v49  }
0x474: {  	v61 =	vor.u32 $0x6, v40;
	v59 =	vor.u32 $0x6, v39;
	v60 =	vld.idx.msk [tilespmem:v52+s17+$0x0], $0xffff  }
0x475: {  	v6 =	vld.idx.msk [tilespmem:v53+s15+$0x0], $0xffff;
	v1 =	vadd.f32 v2, v1;
	v2 =	vmul.f32 v3, v10;
	v3 =	vmul.f32 v54, v7  }
0x476: {  	v63 =	vadd.s32 $0x4010, v36;
	v62 =	vor.u32 $0x7, v39;
	v40 =	vor.u32 $0x7, v40;
	v44 =	vld.idx.msk [tilespmem:v55+s17+$0x0], $0xffff  }
0x477: {  	v8 =	vld.idx.msk [tilespmem:v56+s15+$0x0], $0xffff;
	v1 =	vadd.f32 v2, v1;
	v2 =	vmul.f32 v3, v11;
	v3 =	vmul.f32 v57, v4  }
0x478: {  	v45 =	vor.u32 v34, v63;
	v46 =	vld.idx.msk [tilespmem:v58+s17+$0x0], $0xffff;
	v10 =	vor.u32 v35, v63  }
0x479: {  	v48 =	vld.idx.msk [tilespmem:v61+s17+$0x0], $0xffff;
	v1 =	vadd.f32 v2, v1;
	v2 =	vmul.f32 v3, v12;
	v3 =	vmul.f32 v60, v5  }
0x47a: {  	v47 =	vor.u32 $0x1, v45;
	v9 =	vld.idx.msk [tilespmem:v59+s15+$0x0], $0xffff;
	v49 =	vor.u32 $0x1, v10  }
0x47b: {  	v51 =	vld.idx.msk [tilespmem:v40+s17+$0x0], $0xffff;
	v1 =	vadd.f32 v2, v1;
	v2 =	vmul.f32 v3, v13;
	v3 =	vmul.f32 v44, v6  }
0x47c: {  	v50 =	vor.u32 $0x2, v45;
	v7 =	vld.idx.msk [tilespmem:v62+s15+$0x0], $0xffff;
	v52 =	vor.u32 $0x2, v10  }
0x47d: {  	v53 =	vld.idx.msk [tilespmem:v45+s15+$0x0], $0xffff;
	v1 =	vadd.f32 v2, v1;
	v2 =	vmul.f32 v3, v14;
	v3 =	vmul.f32 v46, v8  }
0x47e: {  	v54 =	vor.u32 $0x3, v45;
	v56 =	vor.u32 $0x3, v10;
	v55 =	vld.idx.msk [tilespmem:v10+s17+$0x0], $0xffff  }
0x47f: {  	v5 =	vld.idx.msk [tilespmem:v47+s15+$0x0], $0xffff;
	v1 =	vadd.f32 v2, v1;
	v2 =	vmul.f32 v3, v15;
	v3 =	vmul.f32 v48, v9  }
0x480: {  	v59 =	vor.u32 $0x4, v10;
	v57 =	vor.u32 $0x4, v45;
	v58 =	vld.idx.msk [tilespmem:v49+s17+$0x0], $0xffff  }
0x481: {  	v6 =	vld.idx.msk [tilespmem:v50+s15+$0x0], $0xffff;
	v1 =	vadd.f32 v2, v1;
	v2 =	vmul.f32 v3, v16;
	v3 =	vmul.f32 v51, v7  }
0x482: {  	v62 =	vor.u32 $0x5, v10;
	v60 =	vor.u32 $0x5, v45;
	v61 =	vld.idx.msk [tilespmem:v52+s17+$0x0], $0xffff  }
0x483: {  	v8 =	vld.idx.msk [tilespmem:v54+s15+$0x0], $0xffff;
	v1 =	vadd.f32 v2, v1;
	v2 =	vmul.f32 v3, v17;
	v3 =	vmul.f32 v55, v53  }
0x484: {  	v63 =	vor.u32 $0x6, v45;
	v37 =	vor.u32 $0x6, v10;
	v14 =	vld.idx.msk [tilespmem:v56+s17+$0x0], $0xffff  }
0x485: {  	v39 =	vld.idx.msk [tilespmem:v59+s17+$0x0], $0xffff;
	v1 =	vadd.f32 v2, v1;
	v2 =	vmul.f32 v3, v18;
	v3 =	vmul.f32 v58, v5  }
0x486: {  	v38 =	vadd.s32 $0x4018, v36;
	v4 =	vor.u32 $0x7, v45;
	v10 =	vor.u32 $0x7, v10;
	v9 =	vld.idx.msk [tilespmem:v57+s15+$0x0], $0xffff  }
0x487: {  	v41 =	vld.idx.msk [tilespmem:v62+s17+$0x0], $0xffff;
	v1 =	vadd.f32 v2, v1;
	v2 =	vmul.f32 v3, v19;
	v3 =	vmul.f32 v61, v6  }
0x488: {  	v40 =	vor.u32 v34, v38;
	v7 =	vld.idx.msk [tilespmem:v60+s15+$0x0], $0xffff;
	v5 =	vor.u32 v35, v38  }
0x489: {  	v11 =	vld.idx.msk [tilespmem:v63+s15+$0x0], $0xffff;
	v1 =	vadd.f32 v2, v1;
	v2 =	vmul.f32 v3, v20;
	v3 =	vmul.f32 v14, v8  }
0x48a: {  	v42 =	vor.u32 $0x1, v40;
	v43 =	vld.idx.msk [tilespmem:v37+s17+$0x0], $0xffff;
	v44 =	vor.u32 $0x1, v5  }
0x48b: {  	v4 =	vld.idx.msk [tilespmem:v4+s15+$0x0], $0xffff;
	v1 =	vadd.f32 v2, v1;
	v2 =	vmul.f32 v3, v21;
	v3 =	vmul.f32 v39, v9  }
0x48c: {  	v45 =	vor.u32 $0x2, v40;
	v10 =	vld.idx.msk [tilespmem:v10+s17+$0x0], $0xffff;
	v46 =	vor.u32 $0x2, v5  }
0x48d: {  	v47 =	vld.idx.msk [tilespmem:v40+s15+$0x0], $0xffff;
	v1 =	vadd.f32 v2, v1;
	v2 =	vmul.f32 v3, v22;
	v3 =	vmul.f32 v41, v7  }
0x48e: {  	v48 =	vor.u32 $0x3, v40;
	v50 =	vor.u32 $0x3, v5;
	v49 =	vld.idx.msk [tilespmem:v5+s17+$0x0], $0xffff  }
0x48f: {  	v8 =	vld.idx.msk [tilespmem:v42+s15+$0x0], $0xffff;
	v1 =	vadd.f32 v2, v1;
	v2 =	vmul.f32 v3, v23;
	v3 =	vmul.f32 v43, v11  }
0x490: {  	v51 =	vor.u32 $0x4, v40;
	v53 =	vor.u32 $0x4, v5;
	v52 =	vld.idx.msk [tilespmem:v44+s17+$0x0], $0xffff  }
0x491: {  	v9 =	vld.idx.msk [tilespmem:v45+s15+$0x0], $0xffff;
	v1 =	vadd.f32 v2, v1;
	v2 =	vmul.f32 v3, v24;
	v3 =	vmul.f32 v10, v4  }
0x492: {  	v54 =	vor.u32 $0x5, v40;
	v56 =	vor.u32 $0x5, v5;
	v55 =	vld.idx.msk [tilespmem:v46+s17+$0x0], $0xffff  }
0x493: {  	v58 =	vld.idx.msk [tilespmem:v50+s17+$0x0], $0xffff;
	v1 =	vadd.f32 v2, v1;
	v2 =	vmul.f32 v3, v25;
	v3 =	vmul.f32 v49, v47  }
0x494: {  	v57 =	vor.u32 $0x6, v40;
	v59 =	vor.u32 $0x6, v5;
	v7 =	vld.idx.msk [tilespmem:v48+s15+$0x0], $0xffff  }
0x495: {  	v60 =	vld.idx.msk [tilespmem:v53+s17+$0x0], $0xffff;
	v1 =	vadd.f32 v2, v1;
	v2 =	vmul.f32 v3, v26;
	v3 =	vmul.f32 v52, v8  }
0x496: {  	v6 =	vor.u32 $0x7, v40;
	v5 =	vor.u32 $0x7, v5;
	v11 =	vld.idx.msk [tilespmem:v51+s15+$0x0], $0xffff  }
0x497: {  	v61 =	vld.idx.msk [tilespmem:v56+s17+$0x0], $0xffff;
	v1 =	vadd.f32 v2, v1;
	v2 =	vmul.f32 v3, v27;
	v3 =	vmul.f32 v55, v9  }
0x498: {  	v4 =	vld.idx.msk [tilespmem:v54+s15+$0x0], $0xffff  }
0x499: {  	v62 =	vld.idx.msk [tilespmem:v57+s15+$0x0], $0xffff;
	v1 =	vadd.f32 v2, v1;
	v2 =	vmul.f32 v3, v28;
	v3 =	vmul.f32 v58, v7  }
0x49a: {  	v63 =	vld.idx.msk [tilespmem:v59+s17+$0x0], $0xffff  }
0x49b: {  	v6 =	vld.idx.msk [tilespmem:v6+s15+$0x0], $0xffff;
	v1 =	vadd.f32 v2, v1;
	v2 =	vmul.f32 v3, v29;
	v3 =	vmul.f32 v60, v11  }
0x49c: {  	v5 =	vld.idx.msk [tilespmem:v5+s17+$0x0], $0xffff  }
0x49d: {  	v1 =	vadd.f32 v2, v1;
	v2 =	vmul.f32 v3, v30;
	v3 =	vmul.f32 v61, v4;
	_ =	sdelay $0x1  }
0x49e: {  	v1 =	vadd.f32 v2, v1;
	v2 =	vmul.f32 v3, v31;
	v3 =	vmul.f32 v63, v62;
	_ =	sdelay $0x1  }
0x49f: {  	v1 =	vadd.f32 v2, v1;
	v2 =	vmul.f32 v3, v32;
	v3 =	vmul.f32 v5, v6;
	_ =	sdelay $0x1  }
0x4a0: {  	v1 =	vadd.f32 v2, v1;
	v2 =	vmul.f32 v3, v33;
	_ =	sdelay $0x1  }
0x4a1: {  	v1 =	vadd.f32 v2, v1;
	_ =	sdelay $0x1  }
0x4a2: {  	v1 =	vsub.f32 $0.0e+00, v1;
	_ =	sdelay $0x1  }
0x4a3: {  	v1 =	vmul.f32 $1.442695020e+00, v1;
	_ =	sdelay $0x1  }
0x4a4: {  	(erf) = vpow2.f32 v1;
	_ =	sdelay $0x8  }
0x4a5: {  	v1 =	vpop (erf)  }
0x4a6: {  	v1 =	vadd.f32 $1.000000000e+00, v1;
	_ =	sdelay $0x1  }
0x4a7: {  	(erf) = vrcp.f32 v1;
	_ =	sdelay $0x7  }
0x4a8: {  	s30 =	sadd.s32 $0x1, s30  }
0x4a9: {  	s0 =	sadd.s32 $0x10, s31;
	p0 =	sne.s32 s30, s9;
	v1 =	vpop (erf)  }
.Ltmp5:
0x4aa: {  	[tilespmem:s0+$0x0] =	vst v1;
	(pc) =	sbr.rel @p0 .LBB2_1-.Ltmp5, $4  }
0x4ab: {  	[hbm4b:s8+s5] =	stream.linear.scatter [tilespmem:s29], [sflag:$0x3], $0x200, $0x38;
	[tilespmem:$0x10A30] =	vst v63  }
0x4ac: {  	_ =	swait.ge [sflag:s10], $0x200  }
0x4ad: {  	[sflag:s10] =	ssyncset.done $0x0  }
0x4ae: {  	[sflag:s10] =	ssyncadd.s32 $0xFFFFFE00  }
0x4af: {  	_ =	sfence.sel $0x180000  }
0x4b0: {  	[bflag:$0x0] =	sbarrier.arrive $0xFFFF  }
0x4b1: {  	_ =	strace $0x90000047  }
0x4b2: {  	s0 =	stileid.u32;
	[bflag:$0x2] =	sbarrier.arrive $0xFFFF  }
0x4b3: {  	p0 =	sne.s32 s0, $0x0;
	s0 =	rddreg [dreg:$0x6]  }
0x4b4: {  	s0 =	sadd.s32 @!p0 $0x100000, s0  }
0x4b5: {  	[sflag:s0] =	ssyncadd.tile.s32 @!p0 $0x1;
	_ =	shalt  }
.Lfunc_end2:
_tile_overlayer_lowered:
.L_overlay_start_2:
0x4b6: {  	(tag) =	ssettag $0x2  }
0x4b7: {  	s0 =	rddreg [dreg:$0x0];
	s2 =	stileid.u32  }
0x4b8: {  	s1 =	rddreg [dreg:$0x1];
	p0 =	sne.s32 s2, $0x0  }
0x4b9: {  	s3 =	rddreg [dreg:$0x2];
	[bflag:$0x3] =	sbarrier.arrive $0xFFFF;
	s2 =	simm.s32 @!p0 $0x1C03  }
0x4ba: {  	[timem:s3], [sflag:s2] =	dma.local @!p0 [hbm:s0], s1  }
0x4bb: {  	s0 =	simm.s32 @!p0 $0x3  }
0x4bc: {  	_ =	swait.ge @!p0 [sflag:s0], s1  }
0x4bd: {  	s1 =	ssub.s32 @!p0 $0x0, s1;
	[sflag:s0] =	ssyncset.done @!p0 $0x0  }
0x4be: {  	[sflag:s0] =	ssyncadd.s32 @!p0 s1  }
0x4bf: {  	[bflag:$0x3] =	sbarrier.arrive $0xFFFF  }
0x4c0: {  	_ =	shalt  }

</sc_bundles>
